<compile_context>
chip_gen: v7x
topology: tpu7x:2x2x1
jax: 0.10.2.dev20260603
libtpu: 0.0.44.dev20260713+nightly
codegen_flags: <defaults>
</compile_context>

<pallas_src>
import jax
import jax.numpy as jnp
import ml_dtypes
import numpy as np
from jax import lax
from jax.experimental import pallas as pl
from jax.experimental.pallas import tpu as pltpu
from jax.experimental.pallas import tpu_sc as plsc

N_NODES = 10000
N_TRIPLES = 320000
D = 128
L = 16
NC, NS = 2, 16
NW = NC * NS
T_PER_W = N_TRIPLES // NW
C = 80
S = T_PER_W // C
NUM_RELATIONS = 500
DW = D // 2
MASK_HI = -65536


def _sc_body(head_hbm, tail_hbm, ridx_hbm, node_hbm, relw_hbm, out_hbm,
             hidx, tidx, ridx, rel_l,
             hrow0, trow0, hrow1, trow1,
             scores, sem0, sem1):
  wid = lax.axis_index("s") * NC + lax.axis_index("c")
  base = wid * T_PER_W
  lane = lax.iota(jnp.int32, L)
  bufs = ((hrow0, trow0, sem0), (hrow1, trow1, sem1))

  pltpu.sync_copy(head_hbm.at[pl.ds(base, T_PER_W)], hidx)
  pltpu.sync_copy(tail_hbm.at[pl.ds(base, T_PER_W)], tidx)
  pltpu.sync_copy(ridx_hbm.at[pl.ds(base, T_PER_W)], ridx)
  pltpu.sync_copy(relw_hbm.at[:], rel_l)

  def issue(g, buf):
    hrow, trow, sem = buf
    o = g * C
    pltpu.async_copy(node_hbm.at[hidx.at[pl.ds(o, C)]], hrow, sem)
    pltpu.async_copy(node_hbm.at[tidx.at[pl.ds(o, C)]], trow, sem)

  def wait(buf):
    hrow, trow, sem = buf
    pltpu.make_async_copy(node_hbm.at[hidx.at[pl.ds(0, C)]], hrow, sem).wait()
    pltpu.make_async_copy(node_hbm.at[tidx.at[pl.ds(0, C)]], trow, sem).wait()

  def compute(g, buf):
    hrow, trow, _ = buf

    def block(b, bcarry):
      i0 = b * L
      rvec = ridx[pl.ds(g * C + i0, L)]
      onehots = []
      for k in range(L):
        i = i0 + k
        rbase = lane + rvec[k] * DW
        acc = jnp.zeros((L,), jnp.float32)
        for j in range(DW // L):
          hv = hrow[i, pl.ds(j * L, L)]
          rv = plsc.load_gather(rel_l, [rbase + j * L])
          tv = trow[i, pl.ds(j * L, L)]
          h_lo = lax.bitcast_convert_type(hv << 16, jnp.float32)
          r_lo = lax.bitcast_convert_type(rv << 16, jnp.float32)
          t_lo = lax.bitcast_convert_type(tv << 16, jnp.float32)
          h_hi = lax.bitcast_convert_type(hv, jnp.float32)
          r_hi = lax.bitcast_convert_type(rv, jnp.float32)
          t_hi = lax.bitcast_convert_type(tv, jnp.float32)
          acc = acc + h_lo * r_lo * t_lo + h_hi * r_hi * t_hi
        onehots.append(jnp.where(lane == k, jnp.sum(acc), 0.0))
      while len(onehots) > 1:
        onehots = [onehots[m] + onehots[m + 1]
                   for m in range(0, len(onehots), 2)]
      scores[pl.ds(g * C + i0, L)] = onehots[0]
      return bcarry

    lax.fori_loop(0, C // L, block, 0)

  issue(0, bufs[0])

  def pair(gg, carry):
    g0 = 2 * gg
    g1 = g0 + 1

    @pl.when(g1 < S)
    def _issue1():
      issue(g1, bufs[1])

    wait(bufs[0])
    compute(g0, bufs[0])

    @pl.when(g1 < S)
    def _second():
      @pl.when(g1 + 1 < S)
      def _issue0():
        issue(g1 + 1, bufs[0])

      wait(bufs[1])
      compute(g1, bufs[1])

    return carry

  lax.fori_loop(0, (S + 1) // 2, pair, 0)
  pltpu.sync_copy(scores, out_hbm.at[pl.ds(base, T_PER_W)])


def _pack_table(x):
  if isinstance(x, np.ndarray):
    bf = x.astype(ml_dtypes.bfloat16)
    return bf.view(np.int32)
  bf = x.astype(jnp.bfloat16)
  return lax.bitcast_convert_type(bf.reshape(*x.shape[:-1], DW, 2), jnp.int32)


def kernel(node_embeddings, head_indices, tail_indices, relation_indices,
           relation_weight):
  head = head_indices.astype(jnp.int32)
  tail = tail_indices.astype(jnp.int32)
  rel = relation_indices.astype(jnp.int32)
  node_p = _pack_table(node_embeddings)
  relw_p = _pack_table(relation_weight).reshape(-1)
  mesh = plsc.VectorSubcoreMesh(core_axis_name="c", subcore_axis_name="s",
                                num_cores=NC, num_subcores=NS)
  row_set = [
      pltpu.VMEM((C, DW), jnp.int32),
      pltpu.VMEM((C, DW), jnp.int32),
  ]
  run = pl.kernel(
      _sc_body,
      out_type=jax.ShapeDtypeStruct((N_TRIPLES,), jnp.float32),
      mesh=mesh,
      compiler_params=pltpu.CompilerParams(use_tc_tiling_on_sc=False, needs_layout_passes=False),
      scratch_types=[
          pltpu.VMEM((T_PER_W,), jnp.int32),
          pltpu.VMEM((T_PER_W,), jnp.int32),
          pltpu.VMEM((T_PER_W,), jnp.int32),
          pltpu.VMEM((NUM_RELATIONS * DW,), jnp.int32),
      ] + row_set + row_set + [
          pltpu.VMEM((T_PER_W,), jnp.float32),
          pltpu.SemaphoreType.DMA,
          pltpu.SemaphoreType.DMA,
      ],
  )
  return run(head, tail, rel, node_p, relw_p)

# --- scband reference (transcript-rebuilt; emitter-appended) ---
"""Pipeline reference for scband-dist-mult-decoder-84550726189813 (READ-ONLY COPY).

The authoritative reference and input builder live on the scoring server;
editing this copy changes nothing except your own understanding.
"""

import jax, jax.numpy as jnp
import numpy as np

N_NODES = 10000
N_TRIPLES = 320000
HIDDEN_DIM = 128
NUM_RELATIONS = 500

def setup_inputs(seed: int = 0) -> dict:
    key = jax.random.key(seed)
    k1, k2, k3, k4, k5 = jax.random.split(key, 5)
    node_embeddings = jax.random.normal(k1, (N_NODES, HIDDEN_DIM), dtype=jnp.float32)
    head_indices = jax.random.randint(k2, (N_TRIPLES,), 0, N_NODES, dtype=jnp.int64) if jax.config.jax_enable_x64 else jax.random.randint(k2, (N_TRIPLES,), 0, N_NODES).astype(jnp.int32)
    tail_indices = jax.random.randint(k3, (N_TRIPLES,), 0, N_NODES).astype(head_indices.dtype)
    relation_indices = jax.random.randint(k4, (N_TRIPLES,), 0, NUM_RELATIONS).astype(head_indices.dtype)
    # xavier_uniform init for relation embedding table: bound = sqrt(6/(fan_in+fan_out))
    bound = np.sqrt(6.0 / (NUM_RELATIONS + HIDDEN_DIM))
    relation_weight = jax.random.uniform(k5, (NUM_RELATIONS, HIDDEN_DIM), dtype=jnp.float32, minval=-bound, maxval=bound)
    return {
        "node_embeddings": node_embeddings,
        "head_indices": head_indices,
        "tail_indices": tail_indices,
        "relation_indices": relation_indices,
        "relation_weight": relation_weight,
    }

def reference(node_embeddings, head_indices, tail_indices, relation_indices, relation_weight):
    head_emb = jnp.take(node_embeddings, head_indices, axis=0)
    tail_emb = jnp.take(node_embeddings, tail_indices, axis=0)
    rel_emb = jnp.take(relation_weight, relation_indices, axis=0)
    scores = jnp.sum(head_emb * rel_emb * tail_emb, axis=-1)
    return scores

if __name__ == "__main__":
    import jax
    _d = setup_inputs()
    print(jax.jit(kernel)(*tuple(_d.values())))

</pallas_src>

<mosaic_0001>
#map = affine_map<(d0, d1) -> (0)>
#map1 = affine_map<(d0, d1) -> (0, 0)>
module attributes {stable_mosaic.version = 14 : i64} {
  func.func @_sc_body(%arg0: i32, %arg1: i32, %arg2: memref<320000xi32, #tpu.memory_space<hbm>>, %arg3: memref<320000xi32, #tpu.memory_space<hbm>>, %arg4: memref<320000xi32, #tpu.memory_space<hbm>>, %arg5: memref<10000x64xi32, #tpu.memory_space<hbm>>, %arg6: memref<32000xi32, #tpu.memory_space<hbm>>, %arg7: memref<320000xf32, #tpu.memory_space<hbm>>, %arg8: memref<10000xi32, #tpu.memory_space<vmem>>, %arg9: memref<10000xi32, #tpu.memory_space<vmem>>, %arg10: memref<10000xi32, #tpu.memory_space<vmem>>, %arg11: memref<32000xi32, #tpu.memory_space<vmem>>, %arg12: memref<80x64xi32, #tpu.memory_space<vmem>>, %arg13: memref<80x64xi32, #tpu.memory_space<vmem>>, %arg14: memref<80x64xi32, #tpu.memory_space<vmem>>, %arg15: memref<80x64xi32, #tpu.memory_space<vmem>>, %arg16: memref<10000xf32, #tpu.memory_space<vmem>>, %arg17: memref<!tpu.dma_semaphore, #tpu.memory_space<semaphore_mem>>, %arg18: memref<!tpu.dma_semaphore, #tpu.memory_space<semaphore_mem>>) attributes {dimension_semantics = [#tpu.dimension_semantics<core_parallel>, #tpu.dimension_semantics<subcore_parallel>], iteration_bounds = array<i64: 2, 16>, scalar_prefetch = 0 : i64, scratch_operands = 11 : i64, tpu.core_type = #tpu.core_type<sc_vector_subcore>, window_params = [{transform_indices = #map}, {transform_indices = #map}, {transform_indices = #map}, {transform_indices = #map1}, {transform_indices = #map}, {transform_indices = #map}]} {
    %mul3A = arith.constant 2 : i32
    %mul3A_0 = arith.muli %arg1, %mul3A : i32
    %add3A = arith.addi %mul3A_0, %arg0 : i32
    %mul3A_1 = arith.constant 10000 : i32
    %mul3A_2 = arith.muli %add3A, %mul3A_1 : i32
    %iota3A = tpu.iota {dimensions = array<i32: 0>} : vector<16xi32>
    "tpu.region"() ({
      %run_scoped3A = tpu.sem_alloc : memref<!tpu.dma_semaphore, #tpu.memory_space<semaphore_mem>>
      %dma_start3A_17 = tpu.memref_slice %arg2[%mul3A_2] : memref<320000xi32, #tpu.memory_space<hbm>> -> memref<10000xi32, #tpu.memory_space<hbm>>
      %dma_start3A_18 = tpu.memref_slice %arg2[%mul3A_2] : memref<320000xi32, #tpu.memory_space<hbm>> -> memref<10000xi32, #tpu.memory_space<hbm>>
      tpu.enqueue_dma source(%dma_start3A_18 : memref<10000xi32, #tpu.memory_space<hbm>>) target(%arg8 : memref<10000xi32, #tpu.memory_space<vmem>>) target_semaphore(%run_scoped3A : memref<!tpu.dma_semaphore, #tpu.memory_space<semaphore_mem>>)
      %dma_wait3A = tpu.memref_slice %arg2[%mul3A_2] : memref<320000xi32, #tpu.memory_space<hbm>> -> memref<10000xi32, #tpu.memory_space<hbm>>
      %dma_wait3A_19 = tpu.memref_slice %arg2[%mul3A_2] : memref<320000xi32, #tpu.memory_space<hbm>> -> memref<10000xi32, #tpu.memory_space<hbm>>
      tpu.wait_dma2 semaphore(%run_scoped3A : memref<!tpu.dma_semaphore, #tpu.memory_space<semaphore_mem>>) src(%dma_wait3A_19 : memref<10000xi32, #tpu.memory_space<hbm>>) dst(%arg8 : memref<10000xi32, #tpu.memory_space<vmem>>)
      tpu.yield
    }) : () -> ()
    "tpu.region"() ({
      %run_scoped3A = tpu.sem_alloc : memref<!tpu.dma_semaphore, #tpu.memory_space<semaphore_mem>>
      %dma_start3A_17 = tpu.memref_slice %arg3[%mul3A_2] : memref<320000xi32, #tpu.memory_space<hbm>> -> memref<10000xi32, #tpu.memory_space<hbm>>
      %dma_start3A_18 = tpu.memref_slice %arg3[%mul3A_2] : memref<320000xi32, #tpu.memory_space<hbm>> -> memref<10000xi32, #tpu.memory_space<hbm>>
      tpu.enqueue_dma source(%dma_start3A_18 : memref<10000xi32, #tpu.memory_space<hbm>>) target(%arg9 : memref<10000xi32, #tpu.memory_space<vmem>>) target_semaphore(%run_scoped3A : memref<!tpu.dma_semaphore, #tpu.memory_space<semaphore_mem>>)
      %dma_wait3A = tpu.memref_slice %arg3[%mul3A_2] : memref<320000xi32, #tpu.memory_space<hbm>> -> memref<10000xi32, #tpu.memory_space<hbm>>
      %dma_wait3A_19 = tpu.memref_slice %arg3[%mul3A_2] : memref<320000xi32, #tpu.memory_space<hbm>> -> memref<10000xi32, #tpu.memory_space<hbm>>
      tpu.wait_dma2 semaphore(%run_scoped3A : memref<!tpu.dma_semaphore, #tpu.memory_space<semaphore_mem>>) src(%dma_wait3A_19 : memref<10000xi32, #tpu.memory_space<hbm>>) dst(%arg9 : memref<10000xi32, #tpu.memory_space<vmem>>)
      tpu.yield
    }) : () -> ()
    "tpu.region"() ({
      %run_scoped3A = tpu.sem_alloc : memref<!tpu.dma_semaphore, #tpu.memory_space<semaphore_mem>>
      %dma_start3A_17 = tpu.memref_slice %arg4[%mul3A_2] : memref<320000xi32, #tpu.memory_space<hbm>> -> memref<10000xi32, #tpu.memory_space<hbm>>
      %dma_start3A_18 = tpu.memref_slice %arg4[%mul3A_2] : memref<320000xi32, #tpu.memory_space<hbm>> -> memref<10000xi32, #tpu.memory_space<hbm>>
      tpu.enqueue_dma source(%dma_start3A_18 : memref<10000xi32, #tpu.memory_space<hbm>>) target(%arg10 : memref<10000xi32, #tpu.memory_space<vmem>>) target_semaphore(%run_scoped3A : memref<!tpu.dma_semaphore, #tpu.memory_space<semaphore_mem>>)
      %dma_wait3A = tpu.memref_slice %arg4[%mul3A_2] : memref<320000xi32, #tpu.memory_space<hbm>> -> memref<10000xi32, #tpu.memory_space<hbm>>
      %dma_wait3A_19 = tpu.memref_slice %arg4[%mul3A_2] : memref<320000xi32, #tpu.memory_space<hbm>> -> memref<10000xi32, #tpu.memory_space<hbm>>
      tpu.wait_dma2 semaphore(%run_scoped3A : memref<!tpu.dma_semaphore, #tpu.memory_space<semaphore_mem>>) src(%dma_wait3A_19 : memref<10000xi32, #tpu.memory_space<hbm>>) dst(%arg10 : memref<10000xi32, #tpu.memory_space<vmem>>)
      tpu.yield
    }) : () -> ()
    "tpu.region"() ({
      %run_scoped3A = tpu.sem_alloc : memref<!tpu.dma_semaphore, #tpu.memory_space<semaphore_mem>>
      %dma_start3A_17 = arith.constant 0 : i32
      %dma_start3A_18 = tpu.memref_slice %arg6[%dma_start3A_17] : memref<32000xi32, #tpu.memory_space<hbm>> -> memref<32000xi32, #tpu.memory_space<hbm>>
      %dma_start3A_19 = arith.constant 0 : i32
      %dma_start3A_20 = tpu.memref_slice %arg6[%dma_start3A_19] : memref<32000xi32, #tpu.memory_space<hbm>> -> memref<32000xi32, #tpu.memory_space<hbm>>
      tpu.enqueue_dma source(%dma_start3A_20 : memref<32000xi32, #tpu.memory_space<hbm>>) target(%arg11 : memref<32000xi32, #tpu.memory_space<vmem>>) target_semaphore(%run_scoped3A : memref<!tpu.dma_semaphore, #tpu.memory_space<semaphore_mem>>)
      %dma_wait3A = arith.constant 0 : i32
      %dma_wait3A_21 = tpu.memref_slice %arg6[%dma_wait3A] : memref<32000xi32, #tpu.memory_space<hbm>> -> memref<32000xi32, #tpu.memory_space<hbm>>
      %dma_wait3A_22 = arith.constant 0 : i32
      %dma_wait3A_23 = tpu.memref_slice %arg6[%dma_wait3A_22] : memref<32000xi32, #tpu.memory_space<hbm>> -> memref<32000xi32, #tpu.memory_space<hbm>>
      tpu.wait_dma2 semaphore(%run_scoped3A : memref<!tpu.dma_semaphore, #tpu.memory_space<semaphore_mem>>) src(%dma_wait3A_23 : memref<32000xi32, #tpu.memory_space<hbm>>) dst(%arg11 : memref<32000xi32, #tpu.memory_space<vmem>>)
      tpu.yield
    }) : () -> ()
    %dma_start3A = arith.constant 0 : i32
    %dma_start3A_3 = tpu.memref_slice %arg8[%dma_start3A] : memref<10000xi32, #tpu.memory_space<vmem>> -> memref<80xi32, #tpu.memory_space<vmem>>
    %dma_start3A_4 = arith.constant 0 : i32
    %dma_start3A_5 = arith.constant 0 : i32
    %dma_start3A_6 = tpu.memref_slice %arg5[%dma_start3A_4, %dma_start3A_5] : memref<10000x64xi32, #tpu.memory_space<hbm>> -> memref<10000x64xi32, #tpu.memory_space<hbm>>
    tpu.enqueue_indirect_dma source(%dma_start3A_6 : memref<10000x64xi32, #tpu.memory_space<hbm>>) target(%arg12 : memref<80x64xi32, #tpu.memory_space<vmem>>) offsets(%dma_start3A_3 : memref<80xi32, #tpu.memory_space<vmem>>) semaphore(%arg17 : memref<!tpu.dma_semaphore, #tpu.memory_space<semaphore_mem>>)
    %dma_start3A_7 = arith.constant 0 : i32
    %dma_start3A_8 = tpu.memref_slice %arg9[%dma_start3A_7] : memref<10000xi32, #tpu.memory_space<vmem>> -> memref<80xi32, #tpu.memory_space<vmem>>
    %dma_start3A_9 = arith.constant 0 : i32
    %dma_start3A_10 = arith.constant 0 : i32
    %dma_start3A_11 = tpu.memref_slice %arg5[%dma_start3A_9, %dma_start3A_10] : memref<10000x64xi32, #tpu.memory_space<hbm>> -> memref<10000x64xi32, #tpu.memory_space<hbm>>
    tpu.enqueue_indirect_dma source(%dma_start3A_11 : memref<10000x64xi32, #tpu.memory_space<hbm>>) target(%arg13 : memref<80x64xi32, #tpu.memory_space<vmem>>) offsets(%dma_start3A_8 : memref<80xi32, #tpu.memory_space<vmem>>) semaphore(%arg17 : memref<!tpu.dma_semaphore, #tpu.memory_space<semaphore_mem>>)
    %scan3A = arith.constant 0 : i32
    %scan3A_12 = arith.constant 0 : i32
    %scan3A_13 = arith.constant 63 : i32
    %scan3A_14 = arith.addi %scan3A_12, %scan3A_13 : i32
    %scan3A_15 = arith.constant 1 : i32
    scf.for %scan3A_17 = %scan3A_12 to %scan3A_14 step %scan3A_15  : i32 {
      %mul3A_18 = arith.constant 2 : i32
      %mul3A_19 = arith.muli %mul3A_18, %scan3A_17 : i32
      %add3A_20 = arith.constant 1 : i32
      %add3A_21 = arith.addi %mul3A_19, %add3A_20 : i32
      %lt3A = arith.constant 125 : i32
      %lt3A_22 = arith.cmpi slt, %add3A_21, %lt3A : i32
      %convert_element_type3A = arith.extui %lt3A_22 : i1 to i32
      %cond3A = arith.constant 0 : i32
      %cond3A_23 = arith.cmpi ne, %convert_element_type3A, %cond3A : i32
      scf.if %cond3A_23 {
        %mul3A_44 = arith.constant 80 : i32
        %mul3A_45 = arith.muli %add3A_21, %mul3A_44 : i32
        %dma_start3A_46 = tpu.memref_slice %arg8[%mul3A_45] : memref<10000xi32, #tpu.memory_space<vmem>> -> memref<80xi32, #tpu.memory_space<vmem>>
        %dma_start3A_47 = arith.constant 0 : i32
        %dma_start3A_48 = arith.constant 0 : i32
        %dma_start3A_49 = tpu.memref_slice %arg5[%dma_start3A_47, %dma_start3A_48] : memref<10000x64xi32, #tpu.memory_space<hbm>> -> memref<10000x64xi32, #tpu.memory_space<hbm>>
        tpu.enqueue_indirect_dma source(%dma_start3A_49 : memref<10000x64xi32, #tpu.memory_space<hbm>>) target(%arg14 : memref<80x64xi32, #tpu.memory_space<vmem>>) offsets(%dma_start3A_46 : memref<80xi32, #tpu.memory_space<vmem>>) semaphore(%arg18 : memref<!tpu.dma_semaphore, #tpu.memory_space<semaphore_mem>>)
        %dma_start3A_50 = tpu.memref_slice %arg9[%mul3A_45] : memref<10000xi32, #tpu.memory_space<vmem>> -> memref<80xi32, #tpu.memory_space<vmem>>
        %dma_start3A_51 = arith.constant 0 : i32
        %dma_start3A_52 = arith.constant 0 : i32
        %dma_start3A_53 = tpu.memref_slice %arg5[%dma_start3A_51, %dma_start3A_52] : memref<10000x64xi32, #tpu.memory_space<hbm>> -> memref<10000x64xi32, #tpu.memory_space<hbm>>
        tpu.enqueue_indirect_dma source(%dma_start3A_53 : memref<10000x64xi32, #tpu.memory_space<hbm>>) target(%arg15 : memref<80x64xi32, #tpu.memory_space<vmem>>) offsets(%dma_start3A_50 : memref<80xi32, #tpu.memory_space<vmem>>) semaphore(%arg18 : memref<!tpu.dma_semaphore, #tpu.memory_space<semaphore_mem>>)
      } else {
      }
      %dma_wait3A = arith.constant 0 : i32
      %dma_wait3A_24 = tpu.memref_slice %arg8[%dma_wait3A] : memref<10000xi32, #tpu.memory_space<vmem>> -> memref<80xi32, #tpu.memory_space<vmem>>
      %dma_wait3A_25 = arith.constant 0 : i32
      %dma_wait3A_26 = arith.constant 0 : i32
      %dma_wait3A_27 = tpu.memref_slice %arg5[%dma_wait3A_25, %dma_wait3A_26] : memref<10000x64xi32, #tpu.memory_space<hbm>> -> memref<10000x64xi32, #tpu.memory_space<hbm>>
      tpu.wait_indirect_dma semaphore(%arg17 : memref<!tpu.dma_semaphore, #tpu.memory_space<semaphore_mem>>) src(%dma_wait3A_27 : memref<10000x64xi32, #tpu.memory_space<hbm>>) dst(%arg12 : memref<80x64xi32, #tpu.memory_space<vmem>>)
      %dma_wait3A_28 = arith.constant 0 : i32
      %dma_wait3A_29 = tpu.memref_slice %arg9[%dma_wait3A_28] : memref<10000xi32, #tpu.memory_space<vmem>> -> memref<80xi32, #tpu.memory_space<vmem>>
      %dma_wait3A_30 = arith.constant 0 : i32
      %dma_wait3A_31 = arith.constant 0 : i32
      %dma_wait3A_32 = tpu.memref_slice %arg5[%dma_wait3A_30, %dma_wait3A_31] : memref<10000x64xi32, #tpu.memory_space<hbm>> -> memref<10000x64xi32, #tpu.memory_space<hbm>>
      tpu.wait_indirect_dma semaphore(%arg17 : memref<!tpu.dma_semaphore, #tpu.memory_space<semaphore_mem>>) src(%dma_wait3A_32 : memref<10000x64xi32, #tpu.memory_space<hbm>>) dst(%arg13 : memref<80x64xi32, #tpu.memory_space<vmem>>)
      %scan3A_33 = arith.constant 0 : i32
      %scan3A_34 = arith.constant 0 : i32
      %scan3A_35 = arith.constant 5 : i32
      %scan3A_36 = arith.addi %scan3A_34, %scan3A_35 : i32
      %scan3A_37 = arith.constant 1 : i32
      scf.for %scan3A_44 = %scan3A_34 to %scan3A_36 step %scan3A_37  : i32 {
        %mul3A_45 = arith.constant 16 : i32
        %mul3A_46 = arith.muli %scan3A_44, %mul3A_45 : i32
        %mul3A_47 = arith.constant 80 : i32
        %mul3A_48 = arith.muli %mul3A_19, %mul3A_47 : i32
        %add3A_49 = arith.addi %mul3A_48, %mul3A_46 : i32
        %get3A = arith.index_cast %add3A_49 : i32 to index
        %get3A_50 = tpu.vector_load %arg10[%get3A] {strides = array<i32>} : memref<10000xi32, #tpu.memory_space<vmem>>, vector<16xi32>,
        %add3A_51 = arith.constant 0 : i32
        %add3A_52 = arith.addi %mul3A_46, %add3A_51 : i32
        %slice3A = vector.extract_strided_slice %get3A_50 {offsets = [0], sizes = [1], strides = [1]} : vector<16xi32> to vector<1xi32>
        %squeeze3A = vector.extract %slice3A[0] : i32 from vector<1xi32>
        %mul3A_53 = arith.constant 64 : i32
        %mul3A_54 = arith.muli %squeeze3A, %mul3A_53 : i32
        %add3A_55 = vector.broadcast %mul3A_54 : i32 to vector<16xi32>
        %add3A_56 = arith.addi %iota3A, %add3A_55 : vector<16xi32>
        %broadcast_in_dim3A = arith.constant 0.000000e+00 : f32
        %broadcast_in_dim3A_57 = vector.broadcast %broadcast_in_dim3A : f32 to vector<16xf32>
        %get3A_58 = arith.index_cast %add3A_52 : i32 to index
        %get3A_59 = arith.constant 0 : index
        %get3A_60 = tpu.vector_load %arg12[%get3A_58, %get3A_59] {strides = array<i32>} : memref<80x64xi32, #tpu.memory_space<vmem>>, vector<16xi32>,
        %add3A_61 = arith.constant 0 : i32
        %add3A_62 = vector.broadcast %add3A_61 : i32 to vector<16xi32>
        %add3A_63 = arith.addi %add3A_56, %add3A_62 : vector<16xi32>
        %gather3A = tpu.vector_load_idx %arg11[%add3A_63] : memref<32000xi32, #tpu.memory_space<vmem>>[vector<16xi32>], vector<16xi32>,
        %get3A_64 = arith.index_cast %add3A_52 : i32 to index
        %get3A_65 = arith.constant 0 : index
        %get3A_66 = tpu.vector_load %arg13[%get3A_64, %get3A_65] {strides = array<i32>} : memref<80x64xi32, #tpu.memory_space<vmem>>, vector<16xi32>,
        %shift_left3A = arith.constant 16 : i32
        %shift_left3A_67 = vector.broadcast %shift_left3A : i32 to vector<16xi32>
        %shift_left3A_68 = arith.shli %get3A_60, %shift_left3A_67 : vector<16xi32>
        %bitcast_convert_type3A = tpu.bitcast %shift_left3A_68 : vector<16xi32> -> vector<16xf32>
        %shift_left3A_69 = arith.constant 16 : i32
        %shift_left3A_70 = vector.broadcast %shift_left3A_69 : i32 to vector<16xi32>
        %shift_left3A_71 = arith.shli %gather3A, %shift_left3A_70 : vector<16xi32>
        %bitcast_convert_type3A_72 = tpu.bitcast %shift_left3A_71 : vector<16xi32> -> vector<16xf32>
        %shift_left3A_73 = arith.constant 16 : i32
        %shift_left3A_74 = vector.broadcast %shift_left3A_73 : i32 to vector<16xi32>
        %shift_left3A_75 = arith.shli %get3A_66, %shift_left3A_74 : vector<16xi32>
        %bitcast_convert_type3A_76 = tpu.bitcast %shift_left3A_75 : vector<16xi32> -> vector<16xf32>
        %bitcast_convert_type3A_77 = tpu.bitcast %get3A_60 : vector<16xi32> -> vector<16xf32>
        %bitcast_convert_type3A_78 = tpu.bitcast %gather3A : vector<16xi32> -> vector<16xf32>
        %bitcast_convert_type3A_79 = tpu.bitcast %get3A_66 : vector<16xi32> -> vector<16xf32>
        %mul3A_80 = arith.mulf %bitcast_convert_type3A, %bitcast_convert_type3A_72 : vector<16xf32>
        %mul3A_81 = arith.mulf %mul3A_80, %bitcast_convert_type3A_76 : vector<16xf32>
        %add3A_82 = arith.addf %broadcast_in_dim3A_57, %mul3A_81 : vector<16xf32>
        %mul3A_83 = arith.mulf %bitcast_convert_type3A_77, %bitcast_convert_type3A_78 : vector<16xf32>
        %mul3A_84 = arith.mulf %mul3A_83, %bitcast_convert_type3A_79 : vector<16xf32>
        %add3A_85 = arith.addf %add3A_82, %mul3A_84 : vector<16xf32>
        %get3A_86 = arith.index_cast %add3A_52 : i32 to index
        %get3A_87 = arith.constant 16 : index
        %get3A_88 = tpu.vector_load %arg12[%get3A_86, %get3A_87] {strides = array<i32>} : memref<80x64xi32, #tpu.memory_space<vmem>>, vector<16xi32>,
        %add3A_89 = arith.constant 16 : i32
        %add3A_90 = vector.broadcast %add3A_89 : i32 to vector<16xi32>
        %add3A_91 = arith.addi %add3A_56, %add3A_90 : vector<16xi32>
        %gather3A_92 = tpu.vector_load_idx %arg11[%add3A_91] : memref<32000xi32, #tpu.memory_space<vmem>>[vector<16xi32>], vector<16xi32>,
        %get3A_93 = arith.index_cast %add3A_52 : i32 to index
        %get3A_94 = arith.constant 16 : index
        %get3A_95 = tpu.vector_load %arg13[%get3A_93, %get3A_94] {strides = array<i32>} : memref<80x64xi32, #tpu.memory_space<vmem>>, vector<16xi32>,
        %shift_left3A_96 = arith.constant 16 : i32
        %shift_left3A_97 = vector.broadcast %shift_left3A_96 : i32 to vector<16xi32>
        %shift_left3A_98 = arith.shli %get3A_88, %shift_left3A_97 : vector<16xi32>
        %bitcast_convert_type3A_99 = tpu.bitcast %shift_left3A_98 : vector<16xi32> -> vector<16xf32>
        %shift_left3A_100 = arith.constant 16 : i32
        %shift_left3A_101 = vector.broadcast %shift_left3A_100 : i32 to vector<16xi32>
        %shift_left3A_102 = arith.shli %gather3A_92, %shift_left3A_101 : vector<16xi32>
        %bitcast_convert_type3A_103 = tpu.bitcast %shift_left3A_102 : vector<16xi32> -> vector<16xf32>
        %shift_left3A_104 = arith.constant 16 : i32
        %shift_left3A_105 = vector.broadcast %shift_left3A_104 : i32 to vector<16xi32>
        %shift_left3A_106 = arith.shli %get3A_95, %shift_left3A_105 : vector<16xi32>
        %bitcast_convert_type3A_107 = tpu.bitcast %shift_left3A_106 : vector<16xi32> -> vector<16xf32>
        %bitcast_convert_type3A_108 = tpu.bitcast %get3A_88 : vector<16xi32> -> vector<16xf32>
        %bitcast_convert_type3A_109 = tpu.bitcast %gather3A_92 : vector<16xi32> -> vector<16xf32>
        %bitcast_convert_type3A_110 = tpu.bitcast %get3A_95 : vector<16xi32> -> vector<16xf32>
        %mul3A_111 = arith.mulf %bitcast_convert_type3A_99, %bitcast_convert_type3A_103 : vector<16xf32>
        %mul3A_112 = arith.mulf %mul3A_111, %bitcast_convert_type3A_107 : vector<16xf32>
        %add3A_113 = arith.addf %add3A_85, %mul3A_112 : vector<16xf32>
        %mul3A_114 = arith.mulf %bitcast_convert_type3A_108, %bitcast_convert_type3A_109 : vector<16xf32>
        %mul3A_115 = arith.mulf %mul3A_114, %bitcast_convert_type3A_110 : vector<16xf32>
        %add3A_116 = arith.addf %add3A_113, %mul3A_115 : vector<16xf32>
        %get3A_117 = arith.index_cast %add3A_52 : i32 to index
        %get3A_118 = arith.constant 32 : index
        %get3A_119 = tpu.vector_load %arg12[%get3A_117, %get3A_118] {strides = array<i32>} : memref<80x64xi32, #tpu.memory_space<vmem>>, vector<16xi32>,
        %add3A_120 = arith.constant 32 : i32
        %add3A_121 = vector.broadcast %add3A_120 : i32 to vector<16xi32>
        %add3A_122 = arith.addi %add3A_56, %add3A_121 : vector<16xi32>
        %gather3A_123 = tpu.vector_load_idx %arg11[%add3A_122] : memref<32000xi32, #tpu.memory_space<vmem>>[vector<16xi32>], vector<16xi32>,
        %get3A_124 = arith.index_cast %add3A_52 : i32 to index
        %get3A_125 = arith.constant 32 : index
        %get3A_126 = tpu.vector_load %arg13[%get3A_124, %get3A_125] {strides = array<i32>} : memref<80x64xi32, #tpu.memory_space<vmem>>, vector<16xi32>,
        %shift_left3A_127 = arith.constant 16 : i32
        %shift_left3A_128 = vector.broadcast %shift_left3A_127 : i32 to vector<16xi32>
        %shift_left3A_129 = arith.shli %get3A_119, %shift_left3A_128 : vector<16xi32>
        %bitcast_convert_type3A_130 = tpu.bitcast %shift_left3A_129 : vector<16xi32> -> vector<16xf32>
        %shift_left3A_131 = arith.constant 16 : i32
        %shift_left3A_132 = vector.broadcast %shift_left3A_131 : i32 to vector<16xi32>
        %shift_left3A_133 = arith.shli %gather3A_123, %shift_left3A_132 : vector<16xi32>
        %bitcast_convert_type3A_134 = tpu.bitcast %shift_left3A_133 : vector<16xi32> -> vector<16xf32>
        %shift_left3A_135 = arith.constant 16 : i32
        %shift_left3A_136 = vector.broadcast %shift_left3A_135 : i32 to vector<16xi32>
        %shift_left3A_137 = arith.shli %get3A_126, %shift_left3A_136 : vector<16xi32>
        %bitcast_convert_type3A_138 = tpu.bitcast %shift_left3A_137 : vector<16xi32> -> vector<16xf32>
        %bitcast_convert_type3A_139 = tpu.bitcast %get3A_119 : vector<16xi32> -> vector<16xf32>
        %bitcast_convert_type3A_140 = tpu.bitcast %gather3A_123 : vector<16xi32> -> vector<16xf32>
        %bitcast_convert_type3A_141 = tpu.bitcast %get3A_126 : vector<16xi32> -> vector<16xf32>
        %mul3A_142 = arith.mulf %bitcast_convert_type3A_130, %bitcast_convert_type3A_134 : vector<16xf32>
        %mul3A_143 = arith.mulf %mul3A_142, %bitcast_convert_type3A_138 : vector<16xf32>
        %add3A_144 = arith.addf %add3A_116, %mul3A_143 : vector<16xf32>
        %mul3A_145 = arith.mulf %bitcast_convert_type3A_139, %bitcast_convert_type3A_140 : vector<16xf32>
        %mul3A_146 = arith.mulf %mul3A_145, %bitcast_convert_type3A_141 : vector<16xf32>
        %add3A_147 = arith.addf %add3A_144, %mul3A_146 : vector<16xf32>
        %get3A_148 = arith.index_cast %add3A_52 : i32 to index
        %get3A_149 = arith.constant 48 : index
        %get3A_150 = tpu.vector_load %arg12[%get3A_148, %get3A_149] {strides = array<i32>} : memref<80x64xi32, #tpu.memory_space<vmem>>, vector<16xi32>,
        %add3A_151 = arith.constant 48 : i32
        %add3A_152 = vector.broadcast %add3A_151 : i32 to vector<16xi32>
        %add3A_153 = arith.addi %add3A_56, %add3A_152 : vector<16xi32>
        %gather3A_154 = tpu.vector_load_idx %arg11[%add3A_153] : memref<32000xi32, #tpu.memory_space<vmem>>[vector<16xi32>], vector<16xi32>,
        %get3A_155 = arith.index_cast %add3A_52 : i32 to index
        %get3A_156 = arith.constant 48 : index
        %get3A_157 = tpu.vector_load %arg13[%get3A_155, %get3A_156] {strides = array<i32>} : memref<80x64xi32, #tpu.memory_space<vmem>>, vector<16xi32>,
        %shift_left3A_158 = arith.constant 16 : i32
        %shift_left3A_159 = vector.broadcast %shift_left3A_158 : i32 to vector<16xi32>
        %shift_left3A_160 = arith.shli %get3A_150, %shift_left3A_159 : vector<16xi32>
        %bitcast_convert_type3A_161 = tpu.bitcast %shift_left3A_160 : vector<16xi32> -> vector<16xf32>
        %shift_left3A_162 = arith.constant 16 : i32
        %shift_left3A_163 = vector.broadcast %shift_left3A_162 : i32 to vector<16xi32>
        %shift_left3A_164 = arith.shli %gather3A_154, %shift_left3A_163 : vector<16xi32>
        %bitcast_convert_type3A_165 = tpu.bitcast %shift_left3A_164 : vector<16xi32> -> vector<16xf32>
        %shift_left3A_166 = arith.constant 16 : i32
        %shift_left3A_167 = vector.broadcast %shift_left3A_166 : i32 to vector<16xi32>
        %shift_left3A_168 = arith.shli %get3A_157, %shift_left3A_167 : vector<16xi32>
        %bitcast_convert_type3A_169 = tpu.bitcast %shift_left3A_168 : vector<16xi32> -> vector<16xf32>
        %bitcast_convert_type3A_170 = tpu.bitcast %get3A_150 : vector<16xi32> -> vector<16xf32>
        %bitcast_convert_type3A_171 = tpu.bitcast %gather3A_154 : vector<16xi32> -> vector<16xf32>
        %bitcast_convert_type3A_172 = tpu.bitcast %get3A_157 : vector<16xi32> -> vector<16xf32>
        %mul3A_173 = arith.mulf %bitcast_convert_type3A_161, %bitcast_convert_type3A_165 : vector<16xf32>
        %mul3A_174 = arith.mulf %mul3A_173, %bitcast_convert_type3A_169 : vector<16xf32>
        %add3A_175 = arith.addf %add3A_147, %mul3A_174 : vector<16xf32>
        %mul3A_176 = arith.mulf %bitcast_convert_type3A_170, %bitcast_convert_type3A_171 : vector<16xf32>
        %mul3A_177 = arith.mulf %mul3A_176, %bitcast_convert_type3A_172 : vector<16xf32>
        %add3A_178 = arith.addf %add3A_175, %mul3A_177 : vector<16xf32>
        %eq3A = arith.constant 0 : i32
        %eq3A_179 = vector.broadcast %eq3A : i32 to vector<16xi32>
        %eq3A_180 = arith.cmpi eq, %iota3A, %eq3A_179 : vector<16xi32>
        %reduce_sum3A = arith.constant true
        %reduce_sum3A_181 = vector.broadcast %reduce_sum3A : i1 to vector<16xi1>
        %reduce_sum3A_182 = tpu.scan <sum>, %add3A_178 masked %reduce_sum3A_181 : vector<16xf32>, vector<16xi1> -> vector<16xf32>
        %reduce_sum3A_183 = vector.extract %reduce_sum3A_182[15] : f32 from vector<16xf32>
        %jit3A = arith.constant 0.000000e+00 : f32
        %broadcast_in_dim3A_184 = vector.broadcast %reduce_sum3A_183 : f32 to vector<16xf32>
        %broadcast_in_dim3A_185 = vector.broadcast %jit3A : f32 to vector<16xf32>
        %select_n3A = arith.select %eq3A_180, %broadcast_in_dim3A_184, %broadcast_in_dim3A_185 : vector<16xi1>, vector<16xf32>
        %add3A_186 = arith.constant 1 : i32
        %add3A_187 = arith.addi %mul3A_46, %add3A_186 : i32
        %slice3A_188 = vector.extract_strided_slice %get3A_50 {offsets = [1], sizes = [1], strides = [1]} : vector<16xi32> to vector<1xi32>
        %squeeze3A_189 = vector.extract %slice3A_188[0] : i32 from vector<1xi32>
        %mul3A_190 = arith.constant 64 : i32
        %mul3A_191 = arith.muli %squeeze3A_189, %mul3A_190 : i32
        %add3A_192 = vector.broadcast %mul3A_191 : i32 to vector<16xi32>
        %add3A_193 = arith.addi %iota3A, %add3A_192 : vector<16xi32>
        %broadcast_in_dim3A_194 = arith.constant 0.000000e+00 : f32
        %broadcast_in_dim3A_195 = vector.broadcast %broadcast_in_dim3A_194 : f32 to vector<16xf32>
        %get3A_196 = arith.index_cast %add3A_187 : i32 to index
        %get3A_197 = arith.constant 0 : index
        %get3A_198 = tpu.vector_load %arg12[%get3A_196, %get3A_197] {strides = array<i32>} : memref<80x64xi32, #tpu.memory_space<vmem>>, vector<16xi32>,
        %add3A_199 = arith.constant 0 : i32
        %add3A_200 = vector.broadcast %add3A_199 : i32 to vector<16xi32>
        %add3A_201 = arith.addi %add3A_193, %add3A_200 : vector<16xi32>
        %gather3A_202 = tpu.vector_load_idx %arg11[%add3A_201] : memref<32000xi32, #tpu.memory_space<vmem>>[vector<16xi32>], vector<16xi32>,
        %get3A_203 = arith.index_cast %add3A_187 : i32 to index
        %get3A_204 = arith.constant 0 : index
        %get3A_205 = tpu.vector_load %arg13[%get3A_203, %get3A_204] {strides = array<i32>} : memref<80x64xi32, #tpu.memory_space<vmem>>, vector<16xi32>,
        %shift_left3A_206 = arith.constant 16 : i32
        %shift_left3A_207 = vector.broadcast %shift_left3A_206 : i32 to vector<16xi32>
        %shift_left3A_208 = arith.shli %get3A_198, %shift_left3A_207 : vector<16xi32>
        %bitcast_convert_type3A_209 = tpu.bitcast %shift_left3A_208 : vector<16xi32> -> vector<16xf32>
        %shift_left3A_210 = arith.constant 16 : i32
        %shift_left3A_211 = vector.broadcast %shift_left3A_210 : i32 to vector<16xi32>
        %shift_left3A_212 = arith.shli %gather3A_202, %shift_left3A_211 : vector<16xi32>
        %bitcast_convert_type3A_213 = tpu.bitcast %shift_left3A_212 : vector<16xi32> -> vector<16xf32>
        %shift_left3A_214 = arith.constant 16 : i32
        %shift_left3A_215 = vector.broadcast %shift_left3A_214 : i32 to vector<16xi32>
        %shift_left3A_216 = arith.shli %get3A_205, %shift_left3A_215 : vector<16xi32>
        %bitcast_convert_type3A_217 = tpu.bitcast %shift_left3A_216 : vector<16xi32> -> vector<16xf32>
        %bitcast_convert_type3A_218 = tpu.bitcast %get3A_198 : vector<16xi32> -> vector<16xf32>
        %bitcast_convert_type3A_219 = tpu.bitcast %gather3A_202 : vector<16xi32> -> vector<16xf32>
        %bitcast_convert_type3A_220 = tpu.bitcast %get3A_205 : vector<16xi32> -> vector<16xf32>
        %mul3A_221 = arith.mulf %bitcast_convert_type3A_209, %bitcast_convert_type3A_213 : vector<16xf32>
        %mul3A_222 = arith.mulf %mul3A_221, %bitcast_convert_type3A_217 : vector<16xf32>
        %add3A_223 = arith.addf %broadcast_in_dim3A_195, %mul3A_222 : vector<16xf32>
        %mul3A_224 = arith.mulf %bitcast_convert_type3A_218, %bitcast_convert_type3A_219 : vector<16xf32>
        %mul3A_225 = arith.mulf %mul3A_224, %bitcast_convert_type3A_220 : vector<16xf32>
        %add3A_226 = arith.addf %add3A_223, %mul3A_225 : vector<16xf32>
        %get3A_227 = arith.index_cast %add3A_187 : i32 to index
        %get3A_228 = arith.constant 16 : index
        %get3A_229 = tpu.vector_load %arg12[%get3A_227, %get3A_228] {strides = array<i32>} : memref<80x64xi32, #tpu.memory_space<vmem>>, vector<16xi32>,
        %add3A_230 = arith.constant 16 : i32
        %add3A_231 = vector.broadcast %add3A_230 : i32 to vector<16xi32>
        %add3A_232 = arith.addi %add3A_193, %add3A_231 : vector<16xi32>
        %gather3A_233 = tpu.vector_load_idx %arg11[%add3A_232] : memref<32000xi32, #tpu.memory_space<vmem>>[vector<16xi32>], vector<16xi32>,
        %get3A_234 = arith.index_cast %add3A_187 : i32 to index
        %get3A_235 = arith.constant 16 : index
        %get3A_236 = tpu.vector_load %arg13[%get3A_234, %get3A_235] {strides = array<i32>} : memref<80x64xi32, #tpu.memory_space<vmem>>, vector<16xi32>,
        %shift_left3A_237 = arith.constant 16 : i32
        %shift_left3A_238 = vector.broadcast %shift_left3A_237 : i32 to vector<16xi32>
        %shift_left3A_239 = arith.shli %get3A_229, %shift_left3A_238 : vector<16xi32>
        %bitcast_convert_type3A_240 = tpu.bitcast %shift_left3A_239 : vector<16xi32> -> vector<16xf32>
        %shift_left3A_241 = arith.constant 16 : i32
        %shift_left3A_242 = vector.broadcast %shift_left3A_241 : i32 to vector<16xi32>
        %shift_left3A_243 = arith.shli %gather3A_233, %shift_left3A_242 : vector<16xi32>
        %bitcast_convert_type3A_244 = tpu.bitcast %shift_left3A_243 : vector<16xi32> -> vector<16xf32>
        %shift_left3A_245 = arith.constant 16 : i32
        %shift_left3A_246 = vector.broadcast %shift_left3A_245 : i32 to vector<16xi32>
        %shift_left3A_247 = arith.shli %get3A_236, %shift_left3A_246 : vector<16xi32>
        %bitcast_convert_type3A_248 = tpu.bitcast %shift_left3A_247 : vector<16xi32> -> vector<16xf32>
        %bitcast_convert_type3A_249 = tpu.bitcast %get3A_229 : vector<16xi32> -> vector<16xf32>
        %bitcast_convert_type3A_250 = tpu.bitcast %gather3A_233 : vector<16xi32> -> vector<16xf32>
        %bitcast_convert_type3A_251 = tpu.bitcast %get3A_236 : vector<16xi32> -> vector<16xf32>
        %mul3A_252 = arith.mulf %bitcast_convert_type3A_240, %bitcast_convert_type3A_244 : vector<16xf32>
        %mul3A_253 = arith.mulf %mul3A_252, %bitcast_convert_type3A_248 : vector<16xf32>
        %add3A_254 = arith.addf %add3A_226, %mul3A_253 : vector<16xf32>
        %mul3A_255 = arith.mulf %bitcast_convert_type3A_249, %bitcast_convert_type3A_250 : vector<16xf32>
        %mul3A_256 = arith.mulf %mul3A_255, %bitcast_convert_type3A_251 : vector<16xf32>
        %add3A_257 = arith.addf %add3A_254, %mul3A_256 : vector<16xf32>
        %get3A_258 = arith.index_cast %add3A_187 : i32 to index
        %get3A_259 = arith.constant 32 : index
        %get3A_260 = tpu.vector_load %arg12[%get3A_258, %get3A_259] {strides = array<i32>} : memref<80x64xi32, #tpu.memory_space<vmem>>, vector<16xi32>,
        %add3A_261 = arith.constant 32 : i32
        %add3A_262 = vector.broadcast %add3A_261 : i32 to vector<16xi32>
        %add3A_263 = arith.addi %add3A_193, %add3A_262 : vector<16xi32>
        %gather3A_264 = tpu.vector_load_idx %arg11[%add3A_263] : memref<32000xi32, #tpu.memory_space<vmem>>[vector<16xi32>], vector<16xi32>,
        %get3A_265 = arith.index_cast %add3A_187 : i32 to index
        %get3A_266 = arith.constant 32 : index
        %get3A_267 = tpu.vector_load %arg13[%get3A_265, %get3A_266] {strides = array<i32>} : memref<80x64xi32, #tpu.memory_space<vmem>>, vector<16xi32>,
        %shift_left3A_268 = arith.constant 16 : i32
        %shift_left3A_269 = vector.broadcast %shift_left3A_268 : i32 to vector<16xi32>
        %shift_left3A_270 = arith.shli %get3A_260, %shift_left3A_269 : vector<16xi32>
        %bitcast_convert_type3A_271 = tpu.bitcast %shift_left3A_270 : vector<16xi32> -> vector<16xf32>
        %shift_left3A_272 = arith.constant 16 : i32
        %shift_left3A_273 = vector.broadcast %shift_left3A_272 : i32 to vector<16xi32>
        %shift_left3A_274 = arith.shli %gather3A_264, %shift_left3A_273 : vector<16xi32>
        %bitcast_convert_type3A_275 = tpu.bitcast %shift_left3A_274 : vector<16xi32> -> vector<16xf32>
        %shift_left3A_276 = arith.constant 16 : i32
        %shift_left3A_277 = vector.broadcast %shift_left3A_276 : i32 to vector<16xi32>
        %shift_left3A_278 = arith.shli %get3A_267, %shift_left3A_277 : vector<16xi32>
        %bitcast_convert_type3A_279 = tpu.bitcast %shift_left3A_278 : vector<16xi32> -> vector<16xf32>
        %bitcast_convert_type3A_280 = tpu.bitcast %get3A_260 : vector<16xi32> -> vector<16xf32>
        %bitcast_convert_type3A_281 = tpu.bitcast %gather3A_264 : vector<16xi32> -> vector<16xf32>
        %bitcast_convert_type3A_282 = tpu.bitcast %get3A_267 : vector<16xi32> -> vector<16xf32>
        %mul3A_283 = arith.mulf %bitcast_convert_type3A_271, %bitcast_convert_type3A_275 : vector<16xf32>
        %mul3A_284 = arith.mulf %mul3A_283, %bitcast_convert_type3A_279 : vector<16xf32>
        %add3A_285 = arith.addf %add3A_257, %mul3A_284 : vector<16xf32>
        %mul3A_286 = arith.mulf %bitcast_convert_type3A_280, %bitcast_convert_type3A_281 : vector<16xf32>
        %mul3A_287 = arith.mulf %mul3A_286, %bitcast_convert_type3A_282 : vector<16xf32>
        %add3A_288 = arith.addf %add3A_285, %mul3A_287 : vector<16xf32>
        %get3A_289 = arith.index_cast %add3A_187 : i32 to index
        %get3A_290 = arith.constant 48 : index
        %get3A_291 = tpu.vector_load %arg12[%get3A_289, %get3A_290] {strides = array<i32>} : memref<80x64xi32, #tpu.memory_space<vmem>>, vector<16xi32>,
        %add3A_292 = arith.constant 48 : i32
        %add3A_293 = vector.broadcast %add3A_292 : i32 to vector<16xi32>
        %add3A_294 = arith.addi %add3A_193, %add3A_293 : vector<16xi32>
        %gather3A_295 = tpu.vector_load_idx %arg11[%add3A_294] : memref<32000xi32, #tpu.memory_space<vmem>>[vector<16xi32>], vector<16xi32>,
        %get3A_296 = arith.index_cast %add3A_187 : i32 to index
        %get3A_297 = arith.constant 48 : index
        %get3A_298 = tpu.vector_load %arg13[%get3A_296, %get3A_297] {strides = array<i32>} : memref<80x64xi32, #tpu.memory_space<vmem>>, vector<16xi32>,
        %shift_left3A_299 = arith.constant 16 : i32
        %shift_left3A_300 = vector.broadcast %shift_left3A_299 : i32 to vector<16xi32>
        %shift_left3A_301 = arith.shli %get3A_291, %shift_left3A_300 : vector<16xi32>
        %bitcast_convert_type3A_302 = tpu.bitcast %shift_left3A_301 : vector<16xi32> -> vector<16xf32>
        %shift_left3A_303 = arith.constant 16 : i32
        %shift_left3A_304 = vector.broadcast %shift_left3A_303 : i32 to vector<16xi32>
        %shift_left3A_305 = arith.shli %gather3A_295, %shift_left3A_304 : vector<16xi32>
        %bitcast_convert_type3A_306 = tpu.bitcast %shift_left3A_305 : vector<16xi32> -> vector<16xf32>
        %shift_left3A_307 = arith.constant 16 : i32
        %shift_left3A_308 = vector.broadcast %shift_left3A_307 : i32 to vector<16xi32>
        %shift_left3A_309 = arith.shli %get3A_298, %shift_left3A_308 : vector<16xi32>
        %bitcast_convert_type3A_310 = tpu.bitcast %shift_left3A_309 : vector<16xi32> -> vector<16xf32>
        %bitcast_convert_type3A_311 = tpu.bitcast %get3A_291 : vector<16xi32> -> vector<16xf32>
        %bitcast_convert_type3A_312 = tpu.bitcast %gather3A_295 : vector<16xi32> -> vector<16xf32>
        %bitcast_convert_type3A_313 = tpu.bitcast %get3A_298 : vector<16xi32> -> vector<16xf32>
        %mul3A_314 = arith.mulf %bitcast_convert_type3A_302, %bitcast_convert_type3A_306 : vector<16xf32>
        %mul3A_315 = arith.mulf %mul3A_314, %bitcast_convert_type3A_310 : vector<16xf32>
        %add3A_316 = arith.addf %add3A_288, %mul3A_315 : vector<16xf32>
        %mul3A_317 = arith.mulf %bitcast_convert_type3A_311, %bitcast_convert_type3A_312 : vector<16xf32>
        %mul3A_318 = arith.mulf %mul3A_317, %bitcast_convert_type3A_313 : vector<16xf32>
        %add3A_319 = arith.addf %add3A_316, %mul3A_318 : vector<16xf32>
        %eq3A_320 = arith.constant 1 : i32
        %eq3A_321 = vector.broadcast %eq3A_320 : i32 to vector<16xi32>
        %eq3A_322 = arith.cmpi eq, %iota3A, %eq3A_321 : vector<16xi32>
        %reduce_sum3A_323 = arith.constant true
        %reduce_sum3A_324 = vector.broadcast %reduce_sum3A_323 : i1 to vector<16xi1>
        %reduce_sum3A_325 = tpu.scan <sum>, %add3A_319 masked %reduce_sum3A_324 : vector<16xf32>, vector<16xi1> -> vector<16xf32>
        %reduce_sum3A_326 = vector.extract %reduce_sum3A_325[15] : f32 from vector<16xf32>
        %jit3A_327 = arith.constant 0.000000e+00 : f32
        %broadcast_in_dim3A_328 = vector.broadcast %reduce_sum3A_326 : f32 to vector<16xf32>
        %broadcast_in_dim3A_329 = vector.broadcast %jit3A_327 : f32 to vector<16xf32>
        %select_n3A_330 = arith.select %eq3A_322, %broadcast_in_dim3A_328, %broadcast_in_dim3A_329 : vector<16xi1>, vector<16xf32>
        %add3A_331 = arith.constant 2 : i32
        %add3A_332 = arith.addi %mul3A_46, %add3A_331 : i32
        %slice3A_333 = vector.extract_strided_slice %get3A_50 {offsets = [2], sizes = [1], strides = [1]} : vector<16xi32> to vector<1xi32>
        %squeeze3A_334 = vector.extract %slice3A_333[0] : i32 from vector<1xi32>
        %mul3A_335 = arith.constant 64 : i32
        %mul3A_336 = arith.muli %squeeze3A_334, %mul3A_335 : i32
        %add3A_337 = vector.broadcast %mul3A_336 : i32 to vector<16xi32>
        %add3A_338 = arith.addi %iota3A, %add3A_337 : vector<16xi32>
        %broadcast_in_dim3A_339 = arith.constant 0.000000e+00 : f32
        %broadcast_in_dim3A_340 = vector.broadcast %broadcast_in_dim3A_339 : f32 to vector<16xf32>
        %get3A_341 = arith.index_cast %add3A_332 : i32 to index
        %get3A_342 = arith.constant 0 : index
        %get3A_343 = tpu.vector_load %arg12[%get3A_341, %get3A_342] {strides = array<i32>} : memref<80x64xi32, #tpu.memory_space<vmem>>, vector<16xi32>,
        %add3A_344 = arith.constant 0 : i32
        %add3A_345 = vector.broadcast %add3A_344 : i32 to vector<16xi32>
        %add3A_346 = arith.addi %add3A_338, %add3A_345 : vector<16xi32>
        %gather3A_347 = tpu.vector_load_idx %arg11[%add3A_346] : memref<32000xi32, #tpu.memory_space<vmem>>[vector<16xi32>], vector<16xi32>,
        %get3A_348 = arith.index_cast %add3A_332 : i32 to index
        %get3A_349 = arith.constant 0 : index
        %get3A_350 = tpu.vector_load %arg13[%get3A_348, %get3A_349] {strides = array<i32>} : memref<80x64xi32, #tpu.memory_space<vmem>>, vector<16xi32>,
        %shift_left3A_351 = arith.constant 16 : i32
        %shift_left3A_352 = vector.broadcast %shift_left3A_351 : i32 to vector<16xi32>
        %shift_left3A_353 = arith.shli %get3A_343, %shift_left3A_352 : vector<16xi32>
        %bitcast_convert_type3A_354 = tpu.bitcast %shift_left3A_353 : vector<16xi32> -> vector<16xf32>
        %shift_left3A_355 = arith.constant 16 : i32
        %shift_left3A_356 = vector.broadcast %shift_left3A_355 : i32 to vector<16xi32>
        %shift_left3A_357 = arith.shli %gather3A_347, %shift_left3A_356 : vector<16xi32>
        %bitcast_convert_type3A_358 = tpu.bitcast %shift_left3A_357 : vector<16xi32> -> vector<16xf32>
        %shift_left3A_359 = arith.constant 16 : i32
        %shift_left3A_360 = vector.broadcast %shift_left3A_359 : i32 to vector<16xi32>
        %shift_left3A_361 = arith.shli %get3A_350, %shift_left3A_360 : vector<16xi32>
        %bitcast_convert_type3A_362 = tpu.bitcast %shift_left3A_361 : vector<16xi32> -> vector<16xf32>
        %bitcast_convert_type3A_363 = tpu.bitcast %get3A_343 : vector<16xi32> -> vector<16xf32>
        %bitcast_convert_type3A_364 = tpu.bitcast %gather3A_347 : vector<16xi32> -> vector<16xf32>
        %bitcast_convert_type3A_365 = tpu.bitcast %get3A_350 : vector<16xi32> -> vector<16xf32>
        %mul3A_366 = arith.mulf %bitcast_convert_type3A_354, %bitcast_convert_type3A_358 : vector<16xf32>
        %mul3A_367 = arith.mulf %mul3A_366, %bitcast_convert_type3A_362 : vector<16xf32>
        %add3A_368 = arith.addf %broadcast_in_dim3A_340, %mul3A_367 : vector<16xf32>
        %mul3A_369 = arith.mulf %bitcast_convert_type3A_363, %bitcast_convert_type3A_364 : vector<16xf32>
        %mul3A_370 = arith.mulf %mul3A_369, %bitcast_convert_type3A_365 : vector<16xf32>
        %add3A_371 = arith.addf %add3A_368, %mul3A_370 : vector<16xf32>
        %get3A_372 = arith.index_cast %add3A_332 : i32 to index
        %get3A_373 = arith.constant 16 : index
        %get3A_374 = tpu.vector_load %arg12[%get3A_372, %get3A_373] {strides = array<i32>} : memref<80x64xi32, #tpu.memory_space<vmem>>, vector<16xi32>,
        %add3A_375 = arith.constant 16 : i32
        %add3A_376 = vector.broadcast %add3A_375 : i32 to vector<16xi32>
        %add3A_377 = arith.addi %add3A_338, %add3A_376 : vector<16xi32>
        %gather3A_378 = tpu.vector_load_idx %arg11[%add3A_377] : memref<32000xi32, #tpu.memory_space<vmem>>[vector<16xi32>], vector<16xi32>,
        %get3A_379 = arith.index_cast %add3A_332 : i32 to index
        %get3A_380 = arith.constant 16 : index
        %get3A_381 = tpu.vector_load %arg13[%get3A_379, %get3A_380] {strides = array<i32>} : memref<80x64xi32, #tpu.memory_space<vmem>>, vector<16xi32>,
        %shift_left3A_382 = arith.constant 16 : i32
        %shift_left3A_383 = vector.broadcast %shift_left3A_382 : i32 to vector<16xi32>
        %shift_left3A_384 = arith.shli %get3A_374, %shift_left3A_383 : vector<16xi32>
        %bitcast_convert_type3A_385 = tpu.bitcast %shift_left3A_384 : vector<16xi32> -> vector<16xf32>
        %shift_left3A_386 = arith.constant 16 : i32
        %shift_left3A_387 = vector.broadcast %shift_left3A_386 : i32 to vector<16xi32>
        %shift_left3A_388 = arith.shli %gather3A_378, %shift_left3A_387 : vector<16xi32>
        %bitcast_convert_type3A_389 = tpu.bitcast %shift_left3A_388 : vector<16xi32> -> vector<16xf32>
        %shift_left3A_390 = arith.constant 16 : i32
        %shift_left3A_391 = vector.broadcast %shift_left3A_390 : i32 to vector<16xi32>
        %shift_left3A_392 = arith.shli %get3A_381, %shift_left3A_391 : vector<16xi32>
        %bitcast_convert_type3A_393 = tpu.bitcast %shift_left3A_392 : vector<16xi32> -> vector<16xf32>
        %bitcast_convert_type3A_394 = tpu.bitcast %get3A_374 : vector<16xi32> -> vector<16xf32>
        %bitcast_convert_type3A_395 = tpu.bitcast %gather3A_378 : vector<16xi32> -> vector<16xf32>
        %bitcast_convert_type3A_396 = tpu.bitcast %get3A_381 : vector<16xi32> -> vector<16xf32>
        %mul3A_397 = arith.mulf %bitcast_convert_type3A_385, %bitcast_convert_type3A_389 : vector<16xf32>
        %mul3A_398 = arith.mulf %mul3A_397, %bitcast_convert_type3A_393 : vector<16xf32>
        %add3A_399 = arith.addf %add3A_371, %mul3A_398 : vector<16xf32>
        %mul3A_400 = arith.mulf %bitcast_convert_type3A_394, %bitcast_convert_type3A_395 : vector<16xf32>
        %mul3A_401 = arith.mulf %mul3A_400, %bitcast_convert_type3A_396 : vector<16xf32>
        %add3A_402 = arith.addf %add3A_399, %mul3A_401 : vector<16xf32>
        %get3A_403 = arith.index_cast %add3A_332 : i32 to index
        %get3A_404 = arith.constant 32 : index
        %get3A_405 = tpu.vector_load %arg12[%get3A_403, %get3A_404] {strides = array<i32>} : memref<80x64xi32, #tpu.memory_space<vmem>>, vector<16xi32>,
        %add3A_406 = arith.constant 32 : i32
        %add3A_407 = vector.broadcast %add3A_406 : i32 to vector<16xi32>
        %add3A_408 = arith.addi %add3A_338, %add3A_407 : vector<16xi32>
        %gather3A_409 = tpu.vector_load_idx %arg11[%add3A_408] : memref<32000xi32, #tpu.memory_space<vmem>>[vector<16xi32>], vector<16xi32>,
        %get3A_410 = arith.index_cast %add3A_332 : i32 to index
        %get3A_411 = arith.constant 32 : index
        %get3A_412 = tpu.vector_load %arg13[%get3A_410, %get3A_411] {strides = array<i32>} : memref<80x64xi32, #tpu.memory_space<vmem>>, vector<16xi32>,
        %shift_left3A_413 = arith.constant 16 : i32
        %shift_left3A_414 = vector.broadcast %shift_left3A_413 : i32 to vector<16xi32>
        %shift_left3A_415 = arith.shli %get3A_405, %shift_left3A_414 : vector<16xi32>
        %bitcast_convert_type3A_416 = tpu.bitcast %shift_left3A_415 : vector<16xi32> -> vector<16xf32>
        %shift_left3A_417 = arith.constant 16 : i32
        %shift_left3A_418 = vector.broadcast %shift_left3A_417 : i32 to vector<16xi32>
        %shift_left3A_419 = arith.shli %gather3A_409, %shift_left3A_418 : vector<16xi32>
        %bitcast_convert_type3A_420 = tpu.bitcast %shift_left3A_419 : vector<16xi32> -> vector<16xf32>
        %shift_left3A_421 = arith.constant 16 : i32
        %shift_left3A_422 = vector.broadcast %shift_left3A_421 : i32 to vector<16xi32>
        %shift_left3A_423 = arith.shli %get3A_412, %shift_left3A_422 : vector<16xi32>
        %bitcast_convert_type3A_424 = tpu.bitcast %shift_left3A_423 : vector<16xi32> -> vector<16xf32>
        %bitcast_convert_type3A_425 = tpu.bitcast %get3A_405 : vector<16xi32> -> vector<16xf32>
        %bitcast_convert_type3A_426 = tpu.bitcast %gather3A_409 : vector<16xi32> -> vector<16xf32>
        %bitcast_convert_type3A_427 = tpu.bitcast %get3A_412 : vector<16xi32> -> vector<16xf32>
        %mul3A_428 = arith.mulf %bitcast_convert_type3A_416, %bitcast_convert_type3A_420 : vector<16xf32>
        %mul3A_429 = arith.mulf %mul3A_428, %bitcast_convert_type3A_424 : vector<16xf32>
        %add3A_430 = arith.addf %add3A_402, %mul3A_429 : vector<16xf32>
        %mul3A_431 = arith.mulf %bitcast_convert_type3A_425, %bitcast_convert_type3A_426 : vector<16xf32>
        %mul3A_432 = arith.mulf %mul3A_431, %bitcast_convert_type3A_427 : vector<16xf32>
        %add3A_433 = arith.addf %add3A_430, %mul3A_432 : vector<16xf32>
        %get3A_434 = arith.index_cast %add3A_332 : i32 to index
        %get3A_435 = arith.constant 48 : index
        %get3A_436 = tpu.vector_load %arg12[%get3A_434, %get3A_435] {strides = array<i32>} : memref<80x64xi32, #tpu.memory_space<vmem>>, vector<16xi32>,
        %add3A_437 = arith.constant 48 : i32
        %add3A_438 = vector.broadcast %add3A_437 : i32 to vector<16xi32>
        %add3A_439 = arith.addi %add3A_338, %add3A_438 : vector<16xi32>
        %gather3A_440 = tpu.vector_load_idx %arg11[%add3A_439] : memref<32000xi32, #tpu.memory_space<vmem>>[vector<16xi32>], vector<16xi32>,
        %get3A_441 = arith.index_cast %add3A_332 : i32 to index
        %get3A_442 = arith.constant 48 : index
        %get3A_443 = tpu.vector_load %arg13[%get3A_441, %get3A_442] {strides = array<i32>} : memref<80x64xi32, #tpu.memory_space<vmem>>, vector<16xi32>,
        %shift_left3A_444 = arith.constant 16 : i32
        %shift_left3A_445 = vector.broadcast %shift_left3A_444 : i32 to vector<16xi32>
        %shift_left3A_446 = arith.shli %get3A_436, %shift_left3A_445 : vector<16xi32>
        %bitcast_convert_type3A_447 = tpu.bitcast %shift_left3A_446 : vector<16xi32> -> vector<16xf32>
        %shift_left3A_448 = arith.constant 16 : i32
        %shift_left3A_449 = vector.broadcast %shift_left3A_448 : i32 to vector<16xi32>
        %shift_left3A_450 = arith.shli %gather3A_440, %shift_left3A_449 : vector<16xi32>
        %bitcast_convert_type3A_451 = tpu.bitcast %shift_left3A_450 : vector<16xi32> -> vector<16xf32>
        %shift_left3A_452 = arith.constant 16 : i32
        %shift_left3A_453 = vector.broadcast %shift_left3A_452 : i32 to vector<16xi32>
        %shift_left3A_454 = arith.shli %get3A_443, %shift_left3A_453 : vector<16xi32>
        %bitcast_convert_type3A_455 = tpu.bitcast %shift_left3A_454 : vector<16xi32> -> vector<16xf32>
        %bitcast_convert_type3A_456 = tpu.bitcast %get3A_436 : vector<16xi32> -> vector<16xf32>
        %bitcast_convert_type3A_457 = tpu.bitcast %gather3A_440 : vector<16xi32> -> vector<16xf32>
        %bitcast_convert_type3A_458 = tpu.bitcast %get3A_443 : vector<16xi32> -> vector<16xf32>
        %mul3A_459 = arith.mulf %bitcast_convert_type3A_447, %bitcast_convert_type3A_451 : vector<16xf32>
        %mul3A_460 = arith.mulf %mul3A_459, %bitcast_convert_type3A_455 : vector<16xf32>
        %add3A_461 = arith.addf %add3A_433, %mul3A_460 : vector<16xf32>
        %mul3A_462 = arith.mulf %bitcast_convert_type3A_456, %bitcast_convert_type3A_457 : vector<16xf32>
        %mul3A_463 = arith.mulf %mul3A_462, %bitcast_convert_type3A_458 : vector<16xf32>
        %add3A_464 = arith.addf %add3A_461, %mul3A_463 : vector<16xf32>
        %eq3A_465 = arith.constant 2 : i32
        %eq3A_466 = vector.broadcast %eq3A_465 : i32 to vector<16xi32>
        %eq3A_467 = arith.cmpi eq, %iota3A, %eq3A_466 : vector<16xi32>
        %reduce_sum3A_468 = arith.constant true
        %reduce_sum3A_469 = vector.broadcast %reduce_sum3A_468 : i1 to vector<16xi1>
        %reduce_sum3A_470 = tpu.scan <sum>, %add3A_464 masked %reduce_sum3A_469 : vector<16xf32>, vector<16xi1> -> vector<16xf32>
        %reduce_sum3A_471 = vector.extract %reduce_sum3A_470[15] : f32 from vector<16xf32>
        %jit3A_472 = arith.constant 0.000000e+00 : f32
        %broadcast_in_dim3A_473 = vector.broadcast %reduce_sum3A_471 : f32 to vector<16xf32>
        %broadcast_in_dim3A_474 = vector.broadcast %jit3A_472 : f32 to vector<16xf32>
        %select_n3A_475 = arith.select %eq3A_467, %broadcast_in_dim3A_473, %broadcast_in_dim3A_474 : vector<16xi1>, vector<16xf32>
        %add3A_476 = arith.constant 3 : i32
        %add3A_477 = arith.addi %mul3A_46, %add3A_476 : i32
        %slice3A_478 = vector.extract_strided_slice %get3A_50 {offsets = [3], sizes = [1], strides = [1]} : vector<16xi32> to vector<1xi32>
        %squeeze3A_479 = vector.extract %slice3A_478[0] : i32 from vector<1xi32>
        %mul3A_480 = arith.constant 64 : i32
        %mul3A_481 = arith.muli %squeeze3A_479, %mul3A_480 : i32
        %add3A_482 = vector.broadcast %mul3A_481 : i32 to vector<16xi32>
        %add3A_483 = arith.addi %iota3A, %add3A_482 : vector<16xi32>
        %broadcast_in_dim3A_484 = arith.constant 0.000000e+00 : f32
        %broadcast_in_dim3A_485 = vector.broadcast %broadcast_in_dim3A_484 : f32 to vector<16xf32>
        %get3A_486 = arith.index_cast %add3A_477 : i32 to index
        %get3A_487 = arith.constant 0 : index
        %get3A_488 = tpu.vector_load %arg12[%get3A_486, %get3A_487] {strides = array<i32>} : memref<80x64xi32, #tpu.memory_space<vmem>>, vector<16xi32>,
        %add3A_489 = arith.constant 0 : i32
        %add3A_490 = vector.broadcast %add3A_489 : i32 to vector<16xi32>
        %add3A_491 = arith.addi %add3A_483, %add3A_490 : vector<16xi32>
        %gather3A_492 = tpu.vector_load_idx %arg11[%add3A_491] : memref<32000xi32, #tpu.memory_space<vmem>>[vector<16xi32>], vector<16xi32>,
        %get3A_493 = arith.index_cast %add3A_477 : i32 to index
        %get3A_494 = arith.constant 0 : index
        %get3A_495 = tpu.vector_load %arg13[%get3A_493, %get3A_494] {strides = array<i32>} : memref<80x64xi32, #tpu.memory_space<vmem>>, vector<16xi32>,
        %shift_left3A_496 = arith.constant 16 : i32
        %shift_left3A_497 = vector.broadcast %shift_left3A_496 : i32 to vector<16xi32>
        %shift_left3A_498 = arith.shli %get3A_488, %shift_left3A_497 : vector<16xi32>
        %bitcast_convert_type3A_499 = tpu.bitcast %shift_left3A_498 : vector<16xi32> -> vector<16xf32>
        %shift_left3A_500 = arith.constant 16 : i32
        %shift_left3A_501 = vector.broadcast %shift_left3A_500 : i32 to vector<16xi32>
        %shift_left3A_502 = arith.shli %gather3A_492, %shift_left3A_501 : vector<16xi32>
        %bitcast_convert_type3A_503 = tpu.bitcast %shift_left3A_502 : vector<16xi32> -> vector<16xf32>
        %shift_left3A_504 = arith.constant 16 : i32
        %shift_left3A_505 = vector.broadcast %shift_left3A_504 : i32 to vector<16xi32>
        %shift_left3A_506 = arith.shli %get3A_495, %shift_left3A_505 : vector<16xi32>
        %bitcast_convert_type3A_507 = tpu.bitcast %shift_left3A_506 : vector<16xi32> -> vector<16xf32>
        %bitcast_convert_type3A_508 = tpu.bitcast %get3A_488 : vector<16xi32> -> vector<16xf32>
        %bitcast_convert_type3A_509 = tpu.bitcast %gather3A_492 : vector<16xi32> -> vector<16xf32>
        %bitcast_convert_type3A_510 = tpu.bitcast %get3A_495 : vector<16xi32> -> vector<16xf32>
        %mul3A_511 = arith.mulf %bitcast_convert_type3A_499, %bitcast_convert_type3A_503 : vector<16xf32>
        %mul3A_512 = arith.mulf %mul3A_511, %bitcast_convert_type3A_507 : vector<16xf32>
        %add3A_513 = arith.addf %broadcast_in_dim3A_485, %mul3A_512 : vector<16xf32>
        %mul3A_514 = arith.mulf %bitcast_convert_type3A_508, %bitcast_convert_type3A_509 : vector<16xf32>
        %mul3A_515 = arith.mulf %mul3A_514, %bitcast_convert_type3A_510 : vector<16xf32>
        %add3A_516 = arith.addf %add3A_513, %mul3A_515 : vector<16xf32>
        %get3A_517 = arith.index_cast %add3A_477 : i32 to index
        %get3A_518 = arith.constant 16 : index
        %get3A_519 = tpu.vector_load %arg12[%get3A_517, %get3A_518] {strides = array<i32>} : memref<80x64xi32, #tpu.memory_space<vmem>>, vector<16xi32>,
        %add3A_520 = arith.constant 16 : i32
        %add3A_521 = vector.broadcast %add3A_520 : i32 to vector<16xi32>
        %add3A_522 = arith.addi %add3A_483, %add3A_521 : vector<16xi32>
        %gather3A_523 = tpu.vector_load_idx %arg11[%add3A_522] : memref<32000xi32, #tpu.memory_space<vmem>>[vector<16xi32>], vector<16xi32>,
        %get3A_524 = arith.index_cast %add3A_477 : i32 to index
        %get3A_525 = arith.constant 16 : index
        %get3A_526 = tpu.vector_load %arg13[%get3A_524, %get3A_525] {strides = array<i32>} : memref<80x64xi32, #tpu.memory_space<vmem>>, vector<16xi32>,
        %shift_left3A_527 = arith.constant 16 : i32
        %shift_left3A_528 = vector.broadcast %shift_left3A_527 : i32 to vector<16xi32>
        %shift_left3A_529 = arith.shli %get3A_519, %shift_left3A_528 : vector<16xi32>
        %bitcast_convert_type3A_530 = tpu.bitcast %shift_left3A_529 : vector<16xi32> -> vector<16xf32>
        %shift_left3A_531 = arith.constant 16 : i32
        %shift_left3A_532 = vector.broadcast %shift_left3A_531 : i32 to vector<16xi32>
        %shift_left3A_533 = arith.shli %gather3A_523, %shift_left3A_532 : vector<16xi32>
        %bitcast_convert_type3A_534 = tpu.bitcast %shift_left3A_533 : vector<16xi32> -> vector<16xf32>
        %shift_left3A_535 = arith.constant 16 : i32
        %shift_left3A_536 = vector.broadcast %shift_left3A_535 : i32 to vector<16xi32>
        %shift_left3A_537 = arith.shli %get3A_526, %shift_left3A_536 : vector<16xi32>
        %bitcast_convert_type3A_538 = tpu.bitcast %shift_left3A_537 : vector<16xi32> -> vector<16xf32>
        %bitcast_convert_type3A_539 = tpu.bitcast %get3A_519 : vector<16xi32> -> vector<16xf32>
        %bitcast_convert_type3A_540 = tpu.bitcast %gather3A_523 : vector<16xi32> -> vector<16xf32>
        %bitcast_convert_type3A_541 = tpu.bitcast %get3A_526 : vector<16xi32> -> vector<16xf32>
        %mul3A_542 = arith.mulf %bitcast_convert_type3A_530, %bitcast_convert_type3A_534 : vector<16xf32>
        %mul3A_543 = arith.mulf %mul3A_542, %bitcast_convert_type3A_538 : vector<16xf32>
        %add3A_544 = arith.addf %add3A_516, %mul3A_543 : vector<16xf32>
        %mul3A_545 = arith.mulf %bitcast_convert_type3A_539, %bitcast_convert_type3A_540 : vector<16xf32>
        %mul3A_546 = arith.mulf %mul3A_545, %bitcast_convert_type3A_541 : vector<16xf32>
        %add3A_547 = arith.addf %add3A_544, %mul3A_546 : vector<16xf32>
        %get3A_548 = arith.index_cast %add3A_477 : i32 to index
        %get3A_549 = arith.constant 32 : index
        %get3A_550 = tpu.vector_load %arg12[%get3A_548, %get3A_549] {strides = array<i32>} : memref<80x64xi32, #tpu.memory_space<vmem>>, vector<16xi32>,
        %add3A_551 = arith.constant 32 : i32
        %add3A_552 = vector.broadcast %add3A_551 : i32 to vector<16xi32>
        %add3A_553 = arith.addi %add3A_483, %add3A_552 : vector<16xi32>
        %gather3A_554 = tpu.vector_load_idx %arg11[%add3A_553] : memref<32000xi32, #tpu.memory_space<vmem>>[vector<16xi32>], vector<16xi32>,
        %get3A_555 = arith.index_cast %add3A_477 : i32 to index
        %get3A_556 = arith.constant 32 : index
        %get3A_557 = tpu.vector_load %arg13[%get3A_555, %get3A_556] {strides = array<i32>} : memref<80x64xi32, #tpu.memory_space<vmem>>, vector<16xi32>,
        %shift_left3A_558 = arith.constant 16 : i32
        %shift_left3A_559 = vector.broadcast %shift_left3A_558 : i32 to vector<16xi32>
        %shift_left3A_560 = arith.shli %get3A_550, %shift_left3A_559 : vector<16xi32>
        %bitcast_convert_type3A_561 = tpu.bitcast %shift_left3A_560 : vector<16xi32> -> vector<16xf32>
        %shift_left3A_562 = arith.constant 16 : i32
        %shift_left3A_563 = vector.broadcast %shift_left3A_562 : i32 to vector<16xi32>
        %shift_left3A_564 = arith.shli %gather3A_554, %shift_left3A_563 : vector<16xi32>
        %bitcast_convert_type3A_565 = tpu.bitcast %shift_left3A_564 : vector<16xi32> -> vector<16xf32>
        %shift_left3A_566 = arith.constant 16 : i32
        %shift_left3A_567 = vector.broadcast %shift_left3A_566 : i32 to vector<16xi32>
        %shift_left3A_568 = arith.shli %get3A_557, %shift_left3A_567 : vector<16xi32>
        %bitcast_convert_type3A_569 = tpu.bitcast %shift_left3A_568 : vector<16xi32> -> vector<16xf32>
        %bitcast_convert_type3A_570 = tpu.bitcast %get3A_550 : vector<16xi32> -> vector<16xf32>
        %bitcast_convert_type3A_571 = tpu.bitcast %gather3A_554 : vector<16xi32> -> vector<16xf32>
        %bitcast_convert_type3A_572 = tpu.bitcast %get3A_557 : vector<16xi32> -> vector<16xf32>
        %mul3A_573 = arith.mulf %bitcast_convert_type3A_561, %bitcast_convert_type3A_565 : vector<16xf32>
        %mul3A_574 = arith.mulf %mul3A_573, %bitcast_convert_type3A_569 : vector<16xf32>
        %add3A_575 = arith.addf %add3A_547, %mul3A_574 : vector<16xf32>
        %mul3A_576 = arith.mulf %bitcast_convert_type3A_570, %bitcast_convert_type3A_571 : vector<16xf32>
        %mul3A_577 = arith.mulf %mul3A_576, %bitcast_convert_type3A_572 : vector<16xf32>
        %add3A_578 = arith.addf %add3A_575, %mul3A_577 : vector<16xf32>
        %get3A_579 = arith.index_cast %add3A_477 : i32 to index
        %get3A_580 = arith.constant 48 : index
        %get3A_581 = tpu.vector_load %arg12[%get3A_579, %get3A_580] {strides = array<i32>} : memref<80x64xi32, #tpu.memory_space<vmem>>, vector<16xi32>,
        %add3A_582 = arith.constant 48 : i32
        %add3A_583 = vector.broadcast %add3A_582 : i32 to vector<16xi32>
        %add3A_584 = arith.addi %add3A_483, %add3A_583 : vector<16xi32>
        %gather3A_585 = tpu.vector_load_idx %arg11[%add3A_584] : memref<32000xi32, #tpu.memory_space<vmem>>[vector<16xi32>], vector<16xi32>,
        %get3A_586 = arith.index_cast %add3A_477 : i32 to index
        %get3A_587 = arith.constant 48 : index
        %get3A_588 = tpu.vector_load %arg13[%get3A_586, %get3A_587] {strides = array<i32>} : memref<80x64xi32, #tpu.memory_space<vmem>>, vector<16xi32>,
        %shift_left3A_589 = arith.constant 16 : i32
        %shift_left3A_590 = vector.broadcast %shift_left3A_589 : i32 to vector<16xi32>
        %shift_left3A_591 = arith.shli %get3A_581, %shift_left3A_590 : vector<16xi32>
        %bitcast_convert_type3A_592 = tpu.bitcast %shift_left3A_591 : vector<16xi32> -> vector<16xf32>
        %shift_left3A_593 = arith.constant 16 : i32
        %shift_left3A_594 = vector.broadcast %shift_left3A_593 : i32 to vector<16xi32>
        %shift_left3A_595 = arith.shli %gather3A_585, %shift_left3A_594 : vector<16xi32>
        %bitcast_convert_type3A_596 = tpu.bitcast %shift_left3A_595 : vector<16xi32> -> vector<16xf32>
        %shift_left3A_597 = arith.constant 16 : i32
        %shift_left3A_598 = vector.broadcast %shift_left3A_597 : i32 to vector<16xi32>
        %shift_left3A_599 = arith.shli %get3A_588, %shift_left3A_598 : vector<16xi32>
        %bitcast_convert_type3A_600 = tpu.bitcast %shift_left3A_599 : vector<16xi32> -> vector<16xf32>
        %bitcast_convert_type3A_601 = tpu.bitcast %get3A_581 : vector<16xi32> -> vector<16xf32>
        %bitcast_convert_type3A_602 = tpu.bitcast %gather3A_585 : vector<16xi32> -> vector<16xf32>
        %bitcast_convert_type3A_603 = tpu.bitcast %get3A_588 : vector<16xi32> -> vector<16xf32>
        %mul3A_604 = arith.mulf %bitcast_convert_type3A_592, %bitcast_convert_type3A_596 : vector<16xf32>
        %mul3A_605 = arith.mulf %mul3A_604, %bitcast_convert_type3A_600 : vector<16xf32>
        %add3A_606 = arith.addf %add3A_578, %mul3A_605 : vector<16xf32>
        %mul3A_607 = arith.mulf %bitcast_convert_type3A_601, %bitcast_convert_type3A_602 : vector<16xf32>
        %mul3A_608 = arith.mulf %mul3A_607, %bitcast_convert_type3A_603 : vector<16xf32>
        %add3A_609 = arith.addf %add3A_606, %mul3A_608 : vector<16xf32>
        %eq3A_610 = arith.constant 3 : i32
        %eq3A_611 = vector.broadcast %eq3A_610 : i32 to vector<16xi32>
        %eq3A_612 = arith.cmpi eq, %iota3A, %eq3A_611 : vector<16xi32>
        %reduce_sum3A_613 = arith.constant true
        %reduce_sum3A_614 = vector.broadcast %reduce_sum3A_613 : i1 to vector<16xi1>
        %reduce_sum3A_615 = tpu.scan <sum>, %add3A_609 masked %reduce_sum3A_614 : vector<16xf32>, vector<16xi1> -> vector<16xf32>
        %reduce_sum3A_616 = vector.extract %reduce_sum3A_615[15] : f32 from vector<16xf32>
        %jit3A_617 = arith.constant 0.000000e+00 : f32
        %broadcast_in_dim3A_618 = vector.broadcast %reduce_sum3A_616 : f32 to vector<16xf32>
        %broadcast_in_dim3A_619 = vector.broadcast %jit3A_617 : f32 to vector<16xf32>
        %select_n3A_620 = arith.select %eq3A_612, %broadcast_in_dim3A_618, %broadcast_in_dim3A_619 : vector<16xi1>, vector<16xf32>
        %add3A_621 = arith.constant 4 : i32
        %add3A_622 = arith.addi %mul3A_46, %add3A_621 : i32
        %slice3A_623 = vector.extract_strided_slice %get3A_50 {offsets = [4], sizes = [1], strides = [1]} : vector<16xi32> to vector<1xi32>
        %squeeze3A_624 = vector.extract %slice3A_623[0] : i32 from vector<1xi32>
        %mul3A_625 = arith.constant 64 : i32
        %mul3A_626 = arith.muli %squeeze3A_624, %mul3A_625 : i32
        %add3A_627 = vector.broadcast %mul3A_626 : i32 to vector<16xi32>
        %add3A_628 = arith.addi %iota3A, %add3A_627 : vector<16xi32>
        %broadcast_in_dim3A_629 = arith.constant 0.000000e+00 : f32
        %broadcast_in_dim3A_630 = vector.broadcast %broadcast_in_dim3A_629 : f32 to vector<16xf32>
        %get3A_631 = arith.index_cast %add3A_622 : i32 to index
        %get3A_632 = arith.constant 0 : index
        %get3A_633 = tpu.vector_load %arg12[%get3A_631, %get3A_632] {strides = array<i32>} : memref<80x64xi32, #tpu.memory_space<vmem>>, vector<16xi32>,
        %add3A_634 = arith.constant 0 : i32
        %add3A_635 = vector.broadcast %add3A_634 : i32 to vector<16xi32>
        %add3A_636 = arith.addi %add3A_628, %add3A_635 : vector<16xi32>
        %gather3A_637 = tpu.vector_load_idx %arg11[%add3A_636] : memref<32000xi32, #tpu.memory_space<vmem>>[vector<16xi32>], vector<16xi32>,
        %get3A_638 = arith.index_cast %add3A_622 : i32 to index
        %get3A_639 = arith.constant 0 : index
        %get3A_640 = tpu.vector_load %arg13[%get3A_638, %get3A_639] {strides = array<i32>} : memref<80x64xi32, #tpu.memory_space<vmem>>, vector<16xi32>,
        %shift_left3A_641 = arith.constant 16 : i32
        %shift_left3A_642 = vector.broadcast %shift_left3A_641 : i32 to vector<16xi32>
        %shift_left3A_643 = arith.shli %get3A_633, %shift_left3A_642 : vector<16xi32>
        %bitcast_convert_type3A_644 = tpu.bitcast %shift_left3A_643 : vector<16xi32> -> vector<16xf32>
        %shift_left3A_645 = arith.constant 16 : i32
        %shift_left3A_646 = vector.broadcast %shift_left3A_645 : i32 to vector<16xi32>
        %shift_left3A_647 = arith.shli %gather3A_637, %shift_left3A_646 : vector<16xi32>
        %bitcast_convert_type3A_648 = tpu.bitcast %shift_left3A_647 : vector<16xi32> -> vector<16xf32>
        %shift_left3A_649 = arith.constant 16 : i32
        %shift_left3A_650 = vector.broadcast %shift_left3A_649 : i32 to vector<16xi32>
        %shift_left3A_651 = arith.shli %get3A_640, %shift_left3A_650 : vector<16xi32>
        %bitcast_convert_type3A_652 = tpu.bitcast %shift_left3A_651 : vector<16xi32> -> vector<16xf32>
        %bitcast_convert_type3A_653 = tpu.bitcast %get3A_633 : vector<16xi32> -> vector<16xf32>
        %bitcast_convert_type3A_654 = tpu.bitcast %gather3A_637 : vector<16xi32> -> vector<16xf32>
        %bitcast_convert_type3A_655 = tpu.bitcast %get3A_640 : vector<16xi32> -> vector<16xf32>
        %mul3A_656 = arith.mulf %bitcast_convert_type3A_644, %bitcast_convert_type3A_648 : vector<16xf32>
        %mul3A_657 = arith.mulf %mul3A_656, %bitcast_convert_type3A_652 : vector<16xf32>
        %add3A_658 = arith.addf %broadcast_in_dim3A_630, %mul3A_657 : vector<16xf32>
        %mul3A_659 = arith.mulf %bitcast_convert_type3A_653, %bitcast_convert_type3A_654 : vector<16xf32>
        %mul3A_660 = arith.mulf %mul3A_659, %bitcast_convert_type3A_655 : vector<16xf32>
        %add3A_661 = arith.addf %add3A_658, %mul3A_660 : vector<16xf32>
        %get3A_662 = arith.index_cast %add3A_622 : i32 to index
        %get3A_663 = arith.constant 16 : index
        %get3A_664 = tpu.vector_load %arg12[%get3A_662, %get3A_663] {strides = array<i32>} : memref<80x64xi32, #tpu.memory_space<vmem>>, vector<16xi32>,
        %add3A_665 = arith.constant 16 : i32
        %add3A_666 = vector.broadcast %add3A_665 : i32 to vector<16xi32>
        %add3A_667 = arith.addi %add3A_628, %add3A_666 : vector<16xi32>
        %gather3A_668 = tpu.vector_load_idx %arg11[%add3A_667] : memref<32000xi32, #tpu.memory_space<vmem>>[vector<16xi32>], vector<16xi32>,
        %get3A_669 = arith.index_cast %add3A_622 : i32 to index
        %get3A_670 = arith.constant 16 : index
        %get3A_671 = tpu.vector_load %arg13[%get3A_669, %get3A_670] {strides = array<i32>} : memref<80x64xi32, #tpu.memory_space<vmem>>, vector<16xi32>,
        %shift_left3A_672 = arith.constant 16 : i32
        %shift_left3A_673 = vector.broadcast %shift_left3A_672 : i32 to vector<16xi32>
        %shift_left3A_674 = arith.shli %get3A_664, %shift_left3A_673 : vector<16xi32>
        %bitcast_convert_type3A_675 = tpu.bitcast %shift_left3A_674 : vector<16xi32> -> vector<16xf32>
        %shift_left3A_676 = arith.constant 16 : i32
        %shift_left3A_677 = vector.broadcast %shift_left3A_676 : i32 to vector<16xi32>
        %shift_left3A_678 = arith.shli %gather3A_668, %shift_left3A_677 : vector<16xi32>
        %bitcast_convert_type3A_679 = tpu.bitcast %shift_left3A_678 : vector<16xi32> -> vector<16xf32>
        %shift_left3A_680 = arith.constant 16 : i32
        %shift_left3A_681 = vector.broadcast %shift_left3A_680 : i32 to vector<16xi32>
        %shift_left3A_682 = arith.shli %get3A_671, %shift_left3A_681 : vector<16xi32>
        %bitcast_convert_type3A_683 = tpu.bitcast %shift_left3A_682 : vector<16xi32> -> vector<16xf32>
        %bitcast_convert_type3A_684 = tpu.bitcast %get3A_664 : vector<16xi32> -> vector<16xf32>
        %bitcast_convert_type3A_685 = tpu.bitcast %gather3A_668 : vector<16xi32> -> vector<16xf32>
        %bitcast_convert_type3A_686 = tpu.bitcast %get3A_671 : vector<16xi32> -> vector<16xf32>
        %mul3A_687 = arith.mulf %bitcast_convert_type3A_675, %bitcast_convert_type3A_679 : vector<16xf32>
        %mul3A_688 = arith.mulf %mul3A_687, %bitcast_convert_type3A_683 : vector<16xf32>
        %add3A_689 = arith.addf %add3A_661, %mul3A_688 : vector<16xf32>
        %mul3A_690 = arith.mulf %bitcast_convert_type3A_684, %bitcast_convert_type3A_685 : vector<16xf32>
        %mul3A_691 = arith.mulf %mul3A_690, %bitcast_convert_type3A_686 : vector<16xf32>
        %add3A_692 = arith.addf %add3A_689, %mul3A_691 : vector<16xf32>
        %get3A_693 = arith.index_cast %add3A_622 : i32 to index
        %get3A_694 = arith.constant 32 : index
        %get3A_695 = tpu.vector_load %arg12[%get3A_693, %get3A_694] {strides = array<i32>} : memref<80x64xi32, #tpu.memory_space<vmem>>, vector<16xi32>,
        %add3A_696 = arith.constant 32 : i32
        %add3A_697 = vector.broadcast %add3A_696 : i32 to vector<16xi32>
        %add3A_698 = arith.addi %add3A_628, %add3A_697 : vector<16xi32>
        %gather3A_699 = tpu.vector_load_idx %arg11[%add3A_698] : memref<32000xi32, #tpu.memory_space<vmem>>[vector<16xi32>], vector<16xi32>,
        %get3A_700 = arith.index_cast %add3A_622 : i32 to index
        %get3A_701 = arith.constant 32 : index
        %get3A_702 = tpu.vector_load %arg13[%get3A_700, %get3A_701] {strides = array<i32>} : memref<80x64xi32, #tpu.memory_space<vmem>>, vector<16xi32>,
        %shift_left3A_703 = arith.constant 16 : i32
        %shift_left3A_704 = vector.broadcast %shift_left3A_703 : i32 to vector<16xi32>
        %shift_left3A_705 = arith.shli %get3A_695, %shift_left3A_704 : vector<16xi32>
        %bitcast_convert_type3A_706 = tpu.bitcast %shift_left3A_705 : vector<16xi32> -> vector<16xf32>
        %shift_left3A_707 = arith.constant 16 : i32
        %shift_left3A_708 = vector.broadcast %shift_left3A_707 : i32 to vector<16xi32>
        %shift_left3A_709 = arith.shli %gather3A_699, %shift_left3A_708 : vector<16xi32>
        %bitcast_convert_type3A_710 = tpu.bitcast %shift_left3A_709 : vector<16xi32> -> vector<16xf32>
        %shift_left3A_711 = arith.constant 16 : i32
        %shift_left3A_712 = vector.broadcast %shift_left3A_711 : i32 to vector<16xi32>
        %shift_left3A_713 = arith.shli %get3A_702, %shift_left3A_712 : vector<16xi32>
        %bitcast_convert_type3A_714 = tpu.bitcast %shift_left3A_713 : vector<16xi32> -> vector<16xf32>
        %bitcast_convert_type3A_715 = tpu.bitcast %get3A_695 : vector<16xi32> -> vector<16xf32>
        %bitcast_convert_type3A_716 = tpu.bitcast %gather3A_699 : vector<16xi32> -> vector<16xf32>
        %bitcast_convert_type3A_717 = tpu.bitcast %get3A_702 : vector<16xi32> -> vector<16xf32>
        %mul3A_718 = arith.mulf %bitcast_convert_type3A_706, %bitcast_convert_type3A_710 : vector<16xf32>
        %mul3A_719 = arith.mulf %mul3A_718, %bitcast_convert_type3A_714 : vector<16xf32>
        %add3A_720 = arith.addf %add3A_692, %mul3A_719 : vector<16xf32>
        %mul3A_721 = arith.mulf %bitcast_convert_type3A_715, %bitcast_convert_type3A_716 : vector<16xf32>
        %mul3A_722 = arith.mulf %mul3A_721, %bitcast_convert_type3A_717 : vector<16xf32>
        %add3A_723 = arith.addf %add3A_720, %mul3A_722 : vector<16xf32>
        %get3A_724 = arith.index_cast %add3A_622 : i32 to index
        %get3A_725 = arith.constant 48 : index
        %get3A_726 = tpu.vector_load %arg12[%get3A_724, %get3A_725] {strides = array<i32>} : memref<80x64xi32, #tpu.memory_space<vmem>>, vector<16xi32>,
        %add3A_727 = arith.constant 48 : i32
        %add3A_728 = vector.broadcast %add3A_727 : i32 to vector<16xi32>
        %add3A_729 = arith.addi %add3A_628, %add3A_728 : vector<16xi32>
        %gather3A_730 = tpu.vector_load_idx %arg11[%add3A_729] : memref<32000xi32, #tpu.memory_space<vmem>>[vector<16xi32>], vector<16xi32>,
        %get3A_731 = arith.index_cast %add3A_622 : i32 to index
        %get3A_732 = arith.constant 48 : index
        %get3A_733 = tpu.vector_load %arg13[%get3A_731, %get3A_732] {strides = array<i32>} : memref<80x64xi32, #tpu.memory_space<vmem>>, vector<16xi32>,
        %shift_left3A_734 = arith.constant 16 : i32
        %shift_left3A_735 = vector.broadcast %shift_left3A_734 : i32 to vector<16xi32>
        %shift_left3A_736 = arith.shli %get3A_726, %shift_left3A_735 : vector<16xi32>
        %bitcast_convert_type3A_737 = tpu.bitcast %shift_left3A_736 : vector<16xi32> -> vector<16xf32>
        %shift_left3A_738 = arith.constant 16 : i32
        %shift_left3A_739 = vector.broadcast %shift_left3A_738 : i32 to vector<16xi32>
        %shift_left3A_740 = arith.shli %gather3A_730, %shift_left3A_739 : vector<16xi32>
        %bitcast_convert_type3A_741 = tpu.bitcast %shift_left3A_740 : vector<16xi32> -> vector<16xf32>
        %shift_left3A_742 = arith.constant 16 : i32
        %shift_left3A_743 = vector.broadcast %shift_left3A_742 : i32 to vector<16xi32>
        %shift_left3A_744 = arith.shli %get3A_733, %shift_left3A_743 : vector<16xi32>
        %bitcast_convert_type3A_745 = tpu.bitcast %shift_left3A_744 : vector<16xi32> -> vector<16xf32>
        %bitcast_convert_type3A_746 = tpu.bitcast %get3A_726 : vector<16xi32> -> vector<16xf32>
        %bitcast_convert_type3A_747 = tpu.bitcast %gather3A_730 : vector<16xi32> -> vector<16xf32>
        %bitcast_convert_type3A_748 = tpu.bitcast %get3A_733 : vector<16xi32> -> vector<16xf32>
        %mul3A_749 = arith.mulf %bitcast_convert_type3A_737, %bitcast_convert_type3A_741 : vector<16xf32>
        %mul3A_750 = arith.mulf %mul3A_749, %bitcast_convert_type3A_745 : vector<16xf32>
        %add3A_751 = arith.addf %add3A_723, %mul3A_750 : vector<16xf32>
        %mul3A_752 = arith.mulf %bitcast_convert_type3A_746, %bitcast_convert_type3A_747 : vector<16xf32>
        %mul3A_753 = arith.mulf %mul3A_752, %bitcast_convert_type3A_748 : vector<16xf32>
        %add3A_754 = arith.addf %add3A_751, %mul3A_753 : vector<16xf32>
        %eq3A_755 = arith.constant 4 : i32
        %eq3A_756 = vector.broadcast %eq3A_755 : i32 to vector<16xi32>
        %eq3A_757 = arith.cmpi eq, %iota3A, %eq3A_756 : vector<16xi32>
        %reduce_sum3A_758 = arith.constant true
        %reduce_sum3A_759 = vector.broadcast %reduce_sum3A_758 : i1 to vector<16xi1>
        %reduce_sum3A_760 = tpu.scan <sum>, %add3A_754 masked %reduce_sum3A_759 : vector<16xf32>, vector<16xi1> -> vector<16xf32>
        %reduce_sum3A_761 = vector.extract %reduce_sum3A_760[15] : f32 from vector<16xf32>
        %jit3A_762 = arith.constant 0.000000e+00 : f32
        %broadcast_in_dim3A_763 = vector.broadcast %reduce_sum3A_761 : f32 to vector<16xf32>
        %broadcast_in_dim3A_764 = vector.broadcast %jit3A_762 : f32 to vector<16xf32>
        %select_n3A_765 = arith.select %eq3A_757, %broadcast_in_dim3A_763, %broadcast_in_dim3A_764 : vector<16xi1>, vector<16xf32>
        %add3A_766 = arith.constant 5 : i32
        %add3A_767 = arith.addi %mul3A_46, %add3A_766 : i32
        %slice3A_768 = vector.extract_strided_slice %get3A_50 {offsets = [5], sizes = [1], strides = [1]} : vector<16xi32> to vector<1xi32>
        %squeeze3A_769 = vector.extract %slice3A_768[0] : i32 from vector<1xi32>
        %mul3A_770 = arith.constant 64 : i32
        %mul3A_771 = arith.muli %squeeze3A_769, %mul3A_770 : i32
        %add3A_772 = vector.broadcast %mul3A_771 : i32 to vector<16xi32>
        %add3A_773 = arith.addi %iota3A, %add3A_772 : vector<16xi32>
        %broadcast_in_dim3A_774 = arith.constant 0.000000e+00 : f32
        %broadcast_in_dim3A_775 = vector.broadcast %broadcast_in_dim3A_774 : f32 to vector<16xf32>
        %get3A_776 = arith.index_cast %add3A_767 : i32 to index
        %get3A_777 = arith.constant 0 : index
        %get3A_778 = tpu.vector_load %arg12[%get3A_776, %get3A_777] {strides = array<i32>} : memref<80x64xi32, #tpu.memory_space<vmem>>, vector<16xi32>,
        %add3A_779 = arith.constant 0 : i32
        %add3A_780 = vector.broadcast %add3A_779 : i32 to vector<16xi32>
        %add3A_781 = arith.addi %add3A_773, %add3A_780 : vector<16xi32>
        %gather3A_782 = tpu.vector_load_idx %arg11[%add3A_781] : memref<32000xi32, #tpu.memory_space<vmem>>[vector<16xi32>], vector<16xi32>,
        %get3A_783 = arith.index_cast %add3A_767 : i32 to index
        %get3A_784 = arith.constant 0 : index
        %get3A_785 = tpu.vector_load %arg13[%get3A_783, %get3A_784] {strides = array<i32>} : memref<80x64xi32, #tpu.memory_space<vmem>>, vector<16xi32>,
        %shift_left3A_786 = arith.constant 16 : i32
        %shift_left3A_787 = vector.broadcast %shift_left3A_786 : i32 to vector<16xi32>
        %shift_left3A_788 = arith.shli %get3A_778, %shift_left3A_787 : vector<16xi32>
        %bitcast_convert_type3A_789 = tpu.bitcast %shift_left3A_788 : vector<16xi32> -> vector<16xf32>
        %shift_left3A_790 = arith.constant 16 : i32
        %shift_left3A_791 = vector.broadcast %shift_left3A_790 : i32 to vector<16xi32>
        %shift_left3A_792 = arith.shli %gather3A_782, %shift_left3A_791 : vector<16xi32>
        %bitcast_convert_type3A_793 = tpu.bitcast %shift_left3A_792 : vector<16xi32> -> vector<16xf32>
        %shift_left3A_794 = arith.constant 16 : i32
        %shift_left3A_795 = vector.broadcast %shift_left3A_794 : i32 to vector<16xi32>
        %shift_left3A_796 = arith.shli %get3A_785, %shift_left3A_795 : vector<16xi32>
        %bitcast_convert_type3A_797 = tpu.bitcast %shift_left3A_796 : vector<16xi32> -> vector<16xf32>
        %bitcast_convert_type3A_798 = tpu.bitcast %get3A_778 : vector<16xi32> -> vector<16xf32>
        %bitcast_convert_type3A_799 = tpu.bitcast %gather3A_782 : vector<16xi32> -> vector<16xf32>
        %bitcast_convert_type3A_800 = tpu.bitcast %get3A_785 : vector<16xi32> -> vector<16xf32>
        %mul3A_801 = arith.mulf %bitcast_convert_type3A_789, %bitcast_convert_type3A_793 : vector<16xf32>
        %mul3A_802 = arith.mulf %mul3A_801, %bitcast_convert_type3A_797 : vector<16xf32>
        %add3A_803 = arith.addf %broadcast_in_dim3A_775, %mul3A_802 : vector<16xf32>
        %mul3A_804 = arith.mulf %bitcast_convert_type3A_798, %bitcast_convert_type3A_799 : vector<16xf32>
        %mul3A_805 = arith.mulf %mul3A_804, %bitcast_convert_type3A_800 : vector<16xf32>
        %add3A_806 = arith.addf %add3A_803, %mul3A_805 : vector<16xf32>
        %get3A_807 = arith.index_cast %add3A_767 : i32 to index
        %get3A_808 = arith.constant 16 : index
        %get3A_809 = tpu.vector_load %arg12[%get3A_807, %get3A_808] {strides = array<i32>} : memref<80x64xi32, #tpu.memory_space<vmem>>, vector<16xi32>,
        %add3A_810 = arith.constant 16 : i32
        %add3A_811 = vector.broadcast %add3A_810 : i32 to vector<16xi32>
        %add3A_812 = arith.addi %add3A_773, %add3A_811 : vector<16xi32>
        %gather3A_813 = tpu.vector_load_idx %arg11[%add3A_812] : memref<32000xi32, #tpu.memory_space<vmem>>[vector<16xi32>], vector<16xi32>,
        %get3A_814 = arith.index_cast %add3A_767 : i32 to index
        %get3A_815 = arith.constant 16 : index
        %get3A_816 = tpu.vector_load %arg13[%get3A_814, %get3A_815] {strides = array<i32>} : memref<80x64xi32, #tpu.memory_space<vmem>>, vector<16xi32>,
        %shift_left3A_817 = arith.constant 16 : i32
        %shift_left3A_818 = vector.broadcast %shift_left3A_817 : i32 to vector<16xi32>
        %shift_left3A_819 = arith.shli %get3A_809, %shift_left3A_818 : vector<16xi32>
        %bitcast_convert_type3A_820 = tpu.bitcast %shift_left3A_819 : vector<16xi32> -> vector<16xf32>
        %shift_left3A_821 = arith.constant 16 : i32
        %shift_left3A_822 = vector.broadcast %shift_left3A_821 : i32 to vector<16xi32>
        %shift_left3A_823 = arith.shli %gather3A_813, %shift_left3A_822 : vector<16xi32>
        %bitcast_convert_type3A_824 = tpu.bitcast %shift_left3A_823 : vector<16xi32> -> vector<16xf32>
        %shift_left3A_825 = arith.constant 16 : i32
        %shift_left3A_826 = vector.broadcast %shift_left3A_825 : i32 to vector<16xi32>
        %shift_left3A_827 = arith.shli %get3A_816, %shift_left3A_826 : vector<16xi32>
        %bitcast_convert_type3A_828 = tpu.bitcast %shift_left3A_827 : vector<16xi32> -> vector<16xf32>
        %bitcast_convert_type3A_829 = tpu.bitcast %get3A_809 : vector<16xi32> -> vector<16xf32>
        %bitcast_convert_type3A_830 = tpu.bitcast %gather3A_813 : vector<16xi32> -> vector<16xf32>
        %bitcast_convert_type3A_831 = tpu.bitcast %get3A_816 : vector<16xi32> -> vector<16xf32>
        %mul3A_832 = arith.mulf %bitcast_convert_type3A_820, %bitcast_convert_type3A_824 : vector<16xf32>
        %mul3A_833 = arith.mulf %mul3A_832, %bitcast_convert_type3A_828 : vector<16xf32>
        %add3A_834 = arith.addf %add3A_806, %mul3A_833 : vector<16xf32>
        %mul3A_835 = arith.mulf %bitcast_convert_type3A_829, %bitcast_convert_type3A_830 : vector<16xf32>
        %mul3A_836 = arith.mulf %mul3A_835, %bitcast_convert_type3A_831 : vector<16xf32>
        %add3A_837 = arith.addf %add3A_834, %mul3A_836 : vector<16xf32>
        %get3A_838 = arith.index_cast %add3A_767 : i32 to index
        %get3A_839 = arith.constant 32 : index
        %get3A_840 = tpu.vector_load %arg12[%get3A_838, %get3A_839] {strides = array<i32>} : memref<80x64xi32, #tpu.memory_space<vmem>>, vector<16xi32>,
        %add3A_841 = arith.constant 32 : i32
        %add3A_842 = vector.broadcast %add3A_841 : i32 to vector<16xi32>
        %add3A_843 = arith.addi %add3A_773, %add3A_842 : vector<16xi32>
        %gather3A_844 = tpu.vector_load_idx %arg11[%add3A_843] : memref<32000xi32, #tpu.memory_space<vmem>>[vector<16xi32>], vector<16xi32>,
        %get3A_845 = arith.index_cast %add3A_767 : i32 to index
        %get3A_846 = arith.constant 32 : index
        %get3A_847 = tpu.vector_load %arg13[%get3A_845, %get3A_846] {strides = array<i32>} : memref<80x64xi32, #tpu.memory_space<vmem>>, vector<16xi32>,
        %shift_left3A_848 = arith.constant 16 : i32
        %shift_left3A_849 = vector.broadcast %shift_left3A_848 : i32 to vector<16xi32>
        %shift_left3A_850 = arith.shli %get3A_840, %shift_left3A_849 : vector<16xi32>
        %bitcast_convert_type3A_851 = tpu.bitcast %shift_left3A_850 : vector<16xi32> -> vector<16xf32>
        %shift_left3A_852 = arith.constant 16 : i32
        %shift_left3A_853 = vector.broadcast %shift_left3A_852 : i32 to vector<16xi32>
        %shift_left3A_854 = arith.shli %gather3A_844, %shift_left3A_853 : vector<16xi32>
        %bitcast_convert_type3A_855 = tpu.bitcast %shift_left3A_854 : vector<16xi32> -> vector<16xf32>
        %shift_left3A_856 = arith.constant 16 : i32
        %shift_left3A_857 = vector.broadcast %shift_left3A_856 : i32 to vector<16xi32>
        %shift_left3A_858 = arith.shli %get3A_847, %shift_left3A_857 : vector<16xi32>
        %bitcast_convert_type3A_859 = tpu.bitcast %shift_left3A_858 : vector<16xi32> -> vector<16xf32>
        %bitcast_convert_type3A_860 = tpu.bitcast %get3A_840 : vector<16xi32> -> vector<16xf32>
        %bitcast_convert_type3A_861 = tpu.bitcast %gather3A_844 : vector<16xi32> -> vector<16xf32>
        %bitcast_convert_type3A_862 = tpu.bitcast %get3A_847 : vector<16xi32> -> vector<16xf32>
        %mul3A_863 = arith.mulf %bitcast_convert_type3A_851, %bitcast_convert_type3A_855 : vector<16xf32>
        %mul3A_864 = arith.mulf %mul3A_863, %bitcast_convert_type3A_859 : vector<16xf32>
        %add3A_865 = arith.addf %add3A_837, %mul3A_864 : vector<16xf32>
        %mul3A_866 = arith.mulf %bitcast_convert_type3A_860, %bitcast_convert_type3A_861 : vector<16xf32>
        %mul3A_867 = arith.mulf %mul3A_866, %bitcast_convert_type3A_862 : vector<16xf32>
        %add3A_868 = arith.addf %add3A_865, %mul3A_867 : vector<16xf32>
        %get3A_869 = arith.index_cast %add3A_767 : i32 to index
        %get3A_870 = arith.constant 48 : index
        %get3A_871 = tpu.vector_load %arg12[%get3A_869, %get3A_870] {strides = array<i32>} : memref<80x64xi32, #tpu.memory_space<vmem>>, vector<16xi32>,
        %add3A_872 = arith.constant 48 : i32
        %add3A_873 = vector.broadcast %add3A_872 : i32 to vector<16xi32>
        %add3A_874 = arith.addi %add3A_773, %add3A_873 : vector<16xi32>
        %gather3A_875 = tpu.vector_load_idx %arg11[%add3A_874] : memref<32000xi32, #tpu.memory_space<vmem>>[vector<16xi32>], vector<16xi32>,
        %get3A_876 = arith.index_cast %add3A_767 : i32 to index
        %get3A_877 = arith.constant 48 : index
        %get3A_878 = tpu.vector_load %arg13[%get3A_876, %get3A_877] {strides = array<i32>} : memref<80x64xi32, #tpu.memory_space<vmem>>, vector<16xi32>,
        %shift_left3A_879 = arith.constant 16 : i32
        %shift_left3A_880 = vector.broadcast %shift_left3A_879 : i32 to vector<16xi32>
        %shift_left3A_881 = arith.shli %get3A_871, %shift_left3A_880 : vector<16xi32>
        %bitcast_convert_type3A_882 = tpu.bitcast %shift_left3A_881 : vector<16xi32> -> vector<16xf32>
        %shift_left3A_883 = arith.constant 16 : i32
        %shift_left3A_884 = vector.broadcast %shift_left3A_883 : i32 to vector<16xi32>
        %shift_left3A_885 = arith.shli %gather3A_875, %shift_left3A_884 : vector<16xi32>
        %bitcast_convert_type3A_886 = tpu.bitcast %shift_left3A_885 : vector<16xi32> -> vector<16xf32>
        %shift_left3A_887 = arith.constant 16 : i32
        %shift_left3A_888 = vector.broadcast %shift_left3A_887 : i32 to vector<16xi32>
        %shift_left3A_889 = arith.shli %get3A_878, %shift_left3A_888 : vector<16xi32>
        %bitcast_convert_type3A_890 = tpu.bitcast %shift_left3A_889 : vector<16xi32> -> vector<16xf32>
        %bitcast_convert_type3A_891 = tpu.bitcast %get3A_871 : vector<16xi32> -> vector<16xf32>
        %bitcast_convert_type3A_892 = tpu.bitcast %gather3A_875 : vector<16xi32> -> vector<16xf32>
        %bitcast_convert_type3A_893 = tpu.bitcast %get3A_878 : vector<16xi32> -> vector<16xf32>
        %mul3A_894 = arith.mulf %bitcast_convert_type3A_882, %bitcast_convert_type3A_886 : vector<16xf32>
        %mul3A_895 = arith.mulf %mul3A_894, %bitcast_convert_type3A_890 : vector<16xf32>
        %add3A_896 = arith.addf %add3A_868, %mul3A_895 : vector<16xf32>
        %mul3A_897 = arith.mulf %bitcast_convert_type3A_891, %bitcast_convert_type3A_892 : vector<16xf32>
        %mul3A_898 = arith.mulf %mul3A_897, %bitcast_convert_type3A_893 : vector<16xf32>
        %add3A_899 = arith.addf %add3A_896, %mul3A_898 : vector<16xf32>
        %eq3A_900 = arith.constant 5 : i32
        %eq3A_901 = vector.broadcast %eq3A_900 : i32 to vector<16xi32>
        %eq3A_902 = arith.cmpi eq, %iota3A, %eq3A_901 : vector<16xi32>
        %reduce_sum3A_903 = arith.constant true
        %reduce_sum3A_904 = vector.broadcast %reduce_sum3A_903 : i1 to vector<16xi1>
        %reduce_sum3A_905 = tpu.scan <sum>, %add3A_899 masked %reduce_sum3A_904 : vector<16xf32>, vector<16xi1> -> vector<16xf32>
        %reduce_sum3A_906 = vector.extract %reduce_sum3A_905[15] : f32 from vector<16xf32>
        %jit3A_907 = arith.constant 0.000000e+00 : f32
        %broadcast_in_dim3A_908 = vector.broadcast %reduce_sum3A_906 : f32 to vector<16xf32>
        %broadcast_in_dim3A_909 = vector.broadcast %jit3A_907 : f32 to vector<16xf32>
        %select_n3A_910 = arith.select %eq3A_902, %broadcast_in_dim3A_908, %broadcast_in_dim3A_909 : vector<16xi1>, vector<16xf32>
        %add3A_911 = arith.constant 6 : i32
        %add3A_912 = arith.addi %mul3A_46, %add3A_911 : i32
        %slice3A_913 = vector.extract_strided_slice %get3A_50 {offsets = [6], sizes = [1], strides = [1]} : vector<16xi32> to vector<1xi32>
        %squeeze3A_914 = vector.extract %slice3A_913[0] : i32 from vector<1xi32>
        %mul3A_915 = arith.constant 64 : i32
        %mul3A_916 = arith.muli %squeeze3A_914, %mul3A_915 : i32
        %add3A_917 = vector.broadcast %mul3A_916 : i32 to vector<16xi32>
        %add3A_918 = arith.addi %iota3A, %add3A_917 : vector<16xi32>
        %broadcast_in_dim3A_919 = arith.constant 0.000000e+00 : f32
        %broadcast_in_dim3A_920 = vector.broadcast %broadcast_in_dim3A_919 : f32 to vector<16xf32>
        %get3A_921 = arith.index_cast %add3A_912 : i32 to index
        %get3A_922 = arith.constant 0 : index
        %get3A_923 = tpu.vector_load %arg12[%get3A_921, %get3A_922] {strides = array<i32>} : memref<80x64xi32, #tpu.memory_space<vmem>>, vector<16xi32>,
        %add3A_924 = arith.constant 0 : i32
        %add3A_925 = vector.broadcast %add3A_924 : i32 to vector<16xi32>
        %add3A_926 = arith.addi %add3A_918, %add3A_925 : vector<16xi32>
        %gather3A_927 = tpu.vector_load_idx %arg11[%add3A_926] : memref<32000xi32, #tpu.memory_space<vmem>>[vector<16xi32>], vector<16xi32>,
        %get3A_928 = arith.index_cast %add3A_912 : i32 to index
        %get3A_929 = arith.constant 0 : index
        %get3A_930 = tpu.vector_load %arg13[%get3A_928, %get3A_929] {strides = array<i32>} : memref<80x64xi32, #tpu.memory_space<vmem>>, vector<16xi32>,
        %shift_left3A_931 = arith.constant 16 : i32
        %shift_left3A_932 = vector.broadcast %shift_left3A_931 : i32 to vector<16xi32>
        %shift_left3A_933 = arith.shli %get3A_923, %shift_left3A_932 : vector<16xi32>
        %bitcast_convert_type3A_934 = tpu.bitcast %shift_left3A_933 : vector<16xi32> -> vector<16xf32>
        %shift_left3A_935 = arith.constant 16 : i32
        %shift_left3A_936 = vector.broadcast %shift_left3A_935 : i32 to vector<16xi32>
        %shift_left3A_937 = arith.shli %gather3A_927, %shift_left3A_936 : vector<16xi32>
        %bitcast_convert_type3A_938 = tpu.bitcast %shift_left3A_937 : vector<16xi32> -> vector<16xf32>
        %shift_left3A_939 = arith.constant 16 : i32
        %shift_left3A_940 = vector.broadcast %shift_left3A_939 : i32 to vector<16xi32>
        %shift_left3A_941 = arith.shli %get3A_930, %shift_left3A_940 : vector<16xi32>
        %bitcast_convert_type3A_942 = tpu.bitcast %shift_left3A_941 : vector<16xi32> -> vector<16xf32>
        %bitcast_convert_type3A_943 = tpu.bitcast %get3A_923 : vector<16xi32> -> vector<16xf32>
        %bitcast_convert_type3A_944 = tpu.bitcast %gather3A_927 : vector<16xi32> -> vector<16xf32>
        %bitcast_convert_type3A_945 = tpu.bitcast %get3A_930 : vector<16xi32> -> vector<16xf32>
        %mul3A_946 = arith.mulf %bitcast_convert_type3A_934, %bitcast_convert_type3A_938 : vector<16xf32>
        %mul3A_947 = arith.mulf %mul3A_946, %bitcast_convert_type3A_942 : vector<16xf32>
        %add3A_948 = arith.addf %broadcast_in_dim3A_920, %mul3A_947 : vector<16xf32>
        %mul3A_949 = arith.mulf %bitcast_convert_type3A_943, %bitcast_convert_type3A_944 : vector<16xf32>
        %mul3A_950 = arith.mulf %mul3A_949, %bitcast_convert_type3A_945 : vector<16xf32>
        %add3A_951 = arith.addf %add3A_948, %mul3A_950 : vector<16xf32>
        %get3A_952 = arith.index_cast %add3A_912 : i32 to index
        %get3A_953 = arith.constant 16 : index
        %get3A_954 = tpu.vector_load %arg12[%get3A_952, %get3A_953] {strides = array<i32>} : memref<80x64xi32, #tpu.memory_space<vmem>>, vector<16xi32>,
        %add3A_955 = arith.constant 16 : i32
        %add3A_956 = vector.broadcast %add3A_955 : i32 to vector<16xi32>
        %add3A_957 = arith.addi %add3A_918, %add3A_956 : vector<16xi32>
        %gather3A_958 = tpu.vector_load_idx %arg11[%add3A_957] : memref<32000xi32, #tpu.memory_space<vmem>>[vector<16xi32>], vector<16xi32>,
        %get3A_959 = arith.index_cast %add3A_912 : i32 to index
        %get3A_960 = arith.constant 16 : index
        %get3A_961 = tpu.vector_load %arg13[%get3A_959, %get3A_960] {strides = array<i32>} : memref<80x64xi32, #tpu.memory_space<vmem>>, vector<16xi32>,
        %shift_left3A_962 = arith.constant 16 : i32
        %shift_left3A_963 = vector.broadcast %shift_left3A_962 : i32 to vector<16xi32>
        %shift_left3A_964 = arith.shli %get3A_954, %shift_left3A_963 : vector<16xi32>
        %bitcast_convert_type3A_965 = tpu.bitcast %shift_left3A_964 : vector<16xi32> -> vector<16xf32>
        %shift_left3A_966 = arith.constant 16 : i32
        %shift_left3A_967 = vector.broadcast %shift_left3A_966 : i32 to vector<16xi32>
        %shift_left3A_968 = arith.shli %gather3A_958, %shift_left3A_967 : vector<16xi32>
        %bitcast_convert_type3A_969 = tpu.bitcast %shift_left3A_968 : vector<16xi32> -> vector<16xf32>
        %shift_left3A_970 = arith.constant 16 : i32
        %shift_left3A_971 = vector.broadcast %shift_left3A_970 : i32 to vector<16xi32>
        %shift_left3A_972 = arith.shli %get3A_961, %shift_left3A_971 : vector<16xi32>
        %bitcast_convert_type3A_973 = tpu.bitcast %shift_left3A_972 : vector<16xi32> -> vector<16xf32>
        %bitcast_convert_type3A_974 = tpu.bitcast %get3A_954 : vector<16xi32> -> vector<16xf32>
        %bitcast_convert_type3A_975 = tpu.bitcast %gather3A_958 : vector<16xi32> -> vector<16xf32>
        %bitcast_convert_type3A_976 = tpu.bitcast %get3A_961 : vector<16xi32> -> vector<16xf32>
        %mul3A_977 = arith.mulf %bitcast_convert_type3A_965, %bitcast_convert_type3A_969 : vector<16xf32>
        %mul3A_978 = arith.mulf %mul3A_977, %bitcast_convert_type3A_973 : vector<16xf32>
        %add3A_979 = arith.addf %add3A_951, %mul3A_978 : vector<16xf32>
        %mul3A_980 = arith.mulf %bitcast_convert_type3A_974, %bitcast_convert_type3A_975 : vector<16xf32>
        %mul3A_981 = arith.mulf %mul3A_980, %bitcast_convert_type3A_976 : vector<16xf32>
        %add3A_982 = arith.addf %add3A_979, %mul3A_981 : vector<16xf32>
        %get3A_983 = arith.index_cast %add3A_912 : i32 to index
        %get3A_984 = arith.constant 32 : index
        %get3A_985 = tpu.vector_load %arg12[%get3A_983, %get3A_984] {strides = array<i32>} : memref<80x64xi32, #tpu.memory_space<vmem>>, vector<16xi32>,
        %add3A_986 = arith.constant 32 : i32
        %add3A_987 = vector.broadcast %add3A_986 : i32 to vector<16xi32>
        %add3A_988 = arith.addi %add3A_918, %add3A_987 : vector<16xi32>
        %gather3A_989 = tpu.vector_load_idx %arg11[%add3A_988] : memref<32000xi32, #tpu.memory_space<vmem>>[vector<16xi32>], vector<16xi32>,
        %get3A_990 = arith.index_cast %add3A_912 : i32 to index
        %get3A_991 = arith.constant 32 : index
        %get3A_992 = tpu.vector_load %arg13[%get3A_990, %get3A_991] {strides = array<i32>} : memref<80x64xi32, #tpu.memory_space<vmem>>, vector<16xi32>,
        %shift_left3A_993 = arith.constant 16 : i32
        %shift_left3A_994 = vector.broadcast %shift_left3A_993 : i32 to vector<16xi32>
        %shift_left3A_995 = arith.shli %get3A_985, %shift_left3A_994 : vector<16xi32>
        %bitcast_convert_type3A_996 = tpu.bitcast %shift_left3A_995 : vector<16xi32> -> vector<16xf32>
        %shift_left3A_997 = arith.constant 16 : i32
        %shift_left3A_998 = vector.broadcast %shift_left3A_997 : i32 to vector<16xi32>
        %shift_left3A_999 = arith.shli %gather3A_989, %shift_left3A_998 : vector<16xi32>
        %bitcast_convert_type3A_1000 = tpu.bitcast %shift_left3A_999 : vector<16xi32> -> vector<16xf32>
        %shift_left3A_1001 = arith.constant 16 : i32
        %shift_left3A_1002 = vector.broadcast %shift_left3A_1001 : i32 to vector<16xi32>
        %shift_left3A_1003 = arith.shli %get3A_992, %shift_left3A_1002 : vector<16xi32>
        %bitcast_convert_type3A_1004 = tpu.bitcast %shift_left3A_1003 : vector<16xi32> -> vector<16xf32>
        %bitcast_convert_type3A_1005 = tpu.bitcast %get3A_985 : vector<16xi32> -> vector<16xf32>
        %bitcast_convert_type3A_1006 = tpu.bitcast %gather3A_989 : vector<16xi32> -> vector<16xf32>
        %bitcast_convert_type3A_1007 = tpu.bitcast %get3A_992 : vector<16xi32> -> vector<16xf32>
        %mul3A_1008 = arith.mulf %bitcast_convert_type3A_996, %bitcast_convert_type3A_1000 : vector<16xf32>
        %mul3A_1009 = arith.mulf %mul3A_1008, %bitcast_convert_type3A_1004 : vector<16xf32>
        %add3A_1010 = arith.addf %add3A_982, %mul3A_1009 : vector<16xf32>
        %mul3A_1011 = arith.mulf %bitcast_convert_type3A_1005, %bitcast_convert_type3A_1006 : vector<16xf32>
        %mul3A_1012 = arith.mulf %mul3A_1011, %bitcast_convert_type3A_1007 : vector<16xf32>
        %add3A_1013 = arith.addf %add3A_1010, %mul3A_1012 : vector<16xf32>
        %get3A_1014 = arith.index_cast %add3A_912 : i32 to index
        %get3A_1015 = arith.constant 48 : index
        %get3A_1016 = tpu.vector_load %arg12[%get3A_1014, %get3A_1015] {strides = array<i32>} : memref<80x64xi32, #tpu.memory_space<vmem>>, vector<16xi32>,
        %add3A_1017 = arith.constant 48 : i32
        %add3A_1018 = vector.broadcast %add3A_1017 : i32 to vector<16xi32>
        %add3A_1019 = arith.addi %add3A_918, %add3A_1018 : vector<16xi32>
        %gather3A_1020 = tpu.vector_load_idx %arg11[%add3A_1019] : memref<32000xi32, #tpu.memory_space<vmem>>[vector<16xi32>], vector<16xi32>,
        %get3A_1021 = arith.index_cast %add3A_912 : i32 to index
        %get3A_1022 = arith.constant 48 : index
        %get3A_1023 = tpu.vector_load %arg13[%get3A_1021, %get3A_1022] {strides = array<i32>} : memref<80x64xi32, #tpu.memory_space<vmem>>, vector<16xi32>,
        %shift_left3A_1024 = arith.constant 16 : i32
        %shift_left3A_1025 = vector.broadcast %shift_left3A_1024 : i32 to vector<16xi32>
        %shift_left3A_1026 = arith.shli %get3A_1016, %shift_left3A_1025 : vector<16xi32>
        %bitcast_convert_type3A_1027 = tpu.bitcast %shift_left3A_1026 : vector<16xi32> -> vector<16xf32>
        %shift_left3A_1028 = arith.constant 16 : i32
        %shift_left3A_1029 = vector.broadcast %shift_left3A_1028 : i32 to vector<16xi32>
        %shift_left3A_1030 = arith.shli %gather3A_1020, %shift_left3A_1029 : vector<16xi32>
        %bitcast_convert_type3A_1031 = tpu.bitcast %shift_left3A_1030 : vector<16xi32> -> vector<16xf32>
        %shift_left3A_1032 = arith.constant 16 : i32
        %shift_left3A_1033 = vector.broadcast %shift_left3A_1032 : i32 to vector<16xi32>
        %shift_left3A_1034 = arith.shli %get3A_1023, %shift_left3A_1033 : vector<16xi32>
        %bitcast_convert_type3A_1035 = tpu.bitcast %shift_left3A_1034 : vector<16xi32> -> vector<16xf32>
        %bitcast_convert_type3A_1036 = tpu.bitcast %get3A_1016 : vector<16xi32> -> vector<16xf32>
        %bitcast_convert_type3A_1037 = tpu.bitcast %gather3A_1020 : vector<16xi32> -> vector<16xf32>
        %bitcast_convert_type3A_1038 = tpu.bitcast %get3A_1023 : vector<16xi32> -> vector<16xf32>
        %mul3A_1039 = arith.mulf %bitcast_convert_type3A_1027, %bitcast_convert_type3A_1031 : vector<16xf32>
        %mul3A_1040 = arith.mulf %mul3A_1039, %bitcast_convert_type3A_1035 : vector<16xf32>
        %add3A_1041 = arith.addf %add3A_1013, %mul3A_1040 : vector<16xf32>
        %mul3A_1042 = arith.mulf %bitcast_convert_type3A_1036, %bitcast_convert_type3A_1037 : vector<16xf32>
        %mul3A_1043 = arith.mulf %mul3A_1042, %bitcast_convert_type3A_1038 : vector<16xf32>
        %add3A_1044 = arith.addf %add3A_1041, %mul3A_1043 : vector<16xf32>
        %eq3A_1045 = arith.constant 6 : i32
        %eq3A_1046 = vector.broadcast %eq3A_1045 : i32 to vector<16xi32>
        %eq3A_1047 = arith.cmpi eq, %iota3A, %eq3A_1046 : vector<16xi32>
        %reduce_sum3A_1048 = arith.constant true
        %reduce_sum3A_1049 = vector.broadcast %reduce_sum3A_1048 : i1 to vector<16xi1>
        %reduce_sum3A_1050 = tpu.scan <sum>, %add3A_1044 masked %reduce_sum3A_1049 : vector<16xf32>, vector<16xi1> -> vector<16xf32>
        %reduce_sum3A_1051 = vector.extract %reduce_sum3A_1050[15] : f32 from vector<16xf32>
        %jit3A_1052 = arith.constant 0.000000e+00 : f32
        %broadcast_in_dim3A_1053 = vector.broadcast %reduce_sum3A_1051 : f32 to vector<16xf32>
        %broadcast_in_dim3A_1054 = vector.broadcast %jit3A_1052 : f32 to vector<16xf32>
        %select_n3A_1055 = arith.select %eq3A_1047, %broadcast_in_dim3A_1053, %broadcast_in_dim3A_1054 : vector<16xi1>, vector<16xf32>
        %add3A_1056 = arith.constant 7 : i32
        %add3A_1057 = arith.addi %mul3A_46, %add3A_1056 : i32
        %slice3A_1058 = vector.extract_strided_slice %get3A_50 {offsets = [7], sizes = [1], strides = [1]} : vector<16xi32> to vector<1xi32>
        %squeeze3A_1059 = vector.extract %slice3A_1058[0] : i32 from vector<1xi32>
        %mul3A_1060 = arith.constant 64 : i32
        %mul3A_1061 = arith.muli %squeeze3A_1059, %mul3A_1060 : i32
        %add3A_1062 = vector.broadcast %mul3A_1061 : i32 to vector<16xi32>
        %add3A_1063 = arith.addi %iota3A, %add3A_1062 : vector<16xi32>
        %broadcast_in_dim3A_1064 = arith.constant 0.000000e+00 : f32
        %broadcast_in_dim3A_1065 = vector.broadcast %broadcast_in_dim3A_1064 : f32 to vector<16xf32>
        %get3A_1066 = arith.index_cast %add3A_1057 : i32 to index
        %get3A_1067 = arith.constant 0 : index
        %get3A_1068 = tpu.vector_load %arg12[%get3A_1066, %get3A_1067] {strides = array<i32>} : memref<80x64xi32, #tpu.memory_space<vmem>>, vector<16xi32>,
        %add3A_1069 = arith.constant 0 : i32
        %add3A_1070 = vector.broadcast %add3A_1069 : i32 to vector<16xi32>
        %add3A_1071 = arith.addi %add3A_1063, %add3A_1070 : vector<16xi32>
        %gather3A_1072 = tpu.vector_load_idx %arg11[%add3A_1071] : memref<32000xi32, #tpu.memory_space<vmem>>[vector<16xi32>], vector<16xi32>,
        %get3A_1073 = arith.index_cast %add3A_1057 : i32 to index
        %get3A_1074 = arith.constant 0 : index
        %get3A_1075 = tpu.vector_load %arg13[%get3A_1073, %get3A_1074] {strides = array<i32>} : memref<80x64xi32, #tpu.memory_space<vmem>>, vector<16xi32>,
        %shift_left3A_1076 = arith.constant 16 : i32
        %shift_left3A_1077 = vector.broadcast %shift_left3A_1076 : i32 to vector<16xi32>
        %shift_left3A_1078 = arith.shli %get3A_1068, %shift_left3A_1077 : vector<16xi32>
        %bitcast_convert_type3A_1079 = tpu.bitcast %shift_left3A_1078 : vector<16xi32> -> vector<16xf32>
        %shift_left3A_1080 = arith.constant 16 : i32
        %shift_left3A_1081 = vector.broadcast %shift_left3A_1080 : i32 to vector<16xi32>
        %shift_left3A_1082 = arith.shli %gather3A_1072, %shift_left3A_1081 : vector<16xi32>
        %bitcast_convert_type3A_1083 = tpu.bitcast %shift_left3A_1082 : vector<16xi32> -> vector<16xf32>
        %shift_left3A_1084 = arith.constant 16 : i32
        %shift_left3A_1085 = vector.broadcast %shift_left3A_1084 : i32 to vector<16xi32>
        %shift_left3A_1086 = arith.shli %get3A_1075, %shift_left3A_1085 : vector<16xi32>
        %bitcast_convert_type3A_1087 = tpu.bitcast %shift_left3A_1086 : vector<16xi32> -> vector<16xf32>
        %bitcast_convert_type3A_1088 = tpu.bitcast %get3A_1068 : vector<16xi32> -> vector<16xf32>
        %bitcast_convert_type3A_1089 = tpu.bitcast %gather3A_1072 : vector<16xi32> -> vector<16xf32>
        %bitcast_convert_type3A_1090 = tpu.bitcast %get3A_1075 : vector<16xi32> -> vector<16xf32>
        %mul3A_1091 = arith.mulf %bitcast_convert_type3A_1079, %bitcast_convert_type3A_1083 : vector<16xf32>
        %mul3A_1092 = arith.mulf %mul3A_1091, %bitcast_convert_type3A_1087 : vector<16xf32>
        %add3A_1093 = arith.addf %broadcast_in_dim3A_1065, %mul3A_1092 : vector<16xf32>
        %mul3A_1094 = arith.mulf %bitcast_convert_type3A_1088, %bitcast_convert_type3A_1089 : vector<16xf32>
        %mul3A_1095 = arith.mulf %mul3A_1094, %bitcast_convert_type3A_1090 : vector<16xf32>
        %add3A_1096 = arith.addf %add3A_1093, %mul3A_1095 : vector<16xf32>
        %get3A_1097 = arith.index_cast %add3A_1057 : i32 to index
        %get3A_1098 = arith.constant 16 : index
        %get3A_1099 = tpu.vector_load %arg12[%get3A_1097, %get3A_1098] {strides = array<i32>} : memref<80x64xi32, #tpu.memory_space<vmem>>, vector<16xi32>,
        %add3A_1100 = arith.constant 16 : i32
        %add3A_1101 = vector.broadcast %add3A_1100 : i32 to vector<16xi32>
        %add3A_1102 = arith.addi %add3A_1063, %add3A_1101 : vector<16xi32>
        %gather3A_1103 = tpu.vector_load_idx %arg11[%add3A_1102] : memref<32000xi32, #tpu.memory_space<vmem>>[vector<16xi32>], vector<16xi32>,
        %get3A_1104 = arith.index_cast %add3A_1057 : i32 to index
        %get3A_1105 = arith.constant 16 : index
        %get3A_1106 = tpu.vector_load %arg13[%get3A_1104, %get3A_1105] {strides = array<i32>} : memref<80x64xi32, #tpu.memory_space<vmem>>, vector<16xi32>,
        %shift_left3A_1107 = arith.constant 16 : i32
        %shift_left3A_1108 = vector.broadcast %shift_left3A_1107 : i32 to vector<16xi32>
        %shift_left3A_1109 = arith.shli %get3A_1099, %shift_left3A_1108 : vector<16xi32>
        %bitcast_convert_type3A_1110 = tpu.bitcast %shift_left3A_1109 : vector<16xi32> -> vector<16xf32>
        %shift_left3A_1111 = arith.constant 16 : i32
        %shift_left3A_1112 = vector.broadcast %shift_left3A_1111 : i32 to vector<16xi32>
        %shift_left3A_1113 = arith.shli %gather3A_1103, %shift_left3A_1112 : vector<16xi32>
        %bitcast_convert_type3A_1114 = tpu.bitcast %shift_left3A_1113 : vector<16xi32> -> vector<16xf32>
        %shift_left3A_1115 = arith.constant 16 : i32
        %shift_left3A_1116 = vector.broadcast %shift_left3A_1115 : i32 to vector<16xi32>
        %shift_left3A_1117 = arith.shli %get3A_1106, %shift_left3A_1116 : vector<16xi32>
        %bitcast_convert_type3A_1118 = tpu.bitcast %shift_left3A_1117 : vector<16xi32> -> vector<16xf32>
        %bitcast_convert_type3A_1119 = tpu.bitcast %get3A_1099 : vector<16xi32> -> vector<16xf32>
        %bitcast_convert_type3A_1120 = tpu.bitcast %gather3A_1103 : vector<16xi32> -> vector<16xf32>
        %bitcast_convert_type3A_1121 = tpu.bitcast %get3A_1106 : vector<16xi32> -> vector<16xf32>
        %mul3A_1122 = arith.mulf %bitcast_convert_type3A_1110, %bitcast_convert_type3A_1114 : vector<16xf32>
        %mul3A_1123 = arith.mulf %mul3A_1122, %bitcast_convert_type3A_1118 : vector<16xf32>
        %add3A_1124 = arith.addf %add3A_1096, %mul3A_1123 : vector<16xf32>
        %mul3A_1125 = arith.mulf %bitcast_convert_type3A_1119, %bitcast_convert_type3A_1120 : vector<16xf32>
        %mul3A_1126 = arith.mulf %mul3A_1125, %bitcast_convert_type3A_1121 : vector<16xf32>
        %add3A_1127 = arith.addf %add3A_1124, %mul3A_1126 : vector<16xf32>
        %get3A_1128 = arith.index_cast %add3A_1057 : i32 to index
        %get3A_1129 = arith.constant 32 : index
        %get3A_1130 = tpu.vector_load %arg12[%get3A_1128, %get3A_1129] {strides = array<i32>} : memref<80x64xi32, #tpu.memory_space<vmem>>, vector<16xi32>,
        %add3A_1131 = arith.constant 32 : i32
        %add3A_1132 = vector.broadcast %add3A_1131 : i32 to vector<16xi32>
        %add3A_1133 = arith.addi %add3A_1063, %add3A_1132 : vector<16xi32>
        %gather3A_1134 = tpu.vector_load_idx %arg11[%add3A_1133] : memref<32000xi32, #tpu.memory_space<vmem>>[vector<16xi32>], vector<16xi32>,
        %get3A_1135 = arith.index_cast %add3A_1057 : i32 to index
        %get3A_1136 = arith.constant 32 : index
        %get3A_1137 = tpu.vector_load %arg13[%get3A_1135, %get3A_1136] {strides = array<i32>} : memref<80x64xi32, #tpu.memory_space<vmem>>, vector<16xi32>,
        %shift_left3A_1138 = arith.constant 16 : i32
        %shift_left3A_1139 = vector.broadcast %shift_left3A_1138 : i32 to vector<16xi32>
        %shift_left3A_1140 = arith.shli %get3A_1130, %shift_left3A_1139 : vector<16xi32>
        %bitcast_convert_type3A_1141 = tpu.bitcast %shift_left3A_1140 : vector<16xi32> -> vector<16xf32>
        %shift_left3A_1142 = arith.constant 16 : i32
        %shift_left3A_1143 = vector.broadcast %shift_left3A_1142 : i32 to vector<16xi32>
        %shift_left3A_1144 = arith.shli %gather3A_1134, %shift_left3A_1143 : vector<16xi32>
        %bitcast_convert_type3A_1145 = tpu.bitcast %shift_left3A_1144 : vector<16xi32> -> vector<16xf32>
        %shift_left3A_1146 = arith.constant 16 : i32
        %shift_left3A_1147 = vector.broadcast %shift_left3A_1146 : i32 to vector<16xi32>
        %shift_left3A_1148 = arith.shli %get3A_1137, %shift_left3A_1147 : vector<16xi32>
        %bitcast_convert_type3A_1149 = tpu.bitcast %shift_left3A_1148 : vector<16xi32> -> vector<16xf32>
        %bitcast_convert_type3A_1150 = tpu.bitcast %get3A_1130 : vector<16xi32> -> vector<16xf32>
        %bitcast_convert_type3A_1151 = tpu.bitcast %gather3A_1134 : vector<16xi32> -> vector<16xf32>
        %bitcast_convert_type3A_1152 = tpu.bitcast %get3A_1137 : vector<16xi32> -> vector<16xf32>
        %mul3A_1153 = arith.mulf %bitcast_convert_type3A_1141, %bitcast_convert_type3A_1145 : vector<16xf32>
        %mul3A_1154 = arith.mulf %mul3A_1153, %bitcast_convert_type3A_1149 : vector<16xf32>
        %add3A_1155 = arith.addf %add3A_1127, %mul3A_1154 : vector<16xf32>
        %mul3A_1156 = arith.mulf %bitcast_convert_type3A_1150, %bitcast_convert_type3A_1151 : vector<16xf32>
        %mul3A_1157 = arith.mulf %mul3A_1156, %bitcast_convert_type3A_1152 : vector<16xf32>
        %add3A_1158 = arith.addf %add3A_1155, %mul3A_1157 : vector<16xf32>
        %get3A_1159 = arith.index_cast %add3A_1057 : i32 to index
        %get3A_1160 = arith.constant 48 : index
        %get3A_1161 = tpu.vector_load %arg12[%get3A_1159, %get3A_1160] {strides = array<i32>} : memref<80x64xi32, #tpu.memory_space<vmem>>, vector<16xi32>,
        %add3A_1162 = arith.constant 48 : i32
        %add3A_1163 = vector.broadcast %add3A_1162 : i32 to vector<16xi32>
        %add3A_1164 = arith.addi %add3A_1063, %add3A_1163 : vector<16xi32>
        %gather3A_1165 = tpu.vector_load_idx %arg11[%add3A_1164] : memref<32000xi32, #tpu.memory_space<vmem>>[vector<16xi32>], vector<16xi32>,
        %get3A_1166 = arith.index_cast %add3A_1057 : i32 to index
        %get3A_1167 = arith.constant 48 : index
        %get3A_1168 = tpu.vector_load %arg13[%get3A_1166, %get3A_1167] {strides = array<i32>} : memref<80x64xi32, #tpu.memory_space<vmem>>, vector<16xi32>,
        %shift_left3A_1169 = arith.constant 16 : i32
        %shift_left3A_1170 = vector.broadcast %shift_left3A_1169 : i32 to vector<16xi32>
        %shift_left3A_1171 = arith.shli %get3A_1161, %shift_left3A_1170 : vector<16xi32>
        %bitcast_convert_type3A_1172 = tpu.bitcast %shift_left3A_1171 : vector<16xi32> -> vector<16xf32>
        %shift_left3A_1173 = arith.constant 16 : i32
        %shift_left3A_1174 = vector.broadcast %shift_left3A_1173 : i32 to vector<16xi32>
        %shift_left3A_1175 = arith.shli %gather3A_1165, %shift_left3A_1174 : vector<16xi32>
        %bitcast_convert_type3A_1176 = tpu.bitcast %shift_left3A_1175 : vector<16xi32> -> vector<16xf32>
        %shift_left3A_1177 = arith.constant 16 : i32
        %shift_left3A_1178 = vector.broadcast %shift_left3A_1177 : i32 to vector<16xi32>
        %shift_left3A_1179 = arith.shli %get3A_1168, %shift_left3A_1178 : vector<16xi32>
        %bitcast_convert_type3A_1180 = tpu.bitcast %shift_left3A_1179 : vector<16xi32> -> vector<16xf32>
        %bitcast_convert_type3A_1181 = tpu.bitcast %get3A_1161 : vector<16xi32> -> vector<16xf32>
        %bitcast_convert_type3A_1182 = tpu.bitcast %gather3A_1165 : vector<16xi32> -> vector<16xf32>
        %bitcast_convert_type3A_1183 = tpu.bitcast %get3A_1168 : vector<16xi32> -> vector<16xf32>
        %mul3A_1184 = arith.mulf %bitcast_convert_type3A_1172, %bitcast_convert_type3A_1176 : vector<16xf32>
        %mul3A_1185 = arith.mulf %mul3A_1184, %bitcast_convert_type3A_1180 : vector<16xf32>
        %add3A_1186 = arith.addf %add3A_1158, %mul3A_1185 : vector<16xf32>
        %mul3A_1187 = arith.mulf %bitcast_convert_type3A_1181, %bitcast_convert_type3A_1182 : vector<16xf32>
        %mul3A_1188 = arith.mulf %mul3A_1187, %bitcast_convert_type3A_1183 : vector<16xf32>
        %add3A_1189 = arith.addf %add3A_1186, %mul3A_1188 : vector<16xf32>
        %eq3A_1190 = arith.constant 7 : i32
        %eq3A_1191 = vector.broadcast %eq3A_1190 : i32 to vector<16xi32>
        %eq3A_1192 = arith.cmpi eq, %iota3A, %eq3A_1191 : vector<16xi32>
        %reduce_sum3A_1193 = arith.constant true
        %reduce_sum3A_1194 = vector.broadcast %reduce_sum3A_1193 : i1 to vector<16xi1>
        %reduce_sum3A_1195 = tpu.scan <sum>, %add3A_1189 masked %reduce_sum3A_1194 : vector<16xf32>, vector<16xi1> -> vector<16xf32>
        %reduce_sum3A_1196 = vector.extract %reduce_sum3A_1195[15] : f32 from vector<16xf32>
        %jit3A_1197 = arith.constant 0.000000e+00 : f32
        %broadcast_in_dim3A_1198 = vector.broadcast %reduce_sum3A_1196 : f32 to vector<16xf32>
        %broadcast_in_dim3A_1199 = vector.broadcast %jit3A_1197 : f32 to vector<16xf32>
        %select_n3A_1200 = arith.select %eq3A_1192, %broadcast_in_dim3A_1198, %broadcast_in_dim3A_1199 : vector<16xi1>, vector<16xf32>
        %add3A_1201 = arith.constant 8 : i32
        %add3A_1202 = arith.addi %mul3A_46, %add3A_1201 : i32
        %slice3A_1203 = vector.extract_strided_slice %get3A_50 {offsets = [8], sizes = [1], strides = [1]} : vector<16xi32> to vector<1xi32>
        %squeeze3A_1204 = vector.extract %slice3A_1203[0] : i32 from vector<1xi32>
        %mul3A_1205 = arith.constant 64 : i32
        %mul3A_1206 = arith.muli %squeeze3A_1204, %mul3A_1205 : i32
        %add3A_1207 = vector.broadcast %mul3A_1206 : i32 to vector<16xi32>
        %add3A_1208 = arith.addi %iota3A, %add3A_1207 : vector<16xi32>
        %broadcast_in_dim3A_1209 = arith.constant 0.000000e+00 : f32
        %broadcast_in_dim3A_1210 = vector.broadcast %broadcast_in_dim3A_1209 : f32 to vector<16xf32>
        %get3A_1211 = arith.index_cast %add3A_1202 : i32 to index
        %get3A_1212 = arith.constant 0 : index
        %get3A_1213 = tpu.vector_load %arg12[%get3A_1211, %get3A_1212] {strides = array<i32>} : memref<80x64xi32, #tpu.memory_space<vmem>>, vector<16xi32>,
        %add3A_1214 = arith.constant 0 : i32
        %add3A_1215 = vector.broadcast %add3A_1214 : i32 to vector<16xi32>
        %add3A_1216 = arith.addi %add3A_1208, %add3A_1215 : vector<16xi32>
        %gather3A_1217 = tpu.vector_load_idx %arg11[%add3A_1216] : memref<32000xi32, #tpu.memory_space<vmem>>[vector<16xi32>], vector<16xi32>,
        %get3A_1218 = arith.index_cast %add3A_1202 : i32 to index
        %get3A_1219 = arith.constant 0 : index
        %get3A_1220 = tpu.vector_load %arg13[%get3A_1218, %get3A_1219] {strides = array<i32>} : memref<80x64xi32, #tpu.memory_space<vmem>>, vector<16xi32>,
        %shift_left3A_1221 = arith.constant 16 : i32
        %shift_left3A_1222 = vector.broadcast %shift_left3A_1221 : i32 to vector<16xi32>
        %shift_left3A_1223 = arith.shli %get3A_1213, %shift_left3A_1222 : vector<16xi32>
        %bitcast_convert_type3A_1224 = tpu.bitcast %shift_left3A_1223 : vector<16xi32> -> vector<16xf32>
        %shift_left3A_1225 = arith.constant 16 : i32
        %shift_left3A_1226 = vector.broadcast %shift_left3A_1225 : i32 to vector<16xi32>
        %shift_left3A_1227 = arith.shli %gather3A_1217, %shift_left3A_1226 : vector<16xi32>
        %bitcast_convert_type3A_1228 = tpu.bitcast %shift_left3A_1227 : vector<16xi32> -> vector<16xf32>
        %shift_left3A_1229 = arith.constant 16 : i32
        %shift_left3A_1230 = vector.broadcast %shift_left3A_1229 : i32 to vector<16xi32>
        %shift_left3A_1231 = arith.shli %get3A_1220, %shift_left3A_1230 : vector<16xi32>
        %bitcast_convert_type3A_1232 = tpu.bitcast %shift_left3A_1231 : vector<16xi32> -> vector<16xf32>
        %bitcast_convert_type3A_1233 = tpu.bitcast %get3A_1213 : vector<16xi32> -> vector<16xf32>
        %bitcast_convert_type3A_1234 = tpu.bitcast %gather3A_1217 : vector<16xi32> -> vector<16xf32>
        %bitcast_convert_type3A_1235 = tpu.bitcast %get3A_1220 : vector<16xi32> -> vector<16xf32>
        %mul3A_1236 = arith.mulf %bitcast_convert_type3A_1224, %bitcast_convert_type3A_1228 : vector<16xf32>
        %mul3A_1237 = arith.mulf %mul3A_1236, %bitcast_convert_type3A_1232 : vector<16xf32>
        %add3A_1238 = arith.addf %broadcast_in_dim3A_1210, %mul3A_1237 : vector<16xf32>
        %mul3A_1239 = arith.mulf %bitcast_convert_type3A_1233, %bitcast_convert_type3A_1234 : vector<16xf32>
        %mul3A_1240 = arith.mulf %mul3A_1239, %bitcast_convert_type3A_1235 : vector<16xf32>
        %add3A_1241 = arith.addf %add3A_1238, %mul3A_1240 : vector<16xf32>
        %get3A_1242 = arith.index_cast %add3A_1202 : i32 to index
        %get3A_1243 = arith.constant 16 : index
        %get3A_1244 = tpu.vector_load %arg12[%get3A_1242, %get3A_1243] {strides = array<i32>} : memref<80x64xi32, #tpu.memory_space<vmem>>, vector<16xi32>,
        %add3A_1245 = arith.constant 16 : i32
        %add3A_1246 = vector.broadcast %add3A_1245 : i32 to vector<16xi32>
        %add3A_1247 = arith.addi %add3A_1208, %add3A_1246 : vector<16xi32>
        %gather3A_1248 = tpu.vector_load_idx %arg11[%add3A_1247] : memref<32000xi32, #tpu.memory_space<vmem>>[vector<16xi32>], vector<16xi32>,
        %get3A_1249 = arith.index_cast %add3A_1202 : i32 to index
        %get3A_1250 = arith.constant 16 : index
        %get3A_1251 = tpu.vector_load %arg13[%get3A_1249, %get3A_1250] {strides = array<i32>} : memref<80x64xi32, #tpu.memory_space<vmem>>, vector<16xi32>,
        %shift_left3A_1252 = arith.constant 16 : i32
        %shift_left3A_1253 = vector.broadcast %shift_left3A_1252 : i32 to vector<16xi32>
        %shift_left3A_1254 = arith.shli %get3A_1244, %shift_left3A_1253 : vector<16xi32>
        %bitcast_convert_type3A_1255 = tpu.bitcast %shift_left3A_1254 : vector<16xi32> -> vector<16xf32>
        %shift_left3A_1256 = arith.constant 16 : i32
        %shift_left3A_1257 = vector.broadcast %shift_left3A_1256 : i32 to vector<16xi32>
        %shift_left3A_1258 = arith.shli %gather3A_1248, %shift_left3A_1257 : vector<16xi32>
        %bitcast_convert_type3A_1259 = tpu.bitcast %shift_left3A_1258 : vector<16xi32> -> vector<16xf32>
        %shift_left3A_1260 = arith.constant 16 : i32
        %shift_left3A_1261 = vector.broadcast %shift_left3A_1260 : i32 to vector<16xi32>
        %shift_left3A_1262 = arith.shli %get3A_1251, %shift_left3A_1261 : vector<16xi32>
        %bitcast_convert_type3A_1263 = tpu.bitcast %shift_left3A_1262 : vector<16xi32> -> vector<16xf32>
        %bitcast_convert_type3A_1264 = tpu.bitcast %get3A_1244 : vector<16xi32> -> vector<16xf32>
        %bitcast_convert_type3A_1265 = tpu.bitcast %gather3A_1248 : vector<16xi32> -> vector<16xf32>
        %bitcast_convert_type3A_1266 = tpu.bitcast %get3A_1251 : vector<16xi32> -> vector<16xf32>
        %mul3A_1267 = arith.mulf %bitcast_convert_type3A_1255, %bitcast_convert_type3A_1259 : vector<16xf32>
        %mul3A_1268 = arith.mulf %mul3A_1267, %bitcast_convert_type3A_1263 : vector<16xf32>
        %add3A_1269 = arith.addf %add3A_1241, %mul3A_1268 : vector<16xf32>
        %mul3A_1270 = arith.mulf %bitcast_convert_type3A_1264, %bitcast_convert_type3A_1265 : vector<16xf32>
        %mul3A_1271 = arith.mulf %mul3A_1270, %bitcast_convert_type3A_1266 : vector<16xf32>
        %add3A_1272 = arith.addf %add3A_1269, %mul3A_1271 : vector<16xf32>
        %get3A_1273 = arith.index_cast %add3A_1202 : i32 to index
        %get3A_1274 = arith.constant 32 : index
        %get3A_1275 = tpu.vector_load %arg12[%get3A_1273, %get3A_1274] {strides = array<i32>} : memref<80x64xi32, #tpu.memory_space<vmem>>, vector<16xi32>,
        %add3A_1276 = arith.constant 32 : i32
        %add3A_1277 = vector.broadcast %add3A_1276 : i32 to vector<16xi32>
        %add3A_1278 = arith.addi %add3A_1208, %add3A_1277 : vector<16xi32>
        %gather3A_1279 = tpu.vector_load_idx %arg11[%add3A_1278] : memref<32000xi32, #tpu.memory_space<vmem>>[vector<16xi32>], vector<16xi32>,
        %get3A_1280 = arith.index_cast %add3A_1202 : i32 to index
        %get3A_1281 = arith.constant 32 : index
        %get3A_1282 = tpu.vector_load %arg13[%get3A_1280, %get3A_1281] {strides = array<i32>} : memref<80x64xi32, #tpu.memory_space<vmem>>, vector<16xi32>,
        %shift_left3A_1283 = arith.constant 16 : i32
        %shift_left3A_1284 = vector.broadcast %shift_left3A_1283 : i32 to vector<16xi32>
        %shift_left3A_1285 = arith.shli %get3A_1275, %shift_left3A_1284 : vector<16xi32>
        %bitcast_convert_type3A_1286 = tpu.bitcast %shift_left3A_1285 : vector<16xi32> -> vector<16xf32>
        %shift_left3A_1287 = arith.constant 16 : i32
        %shift_left3A_1288 = vector.broadcast %shift_left3A_1287 : i32 to vector<16xi32>
        %shift_left3A_1289 = arith.shli %gather3A_1279, %shift_left3A_1288 : vector<16xi32>
        %bitcast_convert_type3A_1290 = tpu.bitcast %shift_left3A_1289 : vector<16xi32> -> vector<16xf32>
        %shift_left3A_1291 = arith.constant 16 : i32
        %shift_left3A_1292 = vector.broadcast %shift_left3A_1291 : i32 to vector<16xi32>
        %shift_left3A_1293 = arith.shli %get3A_1282, %shift_left3A_1292 : vector<16xi32>
        %bitcast_convert_type3A_1294 = tpu.bitcast %shift_left3A_1293 : vector<16xi32> -> vector<16xf32>
        %bitcast_convert_type3A_1295 = tpu.bitcast %get3A_1275 : vector<16xi32> -> vector<16xf32>
        %bitcast_convert_type3A_1296 = tpu.bitcast %gather3A_1279 : vector<16xi32> -> vector<16xf32>
        %bitcast_convert_type3A_1297 = tpu.bitcast %get3A_1282 : vector<16xi32> -> vector<16xf32>
        %mul3A_1298 = arith.mulf %bitcast_convert_type3A_1286, %bitcast_convert_type3A_1290 : vector<16xf32>
        %mul3A_1299 = arith.mulf %mul3A_1298, %bitcast_convert_type3A_1294 : vector<16xf32>
        %add3A_1300 = arith.addf %add3A_1272, %mul3A_1299 : vector<16xf32>
        %mul3A_1301 = arith.mulf %bitcast_convert_type3A_1295, %bitcast_convert_type3A_1296 : vector<16xf32>
        %mul3A_1302 = arith.mulf %mul3A_1301, %bitcast_convert_type3A_1297 : vector<16xf32>
        %add3A_1303 = arith.addf %add3A_1300, %mul3A_1302 : vector<16xf32>
        %get3A_1304 = arith.index_cast %add3A_1202 : i32 to index
        %get3A_1305 = arith.constant 48 : index
        %get3A_1306 = tpu.vector_load %arg12[%get3A_1304, %get3A_1305] {strides = array<i32>} : memref<80x64xi32, #tpu.memory_space<vmem>>, vector<16xi32>,
        %add3A_1307 = arith.constant 48 : i32
        %add3A_1308 = vector.broadcast %add3A_1307 : i32 to vector<16xi32>
        %add3A_1309 = arith.addi %add3A_1208, %add3A_1308 : vector<16xi32>
        %gather3A_1310 = tpu.vector_load_idx %arg11[%add3A_1309] : memref<32000xi32, #tpu.memory_space<vmem>>[vector<16xi32>], vector<16xi32>,
        %get3A_1311 = arith.index_cast %add3A_1202 : i32 to index
        %get3A_1312 = arith.constant 48 : index
        %get3A_1313 = tpu.vector_load %arg13[%get3A_1311, %get3A_1312] {strides = array<i32>} : memref<80x64xi32, #tpu.memory_space<vmem>>, vector<16xi32>,
        %shift_left3A_1314 = arith.constant 16 : i32
        %shift_left3A_1315 = vector.broadcast %shift_left3A_1314 : i32 to vector<16xi32>
        %shift_left3A_1316 = arith.shli %get3A_1306, %shift_left3A_1315 : vector<16xi32>
        %bitcast_convert_type3A_1317 = tpu.bitcast %shift_left3A_1316 : vector<16xi32> -> vector<16xf32>
        %shift_left3A_1318 = arith.constant 16 : i32
        %shift_left3A_1319 = vector.broadcast %shift_left3A_1318 : i32 to vector<16xi32>
        %shift_left3A_1320 = arith.shli %gather3A_1310, %shift_left3A_1319 : vector<16xi32>
        %bitcast_convert_type3A_1321 = tpu.bitcast %shift_left3A_1320 : vector<16xi32> -> vector<16xf32>
        %shift_left3A_1322 = arith.constant 16 : i32
        %shift_left3A_1323 = vector.broadcast %shift_left3A_1322 : i32 to vector<16xi32>
        %shift_left3A_1324 = arith.shli %get3A_1313, %shift_left3A_1323 : vector<16xi32>
        %bitcast_convert_type3A_1325 = tpu.bitcast %shift_left3A_1324 : vector<16xi32> -> vector<16xf32>
        %bitcast_convert_type3A_1326 = tpu.bitcast %get3A_1306 : vector<16xi32> -> vector<16xf32>
        %bitcast_convert_type3A_1327 = tpu.bitcast %gather3A_1310 : vector<16xi32> -> vector<16xf32>
        %bitcast_convert_type3A_1328 = tpu.bitcast %get3A_1313 : vector<16xi32> -> vector<16xf32>
        %mul3A_1329 = arith.mulf %bitcast_convert_type3A_1317, %bitcast_convert_type3A_1321 : vector<16xf32>
        %mul3A_1330 = arith.mulf %mul3A_1329, %bitcast_convert_type3A_1325 : vector<16xf32>
        %add3A_1331 = arith.addf %add3A_1303, %mul3A_1330 : vector<16xf32>
        %mul3A_1332 = arith.mulf %bitcast_convert_type3A_1326, %bitcast_convert_type3A_1327 : vector<16xf32>
        %mul3A_1333 = arith.mulf %mul3A_1332, %bitcast_convert_type3A_1328 : vector<16xf32>
        %add3A_1334 = arith.addf %add3A_1331, %mul3A_1333 : vector<16xf32>
        %eq3A_1335 = arith.constant 8 : i32
        %eq3A_1336 = vector.broadcast %eq3A_1335 : i32 to vector<16xi32>
        %eq3A_1337 = arith.cmpi eq, %iota3A, %eq3A_1336 : vector<16xi32>
        %reduce_sum3A_1338 = arith.constant true
        %reduce_sum3A_1339 = vector.broadcast %reduce_sum3A_1338 : i1 to vector<16xi1>
        %reduce_sum3A_1340 = tpu.scan <sum>, %add3A_1334 masked %reduce_sum3A_1339 : vector<16xf32>, vector<16xi1> -> vector<16xf32>
        %reduce_sum3A_1341 = vector.extract %reduce_sum3A_1340[15] : f32 from vector<16xf32>
        %jit3A_1342 = arith.constant 0.000000e+00 : f32
        %broadcast_in_dim3A_1343 = vector.broadcast %reduce_sum3A_1341 : f32 to vector<16xf32>
        %broadcast_in_dim3A_1344 = vector.broadcast %jit3A_1342 : f32 to vector<16xf32>
        %select_n3A_1345 = arith.select %eq3A_1337, %broadcast_in_dim3A_1343, %broadcast_in_dim3A_1344 : vector<16xi1>, vector<16xf32>
        %add3A_1346 = arith.constant 9 : i32
        %add3A_1347 = arith.addi %mul3A_46, %add3A_1346 : i32
        %slice3A_1348 = vector.extract_strided_slice %get3A_50 {offsets = [9], sizes = [1], strides = [1]} : vector<16xi32> to vector<1xi32>
        %squeeze3A_1349 = vector.extract %slice3A_1348[0] : i32 from vector<1xi32>
        %mul3A_1350 = arith.constant 64 : i32
        %mul3A_1351 = arith.muli %squeeze3A_1349, %mul3A_1350 : i32
        %add3A_1352 = vector.broadcast %mul3A_1351 : i32 to vector<16xi32>
        %add3A_1353 = arith.addi %iota3A, %add3A_1352 : vector<16xi32>
        %broadcast_in_dim3A_1354 = arith.constant 0.000000e+00 : f32
        %broadcast_in_dim3A_1355 = vector.broadcast %broadcast_in_dim3A_1354 : f32 to vector<16xf32>
        %get3A_1356 = arith.index_cast %add3A_1347 : i32 to index
        %get3A_1357 = arith.constant 0 : index
        %get3A_1358 = tpu.vector_load %arg12[%get3A_1356, %get3A_1357] {strides = array<i32>} : memref<80x64xi32, #tpu.memory_space<vmem>>, vector<16xi32>,
        %add3A_1359 = arith.constant 0 : i32
        %add3A_1360 = vector.broadcast %add3A_1359 : i32 to vector<16xi32>
        %add3A_1361 = arith.addi %add3A_1353, %add3A_1360 : vector<16xi32>
        %gather3A_1362 = tpu.vector_load_idx %arg11[%add3A_1361] : memref<32000xi32, #tpu.memory_space<vmem>>[vector<16xi32>], vector<16xi32>,
        %get3A_1363 = arith.index_cast %add3A_1347 : i32 to index
        %get3A_1364 = arith.constant 0 : index
        %get3A_1365 = tpu.vector_load %arg13[%get3A_1363, %get3A_1364] {strides = array<i32>} : memref<80x64xi32, #tpu.memory_space<vmem>>, vector<16xi32>,
        %shift_left3A_1366 = arith.constant 16 : i32
        %shift_left3A_1367 = vector.broadcast %shift_left3A_1366 : i32 to vector<16xi32>
        %shift_left3A_1368 = arith.shli %get3A_1358, %shift_left3A_1367 : vector<16xi32>
        %bitcast_convert_type3A_1369 = tpu.bitcast %shift_left3A_1368 : vector<16xi32> -> vector<16xf32>
        %shift_left3A_1370 = arith.constant 16 : i32
        %shift_left3A_1371 = vector.broadcast %shift_left3A_1370 : i32 to vector<16xi32>
        %shift_left3A_1372 = arith.shli %gather3A_1362, %shift_left3A_1371 : vector<16xi32>
        %bitcast_convert_type3A_1373 = tpu.bitcast %shift_left3A_1372 : vector<16xi32> -> vector<16xf32>
        %shift_left3A_1374 = arith.constant 16 : i32
        %shift_left3A_1375 = vector.broadcast %shift_left3A_1374 : i32 to vector<16xi32>
        %shift_left3A_1376 = arith.shli %get3A_1365, %shift_left3A_1375 : vector<16xi32>
        %bitcast_convert_type3A_1377 = tpu.bitcast %shift_left3A_1376 : vector<16xi32> -> vector<16xf32>
        %bitcast_convert_type3A_1378 = tpu.bitcast %get3A_1358 : vector<16xi32> -> vector<16xf32>
        %bitcast_convert_type3A_1379 = tpu.bitcast %gather3A_1362 : vector<16xi32> -> vector<16xf32>
        %bitcast_convert_type3A_1380 = tpu.bitcast %get3A_1365 : vector<16xi32> -> vector<16xf32>
        %mul3A_1381 = arith.mulf %bitcast_convert_type3A_1369, %bitcast_convert_type3A_1373 : vector<16xf32>
        %mul3A_1382 = arith.mulf %mul3A_1381, %bitcast_convert_type3A_1377 : vector<16xf32>
        %add3A_1383 = arith.addf %broadcast_in_dim3A_1355, %mul3A_1382 : vector<16xf32>
        %mul3A_1384 = arith.mulf %bitcast_convert_type3A_1378, %bitcast_convert_type3A_1379 : vector<16xf32>
        %mul3A_1385 = arith.mulf %mul3A_1384, %bitcast_convert_type3A_1380 : vector<16xf32>
        %add3A_1386 = arith.addf %add3A_1383, %mul3A_1385 : vector<16xf32>
        %get3A_1387 = arith.index_cast %add3A_1347 : i32 to index
        %get3A_1388 = arith.constant 16 : index
        %get3A_1389 = tpu.vector_load %arg12[%get3A_1387, %get3A_1388] {strides = array<i32>} : memref<80x64xi32, #tpu.memory_space<vmem>>, vector<16xi32>,
        %add3A_1390 = arith.constant 16 : i32
        %add3A_1391 = vector.broadcast %add3A_1390 : i32 to vector<16xi32>
        %add3A_1392 = arith.addi %add3A_1353, %add3A_1391 : vector<16xi32>
        %gather3A_1393 = tpu.vector_load_idx %arg11[%add3A_1392] : memref<32000xi32, #tpu.memory_space<vmem>>[vector<16xi32>], vector<16xi32>,
        %get3A_1394 = arith.index_cast %add3A_1347 : i32 to index
        %get3A_1395 = arith.constant 16 : index
        %get3A_1396 = tpu.vector_load %arg13[%get3A_1394, %get3A_1395] {strides = array<i32>} : memref<80x64xi32, #tpu.memory_space<vmem>>, vector<16xi32>,
        %shift_left3A_1397 = arith.constant 16 : i32
        %shift_left3A_1398 = vector.broadcast %shift_left3A_1397 : i32 to vector<16xi32>
        %shift_left3A_1399 = arith.shli %get3A_1389, %shift_left3A_1398 : vector<16xi32>
        %bitcast_convert_type3A_1400 = tpu.bitcast %shift_left3A_1399 : vector<16xi32> -> vector<16xf32>
        %shift_left3A_1401 = arith.constant 16 : i32
        %shift_left3A_1402 = vector.broadcast %shift_left3A_1401 : i32 to vector<16xi32>
        %shift_left3A_1403 = arith.shli %gather3A_1393, %shift_left3A_1402 : vector<16xi32>
        %bitcast_convert_type3A_1404 = tpu.bitcast %shift_left3A_1403 : vector<16xi32> -> vector<16xf32>
        %shift_left3A_1405 = arith.constant 16 : i32
        %shift_left3A_1406 = vector.broadcast %shift_left3A_1405 : i32 to vector<16xi32>
        %shift_left3A_1407 = arith.shli %get3A_1396, %shift_left3A_1406 : vector<16xi32>
        %bitcast_convert_type3A_1408 = tpu.bitcast %shift_left3A_1407 : vector<16xi32> -> vector<16xf32>
        %bitcast_convert_type3A_1409 = tpu.bitcast %get3A_1389 : vector<16xi32> -> vector<16xf32>
        %bitcast_convert_type3A_1410 = tpu.bitcast %gather3A_1393 : vector<16xi32> -> vector<16xf32>
        %bitcast_convert_type3A_1411 = tpu.bitcast %get3A_1396 : vector<16xi32> -> vector<16xf32>
        %mul3A_1412 = arith.mulf %bitcast_convert_type3A_1400, %bitcast_convert_type3A_1404 : vector<16xf32>
        %mul3A_1413 = arith.mulf %mul3A_1412, %bitcast_convert_type3A_1408 : vector<16xf32>
        %add3A_1414 = arith.addf %add3A_1386, %mul3A_1413 : vector<16xf32>
        %mul3A_1415 = arith.mulf %bitcast_convert_type3A_1409, %bitcast_convert_type3A_1410 : vector<16xf32>
        %mul3A_1416 = arith.mulf %mul3A_1415, %bitcast_convert_type3A_1411 : vector<16xf32>
        %add3A_1417 = arith.addf %add3A_1414, %mul3A_1416 : vector<16xf32>
        %get3A_1418 = arith.index_cast %add3A_1347 : i32 to index
        %get3A_1419 = arith.constant 32 : index
        %get3A_1420 = tpu.vector_load %arg12[%get3A_1418, %get3A_1419] {strides = array<i32>} : memref<80x64xi32, #tpu.memory_space<vmem>>, vector<16xi32>,
        %add3A_1421 = arith.constant 32 : i32
        %add3A_1422 = vector.broadcast %add3A_1421 : i32 to vector<16xi32>
        %add3A_1423 = arith.addi %add3A_1353, %add3A_1422 : vector<16xi32>
        %gather3A_1424 = tpu.vector_load_idx %arg11[%add3A_1423] : memref<32000xi32, #tpu.memory_space<vmem>>[vector<16xi32>], vector<16xi32>,
        %get3A_1425 = arith.index_cast %add3A_1347 : i32 to index
        %get3A_1426 = arith.constant 32 : index
        %get3A_1427 = tpu.vector_load %arg13[%get3A_1425, %get3A_1426] {strides = array<i32>} : memref<80x64xi32, #tpu.memory_space<vmem>>, vector<16xi32>,
        %shift_left3A_1428 = arith.constant 16 : i32
        %shift_left3A_1429 = vector.broadcast %shift_left3A_1428 : i32 to vector<16xi32>
        %shift_left3A_1430 = arith.shli %get3A_1420, %shift_left3A_1429 : vector<16xi32>
        %bitcast_convert_type3A_1431 = tpu.bitcast %shift_left3A_1430 : vector<16xi32> -> vector<16xf32>
        %shift_left3A_1432 = arith.constant 16 : i32
        %shift_left3A_1433 = vector.broadcast %shift_left3A_1432 : i32 to vector<16xi32>
        %shift_left3A_1434 = arith.shli %gather3A_1424, %shift_left3A_1433 : vector<16xi32>
        %bitcast_convert_type3A_1435 = tpu.bitcast %shift_left3A_1434 : vector<16xi32> -> vector<16xf32>
        %shift_left3A_1436 = arith.constant 16 : i32
        %shift_left3A_1437 = vector.broadcast %shift_left3A_1436 : i32 to vector<16xi32>
        %shift_left3A_1438 = arith.shli %get3A_1427, %shift_left3A_1437 : vector<16xi32>
        %bitcast_convert_type3A_1439 = tpu.bitcast %shift_left3A_1438 : vector<16xi32> -> vector<16xf32>
        %bitcast_convert_type3A_1440 = tpu.bitcast %get3A_1420 : vector<16xi32> -> vector<16xf32>
        %bitcast_convert_type3A_1441 = tpu.bitcast %gather3A_1424 : vector<16xi32> -> vector<16xf32>
        %bitcast_convert_type3A_1442 = tpu.bitcast %get3A_1427 : vector<16xi32> -> vector<16xf32>
        %mul3A_1443 = arith.mulf %bitcast_convert_type3A_1431, %bitcast_convert_type3A_1435 : vector<16xf32>
        %mul3A_1444 = arith.mulf %mul3A_1443, %bitcast_convert_type3A_1439 : vector<16xf32>
        %add3A_1445 = arith.addf %add3A_1417, %mul3A_1444 : vector<16xf32>
        %mul3A_1446 = arith.mulf %bitcast_convert_type3A_1440, %bitcast_convert_type3A_1441 : vector<16xf32>
        %mul3A_1447 = arith.mulf %mul3A_1446, %bitcast_convert_type3A_1442 : vector<16xf32>
        %add3A_1448 = arith.addf %add3A_1445, %mul3A_1447 : vector<16xf32>
        %get3A_1449 = arith.index_cast %add3A_1347 : i32 to index
        %get3A_1450 = arith.constant 48 : index
        %get3A_1451 = tpu.vector_load %arg12[%get3A_1449, %get3A_1450] {strides = array<i32>} : memref<80x64xi32, #tpu.memory_space<vmem>>, vector<16xi32>,
        %add3A_1452 = arith.constant 48 : i32
        %add3A_1453 = vector.broadcast %add3A_1452 : i32 to vector<16xi32>
        %add3A_1454 = arith.addi %add3A_1353, %add3A_1453 : vector<16xi32>
        %gather3A_1455 = tpu.vector_load_idx %arg11[%add3A_1454] : memref<32000xi32, #tpu.memory_space<vmem>>[vector<16xi32>], vector<16xi32>,
        %get3A_1456 = arith.index_cast %add3A_1347 : i32 to index
        %get3A_1457 = arith.constant 48 : index
        %get3A_1458 = tpu.vector_load %arg13[%get3A_1456, %get3A_1457] {strides = array<i32>} : memref<80x64xi32, #tpu.memory_space<vmem>>, vector<16xi32>,
        %shift_left3A_1459 = arith.constant 16 : i32
        %shift_left3A_1460 = vector.broadcast %shift_left3A_1459 : i32 to vector<16xi32>
        %shift_left3A_1461 = arith.shli %get3A_1451, %shift_left3A_1460 : vector<16xi32>
        %bitcast_convert_type3A_1462 = tpu.bitcast %shift_left3A_1461 : vector<16xi32> -> vector<16xf32>
        %shift_left3A_1463 = arith.constant 16 : i32
        %shift_left3A_1464 = vector.broadcast %shift_left3A_1463 : i32 to vector<16xi32>
        %shift_left3A_1465 = arith.shli %gather3A_1455, %shift_left3A_1464 : vector<16xi32>
        %bitcast_convert_type3A_1466 = tpu.bitcast %shift_left3A_1465 : vector<16xi32> -> vector<16xf32>
        %shift_left3A_1467 = arith.constant 16 : i32
        %shift_left3A_1468 = vector.broadcast %shift_left3A_1467 : i32 to vector<16xi32>
        %shift_left3A_1469 = arith.shli %get3A_1458, %shift_left3A_1468 : vector<16xi32>
        %bitcast_convert_type3A_1470 = tpu.bitcast %shift_left3A_1469 : vector<16xi32> -> vector<16xf32>
        %bitcast_convert_type3A_1471 = tpu.bitcast %get3A_1451 : vector<16xi32> -> vector<16xf32>
        %bitcast_convert_type3A_1472 = tpu.bitcast %gather3A_1455 : vector<16xi32> -> vector<16xf32>
        %bitcast_convert_type3A_1473 = tpu.bitcast %get3A_1458 : vector<16xi32> -> vector<16xf32>
        %mul3A_1474 = arith.mulf %bitcast_convert_type3A_1462, %bitcast_convert_type3A_1466 : vector<16xf32>
        %mul3A_1475 = arith.mulf %mul3A_1474, %bitcast_convert_type3A_1470 : vector<16xf32>
        %add3A_1476 = arith.addf %add3A_1448, %mul3A_1475 : vector<16xf32>
        %mul3A_1477 = arith.mulf %bitcast_convert_type3A_1471, %bitcast_convert_type3A_1472 : vector<16xf32>
        %mul3A_1478 = arith.mulf %mul3A_1477, %bitcast_convert_type3A_1473 : vector<16xf32>
        %add3A_1479 = arith.addf %add3A_1476, %mul3A_1478 : vector<16xf32>
        %eq3A_1480 = arith.constant 9 : i32
        %eq3A_1481 = vector.broadcast %eq3A_1480 : i32 to vector<16xi32>
        %eq3A_1482 = arith.cmpi eq, %iota3A, %eq3A_1481 : vector<16xi32>
        %reduce_sum3A_1483 = arith.constant true
        %reduce_sum3A_1484 = vector.broadcast %reduce_sum3A_1483 : i1 to vector<16xi1>
        %reduce_sum3A_1485 = tpu.scan <sum>, %add3A_1479 masked %reduce_sum3A_1484 : vector<16xf32>, vector<16xi1> -> vector<16xf32>
        %reduce_sum3A_1486 = vector.extract %reduce_sum3A_1485[15] : f32 from vector<16xf32>
        %jit3A_1487 = arith.constant 0.000000e+00 : f32
        %broadcast_in_dim3A_1488 = vector.broadcast %reduce_sum3A_1486 : f32 to vector<16xf32>
        %broadcast_in_dim3A_1489 = vector.broadcast %jit3A_1487 : f32 to vector<16xf32>
        %select_n3A_1490 = arith.select %eq3A_1482, %broadcast_in_dim3A_1488, %broadcast_in_dim3A_1489 : vector<16xi1>, vector<16xf32>
        %add3A_1491 = arith.constant 10 : i32
        %add3A_1492 = arith.addi %mul3A_46, %add3A_1491 : i32
        %slice3A_1493 = vector.extract_strided_slice %get3A_50 {offsets = [10], sizes = [1], strides = [1]} : vector<16xi32> to vector<1xi32>
        %squeeze3A_1494 = vector.extract %slice3A_1493[0] : i32 from vector<1xi32>
        %mul3A_1495 = arith.constant 64 : i32
        %mul3A_1496 = arith.muli %squeeze3A_1494, %mul3A_1495 : i32
        %add3A_1497 = vector.broadcast %mul3A_1496 : i32 to vector<16xi32>
        %add3A_1498 = arith.addi %iota3A, %add3A_1497 : vector<16xi32>
        %broadcast_in_dim3A_1499 = arith.constant 0.000000e+00 : f32
        %broadcast_in_dim3A_1500 = vector.broadcast %broadcast_in_dim3A_1499 : f32 to vector<16xf32>
        %get3A_1501 = arith.index_cast %add3A_1492 : i32 to index
        %get3A_1502 = arith.constant 0 : index
        %get3A_1503 = tpu.vector_load %arg12[%get3A_1501, %get3A_1502] {strides = array<i32>} : memref<80x64xi32, #tpu.memory_space<vmem>>, vector<16xi32>,
        %add3A_1504 = arith.constant 0 : i32
        %add3A_1505 = vector.broadcast %add3A_1504 : i32 to vector<16xi32>
        %add3A_1506 = arith.addi %add3A_1498, %add3A_1505 : vector<16xi32>
        %gather3A_1507 = tpu.vector_load_idx %arg11[%add3A_1506] : memref<32000xi32, #tpu.memory_space<vmem>>[vector<16xi32>], vector<16xi32>,
        %get3A_1508 = arith.index_cast %add3A_1492 : i32 to index
        %get3A_1509 = arith.constant 0 : index
        %get3A_1510 = tpu.vector_load %arg13[%get3A_1508, %get3A_1509] {strides = array<i32>} : memref<80x64xi32, #tpu.memory_space<vmem>>, vector<16xi32>,
        %shift_left3A_1511 = arith.constant 16 : i32
        %shift_left3A_1512 = vector.broadcast %shift_left3A_1511 : i32 to vector<16xi32>
        %shift_left3A_1513 = arith.shli %get3A_1503, %shift_left3A_1512 : vector<16xi32>
        %bitcast_convert_type3A_1514 = tpu.bitcast %shift_left3A_1513 : vector<16xi32> -> vector<16xf32>
        %shift_left3A_1515 = arith.constant 16 : i32
        %shift_left3A_1516 = vector.broadcast %shift_left3A_1515 : i32 to vector<16xi32>
        %shift_left3A_1517 = arith.shli %gather3A_1507, %shift_left3A_1516 : vector<16xi32>
        %bitcast_convert_type3A_1518 = tpu.bitcast %shift_left3A_1517 : vector<16xi32> -> vector<16xf32>
        %shift_left3A_1519 = arith.constant 16 : i32
        %shift_left3A_1520 = vector.broadcast %shift_left3A_1519 : i32 to vector<16xi32>
        %shift_left3A_1521 = arith.shli %get3A_1510, %shift_left3A_1520 : vector<16xi32>
        %bitcast_convert_type3A_1522 = tpu.bitcast %shift_left3A_1521 : vector<16xi32> -> vector<16xf32>
        %bitcast_convert_type3A_1523 = tpu.bitcast %get3A_1503 : vector<16xi32> -> vector<16xf32>
        %bitcast_convert_type3A_1524 = tpu.bitcast %gather3A_1507 : vector<16xi32> -> vector<16xf32>
        %bitcast_convert_type3A_1525 = tpu.bitcast %get3A_1510 : vector<16xi32> -> vector<16xf32>
        %mul3A_1526 = arith.mulf %bitcast_convert_type3A_1514, %bitcast_convert_type3A_1518 : vector<16xf32>
        %mul3A_1527 = arith.mulf %mul3A_1526, %bitcast_convert_type3A_1522 : vector<16xf32>
        %add3A_1528 = arith.addf %broadcast_in_dim3A_1500, %mul3A_1527 : vector<16xf32>
        %mul3A_1529 = arith.mulf %bitcast_convert_type3A_1523, %bitcast_convert_type3A_1524 : vector<16xf32>
        %mul3A_1530 = arith.mulf %mul3A_1529, %bitcast_convert_type3A_1525 : vector<16xf32>
        %add3A_1531 = arith.addf %add3A_1528, %mul3A_1530 : vector<16xf32>
        %get3A_1532 = arith.index_cast %add3A_1492 : i32 to index
        %get3A_1533 = arith.constant 16 : index
        %get3A_1534 = tpu.vector_load %arg12[%get3A_1532, %get3A_1533] {strides = array<i32>} : memref<80x64xi32, #tpu.memory_space<vmem>>, vector<16xi32>,
        %add3A_1535 = arith.constant 16 : i32
        %add3A_1536 = vector.broadcast %add3A_1535 : i32 to vector<16xi32>
        %add3A_1537 = arith.addi %add3A_1498, %add3A_1536 : vector<16xi32>
        %gather3A_1538 = tpu.vector_load_idx %arg11[%add3A_1537] : memref<32000xi32, #tpu.memory_space<vmem>>[vector<16xi32>], vector<16xi32>,
        %get3A_1539 = arith.index_cast %add3A_1492 : i32 to index
        %get3A_1540 = arith.constant 16 : index
        %get3A_1541 = tpu.vector_load %arg13[%get3A_1539, %get3A_1540] {strides = array<i32>} : memref<80x64xi32, #tpu.memory_space<vmem>>, vector<16xi32>,
        %shift_left3A_1542 = arith.constant 16 : i32
        %shift_left3A_1543 = vector.broadcast %shift_left3A_1542 : i32 to vector<16xi32>
        %shift_left3A_1544 = arith.shli %get3A_1534, %shift_left3A_1543 : vector<16xi32>
        %bitcast_convert_type3A_1545 = tpu.bitcast %shift_left3A_1544 : vector<16xi32> -> vector<16xf32>
        %shift_left3A_1546 = arith.constant 16 : i32
        %shift_left3A_1547 = vector.broadcast %shift_left3A_1546 : i32 to vector<16xi32>
        %shift_left3A_1548 = arith.shli %gather3A_1538, %shift_left3A_1547 : vector<16xi32>
        %bitcast_convert_type3A_1549 = tpu.bitcast %shift_left3A_1548 : vector<16xi32> -> vector<16xf32>
        %shift_left3A_1550 = arith.constant 16 : i32
        %shift_left3A_1551 = vector.broadcast %shift_left3A_1550 : i32 to vector<16xi32>
        %shift_left3A_1552 = arith.shli %get3A_1541, %shift_left3A_1551 : vector<16xi32>
        %bitcast_convert_type3A_1553 = tpu.bitcast %shift_left3A_1552 : vector<16xi32> -> vector<16xf32>
        %bitcast_convert_type3A_1554 = tpu.bitcast %get3A_1534 : vector<16xi32> -> vector<16xf32>
        %bitcast_convert_type3A_1555 = tpu.bitcast %gather3A_1538 : vector<16xi32> -> vector<16xf32>
        %bitcast_convert_type3A_1556 = tpu.bitcast %get3A_1541 : vector<16xi32> -> vector<16xf32>
        %mul3A_1557 = arith.mulf %bitcast_convert_type3A_1545, %bitcast_convert_type3A_1549 : vector<16xf32>
        %mul3A_1558 = arith.mulf %mul3A_1557, %bitcast_convert_type3A_1553 : vector<16xf32>
        %add3A_1559 = arith.addf %add3A_1531, %mul3A_1558 : vector<16xf32>
        %mul3A_1560 = arith.mulf %bitcast_convert_type3A_1554, %bitcast_convert_type3A_1555 : vector<16xf32>
        %mul3A_1561 = arith.mulf %mul3A_1560, %bitcast_convert_type3A_1556 : vector<16xf32>
        %add3A_1562 = arith.addf %add3A_1559, %mul3A_1561 : vector<16xf32>
        %get3A_1563 = arith.index_cast %add3A_1492 : i32 to index
        %get3A_1564 = arith.constant 32 : index
        %get3A_1565 = tpu.vector_load %arg12[%get3A_1563, %get3A_1564] {strides = array<i32>} : memref<80x64xi32, #tpu.memory_space<vmem>>, vector<16xi32>,
        %add3A_1566 = arith.constant 32 : i32
        %add3A_1567 = vector.broadcast %add3A_1566 : i32 to vector<16xi32>
        %add3A_1568 = arith.addi %add3A_1498, %add3A_1567 : vector<16xi32>
        %gather3A_1569 = tpu.vector_load_idx %arg11[%add3A_1568] : memref<32000xi32, #tpu.memory_space<vmem>>[vector<16xi32>], vector<16xi32>,
        %get3A_1570 = arith.index_cast %add3A_1492 : i32 to index
        %get3A_1571 = arith.constant 32 : index
        %get3A_1572 = tpu.vector_load %arg13[%get3A_1570, %get3A_1571] {strides = array<i32>} : memref<80x64xi32, #tpu.memory_space<vmem>>, vector<16xi32>,
        %shift_left3A_1573 = arith.constant 16 : i32
        %shift_left3A_1574 = vector.broadcast %shift_left3A_1573 : i32 to vector<16xi32>
        %shift_left3A_1575 = arith.shli %get3A_1565, %shift_left3A_1574 : vector<16xi32>
        %bitcast_convert_type3A_1576 = tpu.bitcast %shift_left3A_1575 : vector<16xi32> -> vector<16xf32>
        %shift_left3A_1577 = arith.constant 16 : i32
        %shift_left3A_1578 = vector.broadcast %shift_left3A_1577 : i32 to vector<16xi32>
        %shift_left3A_1579 = arith.shli %gather3A_1569, %shift_left3A_1578 : vector<16xi32>
        %bitcast_convert_type3A_1580 = tpu.bitcast %shift_left3A_1579 : vector<16xi32> -> vector<16xf32>
        %shift_left3A_1581 = arith.constant 16 : i32
        %shift_left3A_1582 = vector.broadcast %shift_left3A_1581 : i32 to vector<16xi32>
        %shift_left3A_1583 = arith.shli %get3A_1572, %shift_left3A_1582 : vector<16xi32>
        %bitcast_convert_type3A_1584 = tpu.bitcast %shift_left3A_1583 : vector<16xi32> -> vector<16xf32>
        %bitcast_convert_type3A_1585 = tpu.bitcast %get3A_1565 : vector<16xi32> -> vector<16xf32>
        %bitcast_convert_type3A_1586 = tpu.bitcast %gather3A_1569 : vector<16xi32> -> vector<16xf32>
        %bitcast_convert_type3A_1587 = tpu.bitcast %get3A_1572 : vector<16xi32> -> vector<16xf32>
        %mul3A_1588 = arith.mulf %bitcast_convert_type3A_1576, %bitcast_convert_type3A_1580 : vector<16xf32>
        %mul3A_1589 = arith.mulf %mul3A_1588, %bitcast_convert_type3A_1584 : vector<16xf32>
        %add3A_1590 = arith.addf %add3A_1562, %mul3A_1589 : vector<16xf32>
        %mul3A_1591 = arith.mulf %bitcast_convert_type3A_1585, %bitcast_convert_type3A_1586 : vector<16xf32>
        %mul3A_1592 = arith.mulf %mul3A_1591, %bitcast_convert_type3A_1587 : vector<16xf32>
        %add3A_1593 = arith.addf %add3A_1590, %mul3A_1592 : vector<16xf32>
        %get3A_1594 = arith.index_cast %add3A_1492 : i32 to index
        %get3A_1595 = arith.constant 48 : index
        %get3A_1596 = tpu.vector_load %arg12[%get3A_1594, %get3A_1595] {strides = array<i32>} : memref<80x64xi32, #tpu.memory_space<vmem>>, vector<16xi32>,
        %add3A_1597 = arith.constant 48 : i32
        %add3A_1598 = vector.broadcast %add3A_1597 : i32 to vector<16xi32>
        %add3A_1599 = arith.addi %add3A_1498, %add3A_1598 : vector<16xi32>
        %gather3A_1600 = tpu.vector_load_idx %arg11[%add3A_1599] : memref<32000xi32, #tpu.memory_space<vmem>>[vector<16xi32>], vector<16xi32>,
        %get3A_1601 = arith.index_cast %add3A_1492 : i32 to index
        %get3A_1602 = arith.constant 48 : index
        %get3A_1603 = tpu.vector_load %arg13[%get3A_1601, %get3A_1602] {strides = array<i32>} : memref<80x64xi32, #tpu.memory_space<vmem>>, vector<16xi32>,
        %shift_left3A_1604 = arith.constant 16 : i32
        %shift_left3A_1605 = vector.broadcast %shift_left3A_1604 : i32 to vector<16xi32>
        %shift_left3A_1606 = arith.shli %get3A_1596, %shift_left3A_1605 : vector<16xi32>
        %bitcast_convert_type3A_1607 = tpu.bitcast %shift_left3A_1606 : vector<16xi32> -> vector<16xf32>
        %shift_left3A_1608 = arith.constant 16 : i32
        %shift_left3A_1609 = vector.broadcast %shift_left3A_1608 : i32 to vector<16xi32>
        %shift_left3A_1610 = arith.shli %gather3A_1600, %shift_left3A_1609 : vector<16xi32>
        %bitcast_convert_type3A_1611 = tpu.bitcast %shift_left3A_1610 : vector<16xi32> -> vector<16xf32>
        %shift_left3A_1612 = arith.constant 16 : i32
        %shift_left3A_1613 = vector.broadcast %shift_left3A_1612 : i32 to vector<16xi32>
        %shift_left3A_1614 = arith.shli %get3A_1603, %shift_left3A_1613 : vector<16xi32>
        %bitcast_convert_type3A_1615 = tpu.bitcast %shift_left3A_1614 : vector<16xi32> -> vector<16xf32>
        %bitcast_convert_type3A_1616 = tpu.bitcast %get3A_1596 : vector<16xi32> -> vector<16xf32>
        %bitcast_convert_type3A_1617 = tpu.bitcast %gather3A_1600 : vector<16xi32> -> vector<16xf32>
        %bitcast_convert_type3A_1618 = tpu.bitcast %get3A_1603 : vector<16xi32> -> vector<16xf32>
        %mul3A_1619 = arith.mulf %bitcast_convert_type3A_1607, %bitcast_convert_type3A_1611 : vector<16xf32>
        %mul3A_1620 = arith.mulf %mul3A_1619, %bitcast_convert_type3A_1615 : vector<16xf32>
        %add3A_1621 = arith.addf %add3A_1593, %mul3A_1620 : vector<16xf32>
        %mul3A_1622 = arith.mulf %bitcast_convert_type3A_1616, %bitcast_convert_type3A_1617 : vector<16xf32>
        %mul3A_1623 = arith.mulf %mul3A_1622, %bitcast_convert_type3A_1618 : vector<16xf32>
        %add3A_1624 = arith.addf %add3A_1621, %mul3A_1623 : vector<16xf32>
        %eq3A_1625 = arith.constant 10 : i32
        %eq3A_1626 = vector.broadcast %eq3A_1625 : i32 to vector<16xi32>
        %eq3A_1627 = arith.cmpi eq, %iota3A, %eq3A_1626 : vector<16xi32>
        %reduce_sum3A_1628 = arith.constant true
        %reduce_sum3A_1629 = vector.broadcast %reduce_sum3A_1628 : i1 to vector<16xi1>
        %reduce_sum3A_1630 = tpu.scan <sum>, %add3A_1624 masked %reduce_sum3A_1629 : vector<16xf32>, vector<16xi1> -> vector<16xf32>
        %reduce_sum3A_1631 = vector.extract %reduce_sum3A_1630[15] : f32 from vector<16xf32>
        %jit3A_1632 = arith.constant 0.000000e+00 : f32
        %broadcast_in_dim3A_1633 = vector.broadcast %reduce_sum3A_1631 : f32 to vector<16xf32>
        %broadcast_in_dim3A_1634 = vector.broadcast %jit3A_1632 : f32 to vector<16xf32>
        %select_n3A_1635 = arith.select %eq3A_1627, %broadcast_in_dim3A_1633, %broadcast_in_dim3A_1634 : vector<16xi1>, vector<16xf32>
        %add3A_1636 = arith.constant 11 : i32
        %add3A_1637 = arith.addi %mul3A_46, %add3A_1636 : i32
        %slice3A_1638 = vector.extract_strided_slice %get3A_50 {offsets = [11], sizes = [1], strides = [1]} : vector<16xi32> to vector<1xi32>
        %squeeze3A_1639 = vector.extract %slice3A_1638[0] : i32 from vector<1xi32>
        %mul3A_1640 = arith.constant 64 : i32
        %mul3A_1641 = arith.muli %squeeze3A_1639, %mul3A_1640 : i32
        %add3A_1642 = vector.broadcast %mul3A_1641 : i32 to vector<16xi32>
        %add3A_1643 = arith.addi %iota3A, %add3A_1642 : vector<16xi32>
        %broadcast_in_dim3A_1644 = arith.constant 0.000000e+00 : f32
        %broadcast_in_dim3A_1645 = vector.broadcast %broadcast_in_dim3A_1644 : f32 to vector<16xf32>
        %get3A_1646 = arith.index_cast %add3A_1637 : i32 to index
        %get3A_1647 = arith.constant 0 : index
        %get3A_1648 = tpu.vector_load %arg12[%get3A_1646, %get3A_1647] {strides = array<i32>} : memref<80x64xi32, #tpu.memory_space<vmem>>, vector<16xi32>,
        %add3A_1649 = arith.constant 0 : i32
        %add3A_1650 = vector.broadcast %add3A_1649 : i32 to vector<16xi32>
        %add3A_1651 = arith.addi %add3A_1643, %add3A_1650 : vector<16xi32>
        %gather3A_1652 = tpu.vector_load_idx %arg11[%add3A_1651] : memref<32000xi32, #tpu.memory_space<vmem>>[vector<16xi32>], vector<16xi32>,
        %get3A_1653 = arith.index_cast %add3A_1637 : i32 to index
        %get3A_1654 = arith.constant 0 : index
        %get3A_1655 = tpu.vector_load %arg13[%get3A_1653, %get3A_1654] {strides = array<i32>} : memref<80x64xi32, #tpu.memory_space<vmem>>, vector<16xi32>,
        %shift_left3A_1656 = arith.constant 16 : i32
        %shift_left3A_1657 = vector.broadcast %shift_left3A_1656 : i32 to vector<16xi32>
        %shift_left3A_1658 = arith.shli %get3A_1648, %shift_left3A_1657 : vector<16xi32>
        %bitcast_convert_type3A_1659 = tpu.bitcast %shift_left3A_1658 : vector<16xi32> -> vector<16xf32>
        %shift_left3A_1660 = arith.constant 16 : i32
        %shift_left3A_1661 = vector.broadcast %shift_left3A_1660 : i32 to vector<16xi32>
        %shift_left3A_1662 = arith.shli %gather3A_1652, %shift_left3A_1661 : vector<16xi32>
        %bitcast_convert_type3A_1663 = tpu.bitcast %shift_left3A_1662 : vector<16xi32> -> vector<16xf32>
        %shift_left3A_1664 = arith.constant 16 : i32
        %shift_left3A_1665 = vector.broadcast %shift_left3A_1664 : i32 to vector<16xi32>
        %shift_left3A_1666 = arith.shli %get3A_1655, %shift_left3A_1665 : vector<16xi32>
        %bitcast_convert_type3A_1667 = tpu.bitcast %shift_left3A_1666 : vector<16xi32> -> vector<16xf32>
        %bitcast_convert_type3A_1668 = tpu.bitcast %get3A_1648 : vector<16xi32> -> vector<16xf32>
        %bitcast_convert_type3A_1669 = tpu.bitcast %gather3A_1652 : vector<16xi32> -> vector<16xf32>
        %bitcast_convert_type3A_1670 = tpu.bitcast %get3A_1655 : vector<16xi32> -> vector<16xf32>
        %mul3A_1671 = arith.mulf %bitcast_convert_type3A_1659, %bitcast_convert_type3A_1663 : vector<16xf32>
        %mul3A_1672 = arith.mulf %mul3A_1671, %bitcast_convert_type3A_1667 : vector<16xf32>
        %add3A_1673 = arith.addf %broadcast_in_dim3A_1645, %mul3A_1672 : vector<16xf32>
        %mul3A_1674 = arith.mulf %bitcast_convert_type3A_1668, %bitcast_convert_type3A_1669 : vector<16xf32>
        %mul3A_1675 = arith.mulf %mul3A_1674, %bitcast_convert_type3A_1670 : vector<16xf32>
        %add3A_1676 = arith.addf %add3A_1673, %mul3A_1675 : vector<16xf32>
        %get3A_1677 = arith.index_cast %add3A_1637 : i32 to index
        %get3A_1678 = arith.constant 16 : index
        %get3A_1679 = tpu.vector_load %arg12[%get3A_1677, %get3A_1678] {strides = array<i32>} : memref<80x64xi32, #tpu.memory_space<vmem>>, vector<16xi32>,
        %add3A_1680 = arith.constant 16 : i32
        %add3A_1681 = vector.broadcast %add3A_1680 : i32 to vector<16xi32>
        %add3A_1682 = arith.addi %add3A_1643, %add3A_1681 : vector<16xi32>
        %gather3A_1683 = tpu.vector_load_idx %arg11[%add3A_1682] : memref<32000xi32, #tpu.memory_space<vmem>>[vector<16xi32>], vector<16xi32>,
        %get3A_1684 = arith.index_cast %add3A_1637 : i32 to index
        %get3A_1685 = arith.constant 16 : index
        %get3A_1686 = tpu.vector_load %arg13[%get3A_1684, %get3A_1685] {strides = array<i32>} : memref<80x64xi32, #tpu.memory_space<vmem>>, vector<16xi32>,
        %shift_left3A_1687 = arith.constant 16 : i32
        %shift_left3A_1688 = vector.broadcast %shift_left3A_1687 : i32 to vector<16xi32>
        %shift_left3A_1689 = arith.shli %get3A_1679, %shift_left3A_1688 : vector<16xi32>
        %bitcast_convert_type3A_1690 = tpu.bitcast %shift_left3A_1689 : vector<16xi32> -> vector<16xf32>
        %shift_left3A_1691 = arith.constant 16 : i32
        %shift_left3A_1692 = vector.broadcast %shift_left3A_1691 : i32 to vector<16xi32>
        %shift_left3A_1693 = arith.shli %gather3A_1683, %shift_left3A_1692 : vector<16xi32>
        %bitcast_convert_type3A_1694 = tpu.bitcast %shift_left3A_1693 : vector<16xi32> -> vector<16xf32>
        %shift_left3A_1695 = arith.constant 16 : i32
        %shift_left3A_1696 = vector.broadcast %shift_left3A_1695 : i32 to vector<16xi32>
        %shift_left3A_1697 = arith.shli %get3A_1686, %shift_left3A_1696 : vector<16xi32>
        %bitcast_convert_type3A_1698 = tpu.bitcast %shift_left3A_1697 : vector<16xi32> -> vector<16xf32>
        %bitcast_convert_type3A_1699 = tpu.bitcast %get3A_1679 : vector<16xi32> -> vector<16xf32>
        %bitcast_convert_type3A_1700 = tpu.bitcast %gather3A_1683 : vector<16xi32> -> vector<16xf32>
        %bitcast_convert_type3A_1701 = tpu.bitcast %get3A_1686 : vector<16xi32> -> vector<16xf32>
        %mul3A_1702 = arith.mulf %bitcast_convert_type3A_1690, %bitcast_convert_type3A_1694 : vector<16xf32>
        %mul3A_1703 = arith.mulf %mul3A_1702, %bitcast_convert_type3A_1698 : vector<16xf32>
        %add3A_1704 = arith.addf %add3A_1676, %mul3A_1703 : vector<16xf32>
        %mul3A_1705 = arith.mulf %bitcast_convert_type3A_1699, %bitcast_convert_type3A_1700 : vector<16xf32>
        %mul3A_1706 = arith.mulf %mul3A_1705, %bitcast_convert_type3A_1701 : vector<16xf32>
        %add3A_1707 = arith.addf %add3A_1704, %mul3A_1706 : vector<16xf32>
        %get3A_1708 = arith.index_cast %add3A_1637 : i32 to index
        %get3A_1709 = arith.constant 32 : index
        %get3A_1710 = tpu.vector_load %arg12[%get3A_1708, %get3A_1709] {strides = array<i32>} : memref<80x64xi32, #tpu.memory_space<vmem>>, vector<16xi32>,
        %add3A_1711 = arith.constant 32 : i32
        %add3A_1712 = vector.broadcast %add3A_1711 : i32 to vector<16xi32>
        %add3A_1713 = arith.addi %add3A_1643, %add3A_1712 : vector<16xi32>
        %gather3A_1714 = tpu.vector_load_idx %arg11[%add3A_1713] : memref<32000xi32, #tpu.memory_space<vmem>>[vector<16xi32>], vector<16xi32>,
        %get3A_1715 = arith.index_cast %add3A_1637 : i32 to index
        %get3A_1716 = arith.constant 32 : index
        %get3A_1717 = tpu.vector_load %arg13[%get3A_1715, %get3A_1716] {strides = array<i32>} : memref<80x64xi32, #tpu.memory_space<vmem>>, vector<16xi32>,
        %shift_left3A_1718 = arith.constant 16 : i32
        %shift_left3A_1719 = vector.broadcast %shift_left3A_1718 : i32 to vector<16xi32>
        %shift_left3A_1720 = arith.shli %get3A_1710, %shift_left3A_1719 : vector<16xi32>
        %bitcast_convert_type3A_1721 = tpu.bitcast %shift_left3A_1720 : vector<16xi32> -> vector<16xf32>
        %shift_left3A_1722 = arith.constant 16 : i32
        %shift_left3A_1723 = vector.broadcast %shift_left3A_1722 : i32 to vector<16xi32>
        %shift_left3A_1724 = arith.shli %gather3A_1714, %shift_left3A_1723 : vector<16xi32>
        %bitcast_convert_type3A_1725 = tpu.bitcast %shift_left3A_1724 : vector<16xi32> -> vector<16xf32>
        %shift_left3A_1726 = arith.constant 16 : i32
        %shift_left3A_1727 = vector.broadcast %shift_left3A_1726 : i32 to vector<16xi32>
        %shift_left3A_1728 = arith.shli %get3A_1717, %shift_left3A_1727 : vector<16xi32>
        %bitcast_convert_type3A_1729 = tpu.bitcast %shift_left3A_1728 : vector<16xi32> -> vector<16xf32>
        %bitcast_convert_type3A_1730 = tpu.bitcast %get3A_1710 : vector<16xi32> -> vector<16xf32>
        %bitcast_convert_type3A_1731 = tpu.bitcast %gather3A_1714 : vector<16xi32> -> vector<16xf32>
        %bitcast_convert_type3A_1732 = tpu.bitcast %get3A_1717 : vector<16xi32> -> vector<16xf32>
        %mul3A_1733 = arith.mulf %bitcast_convert_type3A_1721, %bitcast_convert_type3A_1725 : vector<16xf32>
        %mul3A_1734 = arith.mulf %mul3A_1733, %bitcast_convert_type3A_1729 : vector<16xf32>
        %add3A_1735 = arith.addf %add3A_1707, %mul3A_1734 : vector<16xf32>
        %mul3A_1736 = arith.mulf %bitcast_convert_type3A_1730, %bitcast_convert_type3A_1731 : vector<16xf32>
        %mul3A_1737 = arith.mulf %mul3A_1736, %bitcast_convert_type3A_1732 : vector<16xf32>
        %add3A_1738 = arith.addf %add3A_1735, %mul3A_1737 : vector<16xf32>
        %get3A_1739 = arith.index_cast %add3A_1637 : i32 to index
        %get3A_1740 = arith.constant 48 : index
        %get3A_1741 = tpu.vector_load %arg12[%get3A_1739, %get3A_1740] {strides = array<i32>} : memref<80x64xi32, #tpu.memory_space<vmem>>, vector<16xi32>,
        %add3A_1742 = arith.constant 48 : i32
        %add3A_1743 = vector.broadcast %add3A_1742 : i32 to vector<16xi32>
        %add3A_1744 = arith.addi %add3A_1643, %add3A_1743 : vector<16xi32>
        %gather3A_1745 = tpu.vector_load_idx %arg11[%add3A_1744] : memref<32000xi32, #tpu.memory_space<vmem>>[vector<16xi32>], vector<16xi32>,
        %get3A_1746 = arith.index_cast %add3A_1637 : i32 to index
        %get3A_1747 = arith.constant 48 : index
        %get3A_1748 = tpu.vector_load %arg13[%get3A_1746, %get3A_1747] {strides = array<i32>} : memref<80x64xi32, #tpu.memory_space<vmem>>, vector<16xi32>,
        %shift_left3A_1749 = arith.constant 16 : i32
        %shift_left3A_1750 = vector.broadcast %shift_left3A_1749 : i32 to vector<16xi32>
        %shift_left3A_1751 = arith.shli %get3A_1741, %shift_left3A_1750 : vector<16xi32>
        %bitcast_convert_type3A_1752 = tpu.bitcast %shift_left3A_1751 : vector<16xi32> -> vector<16xf32>
        %shift_left3A_1753 = arith.constant 16 : i32
        %shift_left3A_1754 = vector.broadcast %shift_left3A_1753 : i32 to vector<16xi32>
        %shift_left3A_1755 = arith.shli %gather3A_1745, %shift_left3A_1754 : vector<16xi32>
        %bitcast_convert_type3A_1756 = tpu.bitcast %shift_left3A_1755 : vector<16xi32> -> vector<16xf32>
        %shift_left3A_1757 = arith.constant 16 : i32
        %shift_left3A_1758 = vector.broadcast %shift_left3A_1757 : i32 to vector<16xi32>
        %shift_left3A_1759 = arith.shli %get3A_1748, %shift_left3A_1758 : vector<16xi32>
        %bitcast_convert_type3A_1760 = tpu.bitcast %shift_left3A_1759 : vector<16xi32> -> vector<16xf32>
        %bitcast_convert_type3A_1761 = tpu.bitcast %get3A_1741 : vector<16xi32> -> vector<16xf32>
        %bitcast_convert_type3A_1762 = tpu.bitcast %gather3A_1745 : vector<16xi32> -> vector<16xf32>
        %bitcast_convert_type3A_1763 = tpu.bitcast %get3A_1748 : vector<16xi32> -> vector<16xf32>
        %mul3A_1764 = arith.mulf %bitcast_convert_type3A_1752, %bitcast_convert_type3A_1756 : vector<16xf32>
        %mul3A_1765 = arith.mulf %mul3A_1764, %bitcast_convert_type3A_1760 : vector<16xf32>
        %add3A_1766 = arith.addf %add3A_1738, %mul3A_1765 : vector<16xf32>
        %mul3A_1767 = arith.mulf %bitcast_convert_type3A_1761, %bitcast_convert_type3A_1762 : vector<16xf32>
        %mul3A_1768 = arith.mulf %mul3A_1767, %bitcast_convert_type3A_1763 : vector<16xf32>
        %add3A_1769 = arith.addf %add3A_1766, %mul3A_1768 : vector<16xf32>
        %eq3A_1770 = arith.constant 11 : i32
        %eq3A_1771 = vector.broadcast %eq3A_1770 : i32 to vector<16xi32>
        %eq3A_1772 = arith.cmpi eq, %iota3A, %eq3A_1771 : vector<16xi32>
        %reduce_sum3A_1773 = arith.constant true
        %reduce_sum3A_1774 = vector.broadcast %reduce_sum3A_1773 : i1 to vector<16xi1>
        %reduce_sum3A_1775 = tpu.scan <sum>, %add3A_1769 masked %reduce_sum3A_1774 : vector<16xf32>, vector<16xi1> -> vector<16xf32>
        %reduce_sum3A_1776 = vector.extract %reduce_sum3A_1775[15] : f32 from vector<16xf32>
        %jit3A_1777 = arith.constant 0.000000e+00 : f32
        %broadcast_in_dim3A_1778 = vector.broadcast %reduce_sum3A_1776 : f32 to vector<16xf32>
        %broadcast_in_dim3A_1779 = vector.broadcast %jit3A_1777 : f32 to vector<16xf32>
        %select_n3A_1780 = arith.select %eq3A_1772, %broadcast_in_dim3A_1778, %broadcast_in_dim3A_1779 : vector<16xi1>, vector<16xf32>
        %add3A_1781 = arith.constant 12 : i32
        %add3A_1782 = arith.addi %mul3A_46, %add3A_1781 : i32
        %slice3A_1783 = vector.extract_strided_slice %get3A_50 {offsets = [12], sizes = [1], strides = [1]} : vector<16xi32> to vector<1xi32>
        %squeeze3A_1784 = vector.extract %slice3A_1783[0] : i32 from vector<1xi32>
        %mul3A_1785 = arith.constant 64 : i32
        %mul3A_1786 = arith.muli %squeeze3A_1784, %mul3A_1785 : i32
        %add3A_1787 = vector.broadcast %mul3A_1786 : i32 to vector<16xi32>
        %add3A_1788 = arith.addi %iota3A, %add3A_1787 : vector<16xi32>
        %broadcast_in_dim3A_1789 = arith.constant 0.000000e+00 : f32
        %broadcast_in_dim3A_1790 = vector.broadcast %broadcast_in_dim3A_1789 : f32 to vector<16xf32>
        %get3A_1791 = arith.index_cast %add3A_1782 : i32 to index
        %get3A_1792 = arith.constant 0 : index
        %get3A_1793 = tpu.vector_load %arg12[%get3A_1791, %get3A_1792] {strides = array<i32>} : memref<80x64xi32, #tpu.memory_space<vmem>>, vector<16xi32>,
        %add3A_1794 = arith.constant 0 : i32
        %add3A_1795 = vector.broadcast %add3A_1794 : i32 to vector<16xi32>
        %add3A_1796 = arith.addi %add3A_1788, %add3A_1795 : vector<16xi32>
        %gather3A_1797 = tpu.vector_load_idx %arg11[%add3A_1796] : memref<32000xi32, #tpu.memory_space<vmem>>[vector<16xi32>], vector<16xi32>,
        %get3A_1798 = arith.index_cast %add3A_1782 : i32 to index
        %get3A_1799 = arith.constant 0 : index
        %get3A_1800 = tpu.vector_load %arg13[%get3A_1798, %get3A_1799] {strides = array<i32>} : memref<80x64xi32, #tpu.memory_space<vmem>>, vector<16xi32>,
        %shift_left3A_1801 = arith.constant 16 : i32
        %shift_left3A_1802 = vector.broadcast %shift_left3A_1801 : i32 to vector<16xi32>
        %shift_left3A_1803 = arith.shli %get3A_1793, %shift_left3A_1802 : vector<16xi32>
        %bitcast_convert_type3A_1804 = tpu.bitcast %shift_left3A_1803 : vector<16xi32> -> vector<16xf32>
        %shift_left3A_1805 = arith.constant 16 : i32
        %shift_left3A_1806 = vector.broadcast %shift_left3A_1805 : i32 to vector<16xi32>
        %shift_left3A_1807 = arith.shli %gather3A_1797, %shift_left3A_1806 : vector<16xi32>
        %bitcast_convert_type3A_1808 = tpu.bitcast %shift_left3A_1807 : vector<16xi32> -> vector<16xf32>
        %shift_left3A_1809 = arith.constant 16 : i32
        %shift_left3A_1810 = vector.broadcast %shift_left3A_1809 : i32 to vector<16xi32>
        %shift_left3A_1811 = arith.shli %get3A_1800, %shift_left3A_1810 : vector<16xi32>
        %bitcast_convert_type3A_1812 = tpu.bitcast %shift_left3A_1811 : vector<16xi32> -> vector<16xf32>
        %bitcast_convert_type3A_1813 = tpu.bitcast %get3A_1793 : vector<16xi32> -> vector<16xf32>
        %bitcast_convert_type3A_1814 = tpu.bitcast %gather3A_1797 : vector<16xi32> -> vector<16xf32>
        %bitcast_convert_type3A_1815 = tpu.bitcast %get3A_1800 : vector<16xi32> -> vector<16xf32>
        %mul3A_1816 = arith.mulf %bitcast_convert_type3A_1804, %bitcast_convert_type3A_1808 : vector<16xf32>
        %mul3A_1817 = arith.mulf %mul3A_1816, %bitcast_convert_type3A_1812 : vector<16xf32>
        %add3A_1818 = arith.addf %broadcast_in_dim3A_1790, %mul3A_1817 : vector<16xf32>
        %mul3A_1819 = arith.mulf %bitcast_convert_type3A_1813, %bitcast_convert_type3A_1814 : vector<16xf32>
        %mul3A_1820 = arith.mulf %mul3A_1819, %bitcast_convert_type3A_1815 : vector<16xf32>
        %add3A_1821 = arith.addf %add3A_1818, %mul3A_1820 : vector<16xf32>
        %get3A_1822 = arith.index_cast %add3A_1782 : i32 to index
        %get3A_1823 = arith.constant 16 : index
        %get3A_1824 = tpu.vector_load %arg12[%get3A_1822, %get3A_1823] {strides = array<i32>} : memref<80x64xi32, #tpu.memory_space<vmem>>, vector<16xi32>,
        %add3A_1825 = arith.constant 16 : i32
        %add3A_1826 = vector.broadcast %add3A_1825 : i32 to vector<16xi32>
        %add3A_1827 = arith.addi %add3A_1788, %add3A_1826 : vector<16xi32>
        %gather3A_1828 = tpu.vector_load_idx %arg11[%add3A_1827] : memref<32000xi32, #tpu.memory_space<vmem>>[vector<16xi32>], vector<16xi32>,
        %get3A_1829 = arith.index_cast %add3A_1782 : i32 to index
        %get3A_1830 = arith.constant 16 : index
        %get3A_1831 = tpu.vector_load %arg13[%get3A_1829, %get3A_1830] {strides = array<i32>} : memref<80x64xi32, #tpu.memory_space<vmem>>, vector<16xi32>,
        %shift_left3A_1832 = arith.constant 16 : i32
        %shift_left3A_1833 = vector.broadcast %shift_left3A_1832 : i32 to vector<16xi32>
        %shift_left3A_1834 = arith.shli %get3A_1824, %shift_left3A_1833 : vector<16xi32>
        %bitcast_convert_type3A_1835 = tpu.bitcast %shift_left3A_1834 : vector<16xi32> -> vector<16xf32>
        %shift_left3A_1836 = arith.constant 16 : i32
        %shift_left3A_1837 = vector.broadcast %shift_left3A_1836 : i32 to vector<16xi32>
        %shift_left3A_1838 = arith.shli %gather3A_1828, %shift_left3A_1837 : vector<16xi32>
        %bitcast_convert_type3A_1839 = tpu.bitcast %shift_left3A_1838 : vector<16xi32> -> vector<16xf32>
        %shift_left3A_1840 = arith.constant 16 : i32
        %shift_left3A_1841 = vector.broadcast %shift_left3A_1840 : i32 to vector<16xi32>
        %shift_left3A_1842 = arith.shli %get3A_1831, %shift_left3A_1841 : vector<16xi32>
        %bitcast_convert_type3A_1843 = tpu.bitcast %shift_left3A_1842 : vector<16xi32> -> vector<16xf32>
        %bitcast_convert_type3A_1844 = tpu.bitcast %get3A_1824 : vector<16xi32> -> vector<16xf32>
        %bitcast_convert_type3A_1845 = tpu.bitcast %gather3A_1828 : vector<16xi32> -> vector<16xf32>
        %bitcast_convert_type3A_1846 = tpu.bitcast %get3A_1831 : vector<16xi32> -> vector<16xf32>
        %mul3A_1847 = arith.mulf %bitcast_convert_type3A_1835, %bitcast_convert_type3A_1839 : vector<16xf32>
        %mul3A_1848 = arith.mulf %mul3A_1847, %bitcast_convert_type3A_1843 : vector<16xf32>
        %add3A_1849 = arith.addf %add3A_1821, %mul3A_1848 : vector<16xf32>
        %mul3A_1850 = arith.mulf %bitcast_convert_type3A_1844, %bitcast_convert_type3A_1845 : vector<16xf32>
        %mul3A_1851 = arith.mulf %mul3A_1850, %bitcast_convert_type3A_1846 : vector<16xf32>
        %add3A_1852 = arith.addf %add3A_1849, %mul3A_1851 : vector<16xf32>
        %get3A_1853 = arith.index_cast %add3A_1782 : i32 to index
        %get3A_1854 = arith.constant 32 : index
        %get3A_1855 = tpu.vector_load %arg12[%get3A_1853, %get3A_1854] {strides = array<i32>} : memref<80x64xi32, #tpu.memory_space<vmem>>, vector<16xi32>,
        %add3A_1856 = arith.constant 32 : i32
        %add3A_1857 = vector.broadcast %add3A_1856 : i32 to vector<16xi32>
        %add3A_1858 = arith.addi %add3A_1788, %add3A_1857 : vector<16xi32>
        %gather3A_1859 = tpu.vector_load_idx %arg11[%add3A_1858] : memref<32000xi32, #tpu.memory_space<vmem>>[vector<16xi32>], vector<16xi32>,
        %get3A_1860 = arith.index_cast %add3A_1782 : i32 to index
        %get3A_1861 = arith.constant 32 : index
        %get3A_1862 = tpu.vector_load %arg13[%get3A_1860, %get3A_1861] {strides = array<i32>} : memref<80x64xi32, #tpu.memory_space<vmem>>, vector<16xi32>,
        %shift_left3A_1863 = arith.constant 16 : i32
        %shift_left3A_1864 = vector.broadcast %shift_left3A_1863 : i32 to vector<16xi32>
        %shift_left3A_1865 = arith.shli %get3A_1855, %shift_left3A_1864 : vector<16xi32>
        %bitcast_convert_type3A_1866 = tpu.bitcast %shift_left3A_1865 : vector<16xi32> -> vector<16xf32>
        %shift_left3A_1867 = arith.constant 16 : i32
        %shift_left3A_1868 = vector.broadcast %shift_left3A_1867 : i32 to vector<16xi32>
        %shift_left3A_1869 = arith.shli %gather3A_1859, %shift_left3A_1868 : vector<16xi32>
        %bitcast_convert_type3A_1870 = tpu.bitcast %shift_left3A_1869 : vector<16xi32> -> vector<16xf32>
        %shift_left3A_1871 = arith.constant 16 : i32
        %shift_left3A_1872 = vector.broadcast %shift_left3A_1871 : i32 to vector<16xi32>
        %shift_left3A_1873 = arith.shli %get3A_1862, %shift_left3A_1872 : vector<16xi32>
        %bitcast_convert_type3A_1874 = tpu.bitcast %shift_left3A_1873 : vector<16xi32> -> vector<16xf32>
        %bitcast_convert_type3A_1875 = tpu.bitcast %get3A_1855 : vector<16xi32> -> vector<16xf32>
        %bitcast_convert_type3A_1876 = tpu.bitcast %gather3A_1859 : vector<16xi32> -> vector<16xf32>
        %bitcast_convert_type3A_1877 = tpu.bitcast %get3A_1862 : vector<16xi32> -> vector<16xf32>
        %mul3A_1878 = arith.mulf %bitcast_convert_type3A_1866, %bitcast_convert_type3A_1870 : vector<16xf32>
        %mul3A_1879 = arith.mulf %mul3A_1878, %bitcast_convert_type3A_1874 : vector<16xf32>
        %add3A_1880 = arith.addf %add3A_1852, %mul3A_1879 : vector<16xf32>
        %mul3A_1881 = arith.mulf %bitcast_convert_type3A_1875, %bitcast_convert_type3A_1876 : vector<16xf32>
        %mul3A_1882 = arith.mulf %mul3A_1881, %bitcast_convert_type3A_1877 : vector<16xf32>
        %add3A_1883 = arith.addf %add3A_1880, %mul3A_1882 : vector<16xf32>
        %get3A_1884 = arith.index_cast %add3A_1782 : i32 to index
        %get3A_1885 = arith.constant 48 : index
        %get3A_1886 = tpu.vector_load %arg12[%get3A_1884, %get3A_1885] {strides = array<i32>} : memref<80x64xi32, #tpu.memory_space<vmem>>, vector<16xi32>,
        %add3A_1887 = arith.constant 48 : i32
        %add3A_1888 = vector.broadcast %add3A_1887 : i32 to vector<16xi32>
        %add3A_1889 = arith.addi %add3A_1788, %add3A_1888 : vector<16xi32>
        %gather3A_1890 = tpu.vector_load_idx %arg11[%add3A_1889] : memref<32000xi32, #tpu.memory_space<vmem>>[vector<16xi32>], vector<16xi32>,
        %get3A_1891 = arith.index_cast %add3A_1782 : i32 to index
        %get3A_1892 = arith.constant 48 : index
        %get3A_1893 = tpu.vector_load %arg13[%get3A_1891, %get3A_1892] {strides = array<i32>} : memref<80x64xi32, #tpu.memory_space<vmem>>, vector<16xi32>,
        %shift_left3A_1894 = arith.constant 16 : i32
        %shift_left3A_1895 = vector.broadcast %shift_left3A_1894 : i32 to vector<16xi32>
        %shift_left3A_1896 = arith.shli %get3A_1886, %shift_left3A_1895 : vector<16xi32>
        %bitcast_convert_type3A_1897 = tpu.bitcast %shift_left3A_1896 : vector<16xi32> -> vector<16xf32>
        %shift_left3A_1898 = arith.constant 16 : i32
        %shift_left3A_1899 = vector.broadcast %shift_left3A_1898 : i32 to vector<16xi32>
        %shift_left3A_1900 = arith.shli %gather3A_1890, %shift_left3A_1899 : vector<16xi32>
        %bitcast_convert_type3A_1901 = tpu.bitcast %shift_left3A_1900 : vector<16xi32> -> vector<16xf32>
        %shift_left3A_1902 = arith.constant 16 : i32
        %shift_left3A_1903 = vector.broadcast %shift_left3A_1902 : i32 to vector<16xi32>
        %shift_left3A_1904 = arith.shli %get3A_1893, %shift_left3A_1903 : vector<16xi32>
        %bitcast_convert_type3A_1905 = tpu.bitcast %shift_left3A_1904 : vector<16xi32> -> vector<16xf32>
        %bitcast_convert_type3A_1906 = tpu.bitcast %get3A_1886 : vector<16xi32> -> vector<16xf32>
        %bitcast_convert_type3A_1907 = tpu.bitcast %gather3A_1890 : vector<16xi32> -> vector<16xf32>
        %bitcast_convert_type3A_1908 = tpu.bitcast %get3A_1893 : vector<16xi32> -> vector<16xf32>
        %mul3A_1909 = arith.mulf %bitcast_convert_type3A_1897, %bitcast_convert_type3A_1901 : vector<16xf32>
        %mul3A_1910 = arith.mulf %mul3A_1909, %bitcast_convert_type3A_1905 : vector<16xf32>
        %add3A_1911 = arith.addf %add3A_1883, %mul3A_1910 : vector<16xf32>
        %mul3A_1912 = arith.mulf %bitcast_convert_type3A_1906, %bitcast_convert_type3A_1907 : vector<16xf32>
        %mul3A_1913 = arith.mulf %mul3A_1912, %bitcast_convert_type3A_1908 : vector<16xf32>
        %add3A_1914 = arith.addf %add3A_1911, %mul3A_1913 : vector<16xf32>
        %eq3A_1915 = arith.constant 12 : i32
        %eq3A_1916 = vector.broadcast %eq3A_1915 : i32 to vector<16xi32>
        %eq3A_1917 = arith.cmpi eq, %iota3A, %eq3A_1916 : vector<16xi32>
        %reduce_sum3A_1918 = arith.constant true
        %reduce_sum3A_1919 = vector.broadcast %reduce_sum3A_1918 : i1 to vector<16xi1>
        %reduce_sum3A_1920 = tpu.scan <sum>, %add3A_1914 masked %reduce_sum3A_1919 : vector<16xf32>, vector<16xi1> -> vector<16xf32>
        %reduce_sum3A_1921 = vector.extract %reduce_sum3A_1920[15] : f32 from vector<16xf32>
        %jit3A_1922 = arith.constant 0.000000e+00 : f32
        %broadcast_in_dim3A_1923 = vector.broadcast %reduce_sum3A_1921 : f32 to vector<16xf32>
        %broadcast_in_dim3A_1924 = vector.broadcast %jit3A_1922 : f32 to vector<16xf32>
        %select_n3A_1925 = arith.select %eq3A_1917, %broadcast_in_dim3A_1923, %broadcast_in_dim3A_1924 : vector<16xi1>, vector<16xf32>
        %add3A_1926 = arith.constant 13 : i32
        %add3A_1927 = arith.addi %mul3A_46, %add3A_1926 : i32
        %slice3A_1928 = vector.extract_strided_slice %get3A_50 {offsets = [13], sizes = [1], strides = [1]} : vector<16xi32> to vector<1xi32>
        %squeeze3A_1929 = vector.extract %slice3A_1928[0] : i32 from vector<1xi32>
        %mul3A_1930 = arith.constant 64 : i32
        %mul3A_1931 = arith.muli %squeeze3A_1929, %mul3A_1930 : i32
        %add3A_1932 = vector.broadcast %mul3A_1931 : i32 to vector<16xi32>
        %add3A_1933 = arith.addi %iota3A, %add3A_1932 : vector<16xi32>
        %broadcast_in_dim3A_1934 = arith.constant 0.000000e+00 : f32
        %broadcast_in_dim3A_1935 = vector.broadcast %broadcast_in_dim3A_1934 : f32 to vector<16xf32>
        %get3A_1936 = arith.index_cast %add3A_1927 : i32 to index
        %get3A_1937 = arith.constant 0 : index
        %get3A_1938 = tpu.vector_load %arg12[%get3A_1936, %get3A_1937] {strides = array<i32>} : memref<80x64xi32, #tpu.memory_space<vmem>>, vector<16xi32>,
        %add3A_1939 = arith.constant 0 : i32
        %add3A_1940 = vector.broadcast %add3A_1939 : i32 to vector<16xi32>
        %add3A_1941 = arith.addi %add3A_1933, %add3A_1940 : vector<16xi32>
        %gather3A_1942 = tpu.vector_load_idx %arg11[%add3A_1941] : memref<32000xi32, #tpu.memory_space<vmem>>[vector<16xi32>], vector<16xi32>,
        %get3A_1943 = arith.index_cast %add3A_1927 : i32 to index
        %get3A_1944 = arith.constant 0 : index
        %get3A_1945 = tpu.vector_load %arg13[%get3A_1943, %get3A_1944] {strides = array<i32>} : memref<80x64xi32, #tpu.memory_space<vmem>>, vector<16xi32>,
        %shift_left3A_1946 = arith.constant 16 : i32
        %shift_left3A_1947 = vector.broadcast %shift_left3A_1946 : i32 to vector<16xi32>
        %shift_left3A_1948 = arith.shli %get3A_1938, %shift_left3A_1947 : vector<16xi32>
        %bitcast_convert_type3A_1949 = tpu.bitcast %shift_left3A_1948 : vector<16xi32> -> vector<16xf32>
        %shift_left3A_1950 = arith.constant 16 : i32
        %shift_left3A_1951 = vector.broadcast %shift_left3A_1950 : i32 to vector<16xi32>
        %shift_left3A_1952 = arith.shli %gather3A_1942, %shift_left3A_1951 : vector<16xi32>
        %bitcast_convert_type3A_1953 = tpu.bitcast %shift_left3A_1952 : vector<16xi32> -> vector<16xf32>
        %shift_left3A_1954 = arith.constant 16 : i32
        %shift_left3A_1955 = vector.broadcast %shift_left3A_1954 : i32 to vector<16xi32>
        %shift_left3A_1956 = arith.shli %get3A_1945, %shift_left3A_1955 : vector<16xi32>
        %bitcast_convert_type3A_1957 = tpu.bitcast %shift_left3A_1956 : vector<16xi32> -> vector<16xf32>
        %bitcast_convert_type3A_1958 = tpu.bitcast %get3A_1938 : vector<16xi32> -> vector<16xf32>
        %bitcast_convert_type3A_1959 = tpu.bitcast %gather3A_1942 : vector<16xi32> -> vector<16xf32>
        %bitcast_convert_type3A_1960 = tpu.bitcast %get3A_1945 : vector<16xi32> -> vector<16xf32>
        %mul3A_1961 = arith.mulf %bitcast_convert_type3A_1949, %bitcast_convert_type3A_1953 : vector<16xf32>
        %mul3A_1962 = arith.mulf %mul3A_1961, %bitcast_convert_type3A_1957 : vector<16xf32>
        %add3A_1963 = arith.addf %broadcast_in_dim3A_1935, %mul3A_1962 : vector<16xf32>
        %mul3A_1964 = arith.mulf %bitcast_convert_type3A_1958, %bitcast_convert_type3A_1959 : vector<16xf32>
        %mul3A_1965 = arith.mulf %mul3A_1964, %bitcast_convert_type3A_1960 : vector<16xf32>
        %add3A_1966 = arith.addf %add3A_1963, %mul3A_1965 : vector<16xf32>
        %get3A_1967 = arith.index_cast %add3A_1927 : i32 to index
        %get3A_1968 = arith.constant 16 : index
        %get3A_1969 = tpu.vector_load %arg12[%get3A_1967, %get3A_1968] {strides = array<i32>} : memref<80x64xi32, #tpu.memory_space<vmem>>, vector<16xi32>,
        %add3A_1970 = arith.constant 16 : i32
        %add3A_1971 = vector.broadcast %add3A_1970 : i32 to vector<16xi32>
        %add3A_1972 = arith.addi %add3A_1933, %add3A_1971 : vector<16xi32>
        %gather3A_1973 = tpu.vector_load_idx %arg11[%add3A_1972] : memref<32000xi32, #tpu.memory_space<vmem>>[vector<16xi32>], vector<16xi32>,
        %get3A_1974 = arith.index_cast %add3A_1927 : i32 to index
        %get3A_1975 = arith.constant 16 : index
        %get3A_1976 = tpu.vector_load %arg13[%get3A_1974, %get3A_1975] {strides = array<i32>} : memref<80x64xi32, #tpu.memory_space<vmem>>, vector<16xi32>,
        %shift_left3A_1977 = arith.constant 16 : i32
        %shift_left3A_1978 = vector.broadcast %shift_left3A_1977 : i32 to vector<16xi32>
        %shift_left3A_1979 = arith.shli %get3A_1969, %shift_left3A_1978 : vector<16xi32>
        %bitcast_convert_type3A_1980 = tpu.bitcast %shift_left3A_1979 : vector<16xi32> -> vector<16xf32>
        %shift_left3A_1981 = arith.constant 16 : i32
        %shift_left3A_1982 = vector.broadcast %shift_left3A_1981 : i32 to vector<16xi32>
        %shift_left3A_1983 = arith.shli %gather3A_1973, %shift_left3A_1982 : vector<16xi32>
        %bitcast_convert_type3A_1984 = tpu.bitcast %shift_left3A_1983 : vector<16xi32> -> vector<16xf32>
        %shift_left3A_1985 = arith.constant 16 : i32
        %shift_left3A_1986 = vector.broadcast %shift_left3A_1985 : i32 to vector<16xi32>
        %shift_left3A_1987 = arith.shli %get3A_1976, %shift_left3A_1986 : vector<16xi32>
        %bitcast_convert_type3A_1988 = tpu.bitcast %shift_left3A_1987 : vector<16xi32> -> vector<16xf32>
        %bitcast_convert_type3A_1989 = tpu.bitcast %get3A_1969 : vector<16xi32> -> vector<16xf32>
        %bitcast_convert_type3A_1990 = tpu.bitcast %gather3A_1973 : vector<16xi32> -> vector<16xf32>
        %bitcast_convert_type3A_1991 = tpu.bitcast %get3A_1976 : vector<16xi32> -> vector<16xf32>
        %mul3A_1992 = arith.mulf %bitcast_convert_type3A_1980, %bitcast_convert_type3A_1984 : vector<16xf32>
        %mul3A_1993 = arith.mulf %mul3A_1992, %bitcast_convert_type3A_1988 : vector<16xf32>
        %add3A_1994 = arith.addf %add3A_1966, %mul3A_1993 : vector<16xf32>
        %mul3A_1995 = arith.mulf %bitcast_convert_type3A_1989, %bitcast_convert_type3A_1990 : vector<16xf32>
        %mul3A_1996 = arith.mulf %mul3A_1995, %bitcast_convert_type3A_1991 : vector<16xf32>
        %add3A_1997 = arith.addf %add3A_1994, %mul3A_1996 : vector<16xf32>
        %get3A_1998 = arith.index_cast %add3A_1927 : i32 to index
        %get3A_1999 = arith.constant 32 : index
        %get3A_2000 = tpu.vector_load %arg12[%get3A_1998, %get3A_1999] {strides = array<i32>} : memref<80x64xi32, #tpu.memory_space<vmem>>, vector<16xi32>,
        %add3A_2001 = arith.constant 32 : i32
        %add3A_2002 = vector.broadcast %add3A_2001 : i32 to vector<16xi32>
        %add3A_2003 = arith.addi %add3A_1933, %add3A_2002 : vector<16xi32>
        %gather3A_2004 = tpu.vector_load_idx %arg11[%add3A_2003] : memref<32000xi32, #tpu.memory_space<vmem>>[vector<16xi32>], vector<16xi32>,
        %get3A_2005 = arith.index_cast %add3A_1927 : i32 to index
        %get3A_2006 = arith.constant 32 : index
        %get3A_2007 = tpu.vector_load %arg13[%get3A_2005, %get3A_2006] {strides = array<i32>} : memref<80x64xi32, #tpu.memory_space<vmem>>, vector<16xi32>,
        %shift_left3A_2008 = arith.constant 16 : i32
        %shift_left3A_2009 = vector.broadcast %shift_left3A_2008 : i32 to vector<16xi32>
        %shift_left3A_2010 = arith.shli %get3A_2000, %shift_left3A_2009 : vector<16xi32>
        %bitcast_convert_type3A_2011 = tpu.bitcast %shift_left3A_2010 : vector<16xi32> -> vector<16xf32>
        %shift_left3A_2012 = arith.constant 16 : i32
        %shift_left3A_2013 = vector.broadcast %shift_left3A_2012 : i32 to vector<16xi32>
        %shift_left3A_2014 = arith.shli %gather3A_2004, %shift_left3A_2013 : vector<16xi32>
        %bitcast_convert_type3A_2015 = tpu.bitcast %shift_left3A_2014 : vector<16xi32> -> vector<16xf32>
        %shift_left3A_2016 = arith.constant 16 : i32
        %shift_left3A_2017 = vector.broadcast %shift_left3A_2016 : i32 to vector<16xi32>
        %shift_left3A_2018 = arith.shli %get3A_2007, %shift_left3A_2017 : vector<16xi32>
        %bitcast_convert_type3A_2019 = tpu.bitcast %shift_left3A_2018 : vector<16xi32> -> vector<16xf32>
        %bitcast_convert_type3A_2020 = tpu.bitcast %get3A_2000 : vector<16xi32> -> vector<16xf32>
        %bitcast_convert_type3A_2021 = tpu.bitcast %gather3A_2004 : vector<16xi32> -> vector<16xf32>
        %bitcast_convert_type3A_2022 = tpu.bitcast %get3A_2007 : vector<16xi32> -> vector<16xf32>
        %mul3A_2023 = arith.mulf %bitcast_convert_type3A_2011, %bitcast_convert_type3A_2015 : vector<16xf32>
        %mul3A_2024 = arith.mulf %mul3A_2023, %bitcast_convert_type3A_2019 : vector<16xf32>
        %add3A_2025 = arith.addf %add3A_1997, %mul3A_2024 : vector<16xf32>
        %mul3A_2026 = arith.mulf %bitcast_convert_type3A_2020, %bitcast_convert_type3A_2021 : vector<16xf32>
        %mul3A_2027 = arith.mulf %mul3A_2026, %bitcast_convert_type3A_2022 : vector<16xf32>
        %add3A_2028 = arith.addf %add3A_2025, %mul3A_2027 : vector<16xf32>
        %get3A_2029 = arith.index_cast %add3A_1927 : i32 to index
        %get3A_2030 = arith.constant 48 : index
        %get3A_2031 = tpu.vector_load %arg12[%get3A_2029, %get3A_2030] {strides = array<i32>} : memref<80x64xi32, #tpu.memory_space<vmem>>, vector<16xi32>,
        %add3A_2032 = arith.constant 48 : i32
        %add3A_2033 = vector.broadcast %add3A_2032 : i32 to vector<16xi32>
        %add3A_2034 = arith.addi %add3A_1933, %add3A_2033 : vector<16xi32>
        %gather3A_2035 = tpu.vector_load_idx %arg11[%add3A_2034] : memref<32000xi32, #tpu.memory_space<vmem>>[vector<16xi32>], vector<16xi32>,
        %get3A_2036 = arith.index_cast %add3A_1927 : i32 to index
        %get3A_2037 = arith.constant 48 : index
        %get3A_2038 = tpu.vector_load %arg13[%get3A_2036, %get3A_2037] {strides = array<i32>} : memref<80x64xi32, #tpu.memory_space<vmem>>, vector<16xi32>,
        %shift_left3A_2039 = arith.constant 16 : i32
        %shift_left3A_2040 = vector.broadcast %shift_left3A_2039 : i32 to vector<16xi32>
        %shift_left3A_2041 = arith.shli %get3A_2031, %shift_left3A_2040 : vector<16xi32>
        %bitcast_convert_type3A_2042 = tpu.bitcast %shift_left3A_2041 : vector<16xi32> -> vector<16xf32>
        %shift_left3A_2043 = arith.constant 16 : i32
        %shift_left3A_2044 = vector.broadcast %shift_left3A_2043 : i32 to vector<16xi32>
        %shift_left3A_2045 = arith.shli %gather3A_2035, %shift_left3A_2044 : vector<16xi32>
        %bitcast_convert_type3A_2046 = tpu.bitcast %shift_left3A_2045 : vector<16xi32> -> vector<16xf32>
        %shift_left3A_2047 = arith.constant 16 : i32
        %shift_left3A_2048 = vector.broadcast %shift_left3A_2047 : i32 to vector<16xi32>
        %shift_left3A_2049 = arith.shli %get3A_2038, %shift_left3A_2048 : vector<16xi32>
        %bitcast_convert_type3A_2050 = tpu.bitcast %shift_left3A_2049 : vector<16xi32> -> vector<16xf32>
        %bitcast_convert_type3A_2051 = tpu.bitcast %get3A_2031 : vector<16xi32> -> vector<16xf32>
        %bitcast_convert_type3A_2052 = tpu.bitcast %gather3A_2035 : vector<16xi32> -> vector<16xf32>
        %bitcast_convert_type3A_2053 = tpu.bitcast %get3A_2038 : vector<16xi32> -> vector<16xf32>
        %mul3A_2054 = arith.mulf %bitcast_convert_type3A_2042, %bitcast_convert_type3A_2046 : vector<16xf32>
        %mul3A_2055 = arith.mulf %mul3A_2054, %bitcast_convert_type3A_2050 : vector<16xf32>
        %add3A_2056 = arith.addf %add3A_2028, %mul3A_2055 : vector<16xf32>
        %mul3A_2057 = arith.mulf %bitcast_convert_type3A_2051, %bitcast_convert_type3A_2052 : vector<16xf32>
        %mul3A_2058 = arith.mulf %mul3A_2057, %bitcast_convert_type3A_2053 : vector<16xf32>
        %add3A_2059 = arith.addf %add3A_2056, %mul3A_2058 : vector<16xf32>
        %eq3A_2060 = arith.constant 13 : i32
        %eq3A_2061 = vector.broadcast %eq3A_2060 : i32 to vector<16xi32>
        %eq3A_2062 = arith.cmpi eq, %iota3A, %eq3A_2061 : vector<16xi32>
        %reduce_sum3A_2063 = arith.constant true
        %reduce_sum3A_2064 = vector.broadcast %reduce_sum3A_2063 : i1 to vector<16xi1>
        %reduce_sum3A_2065 = tpu.scan <sum>, %add3A_2059 masked %reduce_sum3A_2064 : vector<16xf32>, vector<16xi1> -> vector<16xf32>
        %reduce_sum3A_2066 = vector.extract %reduce_sum3A_2065[15] : f32 from vector<16xf32>
        %jit3A_2067 = arith.constant 0.000000e+00 : f32
        %broadcast_in_dim3A_2068 = vector.broadcast %reduce_sum3A_2066 : f32 to vector<16xf32>
        %broadcast_in_dim3A_2069 = vector.broadcast %jit3A_2067 : f32 to vector<16xf32>
        %select_n3A_2070 = arith.select %eq3A_2062, %broadcast_in_dim3A_2068, %broadcast_in_dim3A_2069 : vector<16xi1>, vector<16xf32>
        %add3A_2071 = arith.constant 14 : i32
        %add3A_2072 = arith.addi %mul3A_46, %add3A_2071 : i32
        %slice3A_2073 = vector.extract_strided_slice %get3A_50 {offsets = [14], sizes = [1], strides = [1]} : vector<16xi32> to vector<1xi32>
        %squeeze3A_2074 = vector.extract %slice3A_2073[0] : i32 from vector<1xi32>
        %mul3A_2075 = arith.constant 64 : i32
        %mul3A_2076 = arith.muli %squeeze3A_2074, %mul3A_2075 : i32
        %add3A_2077 = vector.broadcast %mul3A_2076 : i32 to vector<16xi32>
        %add3A_2078 = arith.addi %iota3A, %add3A_2077 : vector<16xi32>
        %broadcast_in_dim3A_2079 = arith.constant 0.000000e+00 : f32
        %broadcast_in_dim3A_2080 = vector.broadcast %broadcast_in_dim3A_2079 : f32 to vector<16xf32>
        %get3A_2081 = arith.index_cast %add3A_2072 : i32 to index
        %get3A_2082 = arith.constant 0 : index
        %get3A_2083 = tpu.vector_load %arg12[%get3A_2081, %get3A_2082] {strides = array<i32>} : memref<80x64xi32, #tpu.memory_space<vmem>>, vector<16xi32>,
        %add3A_2084 = arith.constant 0 : i32
        %add3A_2085 = vector.broadcast %add3A_2084 : i32 to vector<16xi32>
        %add3A_2086 = arith.addi %add3A_2078, %add3A_2085 : vector<16xi32>
        %gather3A_2087 = tpu.vector_load_idx %arg11[%add3A_2086] : memref<32000xi32, #tpu.memory_space<vmem>>[vector<16xi32>], vector<16xi32>,
        %get3A_2088 = arith.index_cast %add3A_2072 : i32 to index
        %get3A_2089 = arith.constant 0 : index
        %get3A_2090 = tpu.vector_load %arg13[%get3A_2088, %get3A_2089] {strides = array<i32>} : memref<80x64xi32, #tpu.memory_space<vmem>>, vector<16xi32>,
        %shift_left3A_2091 = arith.constant 16 : i32
        %shift_left3A_2092 = vector.broadcast %shift_left3A_2091 : i32 to vector<16xi32>
        %shift_left3A_2093 = arith.shli %get3A_2083, %shift_left3A_2092 : vector<16xi32>
        %bitcast_convert_type3A_2094 = tpu.bitcast %shift_left3A_2093 : vector<16xi32> -> vector<16xf32>
        %shift_left3A_2095 = arith.constant 16 : i32
        %shift_left3A_2096 = vector.broadcast %shift_left3A_2095 : i32 to vector<16xi32>
        %shift_left3A_2097 = arith.shli %gather3A_2087, %shift_left3A_2096 : vector<16xi32>
        %bitcast_convert_type3A_2098 = tpu.bitcast %shift_left3A_2097 : vector<16xi32> -> vector<16xf32>
        %shift_left3A_2099 = arith.constant 16 : i32
        %shift_left3A_2100 = vector.broadcast %shift_left3A_2099 : i32 to vector<16xi32>
        %shift_left3A_2101 = arith.shli %get3A_2090, %shift_left3A_2100 : vector<16xi32>
        %bitcast_convert_type3A_2102 = tpu.bitcast %shift_left3A_2101 : vector<16xi32> -> vector<16xf32>
        %bitcast_convert_type3A_2103 = tpu.bitcast %get3A_2083 : vector<16xi32> -> vector<16xf32>
        %bitcast_convert_type3A_2104 = tpu.bitcast %gather3A_2087 : vector<16xi32> -> vector<16xf32>
        %bitcast_convert_type3A_2105 = tpu.bitcast %get3A_2090 : vector<16xi32> -> vector<16xf32>
        %mul3A_2106 = arith.mulf %bitcast_convert_type3A_2094, %bitcast_convert_type3A_2098 : vector<16xf32>
        %mul3A_2107 = arith.mulf %mul3A_2106, %bitcast_convert_type3A_2102 : vector<16xf32>
        %add3A_2108 = arith.addf %broadcast_in_dim3A_2080, %mul3A_2107 : vector<16xf32>
        %mul3A_2109 = arith.mulf %bitcast_convert_type3A_2103, %bitcast_convert_type3A_2104 : vector<16xf32>
        %mul3A_2110 = arith.mulf %mul3A_2109, %bitcast_convert_type3A_2105 : vector<16xf32>
        %add3A_2111 = arith.addf %add3A_2108, %mul3A_2110 : vector<16xf32>
        %get3A_2112 = arith.index_cast %add3A_2072 : i32 to index
        %get3A_2113 = arith.constant 16 : index
        %get3A_2114 = tpu.vector_load %arg12[%get3A_2112, %get3A_2113] {strides = array<i32>} : memref<80x64xi32, #tpu.memory_space<vmem>>, vector<16xi32>,
        %add3A_2115 = arith.constant 16 : i32
        %add3A_2116 = vector.broadcast %add3A_2115 : i32 to vector<16xi32>
        %add3A_2117 = arith.addi %add3A_2078, %add3A_2116 : vector<16xi32>
        %gather3A_2118 = tpu.vector_load_idx %arg11[%add3A_2117] : memref<32000xi32, #tpu.memory_space<vmem>>[vector<16xi32>], vector<16xi32>,
        %get3A_2119 = arith.index_cast %add3A_2072 : i32 to index
        %get3A_2120 = arith.constant 16 : index
        %get3A_2121 = tpu.vector_load %arg13[%get3A_2119, %get3A_2120] {strides = array<i32>} : memref<80x64xi32, #tpu.memory_space<vmem>>, vector<16xi32>,
        %shift_left3A_2122 = arith.constant 16 : i32
        %shift_left3A_2123 = vector.broadcast %shift_left3A_2122 : i32 to vector<16xi32>
        %shift_left3A_2124 = arith.shli %get3A_2114, %shift_left3A_2123 : vector<16xi32>
        %bitcast_convert_type3A_2125 = tpu.bitcast %shift_left3A_2124 : vector<16xi32> -> vector<16xf32>
        %shift_left3A_2126 = arith.constant 16 : i32
        %shift_left3A_2127 = vector.broadcast %shift_left3A_2126 : i32 to vector<16xi32>
        %shift_left3A_2128 = arith.shli %gather3A_2118, %shift_left3A_2127 : vector<16xi32>
        %bitcast_convert_type3A_2129 = tpu.bitcast %shift_left3A_2128 : vector<16xi32> -> vector<16xf32>
        %shift_left3A_2130 = arith.constant 16 : i32
        %shift_left3A_2131 = vector.broadcast %shift_left3A_2130 : i32 to vector<16xi32>
        %shift_left3A_2132 = arith.shli %get3A_2121, %shift_left3A_2131 : vector<16xi32>
        %bitcast_convert_type3A_2133 = tpu.bitcast %shift_left3A_2132 : vector<16xi32> -> vector<16xf32>
        %bitcast_convert_type3A_2134 = tpu.bitcast %get3A_2114 : vector<16xi32> -> vector<16xf32>
        %bitcast_convert_type3A_2135 = tpu.bitcast %gather3A_2118 : vector<16xi32> -> vector<16xf32>
        %bitcast_convert_type3A_2136 = tpu.bitcast %get3A_2121 : vector<16xi32> -> vector<16xf32>
        %mul3A_2137 = arith.mulf %bitcast_convert_type3A_2125, %bitcast_convert_type3A_2129 : vector<16xf32>
        %mul3A_2138 = arith.mulf %mul3A_2137, %bitcast_convert_type3A_2133 : vector<16xf32>
        %add3A_2139 = arith.addf %add3A_2111, %mul3A_2138 : vector<16xf32>
        %mul3A_2140 = arith.mulf %bitcast_convert_type3A_2134, %bitcast_convert_type3A_2135 : vector<16xf32>
        %mul3A_2141 = arith.mulf %mul3A_2140, %bitcast_convert_type3A_2136 : vector<16xf32>
        %add3A_2142 = arith.addf %add3A_2139, %mul3A_2141 : vector<16xf32>
        %get3A_2143 = arith.index_cast %add3A_2072 : i32 to index
        %get3A_2144 = arith.constant 32 : index
        %get3A_2145 = tpu.vector_load %arg12[%get3A_2143, %get3A_2144] {strides = array<i32>} : memref<80x64xi32, #tpu.memory_space<vmem>>, vector<16xi32>,
        %add3A_2146 = arith.constant 32 : i32
        %add3A_2147 = vector.broadcast %add3A_2146 : i32 to vector<16xi32>
        %add3A_2148 = arith.addi %add3A_2078, %add3A_2147 : vector<16xi32>
        %gather3A_2149 = tpu.vector_load_idx %arg11[%add3A_2148] : memref<32000xi32, #tpu.memory_space<vmem>>[vector<16xi32>], vector<16xi32>,
        %get3A_2150 = arith.index_cast %add3A_2072 : i32 to index
        %get3A_2151 = arith.constant 32 : index
        %get3A_2152 = tpu.vector_load %arg13[%get3A_2150, %get3A_2151] {strides = array<i32>} : memref<80x64xi32, #tpu.memory_space<vmem>>, vector<16xi32>,
        %shift_left3A_2153 = arith.constant 16 : i32
        %shift_left3A_2154 = vector.broadcast %shift_left3A_2153 : i32 to vector<16xi32>
        %shift_left3A_2155 = arith.shli %get3A_2145, %shift_left3A_2154 : vector<16xi32>
        %bitcast_convert_type3A_2156 = tpu.bitcast %shift_left3A_2155 : vector<16xi32> -> vector<16xf32>
        %shift_left3A_2157 = arith.constant 16 : i32
        %shift_left3A_2158 = vector.broadcast %shift_left3A_2157 : i32 to vector<16xi32>
        %shift_left3A_2159 = arith.shli %gather3A_2149, %shift_left3A_2158 : vector<16xi32>
        %bitcast_convert_type3A_2160 = tpu.bitcast %shift_left3A_2159 : vector<16xi32> -> vector<16xf32>
        %shift_left3A_2161 = arith.constant 16 : i32
        %shift_left3A_2162 = vector.broadcast %shift_left3A_2161 : i32 to vector<16xi32>
        %shift_left3A_2163 = arith.shli %get3A_2152, %shift_left3A_2162 : vector<16xi32>
        %bitcast_convert_type3A_2164 = tpu.bitcast %shift_left3A_2163 : vector<16xi32> -> vector<16xf32>
        %bitcast_convert_type3A_2165 = tpu.bitcast %get3A_2145 : vector<16xi32> -> vector<16xf32>
        %bitcast_convert_type3A_2166 = tpu.bitcast %gather3A_2149 : vector<16xi32> -> vector<16xf32>
        %bitcast_convert_type3A_2167 = tpu.bitcast %get3A_2152 : vector<16xi32> -> vector<16xf32>
        %mul3A_2168 = arith.mulf %bitcast_convert_type3A_2156, %bitcast_convert_type3A_2160 : vector<16xf32>
        %mul3A_2169 = arith.mulf %mul3A_2168, %bitcast_convert_type3A_2164 : vector<16xf32>
        %add3A_2170 = arith.addf %add3A_2142, %mul3A_2169 : vector<16xf32>
        %mul3A_2171 = arith.mulf %bitcast_convert_type3A_2165, %bitcast_convert_type3A_2166 : vector<16xf32>
        %mul3A_2172 = arith.mulf %mul3A_2171, %bitcast_convert_type3A_2167 : vector<16xf32>
        %add3A_2173 = arith.addf %add3A_2170, %mul3A_2172 : vector<16xf32>
        %get3A_2174 = arith.index_cast %add3A_2072 : i32 to index
        %get3A_2175 = arith.constant 48 : index
        %get3A_2176 = tpu.vector_load %arg12[%get3A_2174, %get3A_2175] {strides = array<i32>} : memref<80x64xi32, #tpu.memory_space<vmem>>, vector<16xi32>,
        %add3A_2177 = arith.constant 48 : i32
        %add3A_2178 = vector.broadcast %add3A_2177 : i32 to vector<16xi32>
        %add3A_2179 = arith.addi %add3A_2078, %add3A_2178 : vector<16xi32>
        %gather3A_2180 = tpu.vector_load_idx %arg11[%add3A_2179] : memref<32000xi32, #tpu.memory_space<vmem>>[vector<16xi32>], vector<16xi32>,
        %get3A_2181 = arith.index_cast %add3A_2072 : i32 to index
        %get3A_2182 = arith.constant 48 : index
        %get3A_2183 = tpu.vector_load %arg13[%get3A_2181, %get3A_2182] {strides = array<i32>} : memref<80x64xi32, #tpu.memory_space<vmem>>, vector<16xi32>,
        %shift_left3A_2184 = arith.constant 16 : i32
        %shift_left3A_2185 = vector.broadcast %shift_left3A_2184 : i32 to vector<16xi32>
        %shift_left3A_2186 = arith.shli %get3A_2176, %shift_left3A_2185 : vector<16xi32>
        %bitcast_convert_type3A_2187 = tpu.bitcast %shift_left3A_2186 : vector<16xi32> -> vector<16xf32>
        %shift_left3A_2188 = arith.constant 16 : i32
        %shift_left3A_2189 = vector.broadcast %shift_left3A_2188 : i32 to vector<16xi32>
        %shift_left3A_2190 = arith.shli %gather3A_2180, %shift_left3A_2189 : vector<16xi32>
        %bitcast_convert_type3A_2191 = tpu.bitcast %shift_left3A_2190 : vector<16xi32> -> vector<16xf32>
        %shift_left3A_2192 = arith.constant 16 : i32
        %shift_left3A_2193 = vector.broadcast %shift_left3A_2192 : i32 to vector<16xi32>
        %shift_left3A_2194 = arith.shli %get3A_2183, %shift_left3A_2193 : vector<16xi32>
        %bitcast_convert_type3A_2195 = tpu.bitcast %shift_left3A_2194 : vector<16xi32> -> vector<16xf32>
        %bitcast_convert_type3A_2196 = tpu.bitcast %get3A_2176 : vector<16xi32> -> vector<16xf32>
        %bitcast_convert_type3A_2197 = tpu.bitcast %gather3A_2180 : vector<16xi32> -> vector<16xf32>
        %bitcast_convert_type3A_2198 = tpu.bitcast %get3A_2183 : vector<16xi32> -> vector<16xf32>
        %mul3A_2199 = arith.mulf %bitcast_convert_type3A_2187, %bitcast_convert_type3A_2191 : vector<16xf32>
        %mul3A_2200 = arith.mulf %mul3A_2199, %bitcast_convert_type3A_2195 : vector<16xf32>
        %add3A_2201 = arith.addf %add3A_2173, %mul3A_2200 : vector<16xf32>
        %mul3A_2202 = arith.mulf %bitcast_convert_type3A_2196, %bitcast_convert_type3A_2197 : vector<16xf32>
        %mul3A_2203 = arith.mulf %mul3A_2202, %bitcast_convert_type3A_2198 : vector<16xf32>
        %add3A_2204 = arith.addf %add3A_2201, %mul3A_2203 : vector<16xf32>
        %eq3A_2205 = arith.constant 14 : i32
        %eq3A_2206 = vector.broadcast %eq3A_2205 : i32 to vector<16xi32>
        %eq3A_2207 = arith.cmpi eq, %iota3A, %eq3A_2206 : vector<16xi32>
        %reduce_sum3A_2208 = arith.constant true
        %reduce_sum3A_2209 = vector.broadcast %reduce_sum3A_2208 : i1 to vector<16xi1>
        %reduce_sum3A_2210 = tpu.scan <sum>, %add3A_2204 masked %reduce_sum3A_2209 : vector<16xf32>, vector<16xi1> -> vector<16xf32>
        %reduce_sum3A_2211 = vector.extract %reduce_sum3A_2210[15] : f32 from vector<16xf32>
        %jit3A_2212 = arith.constant 0.000000e+00 : f32
        %broadcast_in_dim3A_2213 = vector.broadcast %reduce_sum3A_2211 : f32 to vector<16xf32>
        %broadcast_in_dim3A_2214 = vector.broadcast %jit3A_2212 : f32 to vector<16xf32>
        %select_n3A_2215 = arith.select %eq3A_2207, %broadcast_in_dim3A_2213, %broadcast_in_dim3A_2214 : vector<16xi1>, vector<16xf32>
        %add3A_2216 = arith.constant 15 : i32
        %add3A_2217 = arith.addi %mul3A_46, %add3A_2216 : i32
        %slice3A_2218 = vector.extract_strided_slice %get3A_50 {offsets = [15], sizes = [1], strides = [1]} : vector<16xi32> to vector<1xi32>
        %squeeze3A_2219 = vector.extract %slice3A_2218[0] : i32 from vector<1xi32>
        %mul3A_2220 = arith.constant 64 : i32
        %mul3A_2221 = arith.muli %squeeze3A_2219, %mul3A_2220 : i32
        %add3A_2222 = vector.broadcast %mul3A_2221 : i32 to vector<16xi32>
        %add3A_2223 = arith.addi %iota3A, %add3A_2222 : vector<16xi32>
        %broadcast_in_dim3A_2224 = arith.constant 0.000000e+00 : f32
        %broadcast_in_dim3A_2225 = vector.broadcast %broadcast_in_dim3A_2224 : f32 to vector<16xf32>
        %get3A_2226 = arith.index_cast %add3A_2217 : i32 to index
        %get3A_2227 = arith.constant 0 : index
        %get3A_2228 = tpu.vector_load %arg12[%get3A_2226, %get3A_2227] {strides = array<i32>} : memref<80x64xi32, #tpu.memory_space<vmem>>, vector<16xi32>,
        %add3A_2229 = arith.constant 0 : i32
        %add3A_2230 = vector.broadcast %add3A_2229 : i32 to vector<16xi32>
        %add3A_2231 = arith.addi %add3A_2223, %add3A_2230 : vector<16xi32>
        %gather3A_2232 = tpu.vector_load_idx %arg11[%add3A_2231] : memref<32000xi32, #tpu.memory_space<vmem>>[vector<16xi32>], vector<16xi32>,
        %get3A_2233 = arith.index_cast %add3A_2217 : i32 to index
        %get3A_2234 = arith.constant 0 : index
        %get3A_2235 = tpu.vector_load %arg13[%get3A_2233, %get3A_2234] {strides = array<i32>} : memref<80x64xi32, #tpu.memory_space<vmem>>, vector<16xi32>,
        %shift_left3A_2236 = arith.constant 16 : i32
        %shift_left3A_2237 = vector.broadcast %shift_left3A_2236 : i32 to vector<16xi32>
        %shift_left3A_2238 = arith.shli %get3A_2228, %shift_left3A_2237 : vector<16xi32>
        %bitcast_convert_type3A_2239 = tpu.bitcast %shift_left3A_2238 : vector<16xi32> -> vector<16xf32>
        %shift_left3A_2240 = arith.constant 16 : i32
        %shift_left3A_2241 = vector.broadcast %shift_left3A_2240 : i32 to vector<16xi32>
        %shift_left3A_2242 = arith.shli %gather3A_2232, %shift_left3A_2241 : vector<16xi32>
        %bitcast_convert_type3A_2243 = tpu.bitcast %shift_left3A_2242 : vector<16xi32> -> vector<16xf32>
        %shift_left3A_2244 = arith.constant 16 : i32
        %shift_left3A_2245 = vector.broadcast %shift_left3A_2244 : i32 to vector<16xi32>
        %shift_left3A_2246 = arith.shli %get3A_2235, %shift_left3A_2245 : vector<16xi32>
        %bitcast_convert_type3A_2247 = tpu.bitcast %shift_left3A_2246 : vector<16xi32> -> vector<16xf32>
        %bitcast_convert_type3A_2248 = tpu.bitcast %get3A_2228 : vector<16xi32> -> vector<16xf32>
        %bitcast_convert_type3A_2249 = tpu.bitcast %gather3A_2232 : vector<16xi32> -> vector<16xf32>
        %bitcast_convert_type3A_2250 = tpu.bitcast %get3A_2235 : vector<16xi32> -> vector<16xf32>
        %mul3A_2251 = arith.mulf %bitcast_convert_type3A_2239, %bitcast_convert_type3A_2243 : vector<16xf32>
        %mul3A_2252 = arith.mulf %mul3A_2251, %bitcast_convert_type3A_2247 : vector<16xf32>
        %add3A_2253 = arith.addf %broadcast_in_dim3A_2225, %mul3A_2252 : vector<16xf32>
        %mul3A_2254 = arith.mulf %bitcast_convert_type3A_2248, %bitcast_convert_type3A_2249 : vector<16xf32>
        %mul3A_2255 = arith.mulf %mul3A_2254, %bitcast_convert_type3A_2250 : vector<16xf32>
        %add3A_2256 = arith.addf %add3A_2253, %mul3A_2255 : vector<16xf32>
        %get3A_2257 = arith.index_cast %add3A_2217 : i32 to index
        %get3A_2258 = arith.constant 16 : index
        %get3A_2259 = tpu.vector_load %arg12[%get3A_2257, %get3A_2258] {strides = array<i32>} : memref<80x64xi32, #tpu.memory_space<vmem>>, vector<16xi32>,
        %add3A_2260 = arith.constant 16 : i32
        %add3A_2261 = vector.broadcast %add3A_2260 : i32 to vector<16xi32>
        %add3A_2262 = arith.addi %add3A_2223, %add3A_2261 : vector<16xi32>
        %gather3A_2263 = tpu.vector_load_idx %arg11[%add3A_2262] : memref<32000xi32, #tpu.memory_space<vmem>>[vector<16xi32>], vector<16xi32>,
        %get3A_2264 = arith.index_cast %add3A_2217 : i32 to index
        %get3A_2265 = arith.constant 16 : index
        %get3A_2266 = tpu.vector_load %arg13[%get3A_2264, %get3A_2265] {strides = array<i32>} : memref<80x64xi32, #tpu.memory_space<vmem>>, vector<16xi32>,
        %shift_left3A_2267 = arith.constant 16 : i32
        %shift_left3A_2268 = vector.broadcast %shift_left3A_2267 : i32 to vector<16xi32>
        %shift_left3A_2269 = arith.shli %get3A_2259, %shift_left3A_2268 : vector<16xi32>
        %bitcast_convert_type3A_2270 = tpu.bitcast %shift_left3A_2269 : vector<16xi32> -> vector<16xf32>
        %shift_left3A_2271 = arith.constant 16 : i32
        %shift_left3A_2272 = vector.broadcast %shift_left3A_2271 : i32 to vector<16xi32>
        %shift_left3A_2273 = arith.shli %gather3A_2263, %shift_left3A_2272 : vector<16xi32>
        %bitcast_convert_type3A_2274 = tpu.bitcast %shift_left3A_2273 : vector<16xi32> -> vector<16xf32>
        %shift_left3A_2275 = arith.constant 16 : i32
        %shift_left3A_2276 = vector.broadcast %shift_left3A_2275 : i32 to vector<16xi32>
        %shift_left3A_2277 = arith.shli %get3A_2266, %shift_left3A_2276 : vector<16xi32>
        %bitcast_convert_type3A_2278 = tpu.bitcast %shift_left3A_2277 : vector<16xi32> -> vector<16xf32>
        %bitcast_convert_type3A_2279 = tpu.bitcast %get3A_2259 : vector<16xi32> -> vector<16xf32>
        %bitcast_convert_type3A_2280 = tpu.bitcast %gather3A_2263 : vector<16xi32> -> vector<16xf32>
        %bitcast_convert_type3A_2281 = tpu.bitcast %get3A_2266 : vector<16xi32> -> vector<16xf32>
        %mul3A_2282 = arith.mulf %bitcast_convert_type3A_2270, %bitcast_convert_type3A_2274 : vector<16xf32>
        %mul3A_2283 = arith.mulf %mul3A_2282, %bitcast_convert_type3A_2278 : vector<16xf32>
        %add3A_2284 = arith.addf %add3A_2256, %mul3A_2283 : vector<16xf32>
        %mul3A_2285 = arith.mulf %bitcast_convert_type3A_2279, %bitcast_convert_type3A_2280 : vector<16xf32>
        %mul3A_2286 = arith.mulf %mul3A_2285, %bitcast_convert_type3A_2281 : vector<16xf32>
        %add3A_2287 = arith.addf %add3A_2284, %mul3A_2286 : vector<16xf32>
        %get3A_2288 = arith.index_cast %add3A_2217 : i32 to index
        %get3A_2289 = arith.constant 32 : index
        %get3A_2290 = tpu.vector_load %arg12[%get3A_2288, %get3A_2289] {strides = array<i32>} : memref<80x64xi32, #tpu.memory_space<vmem>>, vector<16xi32>,
        %add3A_2291 = arith.constant 32 : i32
        %add3A_2292 = vector.broadcast %add3A_2291 : i32 to vector<16xi32>
        %add3A_2293 = arith.addi %add3A_2223, %add3A_2292 : vector<16xi32>
        %gather3A_2294 = tpu.vector_load_idx %arg11[%add3A_2293] : memref<32000xi32, #tpu.memory_space<vmem>>[vector<16xi32>], vector<16xi32>,
        %get3A_2295 = arith.index_cast %add3A_2217 : i32 to index
        %get3A_2296 = arith.constant 32 : index
        %get3A_2297 = tpu.vector_load %arg13[%get3A_2295, %get3A_2296] {strides = array<i32>} : memref<80x64xi32, #tpu.memory_space<vmem>>, vector<16xi32>,
        %shift_left3A_2298 = arith.constant 16 : i32
        %shift_left3A_2299 = vector.broadcast %shift_left3A_2298 : i32 to vector<16xi32>
        %shift_left3A_2300 = arith.shli %get3A_2290, %shift_left3A_2299 : vector<16xi32>
        %bitcast_convert_type3A_2301 = tpu.bitcast %shift_left3A_2300 : vector<16xi32> -> vector<16xf32>
        %shift_left3A_2302 = arith.constant 16 : i32
        %shift_left3A_2303 = vector.broadcast %shift_left3A_2302 : i32 to vector<16xi32>
        %shift_left3A_2304 = arith.shli %gather3A_2294, %shift_left3A_2303 : vector<16xi32>
        %bitcast_convert_type3A_2305 = tpu.bitcast %shift_left3A_2304 : vector<16xi32> -> vector<16xf32>
        %shift_left3A_2306 = arith.constant 16 : i32
        %shift_left3A_2307 = vector.broadcast %shift_left3A_2306 : i32 to vector<16xi32>
        %shift_left3A_2308 = arith.shli %get3A_2297, %shift_left3A_2307 : vector<16xi32>
        %bitcast_convert_type3A_2309 = tpu.bitcast %shift_left3A_2308 : vector<16xi32> -> vector<16xf32>
        %bitcast_convert_type3A_2310 = tpu.bitcast %get3A_2290 : vector<16xi32> -> vector<16xf32>
        %bitcast_convert_type3A_2311 = tpu.bitcast %gather3A_2294 : vector<16xi32> -> vector<16xf32>
        %bitcast_convert_type3A_2312 = tpu.bitcast %get3A_2297 : vector<16xi32> -> vector<16xf32>
        %mul3A_2313 = arith.mulf %bitcast_convert_type3A_2301, %bitcast_convert_type3A_2305 : vector<16xf32>
        %mul3A_2314 = arith.mulf %mul3A_2313, %bitcast_convert_type3A_2309 : vector<16xf32>
        %add3A_2315 = arith.addf %add3A_2287, %mul3A_2314 : vector<16xf32>
        %mul3A_2316 = arith.mulf %bitcast_convert_type3A_2310, %bitcast_convert_type3A_2311 : vector<16xf32>
        %mul3A_2317 = arith.mulf %mul3A_2316, %bitcast_convert_type3A_2312 : vector<16xf32>
        %add3A_2318 = arith.addf %add3A_2315, %mul3A_2317 : vector<16xf32>
        %get3A_2319 = arith.index_cast %add3A_2217 : i32 to index
        %get3A_2320 = arith.constant 48 : index
        %get3A_2321 = tpu.vector_load %arg12[%get3A_2319, %get3A_2320] {strides = array<i32>} : memref<80x64xi32, #tpu.memory_space<vmem>>, vector<16xi32>,
        %add3A_2322 = arith.constant 48 : i32
        %add3A_2323 = vector.broadcast %add3A_2322 : i32 to vector<16xi32>
        %add3A_2324 = arith.addi %add3A_2223, %add3A_2323 : vector<16xi32>
        %gather3A_2325 = tpu.vector_load_idx %arg11[%add3A_2324] : memref<32000xi32, #tpu.memory_space<vmem>>[vector<16xi32>], vector<16xi32>,
        %get3A_2326 = arith.index_cast %add3A_2217 : i32 to index
        %get3A_2327 = arith.constant 48 : index
        %get3A_2328 = tpu.vector_load %arg13[%get3A_2326, %get3A_2327] {strides = array<i32>} : memref<80x64xi32, #tpu.memory_space<vmem>>, vector<16xi32>,
        %shift_left3A_2329 = arith.constant 16 : i32
        %shift_left3A_2330 = vector.broadcast %shift_left3A_2329 : i32 to vector<16xi32>
        %shift_left3A_2331 = arith.shli %get3A_2321, %shift_left3A_2330 : vector<16xi32>
        %bitcast_convert_type3A_2332 = tpu.bitcast %shift_left3A_2331 : vector<16xi32> -> vector<16xf32>
        %shift_left3A_2333 = arith.constant 16 : i32
        %shift_left3A_2334 = vector.broadcast %shift_left3A_2333 : i32 to vector<16xi32>
        %shift_left3A_2335 = arith.shli %gather3A_2325, %shift_left3A_2334 : vector<16xi32>
        %bitcast_convert_type3A_2336 = tpu.bitcast %shift_left3A_2335 : vector<16xi32> -> vector<16xf32>
        %shift_left3A_2337 = arith.constant 16 : i32
        %shift_left3A_2338 = vector.broadcast %shift_left3A_2337 : i32 to vector<16xi32>
        %shift_left3A_2339 = arith.shli %get3A_2328, %shift_left3A_2338 : vector<16xi32>
        %bitcast_convert_type3A_2340 = tpu.bitcast %shift_left3A_2339 : vector<16xi32> -> vector<16xf32>
        %bitcast_convert_type3A_2341 = tpu.bitcast %get3A_2321 : vector<16xi32> -> vector<16xf32>
        %bitcast_convert_type3A_2342 = tpu.bitcast %gather3A_2325 : vector<16xi32> -> vector<16xf32>
        %bitcast_convert_type3A_2343 = tpu.bitcast %get3A_2328 : vector<16xi32> -> vector<16xf32>
        %mul3A_2344 = arith.mulf %bitcast_convert_type3A_2332, %bitcast_convert_type3A_2336 : vector<16xf32>
        %mul3A_2345 = arith.mulf %mul3A_2344, %bitcast_convert_type3A_2340 : vector<16xf32>
        %add3A_2346 = arith.addf %add3A_2318, %mul3A_2345 : vector<16xf32>
        %mul3A_2347 = arith.mulf %bitcast_convert_type3A_2341, %bitcast_convert_type3A_2342 : vector<16xf32>
        %mul3A_2348 = arith.mulf %mul3A_2347, %bitcast_convert_type3A_2343 : vector<16xf32>
        %add3A_2349 = arith.addf %add3A_2346, %mul3A_2348 : vector<16xf32>
        %eq3A_2350 = arith.constant 15 : i32
        %eq3A_2351 = vector.broadcast %eq3A_2350 : i32 to vector<16xi32>
        %eq3A_2352 = arith.cmpi eq, %iota3A, %eq3A_2351 : vector<16xi32>
        %reduce_sum3A_2353 = arith.constant true
        %reduce_sum3A_2354 = vector.broadcast %reduce_sum3A_2353 : i1 to vector<16xi1>
        %reduce_sum3A_2355 = tpu.scan <sum>, %add3A_2349 masked %reduce_sum3A_2354 : vector<16xf32>, vector<16xi1> -> vector<16xf32>
        %reduce_sum3A_2356 = vector.extract %reduce_sum3A_2355[15] : f32 from vector<16xf32>
        %jit3A_2357 = arith.constant 0.000000e+00 : f32
        %broadcast_in_dim3A_2358 = vector.broadcast %reduce_sum3A_2356 : f32 to vector<16xf32>
        %broadcast_in_dim3A_2359 = vector.broadcast %jit3A_2357 : f32 to vector<16xf32>
        %select_n3A_2360 = arith.select %eq3A_2352, %broadcast_in_dim3A_2358, %broadcast_in_dim3A_2359 : vector<16xi1>, vector<16xf32>
        %add3A_2361 = arith.addf %select_n3A, %select_n3A_330 : vector<16xf32>
        %add3A_2362 = arith.addf %select_n3A_475, %select_n3A_620 : vector<16xf32>
        %add3A_2363 = arith.addf %select_n3A_765, %select_n3A_910 : vector<16xf32>
        %add3A_2364 = arith.addf %select_n3A_1055, %select_n3A_1200 : vector<16xf32>
        %add3A_2365 = arith.addf %select_n3A_1345, %select_n3A_1490 : vector<16xf32>
        %add3A_2366 = arith.addf %select_n3A_1635, %select_n3A_1780 : vector<16xf32>
        %add3A_2367 = arith.addf %select_n3A_1925, %select_n3A_2070 : vector<16xf32>
        %add3A_2368 = arith.addf %select_n3A_2215, %select_n3A_2360 : vector<16xf32>
        %add3A_2369 = arith.addf %add3A_2361, %add3A_2362 : vector<16xf32>
        %add3A_2370 = arith.addf %add3A_2363, %add3A_2364 : vector<16xf32>
        %add3A_2371 = arith.addf %add3A_2365, %add3A_2366 : vector<16xf32>
        %add3A_2372 = arith.addf %add3A_2367, %add3A_2368 : vector<16xf32>
        %add3A_2373 = arith.addf %add3A_2369, %add3A_2370 : vector<16xf32>
        %add3A_2374 = arith.addf %add3A_2371, %add3A_2372 : vector<16xf32>
        %add3A_2375 = arith.addf %add3A_2373, %add3A_2374 : vector<16xf32>
        %mul3A_2376 = arith.constant 80 : i32
        %mul3A_2377 = arith.muli %mul3A_19, %mul3A_2376 : i32
        %add3A_2378 = arith.addi %mul3A_2377, %mul3A_46 : i32
        %swap3A = arith.index_cast %add3A_2378 : i32 to index
        %swap3A_2379 = tpu.vector_load %arg16[%swap3A] {strides = array<i32>} : memref<10000xf32, #tpu.memory_space<vmem>>, vector<16xf32>,
        tpu.vector_store %arg16[%swap3A], %add3A_2375 {strides = array<i32>} : memref<10000xf32, #tpu.memory_space<vmem>>, vector<16xf32>,
      }
      %scan3A_38 = arith.constant 5 : i32
      %lt3A_39 = arith.constant 125 : i32
      %lt3A_40 = arith.cmpi slt, %add3A_21, %lt3A_39 : i32
      %convert_element_type3A_41 = arith.extui %lt3A_40 : i1 to i32
      %cond3A_42 = arith.constant 0 : i32
      %cond3A_43 = arith.cmpi ne, %convert_element_type3A_41, %cond3A_42 : i32
      scf.if %cond3A_43 {
        %add3A_44 = arith.constant 1 : i32
        %add3A_45 = arith.addi %add3A_21, %add3A_44 : i32
        %lt3A_46 = arith.constant 125 : i32
        %lt3A_47 = arith.cmpi slt, %add3A_45, %lt3A_46 : i32
        %convert_element_type3A_48 = arith.extui %lt3A_47 : i1 to i32
        %cond3A_49 = arith.constant 0 : i32
        %cond3A_50 = arith.cmpi ne, %convert_element_type3A_48, %cond3A_49 : i32
        scf.if %cond3A_50 {
          %add3A_67 = arith.constant 1 : i32
          %add3A_68 = arith.addi %add3A_21, %add3A_67 : i32
          %mul3A_69 = arith.constant 80 : i32
          %mul3A_70 = arith.muli %add3A_68, %mul3A_69 : i32
          %dma_start3A_71 = tpu.memref_slice %arg8[%mul3A_70] : memref<10000xi32, #tpu.memory_space<vmem>> -> memref<80xi32, #tpu.memory_space<vmem>>
          %dma_start3A_72 = arith.constant 0 : i32
          %dma_start3A_73 = arith.constant 0 : i32
          %dma_start3A_74 = tpu.memref_slice %arg5[%dma_start3A_72, %dma_start3A_73] : memref<10000x64xi32, #tpu.memory_space<hbm>> -> memref<10000x64xi32, #tpu.memory_space<hbm>>
          tpu.enqueue_indirect_dma source(%dma_start3A_74 : memref<10000x64xi32, #tpu.memory_space<hbm>>) target(%arg12 : memref<80x64xi32, #tpu.memory_space<vmem>>) offsets(%dma_start3A_71 : memref<80xi32, #tpu.memory_space<vmem>>) semaphore(%arg17 : memref<!tpu.dma_semaphore, #tpu.memory_space<semaphore_mem>>)
          %dma_start3A_75 = tpu.memref_slice %arg9[%mul3A_70] : memref<10000xi32, #tpu.memory_space<vmem>> -> memref<80xi32, #tpu.memory_space<vmem>>
          %dma_start3A_76 = arith.constant 0 : i32
          %dma_start3A_77 = arith.constant 0 : i32
          %dma_start3A_78 = tpu.memref_slice %arg5[%dma_start3A_76, %dma_start3A_77] : memref<10000x64xi32, #tpu.memory_space<hbm>> -> memref<10000x64xi32, #tpu.memory_space<hbm>>
          tpu.enqueue_indirect_dma source(%dma_start3A_78 : memref<10000x64xi32, #tpu.memory_space<hbm>>) target(%arg13 : memref<80x64xi32, #tpu.memory_space<vmem>>) offsets(%dma_start3A_75 : memref<80xi32, #tpu.memory_space<vmem>>) semaphore(%arg17 : memref<!tpu.dma_semaphore, #tpu.memory_space<semaphore_mem>>)
        } else {
        }
        %dma_wait3A_51 = arith.constant 0 : i32
        %dma_wait3A_52 = tpu.memref_slice %arg8[%dma_wait3A_51] : memref<10000xi32, #tpu.memory_space<vmem>> -> memref<80xi32, #tpu.memory_space<vmem>>
        %dma_wait3A_53 = arith.constant 0 : i32
        %dma_wait3A_54 = arith.constant 0 : i32
        %dma_wait3A_55 = tpu.memref_slice %arg5[%dma_wait3A_53, %dma_wait3A_54] : memref<10000x64xi32, #tpu.memory_space<hbm>> -> memref<10000x64xi32, #tpu.memory_space<hbm>>
        tpu.wait_indirect_dma semaphore(%arg18 : memref<!tpu.dma_semaphore, #tpu.memory_space<semaphore_mem>>) src(%dma_wait3A_55 : memref<10000x64xi32, #tpu.memory_space<hbm>>) dst(%arg14 : memref<80x64xi32, #tpu.memory_space<vmem>>)
        %dma_wait3A_56 = arith.constant 0 : i32
        %dma_wait3A_57 = tpu.memref_slice %arg9[%dma_wait3A_56] : memref<10000xi32, #tpu.memory_space<vmem>> -> memref<80xi32, #tpu.memory_space<vmem>>
        %dma_wait3A_58 = arith.constant 0 : i32
        %dma_wait3A_59 = arith.constant 0 : i32
        %dma_wait3A_60 = tpu.memref_slice %arg5[%dma_wait3A_58, %dma_wait3A_59] : memref<10000x64xi32, #tpu.memory_space<hbm>> -> memref<10000x64xi32, #tpu.memory_space<hbm>>
        tpu.wait_indirect_dma semaphore(%arg18 : memref<!tpu.dma_semaphore, #tpu.memory_space<semaphore_mem>>) src(%dma_wait3A_60 : memref<10000x64xi32, #tpu.memory_space<hbm>>) dst(%arg15 : memref<80x64xi32, #tpu.memory_space<vmem>>)
        %scan3A_61 = arith.constant 0 : i32
        %scan3A_62 = arith.constant 0 : i32
        %scan3A_63 = arith.constant 5 : i32
        %scan3A_64 = arith.addi %scan3A_62, %scan3A_63 : i32
        %scan3A_65 = arith.constant 1 : i32
        scf.for %scan3A_67 = %scan3A_62 to %scan3A_64 step %scan3A_65  : i32 {
          %mul3A_68 = arith.constant 16 : i32
          %mul3A_69 = arith.muli %scan3A_67, %mul3A_68 : i32
          %mul3A_70 = arith.constant 80 : i32
          %mul3A_71 = arith.muli %add3A_21, %mul3A_70 : i32
          %add3A_72 = arith.addi %mul3A_71, %mul3A_69 : i32
          %get3A = arith.index_cast %add3A_72 : i32 to index
          %get3A_73 = tpu.vector_load %arg10[%get3A] {strides = array<i32>} : memref<10000xi32, #tpu.memory_space<vmem>>, vector<16xi32>,
          %add3A_74 = arith.constant 0 : i32
          %add3A_75 = arith.addi %mul3A_69, %add3A_74 : i32
          %slice3A = vector.extract_strided_slice %get3A_73 {offsets = [0], sizes = [1], strides = [1]} : vector<16xi32> to vector<1xi32>
          %squeeze3A = vector.extract %slice3A[0] : i32 from vector<1xi32>
          %mul3A_76 = arith.constant 64 : i32
          %mul3A_77 = arith.muli %squeeze3A, %mul3A_76 : i32
          %add3A_78 = vector.broadcast %mul3A_77 : i32 to vector<16xi32>
          %add3A_79 = arith.addi %iota3A, %add3A_78 : vector<16xi32>
          %broadcast_in_dim3A = arith.constant 0.000000e+00 : f32
          %broadcast_in_dim3A_80 = vector.broadcast %broadcast_in_dim3A : f32 to vector<16xf32>
          %get3A_81 = arith.index_cast %add3A_75 : i32 to index
          %get3A_82 = arith.constant 0 : index
          %get3A_83 = tpu.vector_load %arg14[%get3A_81, %get3A_82] {strides = array<i32>} : memref<80x64xi32, #tpu.memory_space<vmem>>, vector<16xi32>,
          %add3A_84 = arith.constant 0 : i32
          %add3A_85 = vector.broadcast %add3A_84 : i32 to vector<16xi32>
          %add3A_86 = arith.addi %add3A_79, %add3A_85 : vector<16xi32>
          %gather3A = tpu.vector_load_idx %arg11[%add3A_86] : memref<32000xi32, #tpu.memory_space<vmem>>[vector<16xi32>], vector<16xi32>,
          %get3A_87 = arith.index_cast %add3A_75 : i32 to index
          %get3A_88 = arith.constant 0 : index
          %get3A_89 = tpu.vector_load %arg15[%get3A_87, %get3A_88] {strides = array<i32>} : memref<80x64xi32, #tpu.memory_space<vmem>>, vector<16xi32>,
          %shift_left3A = arith.constant 16 : i32
          %shift_left3A_90 = vector.broadcast %shift_left3A : i32 to vector<16xi32>
          %shift_left3A_91 = arith.shli %get3A_83, %shift_left3A_90 : vector<16xi32>
          %bitcast_convert_type3A = tpu.bitcast %shift_left3A_91 : vector<16xi32> -> vector<16xf32>
          %shift_left3A_92 = arith.constant 16 : i32
          %shift_left3A_93 = vector.broadcast %shift_left3A_92 : i32 to vector<16xi32>
          %shift_left3A_94 = arith.shli %gather3A, %shift_left3A_93 : vector<16xi32>
          %bitcast_convert_type3A_95 = tpu.bitcast %shift_left3A_94 : vector<16xi32> -> vector<16xf32>
          %shift_left3A_96 = arith.constant 16 : i32
          %shift_left3A_97 = vector.broadcast %shift_left3A_96 : i32 to vector<16xi32>
          %shift_left3A_98 = arith.shli %get3A_89, %shift_left3A_97 : vector<16xi32>
          %bitcast_convert_type3A_99 = tpu.bitcast %shift_left3A_98 : vector<16xi32> -> vector<16xf32>
          %bitcast_convert_type3A_100 = tpu.bitcast %get3A_83 : vector<16xi32> -> vector<16xf32>
          %bitcast_convert_type3A_101 = tpu.bitcast %gather3A : vector<16xi32> -> vector<16xf32>
          %bitcast_convert_type3A_102 = tpu.bitcast %get3A_89 : vector<16xi32> -> vector<16xf32>
          %mul3A_103 = arith.mulf %bitcast_convert_type3A, %bitcast_convert_type3A_95 : vector<16xf32>
          %mul3A_104 = arith.mulf %mul3A_103, %bitcast_convert_type3A_99 : vector<16xf32>
          %add3A_105 = arith.addf %broadcast_in_dim3A_80, %mul3A_104 : vector<16xf32>
          %mul3A_106 = arith.mulf %bitcast_convert_type3A_100, %bitcast_convert_type3A_101 : vector<16xf32>
          %mul3A_107 = arith.mulf %mul3A_106, %bitcast_convert_type3A_102 : vector<16xf32>
          %add3A_108 = arith.addf %add3A_105, %mul3A_107 : vector<16xf32>
          %get3A_109 = arith.index_cast %add3A_75 : i32 to index
          %get3A_110 = arith.constant 16 : index
          %get3A_111 = tpu.vector_load %arg14[%get3A_109, %get3A_110] {strides = array<i32>} : memref<80x64xi32, #tpu.memory_space<vmem>>, vector<16xi32>,
          %add3A_112 = arith.constant 16 : i32
          %add3A_113 = vector.broadcast %add3A_112 : i32 to vector<16xi32>
          %add3A_114 = arith.addi %add3A_79, %add3A_113 : vector<16xi32>
          %gather3A_115 = tpu.vector_load_idx %arg11[%add3A_114] : memref<32000xi32, #tpu.memory_space<vmem>>[vector<16xi32>], vector<16xi32>,
          %get3A_116 = arith.index_cast %add3A_75 : i32 to index
          %get3A_117 = arith.constant 16 : index
          %get3A_118 = tpu.vector_load %arg15[%get3A_116, %get3A_117] {strides = array<i32>} : memref<80x64xi32, #tpu.memory_space<vmem>>, vector<16xi32>,
          %shift_left3A_119 = arith.constant 16 : i32
          %shift_left3A_120 = vector.broadcast %shift_left3A_119 : i32 to vector<16xi32>
          %shift_left3A_121 = arith.shli %get3A_111, %shift_left3A_120 : vector<16xi32>
          %bitcast_convert_type3A_122 = tpu.bitcast %shift_left3A_121 : vector<16xi32> -> vector<16xf32>
          %shift_left3A_123 = arith.constant 16 : i32
          %shift_left3A_124 = vector.broadcast %shift_left3A_123 : i32 to vector<16xi32>
          %shift_left3A_125 = arith.shli %gather3A_115, %shift_left3A_124 : vector<16xi32>
          %bitcast_convert_type3A_126 = tpu.bitcast %shift_left3A_125 : vector<16xi32> -> vector<16xf32>
          %shift_left3A_127 = arith.constant 16 : i32
          %shift_left3A_128 = vector.broadcast %shift_left3A_127 : i32 to vector<16xi32>
          %shift_left3A_129 = arith.shli %get3A_118, %shift_left3A_128 : vector<16xi32>
          %bitcast_convert_type3A_130 = tpu.bitcast %shift_left3A_129 : vector<16xi32> -> vector<16xf32>
          %bitcast_convert_type3A_131 = tpu.bitcast %get3A_111 : vector<16xi32> -> vector<16xf32>
          %bitcast_convert_type3A_132 = tpu.bitcast %gather3A_115 : vector<16xi32> -> vector<16xf32>
          %bitcast_convert_type3A_133 = tpu.bitcast %get3A_118 : vector<16xi32> -> vector<16xf32>
          %mul3A_134 = arith.mulf %bitcast_convert_type3A_122, %bitcast_convert_type3A_126 : vector<16xf32>
          %mul3A_135 = arith.mulf %mul3A_134, %bitcast_convert_type3A_130 : vector<16xf32>
          %add3A_136 = arith.addf %add3A_108, %mul3A_135 : vector<16xf32>
          %mul3A_137 = arith.mulf %bitcast_convert_type3A_131, %bitcast_convert_type3A_132 : vector<16xf32>
          %mul3A_138 = arith.mulf %mul3A_137, %bitcast_convert_type3A_133 : vector<16xf32>
          %add3A_139 = arith.addf %add3A_136, %mul3A_138 : vector<16xf32>
          %get3A_140 = arith.index_cast %add3A_75 : i32 to index
          %get3A_141 = arith.constant 32 : index
          %get3A_142 = tpu.vector_load %arg14[%get3A_140, %get3A_141] {strides = array<i32>} : memref<80x64xi32, #tpu.memory_space<vmem>>, vector<16xi32>,
          %add3A_143 = arith.constant 32 : i32
          %add3A_144 = vector.broadcast %add3A_143 : i32 to vector<16xi32>
          %add3A_145 = arith.addi %add3A_79, %add3A_144 : vector<16xi32>
          %gather3A_146 = tpu.vector_load_idx %arg11[%add3A_145] : memref<32000xi32, #tpu.memory_space<vmem>>[vector<16xi32>], vector<16xi32>,
          %get3A_147 = arith.index_cast %add3A_75 : i32 to index
          %get3A_148 = arith.constant 32 : index
          %get3A_149 = tpu.vector_load %arg15[%get3A_147, %get3A_148] {strides = array<i32>} : memref<80x64xi32, #tpu.memory_space<vmem>>, vector<16xi32>,
          %shift_left3A_150 = arith.constant 16 : i32
          %shift_left3A_151 = vector.broadcast %shift_left3A_150 : i32 to vector<16xi32>
          %shift_left3A_152 = arith.shli %get3A_142, %shift_left3A_151 : vector<16xi32>
          %bitcast_convert_type3A_153 = tpu.bitcast %shift_left3A_152 : vector<16xi32> -> vector<16xf32>
          %shift_left3A_154 = arith.constant 16 : i32
          %shift_left3A_155 = vector.broadcast %shift_left3A_154 : i32 to vector<16xi32>
          %shift_left3A_156 = arith.shli %gather3A_146, %shift_left3A_155 : vector<16xi32>
          %bitcast_convert_type3A_157 = tpu.bitcast %shift_left3A_156 : vector<16xi32> -> vector<16xf32>
          %shift_left3A_158 = arith.constant 16 : i32
          %shift_left3A_159 = vector.broadcast %shift_left3A_158 : i32 to vector<16xi32>
          %shift_left3A_160 = arith.shli %get3A_149, %shift_left3A_159 : vector<16xi32>
          %bitcast_convert_type3A_161 = tpu.bitcast %shift_left3A_160 : vector<16xi32> -> vector<16xf32>
          %bitcast_convert_type3A_162 = tpu.bitcast %get3A_142 : vector<16xi32> -> vector<16xf32>
          %bitcast_convert_type3A_163 = tpu.bitcast %gather3A_146 : vector<16xi32> -> vector<16xf32>
          %bitcast_convert_type3A_164 = tpu.bitcast %get3A_149 : vector<16xi32> -> vector<16xf32>
          %mul3A_165 = arith.mulf %bitcast_convert_type3A_153, %bitcast_convert_type3A_157 : vector<16xf32>
          %mul3A_166 = arith.mulf %mul3A_165, %bitcast_convert_type3A_161 : vector<16xf32>
          %add3A_167 = arith.addf %add3A_139, %mul3A_166 : vector<16xf32>
          %mul3A_168 = arith.mulf %bitcast_convert_type3A_162, %bitcast_convert_type3A_163 : vector<16xf32>
          %mul3A_169 = arith.mulf %mul3A_168, %bitcast_convert_type3A_164 : vector<16xf32>
          %add3A_170 = arith.addf %add3A_167, %mul3A_169 : vector<16xf32>
          %get3A_171 = arith.index_cast %add3A_75 : i32 to index
          %get3A_172 = arith.constant 48 : index
          %get3A_173 = tpu.vector_load %arg14[%get3A_171, %get3A_172] {strides = array<i32>} : memref<80x64xi32, #tpu.memory_space<vmem>>, vector<16xi32>,
          %add3A_174 = arith.constant 48 : i32
          %add3A_175 = vector.broadcast %add3A_174 : i32 to vector<16xi32>
          %add3A_176 = arith.addi %add3A_79, %add3A_175 : vector<16xi32>
          %gather3A_177 = tpu.vector_load_idx %arg11[%add3A_176] : memref<32000xi32, #tpu.memory_space<vmem>>[vector<16xi32>], vector<16xi32>,
          %get3A_178 = arith.index_cast %add3A_75 : i32 to index
          %get3A_179 = arith.constant 48 : index
          %get3A_180 = tpu.vector_load %arg15[%get3A_178, %get3A_179] {strides = array<i32>} : memref<80x64xi32, #tpu.memory_space<vmem>>, vector<16xi32>,
          %shift_left3A_181 = arith.constant 16 : i32
          %shift_left3A_182 = vector.broadcast %shift_left3A_181 : i32 to vector<16xi32>
          %shift_left3A_183 = arith.shli %get3A_173, %shift_left3A_182 : vector<16xi32>
          %bitcast_convert_type3A_184 = tpu.bitcast %shift_left3A_183 : vector<16xi32> -> vector<16xf32>
          %shift_left3A_185 = arith.constant 16 : i32
          %shift_left3A_186 = vector.broadcast %shift_left3A_185 : i32 to vector<16xi32>
          %shift_left3A_187 = arith.shli %gather3A_177, %shift_left3A_186 : vector<16xi32>
          %bitcast_convert_type3A_188 = tpu.bitcast %shift_left3A_187 : vector<16xi32> -> vector<16xf32>
          %shift_left3A_189 = arith.constant 16 : i32
          %shift_left3A_190 = vector.broadcast %shift_left3A_189 : i32 to vector<16xi32>
          %shift_left3A_191 = arith.shli %get3A_180, %shift_left3A_190 : vector<16xi32>
          %bitcast_convert_type3A_192 = tpu.bitcast %shift_left3A_191 : vector<16xi32> -> vector<16xf32>
          %bitcast_convert_type3A_193 = tpu.bitcast %get3A_173 : vector<16xi32> -> vector<16xf32>
          %bitcast_convert_type3A_194 = tpu.bitcast %gather3A_177 : vector<16xi32> -> vector<16xf32>
          %bitcast_convert_type3A_195 = tpu.bitcast %get3A_180 : vector<16xi32> -> vector<16xf32>
          %mul3A_196 = arith.mulf %bitcast_convert_type3A_184, %bitcast_convert_type3A_188 : vector<16xf32>
          %mul3A_197 = arith.mulf %mul3A_196, %bitcast_convert_type3A_192 : vector<16xf32>
          %add3A_198 = arith.addf %add3A_170, %mul3A_197 : vector<16xf32>
          %mul3A_199 = arith.mulf %bitcast_convert_type3A_193, %bitcast_convert_type3A_194 : vector<16xf32>
          %mul3A_200 = arith.mulf %mul3A_199, %bitcast_convert_type3A_195 : vector<16xf32>
          %add3A_201 = arith.addf %add3A_198, %mul3A_200 : vector<16xf32>
          %eq3A = arith.constant 0 : i32
          %eq3A_202 = vector.broadcast %eq3A : i32 to vector<16xi32>
          %eq3A_203 = arith.cmpi eq, %iota3A, %eq3A_202 : vector<16xi32>
          %reduce_sum3A = arith.constant true
          %reduce_sum3A_204 = vector.broadcast %reduce_sum3A : i1 to vector<16xi1>
          %reduce_sum3A_205 = tpu.scan <sum>, %add3A_201 masked %reduce_sum3A_204 : vector<16xf32>, vector<16xi1> -> vector<16xf32>
          %reduce_sum3A_206 = vector.extract %reduce_sum3A_205[15] : f32 from vector<16xf32>
          %jit3A = arith.constant 0.000000e+00 : f32
          %broadcast_in_dim3A_207 = vector.broadcast %reduce_sum3A_206 : f32 to vector<16xf32>
          %broadcast_in_dim3A_208 = vector.broadcast %jit3A : f32 to vector<16xf32>
          %select_n3A = arith.select %eq3A_203, %broadcast_in_dim3A_207, %broadcast_in_dim3A_208 : vector<16xi1>, vector<16xf32>
          %add3A_209 = arith.constant 1 : i32
          %add3A_210 = arith.addi %mul3A_69, %add3A_209 : i32
          %slice3A_211 = vector.extract_strided_slice %get3A_73 {offsets = [1], sizes = [1], strides = [1]} : vector<16xi32> to vector<1xi32>
          %squeeze3A_212 = vector.extract %slice3A_211[0] : i32 from vector<1xi32>
          %mul3A_213 = arith.constant 64 : i32
          %mul3A_214 = arith.muli %squeeze3A_212, %mul3A_213 : i32
          %add3A_215 = vector.broadcast %mul3A_214 : i32 to vector<16xi32>
          %add3A_216 = arith.addi %iota3A, %add3A_215 : vector<16xi32>
          %broadcast_in_dim3A_217 = arith.constant 0.000000e+00 : f32
          %broadcast_in_dim3A_218 = vector.broadcast %broadcast_in_dim3A_217 : f32 to vector<16xf32>
          %get3A_219 = arith.index_cast %add3A_210 : i32 to index
          %get3A_220 = arith.constant 0 : index
          %get3A_221 = tpu.vector_load %arg14[%get3A_219, %get3A_220] {strides = array<i32>} : memref<80x64xi32, #tpu.memory_space<vmem>>, vector<16xi32>,
          %add3A_222 = arith.constant 0 : i32
          %add3A_223 = vector.broadcast %add3A_222 : i32 to vector<16xi32>
          %add3A_224 = arith.addi %add3A_216, %add3A_223 : vector<16xi32>
          %gather3A_225 = tpu.vector_load_idx %arg11[%add3A_224] : memref<32000xi32, #tpu.memory_space<vmem>>[vector<16xi32>], vector<16xi32>,
          %get3A_226 = arith.index_cast %add3A_210 : i32 to index
          %get3A_227 = arith.constant 0 : index
          %get3A_228 = tpu.vector_load %arg15[%get3A_226, %get3A_227] {strides = array<i32>} : memref<80x64xi32, #tpu.memory_space<vmem>>, vector<16xi32>,
          %shift_left3A_229 = arith.constant 16 : i32
          %shift_left3A_230 = vector.broadcast %shift_left3A_229 : i32 to vector<16xi32>
          %shift_left3A_231 = arith.shli %get3A_221, %shift_left3A_230 : vector<16xi32>
          %bitcast_convert_type3A_232 = tpu.bitcast %shift_left3A_231 : vector<16xi32> -> vector<16xf32>
          %shift_left3A_233 = arith.constant 16 : i32
          %shift_left3A_234 = vector.broadcast %shift_left3A_233 : i32 to vector<16xi32>
          %shift_left3A_235 = arith.shli %gather3A_225, %shift_left3A_234 : vector<16xi32>
          %bitcast_convert_type3A_236 = tpu.bitcast %shift_left3A_235 : vector<16xi32> -> vector<16xf32>
          %shift_left3A_237 = arith.constant 16 : i32
          %shift_left3A_238 = vector.broadcast %shift_left3A_237 : i32 to vector<16xi32>
          %shift_left3A_239 = arith.shli %get3A_228, %shift_left3A_238 : vector<16xi32>
          %bitcast_convert_type3A_240 = tpu.bitcast %shift_left3A_239 : vector<16xi32> -> vector<16xf32>
          %bitcast_convert_type3A_241 = tpu.bitcast %get3A_221 : vector<16xi32> -> vector<16xf32>
          %bitcast_convert_type3A_242 = tpu.bitcast %gather3A_225 : vector<16xi32> -> vector<16xf32>
          %bitcast_convert_type3A_243 = tpu.bitcast %get3A_228 : vector<16xi32> -> vector<16xf32>
          %mul3A_244 = arith.mulf %bitcast_convert_type3A_232, %bitcast_convert_type3A_236 : vector<16xf32>
          %mul3A_245 = arith.mulf %mul3A_244, %bitcast_convert_type3A_240 : vector<16xf32>
          %add3A_246 = arith.addf %broadcast_in_dim3A_218, %mul3A_245 : vector<16xf32>
          %mul3A_247 = arith.mulf %bitcast_convert_type3A_241, %bitcast_convert_type3A_242 : vector<16xf32>
          %mul3A_248 = arith.mulf %mul3A_247, %bitcast_convert_type3A_243 : vector<16xf32>
          %add3A_249 = arith.addf %add3A_246, %mul3A_248 : vector<16xf32>
          %get3A_250 = arith.index_cast %add3A_210 : i32 to index
          %get3A_251 = arith.constant 16 : index
          %get3A_252 = tpu.vector_load %arg14[%get3A_250, %get3A_251] {strides = array<i32>} : memref<80x64xi32, #tpu.memory_space<vmem>>, vector<16xi32>,
          %add3A_253 = arith.constant 16 : i32
          %add3A_254 = vector.broadcast %add3A_253 : i32 to vector<16xi32>
          %add3A_255 = arith.addi %add3A_216, %add3A_254 : vector<16xi32>
          %gather3A_256 = tpu.vector_load_idx %arg11[%add3A_255] : memref<32000xi32, #tpu.memory_space<vmem>>[vector<16xi32>], vector<16xi32>,
          %get3A_257 = arith.index_cast %add3A_210 : i32 to index
          %get3A_258 = arith.constant 16 : index
          %get3A_259 = tpu.vector_load %arg15[%get3A_257, %get3A_258] {strides = array<i32>} : memref<80x64xi32, #tpu.memory_space<vmem>>, vector<16xi32>,
          %shift_left3A_260 = arith.constant 16 : i32
          %shift_left3A_261 = vector.broadcast %shift_left3A_260 : i32 to vector<16xi32>
          %shift_left3A_262 = arith.shli %get3A_252, %shift_left3A_261 : vector<16xi32>
          %bitcast_convert_type3A_263 = tpu.bitcast %shift_left3A_262 : vector<16xi32> -> vector<16xf32>
          %shift_left3A_264 = arith.constant 16 : i32
          %shift_left3A_265 = vector.broadcast %shift_left3A_264 : i32 to vector<16xi32>
          %shift_left3A_266 = arith.shli %gather3A_256, %shift_left3A_265 : vector<16xi32>
          %bitcast_convert_type3A_267 = tpu.bitcast %shift_left3A_266 : vector<16xi32> -> vector<16xf32>
          %shift_left3A_268 = arith.constant 16 : i32
          %shift_left3A_269 = vector.broadcast %shift_left3A_268 : i32 to vector<16xi32>
          %shift_left3A_270 = arith.shli %get3A_259, %shift_left3A_269 : vector<16xi32>
          %bitcast_convert_type3A_271 = tpu.bitcast %shift_left3A_270 : vector<16xi32> -> vector<16xf32>
          %bitcast_convert_type3A_272 = tpu.bitcast %get3A_252 : vector<16xi32> -> vector<16xf32>
          %bitcast_convert_type3A_273 = tpu.bitcast %gather3A_256 : vector<16xi32> -> vector<16xf32>
          %bitcast_convert_type3A_274 = tpu.bitcast %get3A_259 : vector<16xi32> -> vector<16xf32>
          %mul3A_275 = arith.mulf %bitcast_convert_type3A_263, %bitcast_convert_type3A_267 : vector<16xf32>
          %mul3A_276 = arith.mulf %mul3A_275, %bitcast_convert_type3A_271 : vector<16xf32>
          %add3A_277 = arith.addf %add3A_249, %mul3A_276 : vector<16xf32>
          %mul3A_278 = arith.mulf %bitcast_convert_type3A_272, %bitcast_convert_type3A_273 : vector<16xf32>
          %mul3A_279 = arith.mulf %mul3A_278, %bitcast_convert_type3A_274 : vector<16xf32>
          %add3A_280 = arith.addf %add3A_277, %mul3A_279 : vector<16xf32>
          %get3A_281 = arith.index_cast %add3A_210 : i32 to index
          %get3A_282 = arith.constant 32 : index
          %get3A_283 = tpu.vector_load %arg14[%get3A_281, %get3A_282] {strides = array<i32>} : memref<80x64xi32, #tpu.memory_space<vmem>>, vector<16xi32>,
          %add3A_284 = arith.constant 32 : i32
          %add3A_285 = vector.broadcast %add3A_284 : i32 to vector<16xi32>
          %add3A_286 = arith.addi %add3A_216, %add3A_285 : vector<16xi32>
          %gather3A_287 = tpu.vector_load_idx %arg11[%add3A_286] : memref<32000xi32, #tpu.memory_space<vmem>>[vector<16xi32>], vector<16xi32>,
          %get3A_288 = arith.index_cast %add3A_210 : i32 to index
          %get3A_289 = arith.constant 32 : index
          %get3A_290 = tpu.vector_load %arg15[%get3A_288, %get3A_289] {strides = array<i32>} : memref<80x64xi32, #tpu.memory_space<vmem>>, vector<16xi32>,
          %shift_left3A_291 = arith.constant 16 : i32
          %shift_left3A_292 = vector.broadcast %shift_left3A_291 : i32 to vector<16xi32>
          %shift_left3A_293 = arith.shli %get3A_283, %shift_left3A_292 : vector<16xi32>
          %bitcast_convert_type3A_294 = tpu.bitcast %shift_left3A_293 : vector<16xi32> -> vector<16xf32>
          %shift_left3A_295 = arith.constant 16 : i32
          %shift_left3A_296 = vector.broadcast %shift_left3A_295 : i32 to vector<16xi32>
          %shift_left3A_297 = arith.shli %gather3A_287, %shift_left3A_296 : vector<16xi32>
          %bitcast_convert_type3A_298 = tpu.bitcast %shift_left3A_297 : vector<16xi32> -> vector<16xf32>
          %shift_left3A_299 = arith.constant 16 : i32
          %shift_left3A_300 = vector.broadcast %shift_left3A_299 : i32 to vector<16xi32>
          %shift_left3A_301 = arith.shli %get3A_290, %shift_left3A_300 : vector<16xi32>
          %bitcast_convert_type3A_302 = tpu.bitcast %shift_left3A_301 : vector<16xi32> -> vector<16xf32>
          %bitcast_convert_type3A_303 = tpu.bitcast %get3A_283 : vector<16xi32> -> vector<16xf32>
          %bitcast_convert_type3A_304 = tpu.bitcast %gather3A_287 : vector<16xi32> -> vector<16xf32>
          %bitcast_convert_type3A_305 = tpu.bitcast %get3A_290 : vector<16xi32> -> vector<16xf32>
          %mul3A_306 = arith.mulf %bitcast_convert_type3A_294, %bitcast_convert_type3A_298 : vector<16xf32>
          %mul3A_307 = arith.mulf %mul3A_306, %bitcast_convert_type3A_302 : vector<16xf32>
          %add3A_308 = arith.addf %add3A_280, %mul3A_307 : vector<16xf32>
          %mul3A_309 = arith.mulf %bitcast_convert_type3A_303, %bitcast_convert_type3A_304 : vector<16xf32>
          %mul3A_310 = arith.mulf %mul3A_309, %bitcast_convert_type3A_305 : vector<16xf32>
          %add3A_311 = arith.addf %add3A_308, %mul3A_310 : vector<16xf32>
          %get3A_312 = arith.index_cast %add3A_210 : i32 to index
          %get3A_313 = arith.constant 48 : index
          %get3A_314 = tpu.vector_load %arg14[%get3A_312, %get3A_313] {strides = array<i32>} : memref<80x64xi32, #tpu.memory_space<vmem>>, vector<16xi32>,
          %add3A_315 = arith.constant 48 : i32
          %add3A_316 = vector.broadcast %add3A_315 : i32 to vector<16xi32>
          %add3A_317 = arith.addi %add3A_216, %add3A_316 : vector<16xi32>
          %gather3A_318 = tpu.vector_load_idx %arg11[%add3A_317] : memref<32000xi32, #tpu.memory_space<vmem>>[vector<16xi32>], vector<16xi32>,
          %get3A_319 = arith.index_cast %add3A_210 : i32 to index
          %get3A_320 = arith.constant 48 : index
          %get3A_321 = tpu.vector_load %arg15[%get3A_319, %get3A_320] {strides = array<i32>} : memref<80x64xi32, #tpu.memory_space<vmem>>, vector<16xi32>,
          %shift_left3A_322 = arith.constant 16 : i32
          %shift_left3A_323 = vector.broadcast %shift_left3A_322 : i32 to vector<16xi32>
          %shift_left3A_324 = arith.shli %get3A_314, %shift_left3A_323 : vector<16xi32>
          %bitcast_convert_type3A_325 = tpu.bitcast %shift_left3A_324 : vector<16xi32> -> vector<16xf32>
          %shift_left3A_326 = arith.constant 16 : i32
          %shift_left3A_327 = vector.broadcast %shift_left3A_326 : i32 to vector<16xi32>
          %shift_left3A_328 = arith.shli %gather3A_318, %shift_left3A_327 : vector<16xi32>
          %bitcast_convert_type3A_329 = tpu.bitcast %shift_left3A_328 : vector<16xi32> -> vector<16xf32>
          %shift_left3A_330 = arith.constant 16 : i32
          %shift_left3A_331 = vector.broadcast %shift_left3A_330 : i32 to vector<16xi32>
          %shift_left3A_332 = arith.shli %get3A_321, %shift_left3A_331 : vector<16xi32>
          %bitcast_convert_type3A_333 = tpu.bitcast %shift_left3A_332 : vector<16xi32> -> vector<16xf32>
          %bitcast_convert_type3A_334 = tpu.bitcast %get3A_314 : vector<16xi32> -> vector<16xf32>
          %bitcast_convert_type3A_335 = tpu.bitcast %gather3A_318 : vector<16xi32> -> vector<16xf32>
          %bitcast_convert_type3A_336 = tpu.bitcast %get3A_321 : vector<16xi32> -> vector<16xf32>
          %mul3A_337 = arith.mulf %bitcast_convert_type3A_325, %bitcast_convert_type3A_329 : vector<16xf32>
          %mul3A_338 = arith.mulf %mul3A_337, %bitcast_convert_type3A_333 : vector<16xf32>
          %add3A_339 = arith.addf %add3A_311, %mul3A_338 : vector<16xf32>
          %mul3A_340 = arith.mulf %bitcast_convert_type3A_334, %bitcast_convert_type3A_335 : vector<16xf32>
          %mul3A_341 = arith.mulf %mul3A_340, %bitcast_convert_type3A_336 : vector<16xf32>
          %add3A_342 = arith.addf %add3A_339, %mul3A_341 : vector<16xf32>
          %eq3A_343 = arith.constant 1 : i32
          %eq3A_344 = vector.broadcast %eq3A_343 : i32 to vector<16xi32>
          %eq3A_345 = arith.cmpi eq, %iota3A, %eq3A_344 : vector<16xi32>
          %reduce_sum3A_346 = arith.constant true
          %reduce_sum3A_347 = vector.broadcast %reduce_sum3A_346 : i1 to vector<16xi1>
          %reduce_sum3A_348 = tpu.scan <sum>, %add3A_342 masked %reduce_sum3A_347 : vector<16xf32>, vector<16xi1> -> vector<16xf32>
          %reduce_sum3A_349 = vector.extract %reduce_sum3A_348[15] : f32 from vector<16xf32>
          %jit3A_350 = arith.constant 0.000000e+00 : f32
          %broadcast_in_dim3A_351 = vector.broadcast %reduce_sum3A_349 : f32 to vector<16xf32>
          %broadcast_in_dim3A_352 = vector.broadcast %jit3A_350 : f32 to vector<16xf32>
          %select_n3A_353 = arith.select %eq3A_345, %broadcast_in_dim3A_351, %broadcast_in_dim3A_352 : vector<16xi1>, vector<16xf32>
          %add3A_354 = arith.constant 2 : i32
          %add3A_355 = arith.addi %mul3A_69, %add3A_354 : i32
          %slice3A_356 = vector.extract_strided_slice %get3A_73 {offsets = [2], sizes = [1], strides = [1]} : vector<16xi32> to vector<1xi32>
          %squeeze3A_357 = vector.extract %slice3A_356[0] : i32 from vector<1xi32>
          %mul3A_358 = arith.constant 64 : i32
          %mul3A_359 = arith.muli %squeeze3A_357, %mul3A_358 : i32
          %add3A_360 = vector.broadcast %mul3A_359 : i32 to vector<16xi32>
          %add3A_361 = arith.addi %iota3A, %add3A_360 : vector<16xi32>
          %broadcast_in_dim3A_362 = arith.constant 0.000000e+00 : f32
          %broadcast_in_dim3A_363 = vector.broadcast %broadcast_in_dim3A_362 : f32 to vector<16xf32>
          %get3A_364 = arith.index_cast %add3A_355 : i32 to index
          %get3A_365 = arith.constant 0 : index
          %get3A_366 = tpu.vector_load %arg14[%get3A_364, %get3A_365] {strides = array<i32>} : memref<80x64xi32, #tpu.memory_space<vmem>>, vector<16xi32>,
          %add3A_367 = arith.constant 0 : i32
          %add3A_368 = vector.broadcast %add3A_367 : i32 to vector<16xi32>
          %add3A_369 = arith.addi %add3A_361, %add3A_368 : vector<16xi32>
          %gather3A_370 = tpu.vector_load_idx %arg11[%add3A_369] : memref<32000xi32, #tpu.memory_space<vmem>>[vector<16xi32>], vector<16xi32>,
          %get3A_371 = arith.index_cast %add3A_355 : i32 to index
          %get3A_372 = arith.constant 0 : index
          %get3A_373 = tpu.vector_load %arg15[%get3A_371, %get3A_372] {strides = array<i32>} : memref<80x64xi32, #tpu.memory_space<vmem>>, vector<16xi32>,
          %shift_left3A_374 = arith.constant 16 : i32
          %shift_left3A_375 = vector.broadcast %shift_left3A_374 : i32 to vector<16xi32>
          %shift_left3A_376 = arith.shli %get3A_366, %shift_left3A_375 : vector<16xi32>
          %bitcast_convert_type3A_377 = tpu.bitcast %shift_left3A_376 : vector<16xi32> -> vector<16xf32>
          %shift_left3A_378 = arith.constant 16 : i32
          %shift_left3A_379 = vector.broadcast %shift_left3A_378 : i32 to vector<16xi32>
          %shift_left3A_380 = arith.shli %gather3A_370, %shift_left3A_379 : vector<16xi32>
          %bitcast_convert_type3A_381 = tpu.bitcast %shift_left3A_380 : vector<16xi32> -> vector<16xf32>
          %shift_left3A_382 = arith.constant 16 : i32
          %shift_left3A_383 = vector.broadcast %shift_left3A_382 : i32 to vector<16xi32>
          %shift_left3A_384 = arith.shli %get3A_373, %shift_left3A_383 : vector<16xi32>
          %bitcast_convert_type3A_385 = tpu.bitcast %shift_left3A_384 : vector<16xi32> -> vector<16xf32>
          %bitcast_convert_type3A_386 = tpu.bitcast %get3A_366 : vector<16xi32> -> vector<16xf32>
          %bitcast_convert_type3A_387 = tpu.bitcast %gather3A_370 : vector<16xi32> -> vector<16xf32>
          %bitcast_convert_type3A_388 = tpu.bitcast %get3A_373 : vector<16xi32> -> vector<16xf32>
          %mul3A_389 = arith.mulf %bitcast_convert_type3A_377, %bitcast_convert_type3A_381 : vector<16xf32>
          %mul3A_390 = arith.mulf %mul3A_389, %bitcast_convert_type3A_385 : vector<16xf32>
          %add3A_391 = arith.addf %broadcast_in_dim3A_363, %mul3A_390 : vector<16xf32>
          %mul3A_392 = arith.mulf %bitcast_convert_type3A_386, %bitcast_convert_type3A_387 : vector<16xf32>
          %mul3A_393 = arith.mulf %mul3A_392, %bitcast_convert_type3A_388 : vector<16xf32>
          %add3A_394 = arith.addf %add3A_391, %mul3A_393 : vector<16xf32>
          %get3A_395 = arith.index_cast %add3A_355 : i32 to index
          %get3A_396 = arith.constant 16 : index
          %get3A_397 = tpu.vector_load %arg14[%get3A_395, %get3A_396] {strides = array<i32>} : memref<80x64xi32, #tpu.memory_space<vmem>>, vector<16xi32>,
          %add3A_398 = arith.constant 16 : i32
          %add3A_399 = vector.broadcast %add3A_398 : i32 to vector<16xi32>
          %add3A_400 = arith.addi %add3A_361, %add3A_399 : vector<16xi32>
          %gather3A_401 = tpu.vector_load_idx %arg11[%add3A_400] : memref<32000xi32, #tpu.memory_space<vmem>>[vector<16xi32>], vector<16xi32>,
          %get3A_402 = arith.index_cast %add3A_355 : i32 to index
          %get3A_403 = arith.constant 16 : index
          %get3A_404 = tpu.vector_load %arg15[%get3A_402, %get3A_403] {strides = array<i32>} : memref<80x64xi32, #tpu.memory_space<vmem>>, vector<16xi32>,
          %shift_left3A_405 = arith.constant 16 : i32
          %shift_left3A_406 = vector.broadcast %shift_left3A_405 : i32 to vector<16xi32>
          %shift_left3A_407 = arith.shli %get3A_397, %shift_left3A_406 : vector<16xi32>
          %bitcast_convert_type3A_408 = tpu.bitcast %shift_left3A_407 : vector<16xi32> -> vector<16xf32>
          %shift_left3A_409 = arith.constant 16 : i32
          %shift_left3A_410 = vector.broadcast %shift_left3A_409 : i32 to vector<16xi32>
          %shift_left3A_411 = arith.shli %gather3A_401, %shift_left3A_410 : vector<16xi32>
          %bitcast_convert_type3A_412 = tpu.bitcast %shift_left3A_411 : vector<16xi32> -> vector<16xf32>
          %shift_left3A_413 = arith.constant 16 : i32
          %shift_left3A_414 = vector.broadcast %shift_left3A_413 : i32 to vector<16xi32>
          %shift_left3A_415 = arith.shli %get3A_404, %shift_left3A_414 : vector<16xi32>
          %bitcast_convert_type3A_416 = tpu.bitcast %shift_left3A_415 : vector<16xi32> -> vector<16xf32>
          %bitcast_convert_type3A_417 = tpu.bitcast %get3A_397 : vector<16xi32> -> vector<16xf32>
          %bitcast_convert_type3A_418 = tpu.bitcast %gather3A_401 : vector<16xi32> -> vector<16xf32>
          %bitcast_convert_type3A_419 = tpu.bitcast %get3A_404 : vector<16xi32> -> vector<16xf32>
          %mul3A_420 = arith.mulf %bitcast_convert_type3A_408, %bitcast_convert_type3A_412 : vector<16xf32>
          %mul3A_421 = arith.mulf %mul3A_420, %bitcast_convert_type3A_416 : vector<16xf32>
          %add3A_422 = arith.addf %add3A_394, %mul3A_421 : vector<16xf32>
          %mul3A_423 = arith.mulf %bitcast_convert_type3A_417, %bitcast_convert_type3A_418 : vector<16xf32>
          %mul3A_424 = arith.mulf %mul3A_423, %bitcast_convert_type3A_419 : vector<16xf32>
          %add3A_425 = arith.addf %add3A_422, %mul3A_424 : vector<16xf32>
          %get3A_426 = arith.index_cast %add3A_355 : i32 to index
          %get3A_427 = arith.constant 32 : index
          %get3A_428 = tpu.vector_load %arg14[%get3A_426, %get3A_427] {strides = array<i32>} : memref<80x64xi32, #tpu.memory_space<vmem>>, vector<16xi32>,
          %add3A_429 = arith.constant 32 : i32
          %add3A_430 = vector.broadcast %add3A_429 : i32 to vector<16xi32>
          %add3A_431 = arith.addi %add3A_361, %add3A_430 : vector<16xi32>
          %gather3A_432 = tpu.vector_load_idx %arg11[%add3A_431] : memref<32000xi32, #tpu.memory_space<vmem>>[vector<16xi32>], vector<16xi32>,
          %get3A_433 = arith.index_cast %add3A_355 : i32 to index
          %get3A_434 = arith.constant 32 : index
          %get3A_435 = tpu.vector_load %arg15[%get3A_433, %get3A_434] {strides = array<i32>} : memref<80x64xi32, #tpu.memory_space<vmem>>, vector<16xi32>,
          %shift_left3A_436 = arith.constant 16 : i32
          %shift_left3A_437 = vector.broadcast %shift_left3A_436 : i32 to vector<16xi32>
          %shift_left3A_438 = arith.shli %get3A_428, %shift_left3A_437 : vector<16xi32>
          %bitcast_convert_type3A_439 = tpu.bitcast %shift_left3A_438 : vector<16xi32> -> vector<16xf32>
          %shift_left3A_440 = arith.constant 16 : i32
          %shift_left3A_441 = vector.broadcast %shift_left3A_440 : i32 to vector<16xi32>
          %shift_left3A_442 = arith.shli %gather3A_432, %shift_left3A_441 : vector<16xi32>
          %bitcast_convert_type3A_443 = tpu.bitcast %shift_left3A_442 : vector<16xi32> -> vector<16xf32>
          %shift_left3A_444 = arith.constant 16 : i32
          %shift_left3A_445 = vector.broadcast %shift_left3A_444 : i32 to vector<16xi32>
          %shift_left3A_446 = arith.shli %get3A_435, %shift_left3A_445 : vector<16xi32>
          %bitcast_convert_type3A_447 = tpu.bitcast %shift_left3A_446 : vector<16xi32> -> vector<16xf32>
          %bitcast_convert_type3A_448 = tpu.bitcast %get3A_428 : vector<16xi32> -> vector<16xf32>
          %bitcast_convert_type3A_449 = tpu.bitcast %gather3A_432 : vector<16xi32> -> vector<16xf32>
          %bitcast_convert_type3A_450 = tpu.bitcast %get3A_435 : vector<16xi32> -> vector<16xf32>
          %mul3A_451 = arith.mulf %bitcast_convert_type3A_439, %bitcast_convert_type3A_443 : vector<16xf32>
          %mul3A_452 = arith.mulf %mul3A_451, %bitcast_convert_type3A_447 : vector<16xf32>
          %add3A_453 = arith.addf %add3A_425, %mul3A_452 : vector<16xf32>
          %mul3A_454 = arith.mulf %bitcast_convert_type3A_448, %bitcast_convert_type3A_449 : vector<16xf32>
          %mul3A_455 = arith.mulf %mul3A_454, %bitcast_convert_type3A_450 : vector<16xf32>
          %add3A_456 = arith.addf %add3A_453, %mul3A_455 : vector<16xf32>
          %get3A_457 = arith.index_cast %add3A_355 : i32 to index
          %get3A_458 = arith.constant 48 : index
          %get3A_459 = tpu.vector_load %arg14[%get3A_457, %get3A_458] {strides = array<i32>} : memref<80x64xi32, #tpu.memory_space<vmem>>, vector<16xi32>,
          %add3A_460 = arith.constant 48 : i32
          %add3A_461 = vector.broadcast %add3A_460 : i32 to vector<16xi32>
          %add3A_462 = arith.addi %add3A_361, %add3A_461 : vector<16xi32>
          %gather3A_463 = tpu.vector_load_idx %arg11[%add3A_462] : memref<32000xi32, #tpu.memory_space<vmem>>[vector<16xi32>], vector<16xi32>,
          %get3A_464 = arith.index_cast %add3A_355 : i32 to index
          %get3A_465 = arith.constant 48 : index
          %get3A_466 = tpu.vector_load %arg15[%get3A_464, %get3A_465] {strides = array<i32>} : memref<80x64xi32, #tpu.memory_space<vmem>>, vector<16xi32>,
          %shift_left3A_467 = arith.constant 16 : i32
          %shift_left3A_468 = vector.broadcast %shift_left3A_467 : i32 to vector<16xi32>
          %shift_left3A_469 = arith.shli %get3A_459, %shift_left3A_468 : vector<16xi32>
          %bitcast_convert_type3A_470 = tpu.bitcast %shift_left3A_469 : vector<16xi32> -> vector<16xf32>
          %shift_left3A_471 = arith.constant 16 : i32
          %shift_left3A_472 = vector.broadcast %shift_left3A_471 : i32 to vector<16xi32>
          %shift_left3A_473 = arith.shli %gather3A_463, %shift_left3A_472 : vector<16xi32>
          %bitcast_convert_type3A_474 = tpu.bitcast %shift_left3A_473 : vector<16xi32> -> vector<16xf32>
          %shift_left3A_475 = arith.constant 16 : i32
          %shift_left3A_476 = vector.broadcast %shift_left3A_475 : i32 to vector<16xi32>
          %shift_left3A_477 = arith.shli %get3A_466, %shift_left3A_476 : vector<16xi32>
          %bitcast_convert_type3A_478 = tpu.bitcast %shift_left3A_477 : vector<16xi32> -> vector<16xf32>
          %bitcast_convert_type3A_479 = tpu.bitcast %get3A_459 : vector<16xi32> -> vector<16xf32>
          %bitcast_convert_type3A_480 = tpu.bitcast %gather3A_463 : vector<16xi32> -> vector<16xf32>
          %bitcast_convert_type3A_481 = tpu.bitcast %get3A_466 : vector<16xi32> -> vector<16xf32>
          %mul3A_482 = arith.mulf %bitcast_convert_type3A_470, %bitcast_convert_type3A_474 : vector<16xf32>
          %mul3A_483 = arith.mulf %mul3A_482, %bitcast_convert_type3A_478 : vector<16xf32>
          %add3A_484 = arith.addf %add3A_456, %mul3A_483 : vector<16xf32>
          %mul3A_485 = arith.mulf %bitcast_convert_type3A_479, %bitcast_convert_type3A_480 : vector<16xf32>
          %mul3A_486 = arith.mulf %mul3A_485, %bitcast_convert_type3A_481 : vector<16xf32>
          %add3A_487 = arith.addf %add3A_484, %mul3A_486 : vector<16xf32>
          %eq3A_488 = arith.constant 2 : i32
          %eq3A_489 = vector.broadcast %eq3A_488 : i32 to vector<16xi32>
          %eq3A_490 = arith.cmpi eq, %iota3A, %eq3A_489 : vector<16xi32>
          %reduce_sum3A_491 = arith.constant true
          %reduce_sum3A_492 = vector.broadcast %reduce_sum3A_491 : i1 to vector<16xi1>
          %reduce_sum3A_493 = tpu.scan <sum>, %add3A_487 masked %reduce_sum3A_492 : vector<16xf32>, vector<16xi1> -> vector<16xf32>
          %reduce_sum3A_494 = vector.extract %reduce_sum3A_493[15] : f32 from vector<16xf32>
          %jit3A_495 = arith.constant 0.000000e+00 : f32
          %broadcast_in_dim3A_496 = vector.broadcast %reduce_sum3A_494 : f32 to vector<16xf32>
          %broadcast_in_dim3A_497 = vector.broadcast %jit3A_495 : f32 to vector<16xf32>
          %select_n3A_498 = arith.select %eq3A_490, %broadcast_in_dim3A_496, %broadcast_in_dim3A_497 : vector<16xi1>, vector<16xf32>
          %add3A_499 = arith.constant 3 : i32
          %add3A_500 = arith.addi %mul3A_69, %add3A_499 : i32
          %slice3A_501 = vector.extract_strided_slice %get3A_73 {offsets = [3], sizes = [1], strides = [1]} : vector<16xi32> to vector<1xi32>
          %squeeze3A_502 = vector.extract %slice3A_501[0] : i32 from vector<1xi32>
          %mul3A_503 = arith.constant 64 : i32
          %mul3A_504 = arith.muli %squeeze3A_502, %mul3A_503 : i32
          %add3A_505 = vector.broadcast %mul3A_504 : i32 to vector<16xi32>
          %add3A_506 = arith.addi %iota3A, %add3A_505 : vector<16xi32>
          %broadcast_in_dim3A_507 = arith.constant 0.000000e+00 : f32
          %broadcast_in_dim3A_508 = vector.broadcast %broadcast_in_dim3A_507 : f32 to vector<16xf32>
          %get3A_509 = arith.index_cast %add3A_500 : i32 to index
          %get3A_510 = arith.constant 0 : index
          %get3A_511 = tpu.vector_load %arg14[%get3A_509, %get3A_510] {strides = array<i32>} : memref<80x64xi32, #tpu.memory_space<vmem>>, vector<16xi32>,
          %add3A_512 = arith.constant 0 : i32
          %add3A_513 = vector.broadcast %add3A_512 : i32 to vector<16xi32>
          %add3A_514 = arith.addi %add3A_506, %add3A_513 : vector<16xi32>
          %gather3A_515 = tpu.vector_load_idx %arg11[%add3A_514] : memref<32000xi32, #tpu.memory_space<vmem>>[vector<16xi32>], vector<16xi32>,
          %get3A_516 = arith.index_cast %add3A_500 : i32 to index
          %get3A_517 = arith.constant 0 : index
          %get3A_518 = tpu.vector_load %arg15[%get3A_516, %get3A_517] {strides = array<i32>} : memref<80x64xi32, #tpu.memory_space<vmem>>, vector<16xi32>,
          %shift_left3A_519 = arith.constant 16 : i32
          %shift_left3A_520 = vector.broadcast %shift_left3A_519 : i32 to vector<16xi32>
          %shift_left3A_521 = arith.shli %get3A_511, %shift_left3A_520 : vector<16xi32>
          %bitcast_convert_type3A_522 = tpu.bitcast %shift_left3A_521 : vector<16xi32> -> vector<16xf32>
          %shift_left3A_523 = arith.constant 16 : i32
          %shift_left3A_524 = vector.broadcast %shift_left3A_523 : i32 to vector<16xi32>
          %shift_left3A_525 = arith.shli %gather3A_515, %shift_left3A_524 : vector<16xi32>
          %bitcast_convert_type3A_526 = tpu.bitcast %shift_left3A_525 : vector<16xi32> -> vector<16xf32>
          %shift_left3A_527 = arith.constant 16 : i32
          %shift_left3A_528 = vector.broadcast %shift_left3A_527 : i32 to vector<16xi32>
          %shift_left3A_529 = arith.shli %get3A_518, %shift_left3A_528 : vector<16xi32>
          %bitcast_convert_type3A_530 = tpu.bitcast %shift_left3A_529 : vector<16xi32> -> vector<16xf32>
          %bitcast_convert_type3A_531 = tpu.bitcast %get3A_511 : vector<16xi32> -> vector<16xf32>
          %bitcast_convert_type3A_532 = tpu.bitcast %gather3A_515 : vector<16xi32> -> vector<16xf32>
          %bitcast_convert_type3A_533 = tpu.bitcast %get3A_518 : vector<16xi32> -> vector<16xf32>
          %mul3A_534 = arith.mulf %bitcast_convert_type3A_522, %bitcast_convert_type3A_526 : vector<16xf32>
          %mul3A_535 = arith.mulf %mul3A_534, %bitcast_convert_type3A_530 : vector<16xf32>
          %add3A_536 = arith.addf %broadcast_in_dim3A_508, %mul3A_535 : vector<16xf32>
          %mul3A_537 = arith.mulf %bitcast_convert_type3A_531, %bitcast_convert_type3A_532 : vector<16xf32>
          %mul3A_538 = arith.mulf %mul3A_537, %bitcast_convert_type3A_533 : vector<16xf32>
          %add3A_539 = arith.addf %add3A_536, %mul3A_538 : vector<16xf32>
          %get3A_540 = arith.index_cast %add3A_500 : i32 to index
          %get3A_541 = arith.constant 16 : index
          %get3A_542 = tpu.vector_load %arg14[%get3A_540, %get3A_541] {strides = array<i32>} : memref<80x64xi32, #tpu.memory_space<vmem>>, vector<16xi32>,
          %add3A_543 = arith.constant 16 : i32
          %add3A_544 = vector.broadcast %add3A_543 : i32 to vector<16xi32>
          %add3A_545 = arith.addi %add3A_506, %add3A_544 : vector<16xi32>
          %gather3A_546 = tpu.vector_load_idx %arg11[%add3A_545] : memref<32000xi32, #tpu.memory_space<vmem>>[vector<16xi32>], vector<16xi32>,
          %get3A_547 = arith.index_cast %add3A_500 : i32 to index
          %get3A_548 = arith.constant 16 : index
          %get3A_549 = tpu.vector_load %arg15[%get3A_547, %get3A_548] {strides = array<i32>} : memref<80x64xi32, #tpu.memory_space<vmem>>, vector<16xi32>,
          %shift_left3A_550 = arith.constant 16 : i32
          %shift_left3A_551 = vector.broadcast %shift_left3A_550 : i32 to vector<16xi32>
          %shift_left3A_552 = arith.shli %get3A_542, %shift_left3A_551 : vector<16xi32>
          %bitcast_convert_type3A_553 = tpu.bitcast %shift_left3A_552 : vector<16xi32> -> vector<16xf32>
          %shift_left3A_554 = arith.constant 16 : i32
          %shift_left3A_555 = vector.broadcast %shift_left3A_554 : i32 to vector<16xi32>
          %shift_left3A_556 = arith.shli %gather3A_546, %shift_left3A_555 : vector<16xi32>
          %bitcast_convert_type3A_557 = tpu.bitcast %shift_left3A_556 : vector<16xi32> -> vector<16xf32>
          %shift_left3A_558 = arith.constant 16 : i32
          %shift_left3A_559 = vector.broadcast %shift_left3A_558 : i32 to vector<16xi32>
          %shift_left3A_560 = arith.shli %get3A_549, %shift_left3A_559 : vector<16xi32>
          %bitcast_convert_type3A_561 = tpu.bitcast %shift_left3A_560 : vector<16xi32> -> vector<16xf32>
          %bitcast_convert_type3A_562 = tpu.bitcast %get3A_542 : vector<16xi32> -> vector<16xf32>
          %bitcast_convert_type3A_563 = tpu.bitcast %gather3A_546 : vector<16xi32> -> vector<16xf32>
          %bitcast_convert_type3A_564 = tpu.bitcast %get3A_549 : vector<16xi32> -> vector<16xf32>
          %mul3A_565 = arith.mulf %bitcast_convert_type3A_553, %bitcast_convert_type3A_557 : vector<16xf32>
          %mul3A_566 = arith.mulf %mul3A_565, %bitcast_convert_type3A_561 : vector<16xf32>
          %add3A_567 = arith.addf %add3A_539, %mul3A_566 : vector<16xf32>
          %mul3A_568 = arith.mulf %bitcast_convert_type3A_562, %bitcast_convert_type3A_563 : vector<16xf32>
          %mul3A_569 = arith.mulf %mul3A_568, %bitcast_convert_type3A_564 : vector<16xf32>
          %add3A_570 = arith.addf %add3A_567, %mul3A_569 : vector<16xf32>
          %get3A_571 = arith.index_cast %add3A_500 : i32 to index
          %get3A_572 = arith.constant 32 : index
          %get3A_573 = tpu.vector_load %arg14[%get3A_571, %get3A_572] {strides = array<i32>} : memref<80x64xi32, #tpu.memory_space<vmem>>, vector<16xi32>,
          %add3A_574 = arith.constant 32 : i32
          %add3A_575 = vector.broadcast %add3A_574 : i32 to vector<16xi32>
          %add3A_576 = arith.addi %add3A_506, %add3A_575 : vector<16xi32>
          %gather3A_577 = tpu.vector_load_idx %arg11[%add3A_576] : memref<32000xi32, #tpu.memory_space<vmem>>[vector<16xi32>], vector<16xi32>,
          %get3A_578 = arith.index_cast %add3A_500 : i32 to index
          %get3A_579 = arith.constant 32 : index
          %get3A_580 = tpu.vector_load %arg15[%get3A_578, %get3A_579] {strides = array<i32>} : memref<80x64xi32, #tpu.memory_space<vmem>>, vector<16xi32>,
          %shift_left3A_581 = arith.constant 16 : i32
          %shift_left3A_582 = vector.broadcast %shift_left3A_581 : i32 to vector<16xi32>
          %shift_left3A_583 = arith.shli %get3A_573, %shift_left3A_582 : vector<16xi32>
          %bitcast_convert_type3A_584 = tpu.bitcast %shift_left3A_583 : vector<16xi32> -> vector<16xf32>
          %shift_left3A_585 = arith.constant 16 : i32
          %shift_left3A_586 = vector.broadcast %shift_left3A_585 : i32 to vector<16xi32>
          %shift_left3A_587 = arith.shli %gather3A_577, %shift_left3A_586 : vector<16xi32>
          %bitcast_convert_type3A_588 = tpu.bitcast %shift_left3A_587 : vector<16xi32> -> vector<16xf32>
          %shift_left3A_589 = arith.constant 16 : i32
          %shift_left3A_590 = vector.broadcast %shift_left3A_589 : i32 to vector<16xi32>
          %shift_left3A_591 = arith.shli %get3A_580, %shift_left3A_590 : vector<16xi32>
          %bitcast_convert_type3A_592 = tpu.bitcast %shift_left3A_591 : vector<16xi32> -> vector<16xf32>
          %bitcast_convert_type3A_593 = tpu.bitcast %get3A_573 : vector<16xi32> -> vector<16xf32>
          %bitcast_convert_type3A_594 = tpu.bitcast %gather3A_577 : vector<16xi32> -> vector<16xf32>
          %bitcast_convert_type3A_595 = tpu.bitcast %get3A_580 : vector<16xi32> -> vector<16xf32>
          %mul3A_596 = arith.mulf %bitcast_convert_type3A_584, %bitcast_convert_type3A_588 : vector<16xf32>
          %mul3A_597 = arith.mulf %mul3A_596, %bitcast_convert_type3A_592 : vector<16xf32>
          %add3A_598 = arith.addf %add3A_570, %mul3A_597 : vector<16xf32>
          %mul3A_599 = arith.mulf %bitcast_convert_type3A_593, %bitcast_convert_type3A_594 : vector<16xf32>
          %mul3A_600 = arith.mulf %mul3A_599, %bitcast_convert_type3A_595 : vector<16xf32>
          %add3A_601 = arith.addf %add3A_598, %mul3A_600 : vector<16xf32>
          %get3A_602 = arith.index_cast %add3A_500 : i32 to index
          %get3A_603 = arith.constant 48 : index
          %get3A_604 = tpu.vector_load %arg14[%get3A_602, %get3A_603] {strides = array<i32>} : memref<80x64xi32, #tpu.memory_space<vmem>>, vector<16xi32>,
          %add3A_605 = arith.constant 48 : i32
          %add3A_606 = vector.broadcast %add3A_605 : i32 to vector<16xi32>
          %add3A_607 = arith.addi %add3A_506, %add3A_606 : vector<16xi32>
          %gather3A_608 = tpu.vector_load_idx %arg11[%add3A_607] : memref<32000xi32, #tpu.memory_space<vmem>>[vector<16xi32>], vector<16xi32>,
          %get3A_609 = arith.index_cast %add3A_500 : i32 to index
          %get3A_610 = arith.constant 48 : index
          %get3A_611 = tpu.vector_load %arg15[%get3A_609, %get3A_610] {strides = array<i32>} : memref<80x64xi32, #tpu.memory_space<vmem>>, vector<16xi32>,
          %shift_left3A_612 = arith.constant 16 : i32
          %shift_left3A_613 = vector.broadcast %shift_left3A_612 : i32 to vector<16xi32>
          %shift_left3A_614 = arith.shli %get3A_604, %shift_left3A_613 : vector<16xi32>
          %bitcast_convert_type3A_615 = tpu.bitcast %shift_left3A_614 : vector<16xi32> -> vector<16xf32>
          %shift_left3A_616 = arith.constant 16 : i32
          %shift_left3A_617 = vector.broadcast %shift_left3A_616 : i32 to vector<16xi32>
          %shift_left3A_618 = arith.shli %gather3A_608, %shift_left3A_617 : vector<16xi32>
          %bitcast_convert_type3A_619 = tpu.bitcast %shift_left3A_618 : vector<16xi32> -> vector<16xf32>
          %shift_left3A_620 = arith.constant 16 : i32
          %shift_left3A_621 = vector.broadcast %shift_left3A_620 : i32 to vector<16xi32>
          %shift_left3A_622 = arith.shli %get3A_611, %shift_left3A_621 : vector<16xi32>
          %bitcast_convert_type3A_623 = tpu.bitcast %shift_left3A_622 : vector<16xi32> -> vector<16xf32>
          %bitcast_convert_type3A_624 = tpu.bitcast %get3A_604 : vector<16xi32> -> vector<16xf32>
          %bitcast_convert_type3A_625 = tpu.bitcast %gather3A_608 : vector<16xi32> -> vector<16xf32>
          %bitcast_convert_type3A_626 = tpu.bitcast %get3A_611 : vector<16xi32> -> vector<16xf32>
          %mul3A_627 = arith.mulf %bitcast_convert_type3A_615, %bitcast_convert_type3A_619 : vector<16xf32>
          %mul3A_628 = arith.mulf %mul3A_627, %bitcast_convert_type3A_623 : vector<16xf32>
          %add3A_629 = arith.addf %add3A_601, %mul3A_628 : vector<16xf32>
          %mul3A_630 = arith.mulf %bitcast_convert_type3A_624, %bitcast_convert_type3A_625 : vector<16xf32>
          %mul3A_631 = arith.mulf %mul3A_630, %bitcast_convert_type3A_626 : vector<16xf32>
          %add3A_632 = arith.addf %add3A_629, %mul3A_631 : vector<16xf32>
          %eq3A_633 = arith.constant 3 : i32
          %eq3A_634 = vector.broadcast %eq3A_633 : i32 to vector<16xi32>
          %eq3A_635 = arith.cmpi eq, %iota3A, %eq3A_634 : vector<16xi32>
          %reduce_sum3A_636 = arith.constant true
          %reduce_sum3A_637 = vector.broadcast %reduce_sum3A_636 : i1 to vector<16xi1>
          %reduce_sum3A_638 = tpu.scan <sum>, %add3A_632 masked %reduce_sum3A_637 : vector<16xf32>, vector<16xi1> -> vector<16xf32>
          %reduce_sum3A_639 = vector.extract %reduce_sum3A_638[15] : f32 from vector<16xf32>
          %jit3A_640 = arith.constant 0.000000e+00 : f32
          %broadcast_in_dim3A_641 = vector.broadcast %reduce_sum3A_639 : f32 to vector<16xf32>
          %broadcast_in_dim3A_642 = vector.broadcast %jit3A_640 : f32 to vector<16xf32>
          %select_n3A_643 = arith.select %eq3A_635, %broadcast_in_dim3A_641, %broadcast_in_dim3A_642 : vector<16xi1>, vector<16xf32>
          %add3A_644 = arith.constant 4 : i32
          %add3A_645 = arith.addi %mul3A_69, %add3A_644 : i32
          %slice3A_646 = vector.extract_strided_slice %get3A_73 {offsets = [4], sizes = [1], strides = [1]} : vector<16xi32> to vector<1xi32>
          %squeeze3A_647 = vector.extract %slice3A_646[0] : i32 from vector<1xi32>
          %mul3A_648 = arith.constant 64 : i32
          %mul3A_649 = arith.muli %squeeze3A_647, %mul3A_648 : i32
          %add3A_650 = vector.broadcast %mul3A_649 : i32 to vector<16xi32>
          %add3A_651 = arith.addi %iota3A, %add3A_650 : vector<16xi32>
          %broadcast_in_dim3A_652 = arith.constant 0.000000e+00 : f32
          %broadcast_in_dim3A_653 = vector.broadcast %broadcast_in_dim3A_652 : f32 to vector<16xf32>
          %get3A_654 = arith.index_cast %add3A_645 : i32 to index
          %get3A_655 = arith.constant 0 : index
          %get3A_656 = tpu.vector_load %arg14[%get3A_654, %get3A_655] {strides = array<i32>} : memref<80x64xi32, #tpu.memory_space<vmem>>, vector<16xi32>,
          %add3A_657 = arith.constant 0 : i32
          %add3A_658 = vector.broadcast %add3A_657 : i32 to vector<16xi32>
          %add3A_659 = arith.addi %add3A_651, %add3A_658 : vector<16xi32>
          %gather3A_660 = tpu.vector_load_idx %arg11[%add3A_659] : memref<32000xi32, #tpu.memory_space<vmem>>[vector<16xi32>], vector<16xi32>,
          %get3A_661 = arith.index_cast %add3A_645 : i32 to index
          %get3A_662 = arith.constant 0 : index
          %get3A_663 = tpu.vector_load %arg15[%get3A_661, %get3A_662] {strides = array<i32>} : memref<80x64xi32, #tpu.memory_space<vmem>>, vector<16xi32>,
          %shift_left3A_664 = arith.constant 16 : i32
          %shift_left3A_665 = vector.broadcast %shift_left3A_664 : i32 to vector<16xi32>
          %shift_left3A_666 = arith.shli %get3A_656, %shift_left3A_665 : vector<16xi32>
          %bitcast_convert_type3A_667 = tpu.bitcast %shift_left3A_666 : vector<16xi32> -> vector<16xf32>
          %shift_left3A_668 = arith.constant 16 : i32
          %shift_left3A_669 = vector.broadcast %shift_left3A_668 : i32 to vector<16xi32>
          %shift_left3A_670 = arith.shli %gather3A_660, %shift_left3A_669 : vector<16xi32>
          %bitcast_convert_type3A_671 = tpu.bitcast %shift_left3A_670 : vector<16xi32> -> vector<16xf32>
          %shift_left3A_672 = arith.constant 16 : i32
          %shift_left3A_673 = vector.broadcast %shift_left3A_672 : i32 to vector<16xi32>
          %shift_left3A_674 = arith.shli %get3A_663, %shift_left3A_673 : vector<16xi32>
          %bitcast_convert_type3A_675 = tpu.bitcast %shift_left3A_674 : vector<16xi32> -> vector<16xf32>
          %bitcast_convert_type3A_676 = tpu.bitcast %get3A_656 : vector<16xi32> -> vector<16xf32>
          %bitcast_convert_type3A_677 = tpu.bitcast %gather3A_660 : vector<16xi32> -> vector<16xf32>
          %bitcast_convert_type3A_678 = tpu.bitcast %get3A_663 : vector<16xi32> -> vector<16xf32>
          %mul3A_679 = arith.mulf %bitcast_convert_type3A_667, %bitcast_convert_type3A_671 : vector<16xf32>
          %mul3A_680 = arith.mulf %mul3A_679, %bitcast_convert_type3A_675 : vector<16xf32>
          %add3A_681 = arith.addf %broadcast_in_dim3A_653, %mul3A_680 : vector<16xf32>
          %mul3A_682 = arith.mulf %bitcast_convert_type3A_676, %bitcast_convert_type3A_677 : vector<16xf32>
          %mul3A_683 = arith.mulf %mul3A_682, %bitcast_convert_type3A_678 : vector<16xf32>
          %add3A_684 = arith.addf %add3A_681, %mul3A_683 : vector<16xf32>
          %get3A_685 = arith.index_cast %add3A_645 : i32 to index
          %get3A_686 = arith.constant 16 : index
          %get3A_687 = tpu.vector_load %arg14[%get3A_685, %get3A_686] {strides = array<i32>} : memref<80x64xi32, #tpu.memory_space<vmem>>, vector<16xi32>,
          %add3A_688 = arith.constant 16 : i32
          %add3A_689 = vector.broadcast %add3A_688 : i32 to vector<16xi32>
          %add3A_690 = arith.addi %add3A_651, %add3A_689 : vector<16xi32>
          %gather3A_691 = tpu.vector_load_idx %arg11[%add3A_690] : memref<32000xi32, #tpu.memory_space<vmem>>[vector<16xi32>], vector<16xi32>,
          %get3A_692 = arith.index_cast %add3A_645 : i32 to index
          %get3A_693 = arith.constant 16 : index
          %get3A_694 = tpu.vector_load %arg15[%get3A_692, %get3A_693] {strides = array<i32>} : memref<80x64xi32, #tpu.memory_space<vmem>>, vector<16xi32>,
          %shift_left3A_695 = arith.constant 16 : i32
          %shift_left3A_696 = vector.broadcast %shift_left3A_695 : i32 to vector<16xi32>
          %shift_left3A_697 = arith.shli %get3A_687, %shift_left3A_696 : vector<16xi32>
          %bitcast_convert_type3A_698 = tpu.bitcast %shift_left3A_697 : vector<16xi32> -> vector<16xf32>
          %shift_left3A_699 = arith.constant 16 : i32
          %shift_left3A_700 = vector.broadcast %shift_left3A_699 : i32 to vector<16xi32>
          %shift_left3A_701 = arith.shli %gather3A_691, %shift_left3A_700 : vector<16xi32>
          %bitcast_convert_type3A_702 = tpu.bitcast %shift_left3A_701 : vector<16xi32> -> vector<16xf32>
          %shift_left3A_703 = arith.constant 16 : i32
          %shift_left3A_704 = vector.broadcast %shift_left3A_703 : i32 to vector<16xi32>
          %shift_left3A_705 = arith.shli %get3A_694, %shift_left3A_704 : vector<16xi32>
          %bitcast_convert_type3A_706 = tpu.bitcast %shift_left3A_705 : vector<16xi32> -> vector<16xf32>
          %bitcast_convert_type3A_707 = tpu.bitcast %get3A_687 : vector<16xi32> -> vector<16xf32>
          %bitcast_convert_type3A_708 = tpu.bitcast %gather3A_691 : vector<16xi32> -> vector<16xf32>
          %bitcast_convert_type3A_709 = tpu.bitcast %get3A_694 : vector<16xi32> -> vector<16xf32>
          %mul3A_710 = arith.mulf %bitcast_convert_type3A_698, %bitcast_convert_type3A_702 : vector<16xf32>
          %mul3A_711 = arith.mulf %mul3A_710, %bitcast_convert_type3A_706 : vector<16xf32>
          %add3A_712 = arith.addf %add3A_684, %mul3A_711 : vector<16xf32>
          %mul3A_713 = arith.mulf %bitcast_convert_type3A_707, %bitcast_convert_type3A_708 : vector<16xf32>
          %mul3A_714 = arith.mulf %mul3A_713, %bitcast_convert_type3A_709 : vector<16xf32>
          %add3A_715 = arith.addf %add3A_712, %mul3A_714 : vector<16xf32>
          %get3A_716 = arith.index_cast %add3A_645 : i32 to index
          %get3A_717 = arith.constant 32 : index
          %get3A_718 = tpu.vector_load %arg14[%get3A_716, %get3A_717] {strides = array<i32>} : memref<80x64xi32, #tpu.memory_space<vmem>>, vector<16xi32>,
          %add3A_719 = arith.constant 32 : i32
          %add3A_720 = vector.broadcast %add3A_719 : i32 to vector<16xi32>
          %add3A_721 = arith.addi %add3A_651, %add3A_720 : vector<16xi32>
          %gather3A_722 = tpu.vector_load_idx %arg11[%add3A_721] : memref<32000xi32, #tpu.memory_space<vmem>>[vector<16xi32>], vector<16xi32>,
          %get3A_723 = arith.index_cast %add3A_645 : i32 to index
          %get3A_724 = arith.constant 32 : index
          %get3A_725 = tpu.vector_load %arg15[%get3A_723, %get3A_724] {strides = array<i32>} : memref<80x64xi32, #tpu.memory_space<vmem>>, vector<16xi32>,
          %shift_left3A_726 = arith.constant 16 : i32
          %shift_left3A_727 = vector.broadcast %shift_left3A_726 : i32 to vector<16xi32>
          %shift_left3A_728 = arith.shli %get3A_718, %shift_left3A_727 : vector<16xi32>
          %bitcast_convert_type3A_729 = tpu.bitcast %shift_left3A_728 : vector<16xi32> -> vector<16xf32>
          %shift_left3A_730 = arith.constant 16 : i32
          %shift_left3A_731 = vector.broadcast %shift_left3A_730 : i32 to vector<16xi32>
          %shift_left3A_732 = arith.shli %gather3A_722, %shift_left3A_731 : vector<16xi32>
          %bitcast_convert_type3A_733 = tpu.bitcast %shift_left3A_732 : vector<16xi32> -> vector<16xf32>
          %shift_left3A_734 = arith.constant 16 : i32
          %shift_left3A_735 = vector.broadcast %shift_left3A_734 : i32 to vector<16xi32>
          %shift_left3A_736 = arith.shli %get3A_725, %shift_left3A_735 : vector<16xi32>
          %bitcast_convert_type3A_737 = tpu.bitcast %shift_left3A_736 : vector<16xi32> -> vector<16xf32>
          %bitcast_convert_type3A_738 = tpu.bitcast %get3A_718 : vector<16xi32> -> vector<16xf32>
          %bitcast_convert_type3A_739 = tpu.bitcast %gather3A_722 : vector<16xi32> -> vector<16xf32>
          %bitcast_convert_type3A_740 = tpu.bitcast %get3A_725 : vector<16xi32> -> vector<16xf32>
          %mul3A_741 = arith.mulf %bitcast_convert_type3A_729, %bitcast_convert_type3A_733 : vector<16xf32>
          %mul3A_742 = arith.mulf %mul3A_741, %bitcast_convert_type3A_737 : vector<16xf32>
          %add3A_743 = arith.addf %add3A_715, %mul3A_742 : vector<16xf32>
          %mul3A_744 = arith.mulf %bitcast_convert_type3A_738, %bitcast_convert_type3A_739 : vector<16xf32>
          %mul3A_745 = arith.mulf %mul3A_744, %bitcast_convert_type3A_740 : vector<16xf32>
          %add3A_746 = arith.addf %add3A_743, %mul3A_745 : vector<16xf32>
          %get3A_747 = arith.index_cast %add3A_645 : i32 to index
          %get3A_748 = arith.constant 48 : index
          %get3A_749 = tpu.vector_load %arg14[%get3A_747, %get3A_748] {strides = array<i32>} : memref<80x64xi32, #tpu.memory_space<vmem>>, vector<16xi32>,
          %add3A_750 = arith.constant 48 : i32
          %add3A_751 = vector.broadcast %add3A_750 : i32 to vector<16xi32>
          %add3A_752 = arith.addi %add3A_651, %add3A_751 : vector<16xi32>
          %gather3A_753 = tpu.vector_load_idx %arg11[%add3A_752] : memref<32000xi32, #tpu.memory_space<vmem>>[vector<16xi32>], vector<16xi32>,
          %get3A_754 = arith.index_cast %add3A_645 : i32 to index
          %get3A_755 = arith.constant 48 : index
          %get3A_756 = tpu.vector_load %arg15[%get3A_754, %get3A_755] {strides = array<i32>} : memref<80x64xi32, #tpu.memory_space<vmem>>, vector<16xi32>,
          %shift_left3A_757 = arith.constant 16 : i32
          %shift_left3A_758 = vector.broadcast %shift_left3A_757 : i32 to vector<16xi32>
          %shift_left3A_759 = arith.shli %get3A_749, %shift_left3A_758 : vector<16xi32>
          %bitcast_convert_type3A_760 = tpu.bitcast %shift_left3A_759 : vector<16xi32> -> vector<16xf32>
          %shift_left3A_761 = arith.constant 16 : i32
          %shift_left3A_762 = vector.broadcast %shift_left3A_761 : i32 to vector<16xi32>
          %shift_left3A_763 = arith.shli %gather3A_753, %shift_left3A_762 : vector<16xi32>
          %bitcast_convert_type3A_764 = tpu.bitcast %shift_left3A_763 : vector<16xi32> -> vector<16xf32>
          %shift_left3A_765 = arith.constant 16 : i32
          %shift_left3A_766 = vector.broadcast %shift_left3A_765 : i32 to vector<16xi32>
          %shift_left3A_767 = arith.shli %get3A_756, %shift_left3A_766 : vector<16xi32>
          %bitcast_convert_type3A_768 = tpu.bitcast %shift_left3A_767 : vector<16xi32> -> vector<16xf32>
          %bitcast_convert_type3A_769 = tpu.bitcast %get3A_749 : vector<16xi32> -> vector<16xf32>
          %bitcast_convert_type3A_770 = tpu.bitcast %gather3A_753 : vector<16xi32> -> vector<16xf32>
          %bitcast_convert_type3A_771 = tpu.bitcast %get3A_756 : vector<16xi32> -> vector<16xf32>
          %mul3A_772 = arith.mulf %bitcast_convert_type3A_760, %bitcast_convert_type3A_764 : vector<16xf32>
          %mul3A_773 = arith.mulf %mul3A_772, %bitcast_convert_type3A_768 : vector<16xf32>
          %add3A_774 = arith.addf %add3A_746, %mul3A_773 : vector<16xf32>
          %mul3A_775 = arith.mulf %bitcast_convert_type3A_769, %bitcast_convert_type3A_770 : vector<16xf32>
          %mul3A_776 = arith.mulf %mul3A_775, %bitcast_convert_type3A_771 : vector<16xf32>
          %add3A_777 = arith.addf %add3A_774, %mul3A_776 : vector<16xf32>
          %eq3A_778 = arith.constant 4 : i32
          %eq3A_779 = vector.broadcast %eq3A_778 : i32 to vector<16xi32>
          %eq3A_780 = arith.cmpi eq, %iota3A, %eq3A_779 : vector<16xi32>
          %reduce_sum3A_781 = arith.constant true
          %reduce_sum3A_782 = vector.broadcast %reduce_sum3A_781 : i1 to vector<16xi1>
          %reduce_sum3A_783 = tpu.scan <sum>, %add3A_777 masked %reduce_sum3A_782 : vector<16xf32>, vector<16xi1> -> vector<16xf32>
          %reduce_sum3A_784 = vector.extract %reduce_sum3A_783[15] : f32 from vector<16xf32>
          %jit3A_785 = arith.constant 0.000000e+00 : f32
          %broadcast_in_dim3A_786 = vector.broadcast %reduce_sum3A_784 : f32 to vector<16xf32>
          %broadcast_in_dim3A_787 = vector.broadcast %jit3A_785 : f32 to vector<16xf32>
          %select_n3A_788 = arith.select %eq3A_780, %broadcast_in_dim3A_786, %broadcast_in_dim3A_787 : vector<16xi1>, vector<16xf32>
          %add3A_789 = arith.constant 5 : i32
          %add3A_790 = arith.addi %mul3A_69, %add3A_789 : i32
          %slice3A_791 = vector.extract_strided_slice %get3A_73 {offsets = [5], sizes = [1], strides = [1]} : vector<16xi32> to vector<1xi32>
          %squeeze3A_792 = vector.extract %slice3A_791[0] : i32 from vector<1xi32>
          %mul3A_793 = arith.constant 64 : i32
          %mul3A_794 = arith.muli %squeeze3A_792, %mul3A_793 : i32
          %add3A_795 = vector.broadcast %mul3A_794 : i32 to vector<16xi32>
          %add3A_796 = arith.addi %iota3A, %add3A_795 : vector<16xi32>
          %broadcast_in_dim3A_797 = arith.constant 0.000000e+00 : f32
          %broadcast_in_dim3A_798 = vector.broadcast %broadcast_in_dim3A_797 : f32 to vector<16xf32>
          %get3A_799 = arith.index_cast %add3A_790 : i32 to index
          %get3A_800 = arith.constant 0 : index
          %get3A_801 = tpu.vector_load %arg14[%get3A_799, %get3A_800] {strides = array<i32>} : memref<80x64xi32, #tpu.memory_space<vmem>>, vector<16xi32>,
          %add3A_802 = arith.constant 0 : i32
          %add3A_803 = vector.broadcast %add3A_802 : i32 to vector<16xi32>
          %add3A_804 = arith.addi %add3A_796, %add3A_803 : vector<16xi32>
          %gather3A_805 = tpu.vector_load_idx %arg11[%add3A_804] : memref<32000xi32, #tpu.memory_space<vmem>>[vector<16xi32>], vector<16xi32>,
          %get3A_806 = arith.index_cast %add3A_790 : i32 to index
          %get3A_807 = arith.constant 0 : index
          %get3A_808 = tpu.vector_load %arg15[%get3A_806, %get3A_807] {strides = array<i32>} : memref<80x64xi32, #tpu.memory_space<vmem>>, vector<16xi32>,
          %shift_left3A_809 = arith.constant 16 : i32
          %shift_left3A_810 = vector.broadcast %shift_left3A_809 : i32 to vector<16xi32>
          %shift_left3A_811 = arith.shli %get3A_801, %shift_left3A_810 : vector<16xi32>
          %bitcast_convert_type3A_812 = tpu.bitcast %shift_left3A_811 : vector<16xi32> -> vector<16xf32>
          %shift_left3A_813 = arith.constant 16 : i32
          %shift_left3A_814 = vector.broadcast %shift_left3A_813 : i32 to vector<16xi32>
          %shift_left3A_815 = arith.shli %gather3A_805, %shift_left3A_814 : vector<16xi32>
          %bitcast_convert_type3A_816 = tpu.bitcast %shift_left3A_815 : vector<16xi32> -> vector<16xf32>
          %shift_left3A_817 = arith.constant 16 : i32
          %shift_left3A_818 = vector.broadcast %shift_left3A_817 : i32 to vector<16xi32>
          %shift_left3A_819 = arith.shli %get3A_808, %shift_left3A_818 : vector<16xi32>
          %bitcast_convert_type3A_820 = tpu.bitcast %shift_left3A_819 : vector<16xi32> -> vector<16xf32>
          %bitcast_convert_type3A_821 = tpu.bitcast %get3A_801 : vector<16xi32> -> vector<16xf32>
          %bitcast_convert_type3A_822 = tpu.bitcast %gather3A_805 : vector<16xi32> -> vector<16xf32>
          %bitcast_convert_type3A_823 = tpu.bitcast %get3A_808 : vector<16xi32> -> vector<16xf32>
          %mul3A_824 = arith.mulf %bitcast_convert_type3A_812, %bitcast_convert_type3A_816 : vector<16xf32>
          %mul3A_825 = arith.mulf %mul3A_824, %bitcast_convert_type3A_820 : vector<16xf32>
          %add3A_826 = arith.addf %broadcast_in_dim3A_798, %mul3A_825 : vector<16xf32>
          %mul3A_827 = arith.mulf %bitcast_convert_type3A_821, %bitcast_convert_type3A_822 : vector<16xf32>
          %mul3A_828 = arith.mulf %mul3A_827, %bitcast_convert_type3A_823 : vector<16xf32>
          %add3A_829 = arith.addf %add3A_826, %mul3A_828 : vector<16xf32>
          %get3A_830 = arith.index_cast %add3A_790 : i32 to index
          %get3A_831 = arith.constant 16 : index
          %get3A_832 = tpu.vector_load %arg14[%get3A_830, %get3A_831] {strides = array<i32>} : memref<80x64xi32, #tpu.memory_space<vmem>>, vector<16xi32>,
          %add3A_833 = arith.constant 16 : i32
          %add3A_834 = vector.broadcast %add3A_833 : i32 to vector<16xi32>
          %add3A_835 = arith.addi %add3A_796, %add3A_834 : vector<16xi32>
          %gather3A_836 = tpu.vector_load_idx %arg11[%add3A_835] : memref<32000xi32, #tpu.memory_space<vmem>>[vector<16xi32>], vector<16xi32>,
          %get3A_837 = arith.index_cast %add3A_790 : i32 to index
          %get3A_838 = arith.constant 16 : index
          %get3A_839 = tpu.vector_load %arg15[%get3A_837, %get3A_838] {strides = array<i32>} : memref<80x64xi32, #tpu.memory_space<vmem>>, vector<16xi32>,
          %shift_left3A_840 = arith.constant 16 : i32
          %shift_left3A_841 = vector.broadcast %shift_left3A_840 : i32 to vector<16xi32>
          %shift_left3A_842 = arith.shli %get3A_832, %shift_left3A_841 : vector<16xi32>
          %bitcast_convert_type3A_843 = tpu.bitcast %shift_left3A_842 : vector<16xi32> -> vector<16xf32>
          %shift_left3A_844 = arith.constant 16 : i32
          %shift_left3A_845 = vector.broadcast %shift_left3A_844 : i32 to vector<16xi32>
          %shift_left3A_846 = arith.shli %gather3A_836, %shift_left3A_845 : vector<16xi32>
          %bitcast_convert_type3A_847 = tpu.bitcast %shift_left3A_846 : vector<16xi32> -> vector<16xf32>
          %shift_left3A_848 = arith.constant 16 : i32
          %shift_left3A_849 = vector.broadcast %shift_left3A_848 : i32 to vector<16xi32>
          %shift_left3A_850 = arith.shli %get3A_839, %shift_left3A_849 : vector<16xi32>
          %bitcast_convert_type3A_851 = tpu.bitcast %shift_left3A_850 : vector<16xi32> -> vector<16xf32>
          %bitcast_convert_type3A_852 = tpu.bitcast %get3A_832 : vector<16xi32> -> vector<16xf32>
          %bitcast_convert_type3A_853 = tpu.bitcast %gather3A_836 : vector<16xi32> -> vector<16xf32>
          %bitcast_convert_type3A_854 = tpu.bitcast %get3A_839 : vector<16xi32> -> vector<16xf32>
          %mul3A_855 = arith.mulf %bitcast_convert_type3A_843, %bitcast_convert_type3A_847 : vector<16xf32>
          %mul3A_856 = arith.mulf %mul3A_855, %bitcast_convert_type3A_851 : vector<16xf32>
          %add3A_857 = arith.addf %add3A_829, %mul3A_856 : vector<16xf32>
          %mul3A_858 = arith.mulf %bitcast_convert_type3A_852, %bitcast_convert_type3A_853 : vector<16xf32>
          %mul3A_859 = arith.mulf %mul3A_858, %bitcast_convert_type3A_854 : vector<16xf32>
          %add3A_860 = arith.addf %add3A_857, %mul3A_859 : vector<16xf32>
          %get3A_861 = arith.index_cast %add3A_790 : i32 to index
          %get3A_862 = arith.constant 32 : index
          %get3A_863 = tpu.vector_load %arg14[%get3A_861, %get3A_862] {strides = array<i32>} : memref<80x64xi32, #tpu.memory_space<vmem>>, vector<16xi32>,
          %add3A_864 = arith.constant 32 : i32
          %add3A_865 = vector.broadcast %add3A_864 : i32 to vector<16xi32>
          %add3A_866 = arith.addi %add3A_796, %add3A_865 : vector<16xi32>
          %gather3A_867 = tpu.vector_load_idx %arg11[%add3A_866] : memref<32000xi32, #tpu.memory_space<vmem>>[vector<16xi32>], vector<16xi32>,
          %get3A_868 = arith.index_cast %add3A_790 : i32 to index
          %get3A_869 = arith.constant 32 : index
          %get3A_870 = tpu.vector_load %arg15[%get3A_868, %get3A_869] {strides = array<i32>} : memref<80x64xi32, #tpu.memory_space<vmem>>, vector<16xi32>,
          %shift_left3A_871 = arith.constant 16 : i32
          %shift_left3A_872 = vector.broadcast %shift_left3A_871 : i32 to vector<16xi32>
          %shift_left3A_873 = arith.shli %get3A_863, %shift_left3A_872 : vector<16xi32>
          %bitcast_convert_type3A_874 = tpu.bitcast %shift_left3A_873 : vector<16xi32> -> vector<16xf32>
          %shift_left3A_875 = arith.constant 16 : i32
          %shift_left3A_876 = vector.broadcast %shift_left3A_875 : i32 to vector<16xi32>
          %shift_left3A_877 = arith.shli %gather3A_867, %shift_left3A_876 : vector<16xi32>
          %bitcast_convert_type3A_878 = tpu.bitcast %shift_left3A_877 : vector<16xi32> -> vector<16xf32>
          %shift_left3A_879 = arith.constant 16 : i32
          %shift_left3A_880 = vector.broadcast %shift_left3A_879 : i32 to vector<16xi32>
          %shift_left3A_881 = arith.shli %get3A_870, %shift_left3A_880 : vector<16xi32>
          %bitcast_convert_type3A_882 = tpu.bitcast %shift_left3A_881 : vector<16xi32> -> vector<16xf32>
          %bitcast_convert_type3A_883 = tpu.bitcast %get3A_863 : vector<16xi32> -> vector<16xf32>
          %bitcast_convert_type3A_884 = tpu.bitcast %gather3A_867 : vector<16xi32> -> vector<16xf32>
          %bitcast_convert_type3A_885 = tpu.bitcast %get3A_870 : vector<16xi32> -> vector<16xf32>
          %mul3A_886 = arith.mulf %bitcast_convert_type3A_874, %bitcast_convert_type3A_878 : vector<16xf32>
          %mul3A_887 = arith.mulf %mul3A_886, %bitcast_convert_type3A_882 : vector<16xf32>
          %add3A_888 = arith.addf %add3A_860, %mul3A_887 : vector<16xf32>
          %mul3A_889 = arith.mulf %bitcast_convert_type3A_883, %bitcast_convert_type3A_884 : vector<16xf32>
          %mul3A_890 = arith.mulf %mul3A_889, %bitcast_convert_type3A_885 : vector<16xf32>
          %add3A_891 = arith.addf %add3A_888, %mul3A_890 : vector<16xf32>
          %get3A_892 = arith.index_cast %add3A_790 : i32 to index
          %get3A_893 = arith.constant 48 : index
          %get3A_894 = tpu.vector_load %arg14[%get3A_892, %get3A_893] {strides = array<i32>} : memref<80x64xi32, #tpu.memory_space<vmem>>, vector<16xi32>,
          %add3A_895 = arith.constant 48 : i32
          %add3A_896 = vector.broadcast %add3A_895 : i32 to vector<16xi32>
          %add3A_897 = arith.addi %add3A_796, %add3A_896 : vector<16xi32>
          %gather3A_898 = tpu.vector_load_idx %arg11[%add3A_897] : memref<32000xi32, #tpu.memory_space<vmem>>[vector<16xi32>], vector<16xi32>,
          %get3A_899 = arith.index_cast %add3A_790 : i32 to index
          %get3A_900 = arith.constant 48 : index
          %get3A_901 = tpu.vector_load %arg15[%get3A_899, %get3A_900] {strides = array<i32>} : memref<80x64xi32, #tpu.memory_space<vmem>>, vector<16xi32>,
          %shift_left3A_902 = arith.constant 16 : i32
          %shift_left3A_903 = vector.broadcast %shift_left3A_902 : i32 to vector<16xi32>
          %shift_left3A_904 = arith.shli %get3A_894, %shift_left3A_903 : vector<16xi32>
          %bitcast_convert_type3A_905 = tpu.bitcast %shift_left3A_904 : vector<16xi32> -> vector<16xf32>
          %shift_left3A_906 = arith.constant 16 : i32
          %shift_left3A_907 = vector.broadcast %shift_left3A_906 : i32 to vector<16xi32>
          %shift_left3A_908 = arith.shli %gather3A_898, %shift_left3A_907 : vector<16xi32>
          %bitcast_convert_type3A_909 = tpu.bitcast %shift_left3A_908 : vector<16xi32> -> vector<16xf32>
          %shift_left3A_910 = arith.constant 16 : i32
          %shift_left3A_911 = vector.broadcast %shift_left3A_910 : i32 to vector<16xi32>
          %shift_left3A_912 = arith.shli %get3A_901, %shift_left3A_911 : vector<16xi32>
          %bitcast_convert_type3A_913 = tpu.bitcast %shift_left3A_912 : vector<16xi32> -> vector<16xf32>
          %bitcast_convert_type3A_914 = tpu.bitcast %get3A_894 : vector<16xi32> -> vector<16xf32>
          %bitcast_convert_type3A_915 = tpu.bitcast %gather3A_898 : vector<16xi32> -> vector<16xf32>
          %bitcast_convert_type3A_916 = tpu.bitcast %get3A_901 : vector<16xi32> -> vector<16xf32>
          %mul3A_917 = arith.mulf %bitcast_convert_type3A_905, %bitcast_convert_type3A_909 : vector<16xf32>
          %mul3A_918 = arith.mulf %mul3A_917, %bitcast_convert_type3A_913 : vector<16xf32>
          %add3A_919 = arith.addf %add3A_891, %mul3A_918 : vector<16xf32>
          %mul3A_920 = arith.mulf %bitcast_convert_type3A_914, %bitcast_convert_type3A_915 : vector<16xf32>
          %mul3A_921 = arith.mulf %mul3A_920, %bitcast_convert_type3A_916 : vector<16xf32>
          %add3A_922 = arith.addf %add3A_919, %mul3A_921 : vector<16xf32>
          %eq3A_923 = arith.constant 5 : i32
          %eq3A_924 = vector.broadcast %eq3A_923 : i32 to vector<16xi32>
          %eq3A_925 = arith.cmpi eq, %iota3A, %eq3A_924 : vector<16xi32>
          %reduce_sum3A_926 = arith.constant true
          %reduce_sum3A_927 = vector.broadcast %reduce_sum3A_926 : i1 to vector<16xi1>
          %reduce_sum3A_928 = tpu.scan <sum>, %add3A_922 masked %reduce_sum3A_927 : vector<16xf32>, vector<16xi1> -> vector<16xf32>
          %reduce_sum3A_929 = vector.extract %reduce_sum3A_928[15] : f32 from vector<16xf32>
          %jit3A_930 = arith.constant 0.000000e+00 : f32
          %broadcast_in_dim3A_931 = vector.broadcast %reduce_sum3A_929 : f32 to vector<16xf32>
          %broadcast_in_dim3A_932 = vector.broadcast %jit3A_930 : f32 to vector<16xf32>
          %select_n3A_933 = arith.select %eq3A_925, %broadcast_in_dim3A_931, %broadcast_in_dim3A_932 : vector<16xi1>, vector<16xf32>
          %add3A_934 = arith.constant 6 : i32
          %add3A_935 = arith.addi %mul3A_69, %add3A_934 : i32
          %slice3A_936 = vector.extract_strided_slice %get3A_73 {offsets = [6], sizes = [1], strides = [1]} : vector<16xi32> to vector<1xi32>
          %squeeze3A_937 = vector.extract %slice3A_936[0] : i32 from vector<1xi32>
          %mul3A_938 = arith.constant 64 : i32
          %mul3A_939 = arith.muli %squeeze3A_937, %mul3A_938 : i32
          %add3A_940 = vector.broadcast %mul3A_939 : i32 to vector<16xi32>
          %add3A_941 = arith.addi %iota3A, %add3A_940 : vector<16xi32>
          %broadcast_in_dim3A_942 = arith.constant 0.000000e+00 : f32
          %broadcast_in_dim3A_943 = vector.broadcast %broadcast_in_dim3A_942 : f32 to vector<16xf32>
          %get3A_944 = arith.index_cast %add3A_935 : i32 to index
          %get3A_945 = arith.constant 0 : index
          %get3A_946 = tpu.vector_load %arg14[%get3A_944, %get3A_945] {strides = array<i32>} : memref<80x64xi32, #tpu.memory_space<vmem>>, vector<16xi32>,
          %add3A_947 = arith.constant 0 : i32
          %add3A_948 = vector.broadcast %add3A_947 : i32 to vector<16xi32>
          %add3A_949 = arith.addi %add3A_941, %add3A_948 : vector<16xi32>
          %gather3A_950 = tpu.vector_load_idx %arg11[%add3A_949] : memref<32000xi32, #tpu.memory_space<vmem>>[vector<16xi32>], vector<16xi32>,
          %get3A_951 = arith.index_cast %add3A_935 : i32 to index
          %get3A_952 = arith.constant 0 : index
          %get3A_953 = tpu.vector_load %arg15[%get3A_951, %get3A_952] {strides = array<i32>} : memref<80x64xi32, #tpu.memory_space<vmem>>, vector<16xi32>,
          %shift_left3A_954 = arith.constant 16 : i32
          %shift_left3A_955 = vector.broadcast %shift_left3A_954 : i32 to vector<16xi32>
          %shift_left3A_956 = arith.shli %get3A_946, %shift_left3A_955 : vector<16xi32>
          %bitcast_convert_type3A_957 = tpu.bitcast %shift_left3A_956 : vector<16xi32> -> vector<16xf32>
          %shift_left3A_958 = arith.constant 16 : i32
          %shift_left3A_959 = vector.broadcast %shift_left3A_958 : i32 to vector<16xi32>
          %shift_left3A_960 = arith.shli %gather3A_950, %shift_left3A_959 : vector<16xi32>
          %bitcast_convert_type3A_961 = tpu.bitcast %shift_left3A_960 : vector<16xi32> -> vector<16xf32>
          %shift_left3A_962 = arith.constant 16 : i32
          %shift_left3A_963 = vector.broadcast %shift_left3A_962 : i32 to vector<16xi32>
          %shift_left3A_964 = arith.shli %get3A_953, %shift_left3A_963 : vector<16xi32>
          %bitcast_convert_type3A_965 = tpu.bitcast %shift_left3A_964 : vector<16xi32> -> vector<16xf32>
          %bitcast_convert_type3A_966 = tpu.bitcast %get3A_946 : vector<16xi32> -> vector<16xf32>
          %bitcast_convert_type3A_967 = tpu.bitcast %gather3A_950 : vector<16xi32> -> vector<16xf32>
          %bitcast_convert_type3A_968 = tpu.bitcast %get3A_953 : vector<16xi32> -> vector<16xf32>
          %mul3A_969 = arith.mulf %bitcast_convert_type3A_957, %bitcast_convert_type3A_961 : vector<16xf32>
          %mul3A_970 = arith.mulf %mul3A_969, %bitcast_convert_type3A_965 : vector<16xf32>
          %add3A_971 = arith.addf %broadcast_in_dim3A_943, %mul3A_970 : vector<16xf32>
          %mul3A_972 = arith.mulf %bitcast_convert_type3A_966, %bitcast_convert_type3A_967 : vector<16xf32>
          %mul3A_973 = arith.mulf %mul3A_972, %bitcast_convert_type3A_968 : vector<16xf32>
          %add3A_974 = arith.addf %add3A_971, %mul3A_973 : vector<16xf32>
          %get3A_975 = arith.index_cast %add3A_935 : i32 to index
          %get3A_976 = arith.constant 16 : index
          %get3A_977 = tpu.vector_load %arg14[%get3A_975, %get3A_976] {strides = array<i32>} : memref<80x64xi32, #tpu.memory_space<vmem>>, vector<16xi32>,
          %add3A_978 = arith.constant 16 : i32
          %add3A_979 = vector.broadcast %add3A_978 : i32 to vector<16xi32>
          %add3A_980 = arith.addi %add3A_941, %add3A_979 : vector<16xi32>
          %gather3A_981 = tpu.vector_load_idx %arg11[%add3A_980] : memref<32000xi32, #tpu.memory_space<vmem>>[vector<16xi32>], vector<16xi32>,
          %get3A_982 = arith.index_cast %add3A_935 : i32 to index
          %get3A_983 = arith.constant 16 : index
          %get3A_984 = tpu.vector_load %arg15[%get3A_982, %get3A_983] {strides = array<i32>} : memref<80x64xi32, #tpu.memory_space<vmem>>, vector<16xi32>,
          %shift_left3A_985 = arith.constant 16 : i32
          %shift_left3A_986 = vector.broadcast %shift_left3A_985 : i32 to vector<16xi32>
          %shift_left3A_987 = arith.shli %get3A_977, %shift_left3A_986 : vector<16xi32>
          %bitcast_convert_type3A_988 = tpu.bitcast %shift_left3A_987 : vector<16xi32> -> vector<16xf32>
          %shift_left3A_989 = arith.constant 16 : i32
          %shift_left3A_990 = vector.broadcast %shift_left3A_989 : i32 to vector<16xi32>
          %shift_left3A_991 = arith.shli %gather3A_981, %shift_left3A_990 : vector<16xi32>
          %bitcast_convert_type3A_992 = tpu.bitcast %shift_left3A_991 : vector<16xi32> -> vector<16xf32>
          %shift_left3A_993 = arith.constant 16 : i32
          %shift_left3A_994 = vector.broadcast %shift_left3A_993 : i32 to vector<16xi32>
          %shift_left3A_995 = arith.shli %get3A_984, %shift_left3A_994 : vector<16xi32>
          %bitcast_convert_type3A_996 = tpu.bitcast %shift_left3A_995 : vector<16xi32> -> vector<16xf32>
          %bitcast_convert_type3A_997 = tpu.bitcast %get3A_977 : vector<16xi32> -> vector<16xf32>
          %bitcast_convert_type3A_998 = tpu.bitcast %gather3A_981 : vector<16xi32> -> vector<16xf32>
          %bitcast_convert_type3A_999 = tpu.bitcast %get3A_984 : vector<16xi32> -> vector<16xf32>
          %mul3A_1000 = arith.mulf %bitcast_convert_type3A_988, %bitcast_convert_type3A_992 : vector<16xf32>
          %mul3A_1001 = arith.mulf %mul3A_1000, %bitcast_convert_type3A_996 : vector<16xf32>
          %add3A_1002 = arith.addf %add3A_974, %mul3A_1001 : vector<16xf32>
          %mul3A_1003 = arith.mulf %bitcast_convert_type3A_997, %bitcast_convert_type3A_998 : vector<16xf32>
          %mul3A_1004 = arith.mulf %mul3A_1003, %bitcast_convert_type3A_999 : vector<16xf32>
          %add3A_1005 = arith.addf %add3A_1002, %mul3A_1004 : vector<16xf32>
          %get3A_1006 = arith.index_cast %add3A_935 : i32 to index
          %get3A_1007 = arith.constant 32 : index
          %get3A_1008 = tpu.vector_load %arg14[%get3A_1006, %get3A_1007] {strides = array<i32>} : memref<80x64xi32, #tpu.memory_space<vmem>>, vector<16xi32>,
          %add3A_1009 = arith.constant 32 : i32
          %add3A_1010 = vector.broadcast %add3A_1009 : i32 to vector<16xi32>
          %add3A_1011 = arith.addi %add3A_941, %add3A_1010 : vector<16xi32>
          %gather3A_1012 = tpu.vector_load_idx %arg11[%add3A_1011] : memref<32000xi32, #tpu.memory_space<vmem>>[vector<16xi32>], vector<16xi32>,
          %get3A_1013 = arith.index_cast %add3A_935 : i32 to index
          %get3A_1014 = arith.constant 32 : index
          %get3A_1015 = tpu.vector_load %arg15[%get3A_1013, %get3A_1014] {strides = array<i32>} : memref<80x64xi32, #tpu.memory_space<vmem>>, vector<16xi32>,
          %shift_left3A_1016 = arith.constant 16 : i32
          %shift_left3A_1017 = vector.broadcast %shift_left3A_1016 : i32 to vector<16xi32>
          %shift_left3A_1018 = arith.shli %get3A_1008, %shift_left3A_1017 : vector<16xi32>
          %bitcast_convert_type3A_1019 = tpu.bitcast %shift_left3A_1018 : vector<16xi32> -> vector<16xf32>
          %shift_left3A_1020 = arith.constant 16 : i32
          %shift_left3A_1021 = vector.broadcast %shift_left3A_1020 : i32 to vector<16xi32>
          %shift_left3A_1022 = arith.shli %gather3A_1012, %shift_left3A_1021 : vector<16xi32>
          %bitcast_convert_type3A_1023 = tpu.bitcast %shift_left3A_1022 : vector<16xi32> -> vector<16xf32>
          %shift_left3A_1024 = arith.constant 16 : i32
          %shift_left3A_1025 = vector.broadcast %shift_left3A_1024 : i32 to vector<16xi32>
          %shift_left3A_1026 = arith.shli %get3A_1015, %shift_left3A_1025 : vector<16xi32>
          %bitcast_convert_type3A_1027 = tpu.bitcast %shift_left3A_1026 : vector<16xi32> -> vector<16xf32>
          %bitcast_convert_type3A_1028 = tpu.bitcast %get3A_1008 : vector<16xi32> -> vector<16xf32>
          %bitcast_convert_type3A_1029 = tpu.bitcast %gather3A_1012 : vector<16xi32> -> vector<16xf32>
          %bitcast_convert_type3A_1030 = tpu.bitcast %get3A_1015 : vector<16xi32> -> vector<16xf32>
          %mul3A_1031 = arith.mulf %bitcast_convert_type3A_1019, %bitcast_convert_type3A_1023 : vector<16xf32>
          %mul3A_1032 = arith.mulf %mul3A_1031, %bitcast_convert_type3A_1027 : vector<16xf32>
          %add3A_1033 = arith.addf %add3A_1005, %mul3A_1032 : vector<16xf32>
          %mul3A_1034 = arith.mulf %bitcast_convert_type3A_1028, %bitcast_convert_type3A_1029 : vector<16xf32>
          %mul3A_1035 = arith.mulf %mul3A_1034, %bitcast_convert_type3A_1030 : vector<16xf32>
          %add3A_1036 = arith.addf %add3A_1033, %mul3A_1035 : vector<16xf32>
          %get3A_1037 = arith.index_cast %add3A_935 : i32 to index
          %get3A_1038 = arith.constant 48 : index
          %get3A_1039 = tpu.vector_load %arg14[%get3A_1037, %get3A_1038] {strides = array<i32>} : memref<80x64xi32, #tpu.memory_space<vmem>>, vector<16xi32>,
          %add3A_1040 = arith.constant 48 : i32
          %add3A_1041 = vector.broadcast %add3A_1040 : i32 to vector<16xi32>
          %add3A_1042 = arith.addi %add3A_941, %add3A_1041 : vector<16xi32>
          %gather3A_1043 = tpu.vector_load_idx %arg11[%add3A_1042] : memref<32000xi32, #tpu.memory_space<vmem>>[vector<16xi32>], vector<16xi32>,
          %get3A_1044 = arith.index_cast %add3A_935 : i32 to index
          %get3A_1045 = arith.constant 48 : index
          %get3A_1046 = tpu.vector_load %arg15[%get3A_1044, %get3A_1045] {strides = array<i32>} : memref<80x64xi32, #tpu.memory_space<vmem>>, vector<16xi32>,
          %shift_left3A_1047 = arith.constant 16 : i32
          %shift_left3A_1048 = vector.broadcast %shift_left3A_1047 : i32 to vector<16xi32>
          %shift_left3A_1049 = arith.shli %get3A_1039, %shift_left3A_1048 : vector<16xi32>
          %bitcast_convert_type3A_1050 = tpu.bitcast %shift_left3A_1049 : vector<16xi32> -> vector<16xf32>
          %shift_left3A_1051 = arith.constant 16 : i32
          %shift_left3A_1052 = vector.broadcast %shift_left3A_1051 : i32 to vector<16xi32>
          %shift_left3A_1053 = arith.shli %gather3A_1043, %shift_left3A_1052 : vector<16xi32>
          %bitcast_convert_type3A_1054 = tpu.bitcast %shift_left3A_1053 : vector<16xi32> -> vector<16xf32>
          %shift_left3A_1055 = arith.constant 16 : i32
          %shift_left3A_1056 = vector.broadcast %shift_left3A_1055 : i32 to vector<16xi32>
          %shift_left3A_1057 = arith.shli %get3A_1046, %shift_left3A_1056 : vector<16xi32>
          %bitcast_convert_type3A_1058 = tpu.bitcast %shift_left3A_1057 : vector<16xi32> -> vector<16xf32>
          %bitcast_convert_type3A_1059 = tpu.bitcast %get3A_1039 : vector<16xi32> -> vector<16xf32>
          %bitcast_convert_type3A_1060 = tpu.bitcast %gather3A_1043 : vector<16xi32> -> vector<16xf32>
          %bitcast_convert_type3A_1061 = tpu.bitcast %get3A_1046 : vector<16xi32> -> vector<16xf32>
          %mul3A_1062 = arith.mulf %bitcast_convert_type3A_1050, %bitcast_convert_type3A_1054 : vector<16xf32>
          %mul3A_1063 = arith.mulf %mul3A_1062, %bitcast_convert_type3A_1058 : vector<16xf32>
          %add3A_1064 = arith.addf %add3A_1036, %mul3A_1063 : vector<16xf32>
          %mul3A_1065 = arith.mulf %bitcast_convert_type3A_1059, %bitcast_convert_type3A_1060 : vector<16xf32>
          %mul3A_1066 = arith.mulf %mul3A_1065, %bitcast_convert_type3A_1061 : vector<16xf32>
          %add3A_1067 = arith.addf %add3A_1064, %mul3A_1066 : vector<16xf32>
          %eq3A_1068 = arith.constant 6 : i32
          %eq3A_1069 = vector.broadcast %eq3A_1068 : i32 to vector<16xi32>
          %eq3A_1070 = arith.cmpi eq, %iota3A, %eq3A_1069 : vector<16xi32>
          %reduce_sum3A_1071 = arith.constant true
          %reduce_sum3A_1072 = vector.broadcast %reduce_sum3A_1071 : i1 to vector<16xi1>
          %reduce_sum3A_1073 = tpu.scan <sum>, %add3A_1067 masked %reduce_sum3A_1072 : vector<16xf32>, vector<16xi1> -> vector<16xf32>
          %reduce_sum3A_1074 = vector.extract %reduce_sum3A_1073[15] : f32 from vector<16xf32>
          %jit3A_1075 = arith.constant 0.000000e+00 : f32
          %broadcast_in_dim3A_1076 = vector.broadcast %reduce_sum3A_1074 : f32 to vector<16xf32>
          %broadcast_in_dim3A_1077 = vector.broadcast %jit3A_1075 : f32 to vector<16xf32>
          %select_n3A_1078 = arith.select %eq3A_1070, %broadcast_in_dim3A_1076, %broadcast_in_dim3A_1077 : vector<16xi1>, vector<16xf32>
          %add3A_1079 = arith.constant 7 : i32
          %add3A_1080 = arith.addi %mul3A_69, %add3A_1079 : i32
          %slice3A_1081 = vector.extract_strided_slice %get3A_73 {offsets = [7], sizes = [1], strides = [1]} : vector<16xi32> to vector<1xi32>
          %squeeze3A_1082 = vector.extract %slice3A_1081[0] : i32 from vector<1xi32>
          %mul3A_1083 = arith.constant 64 : i32
          %mul3A_1084 = arith.muli %squeeze3A_1082, %mul3A_1083 : i32
          %add3A_1085 = vector.broadcast %mul3A_1084 : i32 to vector<16xi32>
          %add3A_1086 = arith.addi %iota3A, %add3A_1085 : vector<16xi32>
          %broadcast_in_dim3A_1087 = arith.constant 0.000000e+00 : f32
          %broadcast_in_dim3A_1088 = vector.broadcast %broadcast_in_dim3A_1087 : f32 to vector<16xf32>
          %get3A_1089 = arith.index_cast %add3A_1080 : i32 to index
          %get3A_1090 = arith.constant 0 : index
          %get3A_1091 = tpu.vector_load %arg14[%get3A_1089, %get3A_1090] {strides = array<i32>} : memref<80x64xi32, #tpu.memory_space<vmem>>, vector<16xi32>,
          %add3A_1092 = arith.constant 0 : i32
          %add3A_1093 = vector.broadcast %add3A_1092 : i32 to vector<16xi32>
          %add3A_1094 = arith.addi %add3A_1086, %add3A_1093 : vector<16xi32>
          %gather3A_1095 = tpu.vector_load_idx %arg11[%add3A_1094] : memref<32000xi32, #tpu.memory_space<vmem>>[vector<16xi32>], vector<16xi32>,
          %get3A_1096 = arith.index_cast %add3A_1080 : i32 to index
          %get3A_1097 = arith.constant 0 : index
          %get3A_1098 = tpu.vector_load %arg15[%get3A_1096, %get3A_1097] {strides = array<i32>} : memref<80x64xi32, #tpu.memory_space<vmem>>, vector<16xi32>,
          %shift_left3A_1099 = arith.constant 16 : i32
          %shift_left3A_1100 = vector.broadcast %shift_left3A_1099 : i32 to vector<16xi32>
          %shift_left3A_1101 = arith.shli %get3A_1091, %shift_left3A_1100 : vector<16xi32>
          %bitcast_convert_type3A_1102 = tpu.bitcast %shift_left3A_1101 : vector<16xi32> -> vector<16xf32>
          %shift_left3A_1103 = arith.constant 16 : i32
          %shift_left3A_1104 = vector.broadcast %shift_left3A_1103 : i32 to vector<16xi32>
          %shift_left3A_1105 = arith.shli %gather3A_1095, %shift_left3A_1104 : vector<16xi32>
          %bitcast_convert_type3A_1106 = tpu.bitcast %shift_left3A_1105 : vector<16xi32> -> vector<16xf32>
          %shift_left3A_1107 = arith.constant 16 : i32
          %shift_left3A_1108 = vector.broadcast %shift_left3A_1107 : i32 to vector<16xi32>
          %shift_left3A_1109 = arith.shli %get3A_1098, %shift_left3A_1108 : vector<16xi32>
          %bitcast_convert_type3A_1110 = tpu.bitcast %shift_left3A_1109 : vector<16xi32> -> vector<16xf32>
          %bitcast_convert_type3A_1111 = tpu.bitcast %get3A_1091 : vector<16xi32> -> vector<16xf32>
          %bitcast_convert_type3A_1112 = tpu.bitcast %gather3A_1095 : vector<16xi32> -> vector<16xf32>
          %bitcast_convert_type3A_1113 = tpu.bitcast %get3A_1098 : vector<16xi32> -> vector<16xf32>
          %mul3A_1114 = arith.mulf %bitcast_convert_type3A_1102, %bitcast_convert_type3A_1106 : vector<16xf32>
          %mul3A_1115 = arith.mulf %mul3A_1114, %bitcast_convert_type3A_1110 : vector<16xf32>
          %add3A_1116 = arith.addf %broadcast_in_dim3A_1088, %mul3A_1115 : vector<16xf32>
          %mul3A_1117 = arith.mulf %bitcast_convert_type3A_1111, %bitcast_convert_type3A_1112 : vector<16xf32>
          %mul3A_1118 = arith.mulf %mul3A_1117, %bitcast_convert_type3A_1113 : vector<16xf32>
          %add3A_1119 = arith.addf %add3A_1116, %mul3A_1118 : vector<16xf32>
          %get3A_1120 = arith.index_cast %add3A_1080 : i32 to index
          %get3A_1121 = arith.constant 16 : index
          %get3A_1122 = tpu.vector_load %arg14[%get3A_1120, %get3A_1121] {strides = array<i32>} : memref<80x64xi32, #tpu.memory_space<vmem>>, vector<16xi32>,
          %add3A_1123 = arith.constant 16 : i32
          %add3A_1124 = vector.broadcast %add3A_1123 : i32 to vector<16xi32>
          %add3A_1125 = arith.addi %add3A_1086, %add3A_1124 : vector<16xi32>
          %gather3A_1126 = tpu.vector_load_idx %arg11[%add3A_1125] : memref<32000xi32, #tpu.memory_space<vmem>>[vector<16xi32>], vector<16xi32>,
          %get3A_1127 = arith.index_cast %add3A_1080 : i32 to index
          %get3A_1128 = arith.constant 16 : index
          %get3A_1129 = tpu.vector_load %arg15[%get3A_1127, %get3A_1128] {strides = array<i32>} : memref<80x64xi32, #tpu.memory_space<vmem>>, vector<16xi32>,
          %shift_left3A_1130 = arith.constant 16 : i32
          %shift_left3A_1131 = vector.broadcast %shift_left3A_1130 : i32 to vector<16xi32>
          %shift_left3A_1132 = arith.shli %get3A_1122, %shift_left3A_1131 : vector<16xi32>
          %bitcast_convert_type3A_1133 = tpu.bitcast %shift_left3A_1132 : vector<16xi32> -> vector<16xf32>
          %shift_left3A_1134 = arith.constant 16 : i32
          %shift_left3A_1135 = vector.broadcast %shift_left3A_1134 : i32 to vector<16xi32>
          %shift_left3A_1136 = arith.shli %gather3A_1126, %shift_left3A_1135 : vector<16xi32>
          %bitcast_convert_type3A_1137 = tpu.bitcast %shift_left3A_1136 : vector<16xi32> -> vector<16xf32>
          %shift_left3A_1138 = arith.constant 16 : i32
          %shift_left3A_1139 = vector.broadcast %shift_left3A_1138 : i32 to vector<16xi32>
          %shift_left3A_1140 = arith.shli %get3A_1129, %shift_left3A_1139 : vector<16xi32>
          %bitcast_convert_type3A_1141 = tpu.bitcast %shift_left3A_1140 : vector<16xi32> -> vector<16xf32>
          %bitcast_convert_type3A_1142 = tpu.bitcast %get3A_1122 : vector<16xi32> -> vector<16xf32>
          %bitcast_convert_type3A_1143 = tpu.bitcast %gather3A_1126 : vector<16xi32> -> vector<16xf32>
          %bitcast_convert_type3A_1144 = tpu.bitcast %get3A_1129 : vector<16xi32> -> vector<16xf32>
          %mul3A_1145 = arith.mulf %bitcast_convert_type3A_1133, %bitcast_convert_type3A_1137 : vector<16xf32>
          %mul3A_1146 = arith.mulf %mul3A_1145, %bitcast_convert_type3A_1141 : vector<16xf32>
          %add3A_1147 = arith.addf %add3A_1119, %mul3A_1146 : vector<16xf32>
          %mul3A_1148 = arith.mulf %bitcast_convert_type3A_1142, %bitcast_convert_type3A_1143 : vector<16xf32>
          %mul3A_1149 = arith.mulf %mul3A_1148, %bitcast_convert_type3A_1144 : vector<16xf32>
          %add3A_1150 = arith.addf %add3A_1147, %mul3A_1149 : vector<16xf32>
          %get3A_1151 = arith.index_cast %add3A_1080 : i32 to index
          %get3A_1152 = arith.constant 32 : index
          %get3A_1153 = tpu.vector_load %arg14[%get3A_1151, %get3A_1152] {strides = array<i32>} : memref<80x64xi32, #tpu.memory_space<vmem>>, vector<16xi32>,
          %add3A_1154 = arith.constant 32 : i32
          %add3A_1155 = vector.broadcast %add3A_1154 : i32 to vector<16xi32>
          %add3A_1156 = arith.addi %add3A_1086, %add3A_1155 : vector<16xi32>
          %gather3A_1157 = tpu.vector_load_idx %arg11[%add3A_1156] : memref<32000xi32, #tpu.memory_space<vmem>>[vector<16xi32>], vector<16xi32>,
          %get3A_1158 = arith.index_cast %add3A_1080 : i32 to index
          %get3A_1159 = arith.constant 32 : index
          %get3A_1160 = tpu.vector_load %arg15[%get3A_1158, %get3A_1159] {strides = array<i32>} : memref<80x64xi32, #tpu.memory_space<vmem>>, vector<16xi32>,
          %shift_left3A_1161 = arith.constant 16 : i32
          %shift_left3A_1162 = vector.broadcast %shift_left3A_1161 : i32 to vector<16xi32>
          %shift_left3A_1163 = arith.shli %get3A_1153, %shift_left3A_1162 : vector<16xi32>
          %bitcast_convert_type3A_1164 = tpu.bitcast %shift_left3A_1163 : vector<16xi32> -> vector<16xf32>
          %shift_left3A_1165 = arith.constant 16 : i32
          %shift_left3A_1166 = vector.broadcast %shift_left3A_1165 : i32 to vector<16xi32>
          %shift_left3A_1167 = arith.shli %gather3A_1157, %shift_left3A_1166 : vector<16xi32>
          %bitcast_convert_type3A_1168 = tpu.bitcast %shift_left3A_1167 : vector<16xi32> -> vector<16xf32>
          %shift_left3A_1169 = arith.constant 16 : i32
          %shift_left3A_1170 = vector.broadcast %shift_left3A_1169 : i32 to vector<16xi32>
          %shift_left3A_1171 = arith.shli %get3A_1160, %shift_left3A_1170 : vector<16xi32>
          %bitcast_convert_type3A_1172 = tpu.bitcast %shift_left3A_1171 : vector<16xi32> -> vector<16xf32>
          %bitcast_convert_type3A_1173 = tpu.bitcast %get3A_1153 : vector<16xi32> -> vector<16xf32>
          %bitcast_convert_type3A_1174 = tpu.bitcast %gather3A_1157 : vector<16xi32> -> vector<16xf32>
          %bitcast_convert_type3A_1175 = tpu.bitcast %get3A_1160 : vector<16xi32> -> vector<16xf32>
          %mul3A_1176 = arith.mulf %bitcast_convert_type3A_1164, %bitcast_convert_type3A_1168 : vector<16xf32>
          %mul3A_1177 = arith.mulf %mul3A_1176, %bitcast_convert_type3A_1172 : vector<16xf32>
          %add3A_1178 = arith.addf %add3A_1150, %mul3A_1177 : vector<16xf32>
          %mul3A_1179 = arith.mulf %bitcast_convert_type3A_1173, %bitcast_convert_type3A_1174 : vector<16xf32>
          %mul3A_1180 = arith.mulf %mul3A_1179, %bitcast_convert_type3A_1175 : vector<16xf32>
          %add3A_1181 = arith.addf %add3A_1178, %mul3A_1180 : vector<16xf32>
          %get3A_1182 = arith.index_cast %add3A_1080 : i32 to index
          %get3A_1183 = arith.constant 48 : index
          %get3A_1184 = tpu.vector_load %arg14[%get3A_1182, %get3A_1183] {strides = array<i32>} : memref<80x64xi32, #tpu.memory_space<vmem>>, vector<16xi32>,
          %add3A_1185 = arith.constant 48 : i32
          %add3A_1186 = vector.broadcast %add3A_1185 : i32 to vector<16xi32>
          %add3A_1187 = arith.addi %add3A_1086, %add3A_1186 : vector<16xi32>
          %gather3A_1188 = tpu.vector_load_idx %arg11[%add3A_1187] : memref<32000xi32, #tpu.memory_space<vmem>>[vector<16xi32>], vector<16xi32>,
          %get3A_1189 = arith.index_cast %add3A_1080 : i32 to index
          %get3A_1190 = arith.constant 48 : index
          %get3A_1191 = tpu.vector_load %arg15[%get3A_1189, %get3A_1190] {strides = array<i32>} : memref<80x64xi32, #tpu.memory_space<vmem>>, vector<16xi32>,
          %shift_left3A_1192 = arith.constant 16 : i32
          %shift_left3A_1193 = vector.broadcast %shift_left3A_1192 : i32 to vector<16xi32>
          %shift_left3A_1194 = arith.shli %get3A_1184, %shift_left3A_1193 : vector<16xi32>
          %bitcast_convert_type3A_1195 = tpu.bitcast %shift_left3A_1194 : vector<16xi32> -> vector<16xf32>
          %shift_left3A_1196 = arith.constant 16 : i32
          %shift_left3A_1197 = vector.broadcast %shift_left3A_1196 : i32 to vector<16xi32>
          %shift_left3A_1198 = arith.shli %gather3A_1188, %shift_left3A_1197 : vector<16xi32>
          %bitcast_convert_type3A_1199 = tpu.bitcast %shift_left3A_1198 : vector<16xi32> -> vector<16xf32>
          %shift_left3A_1200 = arith.constant 16 : i32
          %shift_left3A_1201 = vector.broadcast %shift_left3A_1200 : i32 to vector<16xi32>
          %shift_left3A_1202 = arith.shli %get3A_1191, %shift_left3A_1201 : vector<16xi32>
          %bitcast_convert_type3A_1203 = tpu.bitcast %shift_left3A_1202 : vector<16xi32> -> vector<16xf32>
          %bitcast_convert_type3A_1204 = tpu.bitcast %get3A_1184 : vector<16xi32> -> vector<16xf32>
          %bitcast_convert_type3A_1205 = tpu.bitcast %gather3A_1188 : vector<16xi32> -> vector<16xf32>
          %bitcast_convert_type3A_1206 = tpu.bitcast %get3A_1191 : vector<16xi32> -> vector<16xf32>
          %mul3A_1207 = arith.mulf %bitcast_convert_type3A_1195, %bitcast_convert_type3A_1199 : vector<16xf32>
          %mul3A_1208 = arith.mulf %mul3A_1207, %bitcast_convert_type3A_1203 : vector<16xf32>
          %add3A_1209 = arith.addf %add3A_1181, %mul3A_1208 : vector<16xf32>
          %mul3A_1210 = arith.mulf %bitcast_convert_type3A_1204, %bitcast_convert_type3A_1205 : vector<16xf32>
          %mul3A_1211 = arith.mulf %mul3A_1210, %bitcast_convert_type3A_1206 : vector<16xf32>
          %add3A_1212 = arith.addf %add3A_1209, %mul3A_1211 : vector<16xf32>
          %eq3A_1213 = arith.constant 7 : i32
          %eq3A_1214 = vector.broadcast %eq3A_1213 : i32 to vector<16xi32>
          %eq3A_1215 = arith.cmpi eq, %iota3A, %eq3A_1214 : vector<16xi32>
          %reduce_sum3A_1216 = arith.constant true
          %reduce_sum3A_1217 = vector.broadcast %reduce_sum3A_1216 : i1 to vector<16xi1>
          %reduce_sum3A_1218 = tpu.scan <sum>, %add3A_1212 masked %reduce_sum3A_1217 : vector<16xf32>, vector<16xi1> -> vector<16xf32>
          %reduce_sum3A_1219 = vector.extract %reduce_sum3A_1218[15] : f32 from vector<16xf32>
          %jit3A_1220 = arith.constant 0.000000e+00 : f32
          %broadcast_in_dim3A_1221 = vector.broadcast %reduce_sum3A_1219 : f32 to vector<16xf32>
          %broadcast_in_dim3A_1222 = vector.broadcast %jit3A_1220 : f32 to vector<16xf32>
          %select_n3A_1223 = arith.select %eq3A_1215, %broadcast_in_dim3A_1221, %broadcast_in_dim3A_1222 : vector<16xi1>, vector<16xf32>
          %add3A_1224 = arith.constant 8 : i32
          %add3A_1225 = arith.addi %mul3A_69, %add3A_1224 : i32
          %slice3A_1226 = vector.extract_strided_slice %get3A_73 {offsets = [8], sizes = [1], strides = [1]} : vector<16xi32> to vector<1xi32>
          %squeeze3A_1227 = vector.extract %slice3A_1226[0] : i32 from vector<1xi32>
          %mul3A_1228 = arith.constant 64 : i32
          %mul3A_1229 = arith.muli %squeeze3A_1227, %mul3A_1228 : i32
          %add3A_1230 = vector.broadcast %mul3A_1229 : i32 to vector<16xi32>
          %add3A_1231 = arith.addi %iota3A, %add3A_1230 : vector<16xi32>
          %broadcast_in_dim3A_1232 = arith.constant 0.000000e+00 : f32
          %broadcast_in_dim3A_1233 = vector.broadcast %broadcast_in_dim3A_1232 : f32 to vector<16xf32>
          %get3A_1234 = arith.index_cast %add3A_1225 : i32 to index
          %get3A_1235 = arith.constant 0 : index
          %get3A_1236 = tpu.vector_load %arg14[%get3A_1234, %get3A_1235] {strides = array<i32>} : memref<80x64xi32, #tpu.memory_space<vmem>>, vector<16xi32>,
          %add3A_1237 = arith.constant 0 : i32
          %add3A_1238 = vector.broadcast %add3A_1237 : i32 to vector<16xi32>
          %add3A_1239 = arith.addi %add3A_1231, %add3A_1238 : vector<16xi32>
          %gather3A_1240 = tpu.vector_load_idx %arg11[%add3A_1239] : memref<32000xi32, #tpu.memory_space<vmem>>[vector<16xi32>], vector<16xi32>,
          %get3A_1241 = arith.index_cast %add3A_1225 : i32 to index
          %get3A_1242 = arith.constant 0 : index
          %get3A_1243 = tpu.vector_load %arg15[%get3A_1241, %get3A_1242] {strides = array<i32>} : memref<80x64xi32, #tpu.memory_space<vmem>>, vector<16xi32>,
          %shift_left3A_1244 = arith.constant 16 : i32
          %shift_left3A_1245 = vector.broadcast %shift_left3A_1244 : i32 to vector<16xi32>
          %shift_left3A_1246 = arith.shli %get3A_1236, %shift_left3A_1245 : vector<16xi32>
          %bitcast_convert_type3A_1247 = tpu.bitcast %shift_left3A_1246 : vector<16xi32> -> vector<16xf32>
          %shift_left3A_1248 = arith.constant 16 : i32
          %shift_left3A_1249 = vector.broadcast %shift_left3A_1248 : i32 to vector<16xi32>
          %shift_left3A_1250 = arith.shli %gather3A_1240, %shift_left3A_1249 : vector<16xi32>
          %bitcast_convert_type3A_1251 = tpu.bitcast %shift_left3A_1250 : vector<16xi32> -> vector<16xf32>
          %shift_left3A_1252 = arith.constant 16 : i32
          %shift_left3A_1253 = vector.broadcast %shift_left3A_1252 : i32 to vector<16xi32>
          %shift_left3A_1254 = arith.shli %get3A_1243, %shift_left3A_1253 : vector<16xi32>
          %bitcast_convert_type3A_1255 = tpu.bitcast %shift_left3A_1254 : vector<16xi32> -> vector<16xf32>
          %bitcast_convert_type3A_1256 = tpu.bitcast %get3A_1236 : vector<16xi32> -> vector<16xf32>
          %bitcast_convert_type3A_1257 = tpu.bitcast %gather3A_1240 : vector<16xi32> -> vector<16xf32>
          %bitcast_convert_type3A_1258 = tpu.bitcast %get3A_1243 : vector<16xi32> -> vector<16xf32>
          %mul3A_1259 = arith.mulf %bitcast_convert_type3A_1247, %bitcast_convert_type3A_1251 : vector<16xf32>
          %mul3A_1260 = arith.mulf %mul3A_1259, %bitcast_convert_type3A_1255 : vector<16xf32>
          %add3A_1261 = arith.addf %broadcast_in_dim3A_1233, %mul3A_1260 : vector<16xf32>
          %mul3A_1262 = arith.mulf %bitcast_convert_type3A_1256, %bitcast_convert_type3A_1257 : vector<16xf32>
          %mul3A_1263 = arith.mulf %mul3A_1262, %bitcast_convert_type3A_1258 : vector<16xf32>
          %add3A_1264 = arith.addf %add3A_1261, %mul3A_1263 : vector<16xf32>
          %get3A_1265 = arith.index_cast %add3A_1225 : i32 to index
          %get3A_1266 = arith.constant 16 : index
          %get3A_1267 = tpu.vector_load %arg14[%get3A_1265, %get3A_1266] {strides = array<i32>} : memref<80x64xi32, #tpu.memory_space<vmem>>, vector<16xi32>,
          %add3A_1268 = arith.constant 16 : i32
          %add3A_1269 = vector.broadcast %add3A_1268 : i32 to vector<16xi32>
          %add3A_1270 = arith.addi %add3A_1231, %add3A_1269 : vector<16xi32>
          %gather3A_1271 = tpu.vector_load_idx %arg11[%add3A_1270] : memref<32000xi32, #tpu.memory_space<vmem>>[vector<16xi32>], vector<16xi32>,
          %get3A_1272 = arith.index_cast %add3A_1225 : i32 to index
          %get3A_1273 = arith.constant 16 : index
          %get3A_1274 = tpu.vector_load %arg15[%get3A_1272, %get3A_1273] {strides = array<i32>} : memref<80x64xi32, #tpu.memory_space<vmem>>, vector<16xi32>,
          %shift_left3A_1275 = arith.constant 16 : i32
          %shift_left3A_1276 = vector.broadcast %shift_left3A_1275 : i32 to vector<16xi32>
          %shift_left3A_1277 = arith.shli %get3A_1267, %shift_left3A_1276 : vector<16xi32>
          %bitcast_convert_type3A_1278 = tpu.bitcast %shift_left3A_1277 : vector<16xi32> -> vector<16xf32>
          %shift_left3A_1279 = arith.constant 16 : i32
          %shift_left3A_1280 = vector.broadcast %shift_left3A_1279 : i32 to vector<16xi32>
          %shift_left3A_1281 = arith.shli %gather3A_1271, %shift_left3A_1280 : vector<16xi32>
          %bitcast_convert_type3A_1282 = tpu.bitcast %shift_left3A_1281 : vector<16xi32> -> vector<16xf32>
          %shift_left3A_1283 = arith.constant 16 : i32
          %shift_left3A_1284 = vector.broadcast %shift_left3A_1283 : i32 to vector<16xi32>
          %shift_left3A_1285 = arith.shli %get3A_1274, %shift_left3A_1284 : vector<16xi32>
          %bitcast_convert_type3A_1286 = tpu.bitcast %shift_left3A_1285 : vector<16xi32> -> vector<16xf32>
          %bitcast_convert_type3A_1287 = tpu.bitcast %get3A_1267 : vector<16xi32> -> vector<16xf32>
          %bitcast_convert_type3A_1288 = tpu.bitcast %gather3A_1271 : vector<16xi32> -> vector<16xf32>
          %bitcast_convert_type3A_1289 = tpu.bitcast %get3A_1274 : vector<16xi32> -> vector<16xf32>
          %mul3A_1290 = arith.mulf %bitcast_convert_type3A_1278, %bitcast_convert_type3A_1282 : vector<16xf32>
          %mul3A_1291 = arith.mulf %mul3A_1290, %bitcast_convert_type3A_1286 : vector<16xf32>
          %add3A_1292 = arith.addf %add3A_1264, %mul3A_1291 : vector<16xf32>
          %mul3A_1293 = arith.mulf %bitcast_convert_type3A_1287, %bitcast_convert_type3A_1288 : vector<16xf32>
          %mul3A_1294 = arith.mulf %mul3A_1293, %bitcast_convert_type3A_1289 : vector<16xf32>
          %add3A_1295 = arith.addf %add3A_1292, %mul3A_1294 : vector<16xf32>
          %get3A_1296 = arith.index_cast %add3A_1225 : i32 to index
          %get3A_1297 = arith.constant 32 : index
          %get3A_1298 = tpu.vector_load %arg14[%get3A_1296, %get3A_1297] {strides = array<i32>} : memref<80x64xi32, #tpu.memory_space<vmem>>, vector<16xi32>,
          %add3A_1299 = arith.constant 32 : i32
          %add3A_1300 = vector.broadcast %add3A_1299 : i32 to vector<16xi32>
          %add3A_1301 = arith.addi %add3A_1231, %add3A_1300 : vector<16xi32>
          %gather3A_1302 = tpu.vector_load_idx %arg11[%add3A_1301] : memref<32000xi32, #tpu.memory_space<vmem>>[vector<16xi32>], vector<16xi32>,
          %get3A_1303 = arith.index_cast %add3A_1225 : i32 to index
          %get3A_1304 = arith.constant 32 : index
          %get3A_1305 = tpu.vector_load %arg15[%get3A_1303, %get3A_1304] {strides = array<i32>} : memref<80x64xi32, #tpu.memory_space<vmem>>, vector<16xi32>,
          %shift_left3A_1306 = arith.constant 16 : i32
          %shift_left3A_1307 = vector.broadcast %shift_left3A_1306 : i32 to vector<16xi32>
          %shift_left3A_1308 = arith.shli %get3A_1298, %shift_left3A_1307 : vector<16xi32>
          %bitcast_convert_type3A_1309 = tpu.bitcast %shift_left3A_1308 : vector<16xi32> -> vector<16xf32>
          %shift_left3A_1310 = arith.constant 16 : i32
          %shift_left3A_1311 = vector.broadcast %shift_left3A_1310 : i32 to vector<16xi32>
          %shift_left3A_1312 = arith.shli %gather3A_1302, %shift_left3A_1311 : vector<16xi32>
          %bitcast_convert_type3A_1313 = tpu.bitcast %shift_left3A_1312 : vector<16xi32> -> vector<16xf32>
          %shift_left3A_1314 = arith.constant 16 : i32
          %shift_left3A_1315 = vector.broadcast %shift_left3A_1314 : i32 to vector<16xi32>
          %shift_left3A_1316 = arith.shli %get3A_1305, %shift_left3A_1315 : vector<16xi32>
          %bitcast_convert_type3A_1317 = tpu.bitcast %shift_left3A_1316 : vector<16xi32> -> vector<16xf32>
          %bitcast_convert_type3A_1318 = tpu.bitcast %get3A_1298 : vector<16xi32> -> vector<16xf32>
          %bitcast_convert_type3A_1319 = tpu.bitcast %gather3A_1302 : vector<16xi32> -> vector<16xf32>
          %bitcast_convert_type3A_1320 = tpu.bitcast %get3A_1305 : vector<16xi32> -> vector<16xf32>
          %mul3A_1321 = arith.mulf %bitcast_convert_type3A_1309, %bitcast_convert_type3A_1313 : vector<16xf32>
          %mul3A_1322 = arith.mulf %mul3A_1321, %bitcast_convert_type3A_1317 : vector<16xf32>
          %add3A_1323 = arith.addf %add3A_1295, %mul3A_1322 : vector<16xf32>
          %mul3A_1324 = arith.mulf %bitcast_convert_type3A_1318, %bitcast_convert_type3A_1319 : vector<16xf32>
          %mul3A_1325 = arith.mulf %mul3A_1324, %bitcast_convert_type3A_1320 : vector<16xf32>
          %add3A_1326 = arith.addf %add3A_1323, %mul3A_1325 : vector<16xf32>
          %get3A_1327 = arith.index_cast %add3A_1225 : i32 to index
          %get3A_1328 = arith.constant 48 : index
          %get3A_1329 = tpu.vector_load %arg14[%get3A_1327, %get3A_1328] {strides = array<i32>} : memref<80x64xi32, #tpu.memory_space<vmem>>, vector<16xi32>,
          %add3A_1330 = arith.constant 48 : i32
          %add3A_1331 = vector.broadcast %add3A_1330 : i32 to vector<16xi32>
          %add3A_1332 = arith.addi %add3A_1231, %add3A_1331 : vector<16xi32>
          %gather3A_1333 = tpu.vector_load_idx %arg11[%add3A_1332] : memref<32000xi32, #tpu.memory_space<vmem>>[vector<16xi32>], vector<16xi32>,
          %get3A_1334 = arith.index_cast %add3A_1225 : i32 to index
          %get3A_1335 = arith.constant 48 : index
          %get3A_1336 = tpu.vector_load %arg15[%get3A_1334, %get3A_1335] {strides = array<i32>} : memref<80x64xi32, #tpu.memory_space<vmem>>, vector<16xi32>,
          %shift_left3A_1337 = arith.constant 16 : i32
          %shift_left3A_1338 = vector.broadcast %shift_left3A_1337 : i32 to vector<16xi32>
          %shift_left3A_1339 = arith.shli %get3A_1329, %shift_left3A_1338 : vector<16xi32>
          %bitcast_convert_type3A_1340 = tpu.bitcast %shift_left3A_1339 : vector<16xi32> -> vector<16xf32>
          %shift_left3A_1341 = arith.constant 16 : i32
          %shift_left3A_1342 = vector.broadcast %shift_left3A_1341 : i32 to vector<16xi32>
          %shift_left3A_1343 = arith.shli %gather3A_1333, %shift_left3A_1342 : vector<16xi32>
          %bitcast_convert_type3A_1344 = tpu.bitcast %shift_left3A_1343 : vector<16xi32> -> vector<16xf32>
          %shift_left3A_1345 = arith.constant 16 : i32
          %shift_left3A_1346 = vector.broadcast %shift_left3A_1345 : i32 to vector<16xi32>
          %shift_left3A_1347 = arith.shli %get3A_1336, %shift_left3A_1346 : vector<16xi32>
          %bitcast_convert_type3A_1348 = tpu.bitcast %shift_left3A_1347 : vector<16xi32> -> vector<16xf32>
          %bitcast_convert_type3A_1349 = tpu.bitcast %get3A_1329 : vector<16xi32> -> vector<16xf32>
          %bitcast_convert_type3A_1350 = tpu.bitcast %gather3A_1333 : vector<16xi32> -> vector<16xf32>
          %bitcast_convert_type3A_1351 = tpu.bitcast %get3A_1336 : vector<16xi32> -> vector<16xf32>
          %mul3A_1352 = arith.mulf %bitcast_convert_type3A_1340, %bitcast_convert_type3A_1344 : vector<16xf32>
          %mul3A_1353 = arith.mulf %mul3A_1352, %bitcast_convert_type3A_1348 : vector<16xf32>
          %add3A_1354 = arith.addf %add3A_1326, %mul3A_1353 : vector<16xf32>
          %mul3A_1355 = arith.mulf %bitcast_convert_type3A_1349, %bitcast_convert_type3A_1350 : vector<16xf32>
          %mul3A_1356 = arith.mulf %mul3A_1355, %bitcast_convert_type3A_1351 : vector<16xf32>
          %add3A_1357 = arith.addf %add3A_1354, %mul3A_1356 : vector<16xf32>
          %eq3A_1358 = arith.constant 8 : i32
          %eq3A_1359 = vector.broadcast %eq3A_1358 : i32 to vector<16xi32>
          %eq3A_1360 = arith.cmpi eq, %iota3A, %eq3A_1359 : vector<16xi32>
          %reduce_sum3A_1361 = arith.constant true
          %reduce_sum3A_1362 = vector.broadcast %reduce_sum3A_1361 : i1 to vector<16xi1>
          %reduce_sum3A_1363 = tpu.scan <sum>, %add3A_1357 masked %reduce_sum3A_1362 : vector<16xf32>, vector<16xi1> -> vector<16xf32>
          %reduce_sum3A_1364 = vector.extract %reduce_sum3A_1363[15] : f32 from vector<16xf32>
          %jit3A_1365 = arith.constant 0.000000e+00 : f32
          %broadcast_in_dim3A_1366 = vector.broadcast %reduce_sum3A_1364 : f32 to vector<16xf32>
          %broadcast_in_dim3A_1367 = vector.broadcast %jit3A_1365 : f32 to vector<16xf32>
          %select_n3A_1368 = arith.select %eq3A_1360, %broadcast_in_dim3A_1366, %broadcast_in_dim3A_1367 : vector<16xi1>, vector<16xf32>
          %add3A_1369 = arith.constant 9 : i32
          %add3A_1370 = arith.addi %mul3A_69, %add3A_1369 : i32
          %slice3A_1371 = vector.extract_strided_slice %get3A_73 {offsets = [9], sizes = [1], strides = [1]} : vector<16xi32> to vector<1xi32>
          %squeeze3A_1372 = vector.extract %slice3A_1371[0] : i32 from vector<1xi32>
          %mul3A_1373 = arith.constant 64 : i32
          %mul3A_1374 = arith.muli %squeeze3A_1372, %mul3A_1373 : i32
          %add3A_1375 = vector.broadcast %mul3A_1374 : i32 to vector<16xi32>
          %add3A_1376 = arith.addi %iota3A, %add3A_1375 : vector<16xi32>
          %broadcast_in_dim3A_1377 = arith.constant 0.000000e+00 : f32
          %broadcast_in_dim3A_1378 = vector.broadcast %broadcast_in_dim3A_1377 : f32 to vector<16xf32>
          %get3A_1379 = arith.index_cast %add3A_1370 : i32 to index
          %get3A_1380 = arith.constant 0 : index
          %get3A_1381 = tpu.vector_load %arg14[%get3A_1379, %get3A_1380] {strides = array<i32>} : memref<80x64xi32, #tpu.memory_space<vmem>>, vector<16xi32>,
          %add3A_1382 = arith.constant 0 : i32
          %add3A_1383 = vector.broadcast %add3A_1382 : i32 to vector<16xi32>
          %add3A_1384 = arith.addi %add3A_1376, %add3A_1383 : vector<16xi32>
          %gather3A_1385 = tpu.vector_load_idx %arg11[%add3A_1384] : memref<32000xi32, #tpu.memory_space<vmem>>[vector<16xi32>], vector<16xi32>,
          %get3A_1386 = arith.index_cast %add3A_1370 : i32 to index
          %get3A_1387 = arith.constant 0 : index
          %get3A_1388 = tpu.vector_load %arg15[%get3A_1386, %get3A_1387] {strides = array<i32>} : memref<80x64xi32, #tpu.memory_space<vmem>>, vector<16xi32>,
          %shift_left3A_1389 = arith.constant 16 : i32
          %shift_left3A_1390 = vector.broadcast %shift_left3A_1389 : i32 to vector<16xi32>
          %shift_left3A_1391 = arith.shli %get3A_1381, %shift_left3A_1390 : vector<16xi32>
          %bitcast_convert_type3A_1392 = tpu.bitcast %shift_left3A_1391 : vector<16xi32> -> vector<16xf32>
          %shift_left3A_1393 = arith.constant 16 : i32
          %shift_left3A_1394 = vector.broadcast %shift_left3A_1393 : i32 to vector<16xi32>
          %shift_left3A_1395 = arith.shli %gather3A_1385, %shift_left3A_1394 : vector<16xi32>
          %bitcast_convert_type3A_1396 = tpu.bitcast %shift_left3A_1395 : vector<16xi32> -> vector<16xf32>
          %shift_left3A_1397 = arith.constant 16 : i32
          %shift_left3A_1398 = vector.broadcast %shift_left3A_1397 : i32 to vector<16xi32>
          %shift_left3A_1399 = arith.shli %get3A_1388, %shift_left3A_1398 : vector<16xi32>
          %bitcast_convert_type3A_1400 = tpu.bitcast %shift_left3A_1399 : vector<16xi32> -> vector<16xf32>
          %bitcast_convert_type3A_1401 = tpu.bitcast %get3A_1381 : vector<16xi32> -> vector<16xf32>
          %bitcast_convert_type3A_1402 = tpu.bitcast %gather3A_1385 : vector<16xi32> -> vector<16xf32>
          %bitcast_convert_type3A_1403 = tpu.bitcast %get3A_1388 : vector<16xi32> -> vector<16xf32>
          %mul3A_1404 = arith.mulf %bitcast_convert_type3A_1392, %bitcast_convert_type3A_1396 : vector<16xf32>
          %mul3A_1405 = arith.mulf %mul3A_1404, %bitcast_convert_type3A_1400 : vector<16xf32>
          %add3A_1406 = arith.addf %broadcast_in_dim3A_1378, %mul3A_1405 : vector<16xf32>
          %mul3A_1407 = arith.mulf %bitcast_convert_type3A_1401, %bitcast_convert_type3A_1402 : vector<16xf32>
          %mul3A_1408 = arith.mulf %mul3A_1407, %bitcast_convert_type3A_1403 : vector<16xf32>
          %add3A_1409 = arith.addf %add3A_1406, %mul3A_1408 : vector<16xf32>
          %get3A_1410 = arith.index_cast %add3A_1370 : i32 to index
          %get3A_1411 = arith.constant 16 : index
          %get3A_1412 = tpu.vector_load %arg14[%get3A_1410, %get3A_1411] {strides = array<i32>} : memref<80x64xi32, #tpu.memory_space<vmem>>, vector<16xi32>,
          %add3A_1413 = arith.constant 16 : i32
          %add3A_1414 = vector.broadcast %add3A_1413 : i32 to vector<16xi32>
          %add3A_1415 = arith.addi %add3A_1376, %add3A_1414 : vector<16xi32>
          %gather3A_1416 = tpu.vector_load_idx %arg11[%add3A_1415] : memref<32000xi32, #tpu.memory_space<vmem>>[vector<16xi32>], vector<16xi32>,
          %get3A_1417 = arith.index_cast %add3A_1370 : i32 to index
          %get3A_1418 = arith.constant 16 : index
          %get3A_1419 = tpu.vector_load %arg15[%get3A_1417, %get3A_1418] {strides = array<i32>} : memref<80x64xi32, #tpu.memory_space<vmem>>, vector<16xi32>,
          %shift_left3A_1420 = arith.constant 16 : i32
          %shift_left3A_1421 = vector.broadcast %shift_left3A_1420 : i32 to vector<16xi32>
          %shift_left3A_1422 = arith.shli %get3A_1412, %shift_left3A_1421 : vector<16xi32>
          %bitcast_convert_type3A_1423 = tpu.bitcast %shift_left3A_1422 : vector<16xi32> -> vector<16xf32>
          %shift_left3A_1424 = arith.constant 16 : i32
          %shift_left3A_1425 = vector.broadcast %shift_left3A_1424 : i32 to vector<16xi32>
          %shift_left3A_1426 = arith.shli %gather3A_1416, %shift_left3A_1425 : vector<16xi32>
          %bitcast_convert_type3A_1427 = tpu.bitcast %shift_left3A_1426 : vector<16xi32> -> vector<16xf32>
          %shift_left3A_1428 = arith.constant 16 : i32
          %shift_left3A_1429 = vector.broadcast %shift_left3A_1428 : i32 to vector<16xi32>
          %shift_left3A_1430 = arith.shli %get3A_1419, %shift_left3A_1429 : vector<16xi32>
          %bitcast_convert_type3A_1431 = tpu.bitcast %shift_left3A_1430 : vector<16xi32> -> vector<16xf32>
          %bitcast_convert_type3A_1432 = tpu.bitcast %get3A_1412 : vector<16xi32> -> vector<16xf32>
          %bitcast_convert_type3A_1433 = tpu.bitcast %gather3A_1416 : vector<16xi32> -> vector<16xf32>
          %bitcast_convert_type3A_1434 = tpu.bitcast %get3A_1419 : vector<16xi32> -> vector<16xf32>
          %mul3A_1435 = arith.mulf %bitcast_convert_type3A_1423, %bitcast_convert_type3A_1427 : vector<16xf32>
          %mul3A_1436 = arith.mulf %mul3A_1435, %bitcast_convert_type3A_1431 : vector<16xf32>
          %add3A_1437 = arith.addf %add3A_1409, %mul3A_1436 : vector<16xf32>
          %mul3A_1438 = arith.mulf %bitcast_convert_type3A_1432, %bitcast_convert_type3A_1433 : vector<16xf32>
          %mul3A_1439 = arith.mulf %mul3A_1438, %bitcast_convert_type3A_1434 : vector<16xf32>
          %add3A_1440 = arith.addf %add3A_1437, %mul3A_1439 : vector<16xf32>
          %get3A_1441 = arith.index_cast %add3A_1370 : i32 to index
          %get3A_1442 = arith.constant 32 : index
          %get3A_1443 = tpu.vector_load %arg14[%get3A_1441, %get3A_1442] {strides = array<i32>} : memref<80x64xi32, #tpu.memory_space<vmem>>, vector<16xi32>,
          %add3A_1444 = arith.constant 32 : i32
          %add3A_1445 = vector.broadcast %add3A_1444 : i32 to vector<16xi32>
          %add3A_1446 = arith.addi %add3A_1376, %add3A_1445 : vector<16xi32>
          %gather3A_1447 = tpu.vector_load_idx %arg11[%add3A_1446] : memref<32000xi32, #tpu.memory_space<vmem>>[vector<16xi32>], vector<16xi32>,
          %get3A_1448 = arith.index_cast %add3A_1370 : i32 to index
          %get3A_1449 = arith.constant 32 : index
          %get3A_1450 = tpu.vector_load %arg15[%get3A_1448, %get3A_1449] {strides = array<i32>} : memref<80x64xi32, #tpu.memory_space<vmem>>, vector<16xi32>,
          %shift_left3A_1451 = arith.constant 16 : i32
          %shift_left3A_1452 = vector.broadcast %shift_left3A_1451 : i32 to vector<16xi32>
          %shift_left3A_1453 = arith.shli %get3A_1443, %shift_left3A_1452 : vector<16xi32>
          %bitcast_convert_type3A_1454 = tpu.bitcast %shift_left3A_1453 : vector<16xi32> -> vector<16xf32>
          %shift_left3A_1455 = arith.constant 16 : i32
          %shift_left3A_1456 = vector.broadcast %shift_left3A_1455 : i32 to vector<16xi32>
          %shift_left3A_1457 = arith.shli %gather3A_1447, %shift_left3A_1456 : vector<16xi32>
          %bitcast_convert_type3A_1458 = tpu.bitcast %shift_left3A_1457 : vector<16xi32> -> vector<16xf32>
          %shift_left3A_1459 = arith.constant 16 : i32
          %shift_left3A_1460 = vector.broadcast %shift_left3A_1459 : i32 to vector<16xi32>
          %shift_left3A_1461 = arith.shli %get3A_1450, %shift_left3A_1460 : vector<16xi32>
          %bitcast_convert_type3A_1462 = tpu.bitcast %shift_left3A_1461 : vector<16xi32> -> vector<16xf32>
          %bitcast_convert_type3A_1463 = tpu.bitcast %get3A_1443 : vector<16xi32> -> vector<16xf32>
          %bitcast_convert_type3A_1464 = tpu.bitcast %gather3A_1447 : vector<16xi32> -> vector<16xf32>
          %bitcast_convert_type3A_1465 = tpu.bitcast %get3A_1450 : vector<16xi32> -> vector<16xf32>
          %mul3A_1466 = arith.mulf %bitcast_convert_type3A_1454, %bitcast_convert_type3A_1458 : vector<16xf32>
          %mul3A_1467 = arith.mulf %mul3A_1466, %bitcast_convert_type3A_1462 : vector<16xf32>
          %add3A_1468 = arith.addf %add3A_1440, %mul3A_1467 : vector<16xf32>
          %mul3A_1469 = arith.mulf %bitcast_convert_type3A_1463, %bitcast_convert_type3A_1464 : vector<16xf32>
          %mul3A_1470 = arith.mulf %mul3A_1469, %bitcast_convert_type3A_1465 : vector<16xf32>
          %add3A_1471 = arith.addf %add3A_1468, %mul3A_1470 : vector<16xf32>
          %get3A_1472 = arith.index_cast %add3A_1370 : i32 to index
          %get3A_1473 = arith.constant 48 : index
          %get3A_1474 = tpu.vector_load %arg14[%get3A_1472, %get3A_1473] {strides = array<i32>} : memref<80x64xi32, #tpu.memory_space<vmem>>, vector<16xi32>,
          %add3A_1475 = arith.constant 48 : i32
          %add3A_1476 = vector.broadcast %add3A_1475 : i32 to vector<16xi32>
          %add3A_1477 = arith.addi %add3A_1376, %add3A_1476 : vector<16xi32>
          %gather3A_1478 = tpu.vector_load_idx %arg11[%add3A_1477] : memref<32000xi32, #tpu.memory_space<vmem>>[vector<16xi32>], vector<16xi32>,
          %get3A_1479 = arith.index_cast %add3A_1370 : i32 to index
          %get3A_1480 = arith.constant 48 : index
          %get3A_1481 = tpu.vector_load %arg15[%get3A_1479, %get3A_1480] {strides = array<i32>} : memref<80x64xi32, #tpu.memory_space<vmem>>, vector<16xi32>,
          %shift_left3A_1482 = arith.constant 16 : i32
          %shift_left3A_1483 = vector.broadcast %shift_left3A_1482 : i32 to vector<16xi32>
          %shift_left3A_1484 = arith.shli %get3A_1474, %shift_left3A_1483 : vector<16xi32>
          %bitcast_convert_type3A_1485 = tpu.bitcast %shift_left3A_1484 : vector<16xi32> -> vector<16xf32>
          %shift_left3A_1486 = arith.constant 16 : i32
          %shift_left3A_1487 = vector.broadcast %shift_left3A_1486 : i32 to vector<16xi32>
          %shift_left3A_1488 = arith.shli %gather3A_1478, %shift_left3A_1487 : vector<16xi32>
          %bitcast_convert_type3A_1489 = tpu.bitcast %shift_left3A_1488 : vector<16xi32> -> vector<16xf32>
          %shift_left3A_1490 = arith.constant 16 : i32
          %shift_left3A_1491 = vector.broadcast %shift_left3A_1490 : i32 to vector<16xi32>
          %shift_left3A_1492 = arith.shli %get3A_1481, %shift_left3A_1491 : vector<16xi32>
          %bitcast_convert_type3A_1493 = tpu.bitcast %shift_left3A_1492 : vector<16xi32> -> vector<16xf32>
          %bitcast_convert_type3A_1494 = tpu.bitcast %get3A_1474 : vector<16xi32> -> vector<16xf32>
          %bitcast_convert_type3A_1495 = tpu.bitcast %gather3A_1478 : vector<16xi32> -> vector<16xf32>
          %bitcast_convert_type3A_1496 = tpu.bitcast %get3A_1481 : vector<16xi32> -> vector<16xf32>
          %mul3A_1497 = arith.mulf %bitcast_convert_type3A_1485, %bitcast_convert_type3A_1489 : vector<16xf32>
          %mul3A_1498 = arith.mulf %mul3A_1497, %bitcast_convert_type3A_1493 : vector<16xf32>
          %add3A_1499 = arith.addf %add3A_1471, %mul3A_1498 : vector<16xf32>
          %mul3A_1500 = arith.mulf %bitcast_convert_type3A_1494, %bitcast_convert_type3A_1495 : vector<16xf32>
          %mul3A_1501 = arith.mulf %mul3A_1500, %bitcast_convert_type3A_1496 : vector<16xf32>
          %add3A_1502 = arith.addf %add3A_1499, %mul3A_1501 : vector<16xf32>
          %eq3A_1503 = arith.constant 9 : i32
          %eq3A_1504 = vector.broadcast %eq3A_1503 : i32 to vector<16xi32>
          %eq3A_1505 = arith.cmpi eq, %iota3A, %eq3A_1504 : vector<16xi32>
          %reduce_sum3A_1506 = arith.constant true
          %reduce_sum3A_1507 = vector.broadcast %reduce_sum3A_1506 : i1 to vector<16xi1>
          %reduce_sum3A_1508 = tpu.scan <sum>, %add3A_1502 masked %reduce_sum3A_1507 : vector<16xf32>, vector<16xi1> -> vector<16xf32>
          %reduce_sum3A_1509 = vector.extract %reduce_sum3A_1508[15] : f32 from vector<16xf32>
          %jit3A_1510 = arith.constant 0.000000e+00 : f32
          %broadcast_in_dim3A_1511 = vector.broadcast %reduce_sum3A_1509 : f32 to vector<16xf32>
          %broadcast_in_dim3A_1512 = vector.broadcast %jit3A_1510 : f32 to vector<16xf32>
          %select_n3A_1513 = arith.select %eq3A_1505, %broadcast_in_dim3A_1511, %broadcast_in_dim3A_1512 : vector<16xi1>, vector<16xf32>
          %add3A_1514 = arith.constant 10 : i32
          %add3A_1515 = arith.addi %mul3A_69, %add3A_1514 : i32
          %slice3A_1516 = vector.extract_strided_slice %get3A_73 {offsets = [10], sizes = [1], strides = [1]} : vector<16xi32> to vector<1xi32>
          %squeeze3A_1517 = vector.extract %slice3A_1516[0] : i32 from vector<1xi32>
          %mul3A_1518 = arith.constant 64 : i32
          %mul3A_1519 = arith.muli %squeeze3A_1517, %mul3A_1518 : i32
          %add3A_1520 = vector.broadcast %mul3A_1519 : i32 to vector<16xi32>
          %add3A_1521 = arith.addi %iota3A, %add3A_1520 : vector<16xi32>
          %broadcast_in_dim3A_1522 = arith.constant 0.000000e+00 : f32
          %broadcast_in_dim3A_1523 = vector.broadcast %broadcast_in_dim3A_1522 : f32 to vector<16xf32>
          %get3A_1524 = arith.index_cast %add3A_1515 : i32 to index
          %get3A_1525 = arith.constant 0 : index
          %get3A_1526 = tpu.vector_load %arg14[%get3A_1524, %get3A_1525] {strides = array<i32>} : memref<80x64xi32, #tpu.memory_space<vmem>>, vector<16xi32>,
          %add3A_1527 = arith.constant 0 : i32
          %add3A_1528 = vector.broadcast %add3A_1527 : i32 to vector<16xi32>
          %add3A_1529 = arith.addi %add3A_1521, %add3A_1528 : vector<16xi32>
          %gather3A_1530 = tpu.vector_load_idx %arg11[%add3A_1529] : memref<32000xi32, #tpu.memory_space<vmem>>[vector<16xi32>], vector<16xi32>,
          %get3A_1531 = arith.index_cast %add3A_1515 : i32 to index
          %get3A_1532 = arith.constant 0 : index
          %get3A_1533 = tpu.vector_load %arg15[%get3A_1531, %get3A_1532] {strides = array<i32>} : memref<80x64xi32, #tpu.memory_space<vmem>>, vector<16xi32>,
          %shift_left3A_1534 = arith.constant 16 : i32
          %shift_left3A_1535 = vector.broadcast %shift_left3A_1534 : i32 to vector<16xi32>
          %shift_left3A_1536 = arith.shli %get3A_1526, %shift_left3A_1535 : vector<16xi32>
          %bitcast_convert_type3A_1537 = tpu.bitcast %shift_left3A_1536 : vector<16xi32> -> vector<16xf32>
          %shift_left3A_1538 = arith.constant 16 : i32
          %shift_left3A_1539 = vector.broadcast %shift_left3A_1538 : i32 to vector<16xi32>
          %shift_left3A_1540 = arith.shli %gather3A_1530, %shift_left3A_1539 : vector<16xi32>
          %bitcast_convert_type3A_1541 = tpu.bitcast %shift_left3A_1540 : vector<16xi32> -> vector<16xf32>
          %shift_left3A_1542 = arith.constant 16 : i32
          %shift_left3A_1543 = vector.broadcast %shift_left3A_1542 : i32 to vector<16xi32>
          %shift_left3A_1544 = arith.shli %get3A_1533, %shift_left3A_1543 : vector<16xi32>
          %bitcast_convert_type3A_1545 = tpu.bitcast %shift_left3A_1544 : vector<16xi32> -> vector<16xf32>
          %bitcast_convert_type3A_1546 = tpu.bitcast %get3A_1526 : vector<16xi32> -> vector<16xf32>
          %bitcast_convert_type3A_1547 = tpu.bitcast %gather3A_1530 : vector<16xi32> -> vector<16xf32>
          %bitcast_convert_type3A_1548 = tpu.bitcast %get3A_1533 : vector<16xi32> -> vector<16xf32>
          %mul3A_1549 = arith.mulf %bitcast_convert_type3A_1537, %bitcast_convert_type3A_1541 : vector<16xf32>
          %mul3A_1550 = arith.mulf %mul3A_1549, %bitcast_convert_type3A_1545 : vector<16xf32>
          %add3A_1551 = arith.addf %broadcast_in_dim3A_1523, %mul3A_1550 : vector<16xf32>
          %mul3A_1552 = arith.mulf %bitcast_convert_type3A_1546, %bitcast_convert_type3A_1547 : vector<16xf32>
          %mul3A_1553 = arith.mulf %mul3A_1552, %bitcast_convert_type3A_1548 : vector<16xf32>
          %add3A_1554 = arith.addf %add3A_1551, %mul3A_1553 : vector<16xf32>
          %get3A_1555 = arith.index_cast %add3A_1515 : i32 to index
          %get3A_1556 = arith.constant 16 : index
          %get3A_1557 = tpu.vector_load %arg14[%get3A_1555, %get3A_1556] {strides = array<i32>} : memref<80x64xi32, #tpu.memory_space<vmem>>, vector<16xi32>,
          %add3A_1558 = arith.constant 16 : i32
          %add3A_1559 = vector.broadcast %add3A_1558 : i32 to vector<16xi32>
          %add3A_1560 = arith.addi %add3A_1521, %add3A_1559 : vector<16xi32>
          %gather3A_1561 = tpu.vector_load_idx %arg11[%add3A_1560] : memref<32000xi32, #tpu.memory_space<vmem>>[vector<16xi32>], vector<16xi32>,
          %get3A_1562 = arith.index_cast %add3A_1515 : i32 to index
          %get3A_1563 = arith.constant 16 : index
          %get3A_1564 = tpu.vector_load %arg15[%get3A_1562, %get3A_1563] {strides = array<i32>} : memref<80x64xi32, #tpu.memory_space<vmem>>, vector<16xi32>,
          %shift_left3A_1565 = arith.constant 16 : i32
          %shift_left3A_1566 = vector.broadcast %shift_left3A_1565 : i32 to vector<16xi32>
          %shift_left3A_1567 = arith.shli %get3A_1557, %shift_left3A_1566 : vector<16xi32>
          %bitcast_convert_type3A_1568 = tpu.bitcast %shift_left3A_1567 : vector<16xi32> -> vector<16xf32>
          %shift_left3A_1569 = arith.constant 16 : i32
          %shift_left3A_1570 = vector.broadcast %shift_left3A_1569 : i32 to vector<16xi32>
          %shift_left3A_1571 = arith.shli %gather3A_1561, %shift_left3A_1570 : vector<16xi32>
          %bitcast_convert_type3A_1572 = tpu.bitcast %shift_left3A_1571 : vector<16xi32> -> vector<16xf32>
          %shift_left3A_1573 = arith.constant 16 : i32
          %shift_left3A_1574 = vector.broadcast %shift_left3A_1573 : i32 to vector<16xi32>
          %shift_left3A_1575 = arith.shli %get3A_1564, %shift_left3A_1574 : vector<16xi32>
          %bitcast_convert_type3A_1576 = tpu.bitcast %shift_left3A_1575 : vector<16xi32> -> vector<16xf32>
          %bitcast_convert_type3A_1577 = tpu.bitcast %get3A_1557 : vector<16xi32> -> vector<16xf32>
          %bitcast_convert_type3A_1578 = tpu.bitcast %gather3A_1561 : vector<16xi32> -> vector<16xf32>
          %bitcast_convert_type3A_1579 = tpu.bitcast %get3A_1564 : vector<16xi32> -> vector<16xf32>
          %mul3A_1580 = arith.mulf %bitcast_convert_type3A_1568, %bitcast_convert_type3A_1572 : vector<16xf32>
          %mul3A_1581 = arith.mulf %mul3A_1580, %bitcast_convert_type3A_1576 : vector<16xf32>
          %add3A_1582 = arith.addf %add3A_1554, %mul3A_1581 : vector<16xf32>
          %mul3A_1583 = arith.mulf %bitcast_convert_type3A_1577, %bitcast_convert_type3A_1578 : vector<16xf32>
          %mul3A_1584 = arith.mulf %mul3A_1583, %bitcast_convert_type3A_1579 : vector<16xf32>
          %add3A_1585 = arith.addf %add3A_1582, %mul3A_1584 : vector<16xf32>
          %get3A_1586 = arith.index_cast %add3A_1515 : i32 to index
          %get3A_1587 = arith.constant 32 : index
          %get3A_1588 = tpu.vector_load %arg14[%get3A_1586, %get3A_1587] {strides = array<i32>} : memref<80x64xi32, #tpu.memory_space<vmem>>, vector<16xi32>,
          %add3A_1589 = arith.constant 32 : i32
          %add3A_1590 = vector.broadcast %add3A_1589 : i32 to vector<16xi32>
          %add3A_1591 = arith.addi %add3A_1521, %add3A_1590 : vector<16xi32>
          %gather3A_1592 = tpu.vector_load_idx %arg11[%add3A_1591] : memref<32000xi32, #tpu.memory_space<vmem>>[vector<16xi32>], vector<16xi32>,
          %get3A_1593 = arith.index_cast %add3A_1515 : i32 to index
          %get3A_1594 = arith.constant 32 : index
          %get3A_1595 = tpu.vector_load %arg15[%get3A_1593, %get3A_1594] {strides = array<i32>} : memref<80x64xi32, #tpu.memory_space<vmem>>, vector<16xi32>,
          %shift_left3A_1596 = arith.constant 16 : i32
          %shift_left3A_1597 = vector.broadcast %shift_left3A_1596 : i32 to vector<16xi32>
          %shift_left3A_1598 = arith.shli %get3A_1588, %shift_left3A_1597 : vector<16xi32>
          %bitcast_convert_type3A_1599 = tpu.bitcast %shift_left3A_1598 : vector<16xi32> -> vector<16xf32>
          %shift_left3A_1600 = arith.constant 16 : i32
          %shift_left3A_1601 = vector.broadcast %shift_left3A_1600 : i32 to vector<16xi32>
          %shift_left3A_1602 = arith.shli %gather3A_1592, %shift_left3A_1601 : vector<16xi32>
          %bitcast_convert_type3A_1603 = tpu.bitcast %shift_left3A_1602 : vector<16xi32> -> vector<16xf32>
          %shift_left3A_1604 = arith.constant 16 : i32
          %shift_left3A_1605 = vector.broadcast %shift_left3A_1604 : i32 to vector<16xi32>
          %shift_left3A_1606 = arith.shli %get3A_1595, %shift_left3A_1605 : vector<16xi32>
          %bitcast_convert_type3A_1607 = tpu.bitcast %shift_left3A_1606 : vector<16xi32> -> vector<16xf32>
          %bitcast_convert_type3A_1608 = tpu.bitcast %get3A_1588 : vector<16xi32> -> vector<16xf32>
          %bitcast_convert_type3A_1609 = tpu.bitcast %gather3A_1592 : vector<16xi32> -> vector<16xf32>
          %bitcast_convert_type3A_1610 = tpu.bitcast %get3A_1595 : vector<16xi32> -> vector<16xf32>
          %mul3A_1611 = arith.mulf %bitcast_convert_type3A_1599, %bitcast_convert_type3A_1603 : vector<16xf32>
          %mul3A_1612 = arith.mulf %mul3A_1611, %bitcast_convert_type3A_1607 : vector<16xf32>
          %add3A_1613 = arith.addf %add3A_1585, %mul3A_1612 : vector<16xf32>
          %mul3A_1614 = arith.mulf %bitcast_convert_type3A_1608, %bitcast_convert_type3A_1609 : vector<16xf32>
          %mul3A_1615 = arith.mulf %mul3A_1614, %bitcast_convert_type3A_1610 : vector<16xf32>
          %add3A_1616 = arith.addf %add3A_1613, %mul3A_1615 : vector<16xf32>
          %get3A_1617 = arith.index_cast %add3A_1515 : i32 to index
          %get3A_1618 = arith.constant 48 : index
          %get3A_1619 = tpu.vector_load %arg14[%get3A_1617, %get3A_1618] {strides = array<i32>} : memref<80x64xi32, #tpu.memory_space<vmem>>, vector<16xi32>,
          %add3A_1620 = arith.constant 48 : i32
          %add3A_1621 = vector.broadcast %add3A_1620 : i32 to vector<16xi32>
          %add3A_1622 = arith.addi %add3A_1521, %add3A_1621 : vector<16xi32>
          %gather3A_1623 = tpu.vector_load_idx %arg11[%add3A_1622] : memref<32000xi32, #tpu.memory_space<vmem>>[vector<16xi32>], vector<16xi32>,
          %get3A_1624 = arith.index_cast %add3A_1515 : i32 to index
          %get3A_1625 = arith.constant 48 : index
          %get3A_1626 = tpu.vector_load %arg15[%get3A_1624, %get3A_1625] {strides = array<i32>} : memref<80x64xi32, #tpu.memory_space<vmem>>, vector<16xi32>,
          %shift_left3A_1627 = arith.constant 16 : i32
          %shift_left3A_1628 = vector.broadcast %shift_left3A_1627 : i32 to vector<16xi32>
          %shift_left3A_1629 = arith.shli %get3A_1619, %shift_left3A_1628 : vector<16xi32>
          %bitcast_convert_type3A_1630 = tpu.bitcast %shift_left3A_1629 : vector<16xi32> -> vector<16xf32>
          %shift_left3A_1631 = arith.constant 16 : i32
          %shift_left3A_1632 = vector.broadcast %shift_left3A_1631 : i32 to vector<16xi32>
          %shift_left3A_1633 = arith.shli %gather3A_1623, %shift_left3A_1632 : vector<16xi32>
          %bitcast_convert_type3A_1634 = tpu.bitcast %shift_left3A_1633 : vector<16xi32> -> vector<16xf32>
          %shift_left3A_1635 = arith.constant 16 : i32
          %shift_left3A_1636 = vector.broadcast %shift_left3A_1635 : i32 to vector<16xi32>
          %shift_left3A_1637 = arith.shli %get3A_1626, %shift_left3A_1636 : vector<16xi32>
          %bitcast_convert_type3A_1638 = tpu.bitcast %shift_left3A_1637 : vector<16xi32> -> vector<16xf32>
          %bitcast_convert_type3A_1639 = tpu.bitcast %get3A_1619 : vector<16xi32> -> vector<16xf32>
          %bitcast_convert_type3A_1640 = tpu.bitcast %gather3A_1623 : vector<16xi32> -> vector<16xf32>
          %bitcast_convert_type3A_1641 = tpu.bitcast %get3A_1626 : vector<16xi32> -> vector<16xf32>
          %mul3A_1642 = arith.mulf %bitcast_convert_type3A_1630, %bitcast_convert_type3A_1634 : vector<16xf32>
          %mul3A_1643 = arith.mulf %mul3A_1642, %bitcast_convert_type3A_1638 : vector<16xf32>
          %add3A_1644 = arith.addf %add3A_1616, %mul3A_1643 : vector<16xf32>
          %mul3A_1645 = arith.mulf %bitcast_convert_type3A_1639, %bitcast_convert_type3A_1640 : vector<16xf32>
          %mul3A_1646 = arith.mulf %mul3A_1645, %bitcast_convert_type3A_1641 : vector<16xf32>
          %add3A_1647 = arith.addf %add3A_1644, %mul3A_1646 : vector<16xf32>
          %eq3A_1648 = arith.constant 10 : i32
          %eq3A_1649 = vector.broadcast %eq3A_1648 : i32 to vector<16xi32>
          %eq3A_1650 = arith.cmpi eq, %iota3A, %eq3A_1649 : vector<16xi32>
          %reduce_sum3A_1651 = arith.constant true
          %reduce_sum3A_1652 = vector.broadcast %reduce_sum3A_1651 : i1 to vector<16xi1>
          %reduce_sum3A_1653 = tpu.scan <sum>, %add3A_1647 masked %reduce_sum3A_1652 : vector<16xf32>, vector<16xi1> -> vector<16xf32>
          %reduce_sum3A_1654 = vector.extract %reduce_sum3A_1653[15] : f32 from vector<16xf32>
          %jit3A_1655 = arith.constant 0.000000e+00 : f32
          %broadcast_in_dim3A_1656 = vector.broadcast %reduce_sum3A_1654 : f32 to vector<16xf32>
          %broadcast_in_dim3A_1657 = vector.broadcast %jit3A_1655 : f32 to vector<16xf32>
          %select_n3A_1658 = arith.select %eq3A_1650, %broadcast_in_dim3A_1656, %broadcast_in_dim3A_1657 : vector<16xi1>, vector<16xf32>
          %add3A_1659 = arith.constant 11 : i32
          %add3A_1660 = arith.addi %mul3A_69, %add3A_1659 : i32
          %slice3A_1661 = vector.extract_strided_slice %get3A_73 {offsets = [11], sizes = [1], strides = [1]} : vector<16xi32> to vector<1xi32>
          %squeeze3A_1662 = vector.extract %slice3A_1661[0] : i32 from vector<1xi32>
          %mul3A_1663 = arith.constant 64 : i32
          %mul3A_1664 = arith.muli %squeeze3A_1662, %mul3A_1663 : i32
          %add3A_1665 = vector.broadcast %mul3A_1664 : i32 to vector<16xi32>
          %add3A_1666 = arith.addi %iota3A, %add3A_1665 : vector<16xi32>
          %broadcast_in_dim3A_1667 = arith.constant 0.000000e+00 : f32
          %broadcast_in_dim3A_1668 = vector.broadcast %broadcast_in_dim3A_1667 : f32 to vector<16xf32>
          %get3A_1669 = arith.index_cast %add3A_1660 : i32 to index
          %get3A_1670 = arith.constant 0 : index
          %get3A_1671 = tpu.vector_load %arg14[%get3A_1669, %get3A_1670] {strides = array<i32>} : memref<80x64xi32, #tpu.memory_space<vmem>>, vector<16xi32>,
          %add3A_1672 = arith.constant 0 : i32
          %add3A_1673 = vector.broadcast %add3A_1672 : i32 to vector<16xi32>
          %add3A_1674 = arith.addi %add3A_1666, %add3A_1673 : vector<16xi32>
          %gather3A_1675 = tpu.vector_load_idx %arg11[%add3A_1674] : memref<32000xi32, #tpu.memory_space<vmem>>[vector<16xi32>], vector<16xi32>,
          %get3A_1676 = arith.index_cast %add3A_1660 : i32 to index
          %get3A_1677 = arith.constant 0 : index
          %get3A_1678 = tpu.vector_load %arg15[%get3A_1676, %get3A_1677] {strides = array<i32>} : memref<80x64xi32, #tpu.memory_space<vmem>>, vector<16xi32>,
          %shift_left3A_1679 = arith.constant 16 : i32
          %shift_left3A_1680 = vector.broadcast %shift_left3A_1679 : i32 to vector<16xi32>
          %shift_left3A_1681 = arith.shli %get3A_1671, %shift_left3A_1680 : vector<16xi32>
          %bitcast_convert_type3A_1682 = tpu.bitcast %shift_left3A_1681 : vector<16xi32> -> vector<16xf32>
          %shift_left3A_1683 = arith.constant 16 : i32
          %shift_left3A_1684 = vector.broadcast %shift_left3A_1683 : i32 to vector<16xi32>
          %shift_left3A_1685 = arith.shli %gather3A_1675, %shift_left3A_1684 : vector<16xi32>
          %bitcast_convert_type3A_1686 = tpu.bitcast %shift_left3A_1685 : vector<16xi32> -> vector<16xf32>
          %shift_left3A_1687 = arith.constant 16 : i32
          %shift_left3A_1688 = vector.broadcast %shift_left3A_1687 : i32 to vector<16xi32>
          %shift_left3A_1689 = arith.shli %get3A_1678, %shift_left3A_1688 : vector<16xi32>
          %bitcast_convert_type3A_1690 = tpu.bitcast %shift_left3A_1689 : vector<16xi32> -> vector<16xf32>
          %bitcast_convert_type3A_1691 = tpu.bitcast %get3A_1671 : vector<16xi32> -> vector<16xf32>
          %bitcast_convert_type3A_1692 = tpu.bitcast %gather3A_1675 : vector<16xi32> -> vector<16xf32>
          %bitcast_convert_type3A_1693 = tpu.bitcast %get3A_1678 : vector<16xi32> -> vector<16xf32>
          %mul3A_1694 = arith.mulf %bitcast_convert_type3A_1682, %bitcast_convert_type3A_1686 : vector<16xf32>
          %mul3A_1695 = arith.mulf %mul3A_1694, %bitcast_convert_type3A_1690 : vector<16xf32>
          %add3A_1696 = arith.addf %broadcast_in_dim3A_1668, %mul3A_1695 : vector<16xf32>
          %mul3A_1697 = arith.mulf %bitcast_convert_type3A_1691, %bitcast_convert_type3A_1692 : vector<16xf32>
          %mul3A_1698 = arith.mulf %mul3A_1697, %bitcast_convert_type3A_1693 : vector<16xf32>
          %add3A_1699 = arith.addf %add3A_1696, %mul3A_1698 : vector<16xf32>
          %get3A_1700 = arith.index_cast %add3A_1660 : i32 to index
          %get3A_1701 = arith.constant 16 : index
          %get3A_1702 = tpu.vector_load %arg14[%get3A_1700, %get3A_1701] {strides = array<i32>} : memref<80x64xi32, #tpu.memory_space<vmem>>, vector<16xi32>,
          %add3A_1703 = arith.constant 16 : i32
          %add3A_1704 = vector.broadcast %add3A_1703 : i32 to vector<16xi32>
          %add3A_1705 = arith.addi %add3A_1666, %add3A_1704 : vector<16xi32>
          %gather3A_1706 = tpu.vector_load_idx %arg11[%add3A_1705] : memref<32000xi32, #tpu.memory_space<vmem>>[vector<16xi32>], vector<16xi32>,
          %get3A_1707 = arith.index_cast %add3A_1660 : i32 to index
          %get3A_1708 = arith.constant 16 : index
          %get3A_1709 = tpu.vector_load %arg15[%get3A_1707, %get3A_1708] {strides = array<i32>} : memref<80x64xi32, #tpu.memory_space<vmem>>, vector<16xi32>,
          %shift_left3A_1710 = arith.constant 16 : i32
          %shift_left3A_1711 = vector.broadcast %shift_left3A_1710 : i32 to vector<16xi32>
          %shift_left3A_1712 = arith.shli %get3A_1702, %shift_left3A_1711 : vector<16xi32>
          %bitcast_convert_type3A_1713 = tpu.bitcast %shift_left3A_1712 : vector<16xi32> -> vector<16xf32>
          %shift_left3A_1714 = arith.constant 16 : i32
          %shift_left3A_1715 = vector.broadcast %shift_left3A_1714 : i32 to vector<16xi32>
          %shift_left3A_1716 = arith.shli %gather3A_1706, %shift_left3A_1715 : vector<16xi32>
          %bitcast_convert_type3A_1717 = tpu.bitcast %shift_left3A_1716 : vector<16xi32> -> vector<16xf32>
          %shift_left3A_1718 = arith.constant 16 : i32
          %shift_left3A_1719 = vector.broadcast %shift_left3A_1718 : i32 to vector<16xi32>
          %shift_left3A_1720 = arith.shli %get3A_1709, %shift_left3A_1719 : vector<16xi32>
          %bitcast_convert_type3A_1721 = tpu.bitcast %shift_left3A_1720 : vector<16xi32> -> vector<16xf32>
          %bitcast_convert_type3A_1722 = tpu.bitcast %get3A_1702 : vector<16xi32> -> vector<16xf32>
          %bitcast_convert_type3A_1723 = tpu.bitcast %gather3A_1706 : vector<16xi32> -> vector<16xf32>
          %bitcast_convert_type3A_1724 = tpu.bitcast %get3A_1709 : vector<16xi32> -> vector<16xf32>
          %mul3A_1725 = arith.mulf %bitcast_convert_type3A_1713, %bitcast_convert_type3A_1717 : vector<16xf32>
          %mul3A_1726 = arith.mulf %mul3A_1725, %bitcast_convert_type3A_1721 : vector<16xf32>
          %add3A_1727 = arith.addf %add3A_1699, %mul3A_1726 : vector<16xf32>
          %mul3A_1728 = arith.mulf %bitcast_convert_type3A_1722, %bitcast_convert_type3A_1723 : vector<16xf32>
          %mul3A_1729 = arith.mulf %mul3A_1728, %bitcast_convert_type3A_1724 : vector<16xf32>
          %add3A_1730 = arith.addf %add3A_1727, %mul3A_1729 : vector<16xf32>
          %get3A_1731 = arith.index_cast %add3A_1660 : i32 to index
          %get3A_1732 = arith.constant 32 : index
          %get3A_1733 = tpu.vector_load %arg14[%get3A_1731, %get3A_1732] {strides = array<i32>} : memref<80x64xi32, #tpu.memory_space<vmem>>, vector<16xi32>,
          %add3A_1734 = arith.constant 32 : i32
          %add3A_1735 = vector.broadcast %add3A_1734 : i32 to vector<16xi32>
          %add3A_1736 = arith.addi %add3A_1666, %add3A_1735 : vector<16xi32>
          %gather3A_1737 = tpu.vector_load_idx %arg11[%add3A_1736] : memref<32000xi32, #tpu.memory_space<vmem>>[vector<16xi32>], vector<16xi32>,
          %get3A_1738 = arith.index_cast %add3A_1660 : i32 to index
          %get3A_1739 = arith.constant 32 : index
          %get3A_1740 = tpu.vector_load %arg15[%get3A_1738, %get3A_1739] {strides = array<i32>} : memref<80x64xi32, #tpu.memory_space<vmem>>, vector<16xi32>,
          %shift_left3A_1741 = arith.constant 16 : i32
          %shift_left3A_1742 = vector.broadcast %shift_left3A_1741 : i32 to vector<16xi32>
          %shift_left3A_1743 = arith.shli %get3A_1733, %shift_left3A_1742 : vector<16xi32>
          %bitcast_convert_type3A_1744 = tpu.bitcast %shift_left3A_1743 : vector<16xi32> -> vector<16xf32>
          %shift_left3A_1745 = arith.constant 16 : i32
          %shift_left3A_1746 = vector.broadcast %shift_left3A_1745 : i32 to vector<16xi32>
          %shift_left3A_1747 = arith.shli %gather3A_1737, %shift_left3A_1746 : vector<16xi32>
          %bitcast_convert_type3A_1748 = tpu.bitcast %shift_left3A_1747 : vector<16xi32> -> vector<16xf32>
          %shift_left3A_1749 = arith.constant 16 : i32
          %shift_left3A_1750 = vector.broadcast %shift_left3A_1749 : i32 to vector<16xi32>
          %shift_left3A_1751 = arith.shli %get3A_1740, %shift_left3A_1750 : vector<16xi32>
          %bitcast_convert_type3A_1752 = tpu.bitcast %shift_left3A_1751 : vector<16xi32> -> vector<16xf32>
          %bitcast_convert_type3A_1753 = tpu.bitcast %get3A_1733 : vector<16xi32> -> vector<16xf32>
          %bitcast_convert_type3A_1754 = tpu.bitcast %gather3A_1737 : vector<16xi32> -> vector<16xf32>
          %bitcast_convert_type3A_1755 = tpu.bitcast %get3A_1740 : vector<16xi32> -> vector<16xf32>
          %mul3A_1756 = arith.mulf %bitcast_convert_type3A_1744, %bitcast_convert_type3A_1748 : vector<16xf32>
          %mul3A_1757 = arith.mulf %mul3A_1756, %bitcast_convert_type3A_1752 : vector<16xf32>
          %add3A_1758 = arith.addf %add3A_1730, %mul3A_1757 : vector<16xf32>
          %mul3A_1759 = arith.mulf %bitcast_convert_type3A_1753, %bitcast_convert_type3A_1754 : vector<16xf32>
          %mul3A_1760 = arith.mulf %mul3A_1759, %bitcast_convert_type3A_1755 : vector<16xf32>
          %add3A_1761 = arith.addf %add3A_1758, %mul3A_1760 : vector<16xf32>
          %get3A_1762 = arith.index_cast %add3A_1660 : i32 to index
          %get3A_1763 = arith.constant 48 : index
          %get3A_1764 = tpu.vector_load %arg14[%get3A_1762, %get3A_1763] {strides = array<i32>} : memref<80x64xi32, #tpu.memory_space<vmem>>, vector<16xi32>,
          %add3A_1765 = arith.constant 48 : i32
          %add3A_1766 = vector.broadcast %add3A_1765 : i32 to vector<16xi32>
          %add3A_1767 = arith.addi %add3A_1666, %add3A_1766 : vector<16xi32>
          %gather3A_1768 = tpu.vector_load_idx %arg11[%add3A_1767] : memref<32000xi32, #tpu.memory_space<vmem>>[vector<16xi32>], vector<16xi32>,
          %get3A_1769 = arith.index_cast %add3A_1660 : i32 to index
          %get3A_1770 = arith.constant 48 : index
          %get3A_1771 = tpu.vector_load %arg15[%get3A_1769, %get3A_1770] {strides = array<i32>} : memref<80x64xi32, #tpu.memory_space<vmem>>, vector<16xi32>,
          %shift_left3A_1772 = arith.constant 16 : i32
          %shift_left3A_1773 = vector.broadcast %shift_left3A_1772 : i32 to vector<16xi32>
          %shift_left3A_1774 = arith.shli %get3A_1764, %shift_left3A_1773 : vector<16xi32>
          %bitcast_convert_type3A_1775 = tpu.bitcast %shift_left3A_1774 : vector<16xi32> -> vector<16xf32>
          %shift_left3A_1776 = arith.constant 16 : i32
          %shift_left3A_1777 = vector.broadcast %shift_left3A_1776 : i32 to vector<16xi32>
          %shift_left3A_1778 = arith.shli %gather3A_1768, %shift_left3A_1777 : vector<16xi32>
          %bitcast_convert_type3A_1779 = tpu.bitcast %shift_left3A_1778 : vector<16xi32> -> vector<16xf32>
          %shift_left3A_1780 = arith.constant 16 : i32
          %shift_left3A_1781 = vector.broadcast %shift_left3A_1780 : i32 to vector<16xi32>
          %shift_left3A_1782 = arith.shli %get3A_1771, %shift_left3A_1781 : vector<16xi32>
          %bitcast_convert_type3A_1783 = tpu.bitcast %shift_left3A_1782 : vector<16xi32> -> vector<16xf32>
          %bitcast_convert_type3A_1784 = tpu.bitcast %get3A_1764 : vector<16xi32> -> vector<16xf32>
          %bitcast_convert_type3A_1785 = tpu.bitcast %gather3A_1768 : vector<16xi32> -> vector<16xf32>
          %bitcast_convert_type3A_1786 = tpu.bitcast %get3A_1771 : vector<16xi32> -> vector<16xf32>
          %mul3A_1787 = arith.mulf %bitcast_convert_type3A_1775, %bitcast_convert_type3A_1779 : vector<16xf32>
          %mul3A_1788 = arith.mulf %mul3A_1787, %bitcast_convert_type3A_1783 : vector<16xf32>
          %add3A_1789 = arith.addf %add3A_1761, %mul3A_1788 : vector<16xf32>
          %mul3A_1790 = arith.mulf %bitcast_convert_type3A_1784, %bitcast_convert_type3A_1785 : vector<16xf32>
          %mul3A_1791 = arith.mulf %mul3A_1790, %bitcast_convert_type3A_1786 : vector<16xf32>
          %add3A_1792 = arith.addf %add3A_1789, %mul3A_1791 : vector<16xf32>
          %eq3A_1793 = arith.constant 11 : i32
          %eq3A_1794 = vector.broadcast %eq3A_1793 : i32 to vector<16xi32>
          %eq3A_1795 = arith.cmpi eq, %iota3A, %eq3A_1794 : vector<16xi32>
          %reduce_sum3A_1796 = arith.constant true
          %reduce_sum3A_1797 = vector.broadcast %reduce_sum3A_1796 : i1 to vector<16xi1>
          %reduce_sum3A_1798 = tpu.scan <sum>, %add3A_1792 masked %reduce_sum3A_1797 : vector<16xf32>, vector<16xi1> -> vector<16xf32>
          %reduce_sum3A_1799 = vector.extract %reduce_sum3A_1798[15] : f32 from vector<16xf32>
          %jit3A_1800 = arith.constant 0.000000e+00 : f32
          %broadcast_in_dim3A_1801 = vector.broadcast %reduce_sum3A_1799 : f32 to vector<16xf32>
          %broadcast_in_dim3A_1802 = vector.broadcast %jit3A_1800 : f32 to vector<16xf32>
          %select_n3A_1803 = arith.select %eq3A_1795, %broadcast_in_dim3A_1801, %broadcast_in_dim3A_1802 : vector<16xi1>, vector<16xf32>
          %add3A_1804 = arith.constant 12 : i32
          %add3A_1805 = arith.addi %mul3A_69, %add3A_1804 : i32
          %slice3A_1806 = vector.extract_strided_slice %get3A_73 {offsets = [12], sizes = [1], strides = [1]} : vector<16xi32> to vector<1xi32>
          %squeeze3A_1807 = vector.extract %slice3A_1806[0] : i32 from vector<1xi32>
          %mul3A_1808 = arith.constant 64 : i32
          %mul3A_1809 = arith.muli %squeeze3A_1807, %mul3A_1808 : i32
          %add3A_1810 = vector.broadcast %mul3A_1809 : i32 to vector<16xi32>
          %add3A_1811 = arith.addi %iota3A, %add3A_1810 : vector<16xi32>
          %broadcast_in_dim3A_1812 = arith.constant 0.000000e+00 : f32
          %broadcast_in_dim3A_1813 = vector.broadcast %broadcast_in_dim3A_1812 : f32 to vector<16xf32>
          %get3A_1814 = arith.index_cast %add3A_1805 : i32 to index
          %get3A_1815 = arith.constant 0 : index
          %get3A_1816 = tpu.vector_load %arg14[%get3A_1814, %get3A_1815] {strides = array<i32>} : memref<80x64xi32, #tpu.memory_space<vmem>>, vector<16xi32>,
          %add3A_1817 = arith.constant 0 : i32
          %add3A_1818 = vector.broadcast %add3A_1817 : i32 to vector<16xi32>
          %add3A_1819 = arith.addi %add3A_1811, %add3A_1818 : vector<16xi32>
          %gather3A_1820 = tpu.vector_load_idx %arg11[%add3A_1819] : memref<32000xi32, #tpu.memory_space<vmem>>[vector<16xi32>], vector<16xi32>,
          %get3A_1821 = arith.index_cast %add3A_1805 : i32 to index
          %get3A_1822 = arith.constant 0 : index
          %get3A_1823 = tpu.vector_load %arg15[%get3A_1821, %get3A_1822] {strides = array<i32>} : memref<80x64xi32, #tpu.memory_space<vmem>>, vector<16xi32>,
          %shift_left3A_1824 = arith.constant 16 : i32
          %shift_left3A_1825 = vector.broadcast %shift_left3A_1824 : i32 to vector<16xi32>
          %shift_left3A_1826 = arith.shli %get3A_1816, %shift_left3A_1825 : vector<16xi32>
          %bitcast_convert_type3A_1827 = tpu.bitcast %shift_left3A_1826 : vector<16xi32> -> vector<16xf32>
          %shift_left3A_1828 = arith.constant 16 : i32
          %shift_left3A_1829 = vector.broadcast %shift_left3A_1828 : i32 to vector<16xi32>
          %shift_left3A_1830 = arith.shli %gather3A_1820, %shift_left3A_1829 : vector<16xi32>
          %bitcast_convert_type3A_1831 = tpu.bitcast %shift_left3A_1830 : vector<16xi32> -> vector<16xf32>
          %shift_left3A_1832 = arith.constant 16 : i32
          %shift_left3A_1833 = vector.broadcast %shift_left3A_1832 : i32 to vector<16xi32>
          %shift_left3A_1834 = arith.shli %get3A_1823, %shift_left3A_1833 : vector<16xi32>
          %bitcast_convert_type3A_1835 = tpu.bitcast %shift_left3A_1834 : vector<16xi32> -> vector<16xf32>
          %bitcast_convert_type3A_1836 = tpu.bitcast %get3A_1816 : vector<16xi32> -> vector<16xf32>
          %bitcast_convert_type3A_1837 = tpu.bitcast %gather3A_1820 : vector<16xi32> -> vector<16xf32>
          %bitcast_convert_type3A_1838 = tpu.bitcast %get3A_1823 : vector<16xi32> -> vector<16xf32>
          %mul3A_1839 = arith.mulf %bitcast_convert_type3A_1827, %bitcast_convert_type3A_1831 : vector<16xf32>
          %mul3A_1840 = arith.mulf %mul3A_1839, %bitcast_convert_type3A_1835 : vector<16xf32>
          %add3A_1841 = arith.addf %broadcast_in_dim3A_1813, %mul3A_1840 : vector<16xf32>
          %mul3A_1842 = arith.mulf %bitcast_convert_type3A_1836, %bitcast_convert_type3A_1837 : vector<16xf32>
          %mul3A_1843 = arith.mulf %mul3A_1842, %bitcast_convert_type3A_1838 : vector<16xf32>
          %add3A_1844 = arith.addf %add3A_1841, %mul3A_1843 : vector<16xf32>
          %get3A_1845 = arith.index_cast %add3A_1805 : i32 to index
          %get3A_1846 = arith.constant 16 : index
          %get3A_1847 = tpu.vector_load %arg14[%get3A_1845, %get3A_1846] {strides = array<i32>} : memref<80x64xi32, #tpu.memory_space<vmem>>, vector<16xi32>,
          %add3A_1848 = arith.constant 16 : i32
          %add3A_1849 = vector.broadcast %add3A_1848 : i32 to vector<16xi32>
          %add3A_1850 = arith.addi %add3A_1811, %add3A_1849 : vector<16xi32>
          %gather3A_1851 = tpu.vector_load_idx %arg11[%add3A_1850] : memref<32000xi32, #tpu.memory_space<vmem>>[vector<16xi32>], vector<16xi32>,
          %get3A_1852 = arith.index_cast %add3A_1805 : i32 to index
          %get3A_1853 = arith.constant 16 : index
          %get3A_1854 = tpu.vector_load %arg15[%get3A_1852, %get3A_1853] {strides = array<i32>} : memref<80x64xi32, #tpu.memory_space<vmem>>, vector<16xi32>,
          %shift_left3A_1855 = arith.constant 16 : i32
          %shift_left3A_1856 = vector.broadcast %shift_left3A_1855 : i32 to vector<16xi32>
          %shift_left3A_1857 = arith.shli %get3A_1847, %shift_left3A_1856 : vector<16xi32>
          %bitcast_convert_type3A_1858 = tpu.bitcast %shift_left3A_1857 : vector<16xi32> -> vector<16xf32>
          %shift_left3A_1859 = arith.constant 16 : i32
          %shift_left3A_1860 = vector.broadcast %shift_left3A_1859 : i32 to vector<16xi32>
          %shift_left3A_1861 = arith.shli %gather3A_1851, %shift_left3A_1860 : vector<16xi32>
          %bitcast_convert_type3A_1862 = tpu.bitcast %shift_left3A_1861 : vector<16xi32> -> vector<16xf32>
          %shift_left3A_1863 = arith.constant 16 : i32
          %shift_left3A_1864 = vector.broadcast %shift_left3A_1863 : i32 to vector<16xi32>
          %shift_left3A_1865 = arith.shli %get3A_1854, %shift_left3A_1864 : vector<16xi32>
          %bitcast_convert_type3A_1866 = tpu.bitcast %shift_left3A_1865 : vector<16xi32> -> vector<16xf32>
          %bitcast_convert_type3A_1867 = tpu.bitcast %get3A_1847 : vector<16xi32> -> vector<16xf32>
          %bitcast_convert_type3A_1868 = tpu.bitcast %gather3A_1851 : vector<16xi32> -> vector<16xf32>
          %bitcast_convert_type3A_1869 = tpu.bitcast %get3A_1854 : vector<16xi32> -> vector<16xf32>
          %mul3A_1870 = arith.mulf %bitcast_convert_type3A_1858, %bitcast_convert_type3A_1862 : vector<16xf32>
          %mul3A_1871 = arith.mulf %mul3A_1870, %bitcast_convert_type3A_1866 : vector<16xf32>
          %add3A_1872 = arith.addf %add3A_1844, %mul3A_1871 : vector<16xf32>
          %mul3A_1873 = arith.mulf %bitcast_convert_type3A_1867, %bitcast_convert_type3A_1868 : vector<16xf32>
          %mul3A_1874 = arith.mulf %mul3A_1873, %bitcast_convert_type3A_1869 : vector<16xf32>
          %add3A_1875 = arith.addf %add3A_1872, %mul3A_1874 : vector<16xf32>
          %get3A_1876 = arith.index_cast %add3A_1805 : i32 to index
          %get3A_1877 = arith.constant 32 : index
          %get3A_1878 = tpu.vector_load %arg14[%get3A_1876, %get3A_1877] {strides = array<i32>} : memref<80x64xi32, #tpu.memory_space<vmem>>, vector<16xi32>,
          %add3A_1879 = arith.constant 32 : i32
          %add3A_1880 = vector.broadcast %add3A_1879 : i32 to vector<16xi32>
          %add3A_1881 = arith.addi %add3A_1811, %add3A_1880 : vector<16xi32>
          %gather3A_1882 = tpu.vector_load_idx %arg11[%add3A_1881] : memref<32000xi32, #tpu.memory_space<vmem>>[vector<16xi32>], vector<16xi32>,
          %get3A_1883 = arith.index_cast %add3A_1805 : i32 to index
          %get3A_1884 = arith.constant 32 : index
          %get3A_1885 = tpu.vector_load %arg15[%get3A_1883, %get3A_1884] {strides = array<i32>} : memref<80x64xi32, #tpu.memory_space<vmem>>, vector<16xi32>,
          %shift_left3A_1886 = arith.constant 16 : i32
          %shift_left3A_1887 = vector.broadcast %shift_left3A_1886 : i32 to vector<16xi32>
          %shift_left3A_1888 = arith.shli %get3A_1878, %shift_left3A_1887 : vector<16xi32>
          %bitcast_convert_type3A_1889 = tpu.bitcast %shift_left3A_1888 : vector<16xi32> -> vector<16xf32>
          %shift_left3A_1890 = arith.constant 16 : i32
          %shift_left3A_1891 = vector.broadcast %shift_left3A_1890 : i32 to vector<16xi32>
          %shift_left3A_1892 = arith.shli %gather3A_1882, %shift_left3A_1891 : vector<16xi32>
          %bitcast_convert_type3A_1893 = tpu.bitcast %shift_left3A_1892 : vector<16xi32> -> vector<16xf32>
          %shift_left3A_1894 = arith.constant 16 : i32
          %shift_left3A_1895 = vector.broadcast %shift_left3A_1894 : i32 to vector<16xi32>
          %shift_left3A_1896 = arith.shli %get3A_1885, %shift_left3A_1895 : vector<16xi32>
          %bitcast_convert_type3A_1897 = tpu.bitcast %shift_left3A_1896 : vector<16xi32> -> vector<16xf32>
          %bitcast_convert_type3A_1898 = tpu.bitcast %get3A_1878 : vector<16xi32> -> vector<16xf32>
          %bitcast_convert_type3A_1899 = tpu.bitcast %gather3A_1882 : vector<16xi32> -> vector<16xf32>
          %bitcast_convert_type3A_1900 = tpu.bitcast %get3A_1885 : vector<16xi32> -> vector<16xf32>
          %mul3A_1901 = arith.mulf %bitcast_convert_type3A_1889, %bitcast_convert_type3A_1893 : vector<16xf32>
          %mul3A_1902 = arith.mulf %mul3A_1901, %bitcast_convert_type3A_1897 : vector<16xf32>
          %add3A_1903 = arith.addf %add3A_1875, %mul3A_1902 : vector<16xf32>
          %mul3A_1904 = arith.mulf %bitcast_convert_type3A_1898, %bitcast_convert_type3A_1899 : vector<16xf32>
          %mul3A_1905 = arith.mulf %mul3A_1904, %bitcast_convert_type3A_1900 : vector<16xf32>
          %add3A_1906 = arith.addf %add3A_1903, %mul3A_1905 : vector<16xf32>
          %get3A_1907 = arith.index_cast %add3A_1805 : i32 to index
          %get3A_1908 = arith.constant 48 : index
          %get3A_1909 = tpu.vector_load %arg14[%get3A_1907, %get3A_1908] {strides = array<i32>} : memref<80x64xi32, #tpu.memory_space<vmem>>, vector<16xi32>,
          %add3A_1910 = arith.constant 48 : i32
          %add3A_1911 = vector.broadcast %add3A_1910 : i32 to vector<16xi32>
          %add3A_1912 = arith.addi %add3A_1811, %add3A_1911 : vector<16xi32>
          %gather3A_1913 = tpu.vector_load_idx %arg11[%add3A_1912] : memref<32000xi32, #tpu.memory_space<vmem>>[vector<16xi32>], vector<16xi32>,
          %get3A_1914 = arith.index_cast %add3A_1805 : i32 to index
          %get3A_1915 = arith.constant 48 : index
          %get3A_1916 = tpu.vector_load %arg15[%get3A_1914, %get3A_1915] {strides = array<i32>} : memref<80x64xi32, #tpu.memory_space<vmem>>, vector<16xi32>,
          %shift_left3A_1917 = arith.constant 16 : i32
          %shift_left3A_1918 = vector.broadcast %shift_left3A_1917 : i32 to vector<16xi32>
          %shift_left3A_1919 = arith.shli %get3A_1909, %shift_left3A_1918 : vector<16xi32>
          %bitcast_convert_type3A_1920 = tpu.bitcast %shift_left3A_1919 : vector<16xi32> -> vector<16xf32>
          %shift_left3A_1921 = arith.constant 16 : i32
          %shift_left3A_1922 = vector.broadcast %shift_left3A_1921 : i32 to vector<16xi32>
          %shift_left3A_1923 = arith.shli %gather3A_1913, %shift_left3A_1922 : vector<16xi32>
          %bitcast_convert_type3A_1924 = tpu.bitcast %shift_left3A_1923 : vector<16xi32> -> vector<16xf32>
          %shift_left3A_1925 = arith.constant 16 : i32
          %shift_left3A_1926 = vector.broadcast %shift_left3A_1925 : i32 to vector<16xi32>
          %shift_left3A_1927 = arith.shli %get3A_1916, %shift_left3A_1926 : vector<16xi32>
          %bitcast_convert_type3A_1928 = tpu.bitcast %shift_left3A_1927 : vector<16xi32> -> vector<16xf32>
          %bitcast_convert_type3A_1929 = tpu.bitcast %get3A_1909 : vector<16xi32> -> vector<16xf32>
          %bitcast_convert_type3A_1930 = tpu.bitcast %gather3A_1913 : vector<16xi32> -> vector<16xf32>
          %bitcast_convert_type3A_1931 = tpu.bitcast %get3A_1916 : vector<16xi32> -> vector<16xf32>
          %mul3A_1932 = arith.mulf %bitcast_convert_type3A_1920, %bitcast_convert_type3A_1924 : vector<16xf32>
          %mul3A_1933 = arith.mulf %mul3A_1932, %bitcast_convert_type3A_1928 : vector<16xf32>
          %add3A_1934 = arith.addf %add3A_1906, %mul3A_1933 : vector<16xf32>
          %mul3A_1935 = arith.mulf %bitcast_convert_type3A_1929, %bitcast_convert_type3A_1930 : vector<16xf32>
          %mul3A_1936 = arith.mulf %mul3A_1935, %bitcast_convert_type3A_1931 : vector<16xf32>
          %add3A_1937 = arith.addf %add3A_1934, %mul3A_1936 : vector<16xf32>
          %eq3A_1938 = arith.constant 12 : i32
          %eq3A_1939 = vector.broadcast %eq3A_1938 : i32 to vector<16xi32>
          %eq3A_1940 = arith.cmpi eq, %iota3A, %eq3A_1939 : vector<16xi32>
          %reduce_sum3A_1941 = arith.constant true
          %reduce_sum3A_1942 = vector.broadcast %reduce_sum3A_1941 : i1 to vector<16xi1>
          %reduce_sum3A_1943 = tpu.scan <sum>, %add3A_1937 masked %reduce_sum3A_1942 : vector<16xf32>, vector<16xi1> -> vector<16xf32>
          %reduce_sum3A_1944 = vector.extract %reduce_sum3A_1943[15] : f32 from vector<16xf32>
          %jit3A_1945 = arith.constant 0.000000e+00 : f32
          %broadcast_in_dim3A_1946 = vector.broadcast %reduce_sum3A_1944 : f32 to vector<16xf32>
          %broadcast_in_dim3A_1947 = vector.broadcast %jit3A_1945 : f32 to vector<16xf32>
          %select_n3A_1948 = arith.select %eq3A_1940, %broadcast_in_dim3A_1946, %broadcast_in_dim3A_1947 : vector<16xi1>, vector<16xf32>
          %add3A_1949 = arith.constant 13 : i32
          %add3A_1950 = arith.addi %mul3A_69, %add3A_1949 : i32
          %slice3A_1951 = vector.extract_strided_slice %get3A_73 {offsets = [13], sizes = [1], strides = [1]} : vector<16xi32> to vector<1xi32>
          %squeeze3A_1952 = vector.extract %slice3A_1951[0] : i32 from vector<1xi32>
          %mul3A_1953 = arith.constant 64 : i32
          %mul3A_1954 = arith.muli %squeeze3A_1952, %mul3A_1953 : i32
          %add3A_1955 = vector.broadcast %mul3A_1954 : i32 to vector<16xi32>
          %add3A_1956 = arith.addi %iota3A, %add3A_1955 : vector<16xi32>
          %broadcast_in_dim3A_1957 = arith.constant 0.000000e+00 : f32
          %broadcast_in_dim3A_1958 = vector.broadcast %broadcast_in_dim3A_1957 : f32 to vector<16xf32>
          %get3A_1959 = arith.index_cast %add3A_1950 : i32 to index
          %get3A_1960 = arith.constant 0 : index
          %get3A_1961 = tpu.vector_load %arg14[%get3A_1959, %get3A_1960] {strides = array<i32>} : memref<80x64xi32, #tpu.memory_space<vmem>>, vector<16xi32>,
          %add3A_1962 = arith.constant 0 : i32
          %add3A_1963 = vector.broadcast %add3A_1962 : i32 to vector<16xi32>
          %add3A_1964 = arith.addi %add3A_1956, %add3A_1963 : vector<16xi32>
          %gather3A_1965 = tpu.vector_load_idx %arg11[%add3A_1964] : memref<32000xi32, #tpu.memory_space<vmem>>[vector<16xi32>], vector<16xi32>,
          %get3A_1966 = arith.index_cast %add3A_1950 : i32 to index
          %get3A_1967 = arith.constant 0 : index
          %get3A_1968 = tpu.vector_load %arg15[%get3A_1966, %get3A_1967] {strides = array<i32>} : memref<80x64xi32, #tpu.memory_space<vmem>>, vector<16xi32>,
          %shift_left3A_1969 = arith.constant 16 : i32
          %shift_left3A_1970 = vector.broadcast %shift_left3A_1969 : i32 to vector<16xi32>
          %shift_left3A_1971 = arith.shli %get3A_1961, %shift_left3A_1970 : vector<16xi32>
          %bitcast_convert_type3A_1972 = tpu.bitcast %shift_left3A_1971 : vector<16xi32> -> vector<16xf32>
          %shift_left3A_1973 = arith.constant 16 : i32
          %shift_left3A_1974 = vector.broadcast %shift_left3A_1973 : i32 to vector<16xi32>
          %shift_left3A_1975 = arith.shli %gather3A_1965, %shift_left3A_1974 : vector<16xi32>
          %bitcast_convert_type3A_1976 = tpu.bitcast %shift_left3A_1975 : vector<16xi32> -> vector<16xf32>
          %shift_left3A_1977 = arith.constant 16 : i32
          %shift_left3A_1978 = vector.broadcast %shift_left3A_1977 : i32 to vector<16xi32>
          %shift_left3A_1979 = arith.shli %get3A_1968, %shift_left3A_1978 : vector<16xi32>
          %bitcast_convert_type3A_1980 = tpu.bitcast %shift_left3A_1979 : vector<16xi32> -> vector<16xf32>
          %bitcast_convert_type3A_1981 = tpu.bitcast %get3A_1961 : vector<16xi32> -> vector<16xf32>
          %bitcast_convert_type3A_1982 = tpu.bitcast %gather3A_1965 : vector<16xi32> -> vector<16xf32>
          %bitcast_convert_type3A_1983 = tpu.bitcast %get3A_1968 : vector<16xi32> -> vector<16xf32>
          %mul3A_1984 = arith.mulf %bitcast_convert_type3A_1972, %bitcast_convert_type3A_1976 : vector<16xf32>
          %mul3A_1985 = arith.mulf %mul3A_1984, %bitcast_convert_type3A_1980 : vector<16xf32>
          %add3A_1986 = arith.addf %broadcast_in_dim3A_1958, %mul3A_1985 : vector<16xf32>
          %mul3A_1987 = arith.mulf %bitcast_convert_type3A_1981, %bitcast_convert_type3A_1982 : vector<16xf32>
          %mul3A_1988 = arith.mulf %mul3A_1987, %bitcast_convert_type3A_1983 : vector<16xf32>
          %add3A_1989 = arith.addf %add3A_1986, %mul3A_1988 : vector<16xf32>
          %get3A_1990 = arith.index_cast %add3A_1950 : i32 to index
          %get3A_1991 = arith.constant 16 : index
          %get3A_1992 = tpu.vector_load %arg14[%get3A_1990, %get3A_1991] {strides = array<i32>} : memref<80x64xi32, #tpu.memory_space<vmem>>, vector<16xi32>,
          %add3A_1993 = arith.constant 16 : i32
          %add3A_1994 = vector.broadcast %add3A_1993 : i32 to vector<16xi32>
          %add3A_1995 = arith.addi %add3A_1956, %add3A_1994 : vector<16xi32>
          %gather3A_1996 = tpu.vector_load_idx %arg11[%add3A_1995] : memref<32000xi32, #tpu.memory_space<vmem>>[vector<16xi32>], vector<16xi32>,
          %get3A_1997 = arith.index_cast %add3A_1950 : i32 to index
          %get3A_1998 = arith.constant 16 : index
          %get3A_1999 = tpu.vector_load %arg15[%get3A_1997, %get3A_1998] {strides = array<i32>} : memref<80x64xi32, #tpu.memory_space<vmem>>, vector<16xi32>,
          %shift_left3A_2000 = arith.constant 16 : i32
          %shift_left3A_2001 = vector.broadcast %shift_left3A_2000 : i32 to vector<16xi32>
          %shift_left3A_2002 = arith.shli %get3A_1992, %shift_left3A_2001 : vector<16xi32>
          %bitcast_convert_type3A_2003 = tpu.bitcast %shift_left3A_2002 : vector<16xi32> -> vector<16xf32>
          %shift_left3A_2004 = arith.constant 16 : i32
          %shift_left3A_2005 = vector.broadcast %shift_left3A_2004 : i32 to vector<16xi32>
          %shift_left3A_2006 = arith.shli %gather3A_1996, %shift_left3A_2005 : vector<16xi32>
          %bitcast_convert_type3A_2007 = tpu.bitcast %shift_left3A_2006 : vector<16xi32> -> vector<16xf32>
          %shift_left3A_2008 = arith.constant 16 : i32
          %shift_left3A_2009 = vector.broadcast %shift_left3A_2008 : i32 to vector<16xi32>
          %shift_left3A_2010 = arith.shli %get3A_1999, %shift_left3A_2009 : vector<16xi32>
          %bitcast_convert_type3A_2011 = tpu.bitcast %shift_left3A_2010 : vector<16xi32> -> vector<16xf32>
          %bitcast_convert_type3A_2012 = tpu.bitcast %get3A_1992 : vector<16xi32> -> vector<16xf32>
          %bitcast_convert_type3A_2013 = tpu.bitcast %gather3A_1996 : vector<16xi32> -> vector<16xf32>
          %bitcast_convert_type3A_2014 = tpu.bitcast %get3A_1999 : vector<16xi32> -> vector<16xf32>
          %mul3A_2015 = arith.mulf %bitcast_convert_type3A_2003, %bitcast_convert_type3A_2007 : vector<16xf32>
          %mul3A_2016 = arith.mulf %mul3A_2015, %bitcast_convert_type3A_2011 : vector<16xf32>
          %add3A_2017 = arith.addf %add3A_1989, %mul3A_2016 : vector<16xf32>
          %mul3A_2018 = arith.mulf %bitcast_convert_type3A_2012, %bitcast_convert_type3A_2013 : vector<16xf32>
          %mul3A_2019 = arith.mulf %mul3A_2018, %bitcast_convert_type3A_2014 : vector<16xf32>
          %add3A_2020 = arith.addf %add3A_2017, %mul3A_2019 : vector<16xf32>
          %get3A_2021 = arith.index_cast %add3A_1950 : i32 to index
          %get3A_2022 = arith.constant 32 : index
          %get3A_2023 = tpu.vector_load %arg14[%get3A_2021, %get3A_2022] {strides = array<i32>} : memref<80x64xi32, #tpu.memory_space<vmem>>, vector<16xi32>,
          %add3A_2024 = arith.constant 32 : i32
          %add3A_2025 = vector.broadcast %add3A_2024 : i32 to vector<16xi32>
          %add3A_2026 = arith.addi %add3A_1956, %add3A_2025 : vector<16xi32>
          %gather3A_2027 = tpu.vector_load_idx %arg11[%add3A_2026] : memref<32000xi32, #tpu.memory_space<vmem>>[vector<16xi32>], vector<16xi32>,
          %get3A_2028 = arith.index_cast %add3A_1950 : i32 to index
          %get3A_2029 = arith.constant 32 : index
          %get3A_2030 = tpu.vector_load %arg15[%get3A_2028, %get3A_2029] {strides = array<i32>} : memref<80x64xi32, #tpu.memory_space<vmem>>, vector<16xi32>,
          %shift_left3A_2031 = arith.constant 16 : i32
          %shift_left3A_2032 = vector.broadcast %shift_left3A_2031 : i32 to vector<16xi32>
          %shift_left3A_2033 = arith.shli %get3A_2023, %shift_left3A_2032 : vector<16xi32>
          %bitcast_convert_type3A_2034 = tpu.bitcast %shift_left3A_2033 : vector<16xi32> -> vector<16xf32>
          %shift_left3A_2035 = arith.constant 16 : i32
          %shift_left3A_2036 = vector.broadcast %shift_left3A_2035 : i32 to vector<16xi32>
          %shift_left3A_2037 = arith.shli %gather3A_2027, %shift_left3A_2036 : vector<16xi32>
          %bitcast_convert_type3A_2038 = tpu.bitcast %shift_left3A_2037 : vector<16xi32> -> vector<16xf32>
          %shift_left3A_2039 = arith.constant 16 : i32
          %shift_left3A_2040 = vector.broadcast %shift_left3A_2039 : i32 to vector<16xi32>
          %shift_left3A_2041 = arith.shli %get3A_2030, %shift_left3A_2040 : vector<16xi32>
          %bitcast_convert_type3A_2042 = tpu.bitcast %shift_left3A_2041 : vector<16xi32> -> vector<16xf32>
          %bitcast_convert_type3A_2043 = tpu.bitcast %get3A_2023 : vector<16xi32> -> vector<16xf32>
          %bitcast_convert_type3A_2044 = tpu.bitcast %gather3A_2027 : vector<16xi32> -> vector<16xf32>
          %bitcast_convert_type3A_2045 = tpu.bitcast %get3A_2030 : vector<16xi32> -> vector<16xf32>
          %mul3A_2046 = arith.mulf %bitcast_convert_type3A_2034, %bitcast_convert_type3A_2038 : vector<16xf32>
          %mul3A_2047 = arith.mulf %mul3A_2046, %bitcast_convert_type3A_2042 : vector<16xf32>
          %add3A_2048 = arith.addf %add3A_2020, %mul3A_2047 : vector<16xf32>
          %mul3A_2049 = arith.mulf %bitcast_convert_type3A_2043, %bitcast_convert_type3A_2044 : vector<16xf32>
          %mul3A_2050 = arith.mulf %mul3A_2049, %bitcast_convert_type3A_2045 : vector<16xf32>
          %add3A_2051 = arith.addf %add3A_2048, %mul3A_2050 : vector<16xf32>
          %get3A_2052 = arith.index_cast %add3A_1950 : i32 to index
          %get3A_2053 = arith.constant 48 : index
          %get3A_2054 = tpu.vector_load %arg14[%get3A_2052, %get3A_2053] {strides = array<i32>} : memref<80x64xi32, #tpu.memory_space<vmem>>, vector<16xi32>,
          %add3A_2055 = arith.constant 48 : i32
          %add3A_2056 = vector.broadcast %add3A_2055 : i32 to vector<16xi32>
          %add3A_2057 = arith.addi %add3A_1956, %add3A_2056 : vector<16xi32>
          %gather3A_2058 = tpu.vector_load_idx %arg11[%add3A_2057] : memref<32000xi32, #tpu.memory_space<vmem>>[vector<16xi32>], vector<16xi32>,
          %get3A_2059 = arith.index_cast %add3A_1950 : i32 to index
          %get3A_2060 = arith.constant 48 : index
          %get3A_2061 = tpu.vector_load %arg15[%get3A_2059, %get3A_2060] {strides = array<i32>} : memref<80x64xi32, #tpu.memory_space<vmem>>, vector<16xi32>,
          %shift_left3A_2062 = arith.constant 16 : i32
          %shift_left3A_2063 = vector.broadcast %shift_left3A_2062 : i32 to vector<16xi32>
          %shift_left3A_2064 = arith.shli %get3A_2054, %shift_left3A_2063 : vector<16xi32>
          %bitcast_convert_type3A_2065 = tpu.bitcast %shift_left3A_2064 : vector<16xi32> -> vector<16xf32>
          %shift_left3A_2066 = arith.constant 16 : i32
          %shift_left3A_2067 = vector.broadcast %shift_left3A_2066 : i32 to vector<16xi32>
          %shift_left3A_2068 = arith.shli %gather3A_2058, %shift_left3A_2067 : vector<16xi32>
          %bitcast_convert_type3A_2069 = tpu.bitcast %shift_left3A_2068 : vector<16xi32> -> vector<16xf32>
          %shift_left3A_2070 = arith.constant 16 : i32
          %shift_left3A_2071 = vector.broadcast %shift_left3A_2070 : i32 to vector<16xi32>
          %shift_left3A_2072 = arith.shli %get3A_2061, %shift_left3A_2071 : vector<16xi32>
          %bitcast_convert_type3A_2073 = tpu.bitcast %shift_left3A_2072 : vector<16xi32> -> vector<16xf32>
          %bitcast_convert_type3A_2074 = tpu.bitcast %get3A_2054 : vector<16xi32> -> vector<16xf32>
          %bitcast_convert_type3A_2075 = tpu.bitcast %gather3A_2058 : vector<16xi32> -> vector<16xf32>
          %bitcast_convert_type3A_2076 = tpu.bitcast %get3A_2061 : vector<16xi32> -> vector<16xf32>
          %mul3A_2077 = arith.mulf %bitcast_convert_type3A_2065, %bitcast_convert_type3A_2069 : vector<16xf32>
          %mul3A_2078 = arith.mulf %mul3A_2077, %bitcast_convert_type3A_2073 : vector<16xf32>
          %add3A_2079 = arith.addf %add3A_2051, %mul3A_2078 : vector<16xf32>
          %mul3A_2080 = arith.mulf %bitcast_convert_type3A_2074, %bitcast_convert_type3A_2075 : vector<16xf32>
          %mul3A_2081 = arith.mulf %mul3A_2080, %bitcast_convert_type3A_2076 : vector<16xf32>
          %add3A_2082 = arith.addf %add3A_2079, %mul3A_2081 : vector<16xf32>
          %eq3A_2083 = arith.constant 13 : i32
          %eq3A_2084 = vector.broadcast %eq3A_2083 : i32 to vector<16xi32>
          %eq3A_2085 = arith.cmpi eq, %iota3A, %eq3A_2084 : vector<16xi32>
          %reduce_sum3A_2086 = arith.constant true
          %reduce_sum3A_2087 = vector.broadcast %reduce_sum3A_2086 : i1 to vector<16xi1>
          %reduce_sum3A_2088 = tpu.scan <sum>, %add3A_2082 masked %reduce_sum3A_2087 : vector<16xf32>, vector<16xi1> -> vector<16xf32>
          %reduce_sum3A_2089 = vector.extract %reduce_sum3A_2088[15] : f32 from vector<16xf32>
          %jit3A_2090 = arith.constant 0.000000e+00 : f32
          %broadcast_in_dim3A_2091 = vector.broadcast %reduce_sum3A_2089 : f32 to vector<16xf32>
          %broadcast_in_dim3A_2092 = vector.broadcast %jit3A_2090 : f32 to vector<16xf32>
          %select_n3A_2093 = arith.select %eq3A_2085, %broadcast_in_dim3A_2091, %broadcast_in_dim3A_2092 : vector<16xi1>, vector<16xf32>
          %add3A_2094 = arith.constant 14 : i32
          %add3A_2095 = arith.addi %mul3A_69, %add3A_2094 : i32
          %slice3A_2096 = vector.extract_strided_slice %get3A_73 {offsets = [14], sizes = [1], strides = [1]} : vector<16xi32> to vector<1xi32>
          %squeeze3A_2097 = vector.extract %slice3A_2096[0] : i32 from vector<1xi32>
          %mul3A_2098 = arith.constant 64 : i32
          %mul3A_2099 = arith.muli %squeeze3A_2097, %mul3A_2098 : i32
          %add3A_2100 = vector.broadcast %mul3A_2099 : i32 to vector<16xi32>
          %add3A_2101 = arith.addi %iota3A, %add3A_2100 : vector<16xi32>
          %broadcast_in_dim3A_2102 = arith.constant 0.000000e+00 : f32
          %broadcast_in_dim3A_2103 = vector.broadcast %broadcast_in_dim3A_2102 : f32 to vector<16xf32>
          %get3A_2104 = arith.index_cast %add3A_2095 : i32 to index
          %get3A_2105 = arith.constant 0 : index
          %get3A_2106 = tpu.vector_load %arg14[%get3A_2104, %get3A_2105] {strides = array<i32>} : memref<80x64xi32, #tpu.memory_space<vmem>>, vector<16xi32>,
          %add3A_2107 = arith.constant 0 : i32
          %add3A_2108 = vector.broadcast %add3A_2107 : i32 to vector<16xi32>
          %add3A_2109 = arith.addi %add3A_2101, %add3A_2108 : vector<16xi32>
          %gather3A_2110 = tpu.vector_load_idx %arg11[%add3A_2109] : memref<32000xi32, #tpu.memory_space<vmem>>[vector<16xi32>], vector<16xi32>,
          %get3A_2111 = arith.index_cast %add3A_2095 : i32 to index
          %get3A_2112 = arith.constant 0 : index
          %get3A_2113 = tpu.vector_load %arg15[%get3A_2111, %get3A_2112] {strides = array<i32>} : memref<80x64xi32, #tpu.memory_space<vmem>>, vector<16xi32>,
          %shift_left3A_2114 = arith.constant 16 : i32
          %shift_left3A_2115 = vector.broadcast %shift_left3A_2114 : i32 to vector<16xi32>
          %shift_left3A_2116 = arith.shli %get3A_2106, %shift_left3A_2115 : vector<16xi32>
          %bitcast_convert_type3A_2117 = tpu.bitcast %shift_left3A_2116 : vector<16xi32> -> vector<16xf32>
          %shift_left3A_2118 = arith.constant 16 : i32
          %shift_left3A_2119 = vector.broadcast %shift_left3A_2118 : i32 to vector<16xi32>
          %shift_left3A_2120 = arith.shli %gather3A_2110, %shift_left3A_2119 : vector<16xi32>
          %bitcast_convert_type3A_2121 = tpu.bitcast %shift_left3A_2120 : vector<16xi32> -> vector<16xf32>
          %shift_left3A_2122 = arith.constant 16 : i32
          %shift_left3A_2123 = vector.broadcast %shift_left3A_2122 : i32 to vector<16xi32>
          %shift_left3A_2124 = arith.shli %get3A_2113, %shift_left3A_2123 : vector<16xi32>
          %bitcast_convert_type3A_2125 = tpu.bitcast %shift_left3A_2124 : vector<16xi32> -> vector<16xf32>
          %bitcast_convert_type3A_2126 = tpu.bitcast %get3A_2106 : vector<16xi32> -> vector<16xf32>
          %bitcast_convert_type3A_2127 = tpu.bitcast %gather3A_2110 : vector<16xi32> -> vector<16xf32>
          %bitcast_convert_type3A_2128 = tpu.bitcast %get3A_2113 : vector<16xi32> -> vector<16xf32>
          %mul3A_2129 = arith.mulf %bitcast_convert_type3A_2117, %bitcast_convert_type3A_2121 : vector<16xf32>
          %mul3A_2130 = arith.mulf %mul3A_2129, %bitcast_convert_type3A_2125 : vector<16xf32>
          %add3A_2131 = arith.addf %broadcast_in_dim3A_2103, %mul3A_2130 : vector<16xf32>
          %mul3A_2132 = arith.mulf %bitcast_convert_type3A_2126, %bitcast_convert_type3A_2127 : vector<16xf32>
          %mul3A_2133 = arith.mulf %mul3A_2132, %bitcast_convert_type3A_2128 : vector<16xf32>
          %add3A_2134 = arith.addf %add3A_2131, %mul3A_2133 : vector<16xf32>
          %get3A_2135 = arith.index_cast %add3A_2095 : i32 to index
          %get3A_2136 = arith.constant 16 : index
          %get3A_2137 = tpu.vector_load %arg14[%get3A_2135, %get3A_2136] {strides = array<i32>} : memref<80x64xi32, #tpu.memory_space<vmem>>, vector<16xi32>,
          %add3A_2138 = arith.constant 16 : i32
          %add3A_2139 = vector.broadcast %add3A_2138 : i32 to vector<16xi32>
          %add3A_2140 = arith.addi %add3A_2101, %add3A_2139 : vector<16xi32>
          %gather3A_2141 = tpu.vector_load_idx %arg11[%add3A_2140] : memref<32000xi32, #tpu.memory_space<vmem>>[vector<16xi32>], vector<16xi32>,
          %get3A_2142 = arith.index_cast %add3A_2095 : i32 to index
          %get3A_2143 = arith.constant 16 : index
          %get3A_2144 = tpu.vector_load %arg15[%get3A_2142, %get3A_2143] {strides = array<i32>} : memref<80x64xi32, #tpu.memory_space<vmem>>, vector<16xi32>,
          %shift_left3A_2145 = arith.constant 16 : i32
          %shift_left3A_2146 = vector.broadcast %shift_left3A_2145 : i32 to vector<16xi32>
          %shift_left3A_2147 = arith.shli %get3A_2137, %shift_left3A_2146 : vector<16xi32>
          %bitcast_convert_type3A_2148 = tpu.bitcast %shift_left3A_2147 : vector<16xi32> -> vector<16xf32>
          %shift_left3A_2149 = arith.constant 16 : i32
          %shift_left3A_2150 = vector.broadcast %shift_left3A_2149 : i32 to vector<16xi32>
          %shift_left3A_2151 = arith.shli %gather3A_2141, %shift_left3A_2150 : vector<16xi32>
          %bitcast_convert_type3A_2152 = tpu.bitcast %shift_left3A_2151 : vector<16xi32> -> vector<16xf32>
          %shift_left3A_2153 = arith.constant 16 : i32
          %shift_left3A_2154 = vector.broadcast %shift_left3A_2153 : i32 to vector<16xi32>
          %shift_left3A_2155 = arith.shli %get3A_2144, %shift_left3A_2154 : vector<16xi32>
          %bitcast_convert_type3A_2156 = tpu.bitcast %shift_left3A_2155 : vector<16xi32> -> vector<16xf32>
          %bitcast_convert_type3A_2157 = tpu.bitcast %get3A_2137 : vector<16xi32> -> vector<16xf32>
          %bitcast_convert_type3A_2158 = tpu.bitcast %gather3A_2141 : vector<16xi32> -> vector<16xf32>
          %bitcast_convert_type3A_2159 = tpu.bitcast %get3A_2144 : vector<16xi32> -> vector<16xf32>
          %mul3A_2160 = arith.mulf %bitcast_convert_type3A_2148, %bitcast_convert_type3A_2152 : vector<16xf32>
          %mul3A_2161 = arith.mulf %mul3A_2160, %bitcast_convert_type3A_2156 : vector<16xf32>
          %add3A_2162 = arith.addf %add3A_2134, %mul3A_2161 : vector<16xf32>
          %mul3A_2163 = arith.mulf %bitcast_convert_type3A_2157, %bitcast_convert_type3A_2158 : vector<16xf32>
          %mul3A_2164 = arith.mulf %mul3A_2163, %bitcast_convert_type3A_2159 : vector<16xf32>
          %add3A_2165 = arith.addf %add3A_2162, %mul3A_2164 : vector<16xf32>
          %get3A_2166 = arith.index_cast %add3A_2095 : i32 to index
          %get3A_2167 = arith.constant 32 : index
          %get3A_2168 = tpu.vector_load %arg14[%get3A_2166, %get3A_2167] {strides = array<i32>} : memref<80x64xi32, #tpu.memory_space<vmem>>, vector<16xi32>,
          %add3A_2169 = arith.constant 32 : i32
          %add3A_2170 = vector.broadcast %add3A_2169 : i32 to vector<16xi32>
          %add3A_2171 = arith.addi %add3A_2101, %add3A_2170 : vector<16xi32>
          %gather3A_2172 = tpu.vector_load_idx %arg11[%add3A_2171] : memref<32000xi32, #tpu.memory_space<vmem>>[vector<16xi32>], vector<16xi32>,
          %get3A_2173 = arith.index_cast %add3A_2095 : i32 to index
          %get3A_2174 = arith.constant 32 : index
          %get3A_2175 = tpu.vector_load %arg15[%get3A_2173, %get3A_2174] {strides = array<i32>} : memref<80x64xi32, #tpu.memory_space<vmem>>, vector<16xi32>,
          %shift_left3A_2176 = arith.constant 16 : i32
          %shift_left3A_2177 = vector.broadcast %shift_left3A_2176 : i32 to vector<16xi32>
          %shift_left3A_2178 = arith.shli %get3A_2168, %shift_left3A_2177 : vector<16xi32>
          %bitcast_convert_type3A_2179 = tpu.bitcast %shift_left3A_2178 : vector<16xi32> -> vector<16xf32>
          %shift_left3A_2180 = arith.constant 16 : i32
          %shift_left3A_2181 = vector.broadcast %shift_left3A_2180 : i32 to vector<16xi32>
          %shift_left3A_2182 = arith.shli %gather3A_2172, %shift_left3A_2181 : vector<16xi32>
          %bitcast_convert_type3A_2183 = tpu.bitcast %shift_left3A_2182 : vector<16xi32> -> vector<16xf32>
          %shift_left3A_2184 = arith.constant 16 : i32
          %shift_left3A_2185 = vector.broadcast %shift_left3A_2184 : i32 to vector<16xi32>
          %shift_left3A_2186 = arith.shli %get3A_2175, %shift_left3A_2185 : vector<16xi32>
          %bitcast_convert_type3A_2187 = tpu.bitcast %shift_left3A_2186 : vector<16xi32> -> vector<16xf32>
          %bitcast_convert_type3A_2188 = tpu.bitcast %get3A_2168 : vector<16xi32> -> vector<16xf32>
          %bitcast_convert_type3A_2189 = tpu.bitcast %gather3A_2172 : vector<16xi32> -> vector<16xf32>
          %bitcast_convert_type3A_2190 = tpu.bitcast %get3A_2175 : vector<16xi32> -> vector<16xf32>
          %mul3A_2191 = arith.mulf %bitcast_convert_type3A_2179, %bitcast_convert_type3A_2183 : vector<16xf32>
          %mul3A_2192 = arith.mulf %mul3A_2191, %bitcast_convert_type3A_2187 : vector<16xf32>
          %add3A_2193 = arith.addf %add3A_2165, %mul3A_2192 : vector<16xf32>
          %mul3A_2194 = arith.mulf %bitcast_convert_type3A_2188, %bitcast_convert_type3A_2189 : vector<16xf32>
          %mul3A_2195 = arith.mulf %mul3A_2194, %bitcast_convert_type3A_2190 : vector<16xf32>
          %add3A_2196 = arith.addf %add3A_2193, %mul3A_2195 : vector<16xf32>
          %get3A_2197 = arith.index_cast %add3A_2095 : i32 to index
          %get3A_2198 = arith.constant 48 : index
          %get3A_2199 = tpu.vector_load %arg14[%get3A_2197, %get3A_2198] {strides = array<i32>} : memref<80x64xi32, #tpu.memory_space<vmem>>, vector<16xi32>,
          %add3A_2200 = arith.constant 48 : i32
          %add3A_2201 = vector.broadcast %add3A_2200 : i32 to vector<16xi32>
          %add3A_2202 = arith.addi %add3A_2101, %add3A_2201 : vector<16xi32>
          %gather3A_2203 = tpu.vector_load_idx %arg11[%add3A_2202] : memref<32000xi32, #tpu.memory_space<vmem>>[vector<16xi32>], vector<16xi32>,
          %get3A_2204 = arith.index_cast %add3A_2095 : i32 to index
          %get3A_2205 = arith.constant 48 : index
          %get3A_2206 = tpu.vector_load %arg15[%get3A_2204, %get3A_2205] {strides = array<i32>} : memref<80x64xi32, #tpu.memory_space<vmem>>, vector<16xi32>,
          %shift_left3A_2207 = arith.constant 16 : i32
          %shift_left3A_2208 = vector.broadcast %shift_left3A_2207 : i32 to vector<16xi32>
          %shift_left3A_2209 = arith.shli %get3A_2199, %shift_left3A_2208 : vector<16xi32>
          %bitcast_convert_type3A_2210 = tpu.bitcast %shift_left3A_2209 : vector<16xi32> -> vector<16xf32>
          %shift_left3A_2211 = arith.constant 16 : i32
          %shift_left3A_2212 = vector.broadcast %shift_left3A_2211 : i32 to vector<16xi32>
          %shift_left3A_2213 = arith.shli %gather3A_2203, %shift_left3A_2212 : vector<16xi32>
          %bitcast_convert_type3A_2214 = tpu.bitcast %shift_left3A_2213 : vector<16xi32> -> vector<16xf32>
          %shift_left3A_2215 = arith.constant 16 : i32
          %shift_left3A_2216 = vector.broadcast %shift_left3A_2215 : i32 to vector<16xi32>
          %shift_left3A_2217 = arith.shli %get3A_2206, %shift_left3A_2216 : vector<16xi32>
          %bitcast_convert_type3A_2218 = tpu.bitcast %shift_left3A_2217 : vector<16xi32> -> vector<16xf32>
          %bitcast_convert_type3A_2219 = tpu.bitcast %get3A_2199 : vector<16xi32> -> vector<16xf32>
          %bitcast_convert_type3A_2220 = tpu.bitcast %gather3A_2203 : vector<16xi32> -> vector<16xf32>
          %bitcast_convert_type3A_2221 = tpu.bitcast %get3A_2206 : vector<16xi32> -> vector<16xf32>
          %mul3A_2222 = arith.mulf %bitcast_convert_type3A_2210, %bitcast_convert_type3A_2214 : vector<16xf32>
          %mul3A_2223 = arith.mulf %mul3A_2222, %bitcast_convert_type3A_2218 : vector<16xf32>
          %add3A_2224 = arith.addf %add3A_2196, %mul3A_2223 : vector<16xf32>
          %mul3A_2225 = arith.mulf %bitcast_convert_type3A_2219, %bitcast_convert_type3A_2220 : vector<16xf32>
          %mul3A_2226 = arith.mulf %mul3A_2225, %bitcast_convert_type3A_2221 : vector<16xf32>
          %add3A_2227 = arith.addf %add3A_2224, %mul3A_2226 : vector<16xf32>
          %eq3A_2228 = arith.constant 14 : i32
          %eq3A_2229 = vector.broadcast %eq3A_2228 : i32 to vector<16xi32>
          %eq3A_2230 = arith.cmpi eq, %iota3A, %eq3A_2229 : vector<16xi32>
          %reduce_sum3A_2231 = arith.constant true
          %reduce_sum3A_2232 = vector.broadcast %reduce_sum3A_2231 : i1 to vector<16xi1>
          %reduce_sum3A_2233 = tpu.scan <sum>, %add3A_2227 masked %reduce_sum3A_2232 : vector<16xf32>, vector<16xi1> -> vector<16xf32>
          %reduce_sum3A_2234 = vector.extract %reduce_sum3A_2233[15] : f32 from vector<16xf32>
          %jit3A_2235 = arith.constant 0.000000e+00 : f32
          %broadcast_in_dim3A_2236 = vector.broadcast %reduce_sum3A_2234 : f32 to vector<16xf32>
          %broadcast_in_dim3A_2237 = vector.broadcast %jit3A_2235 : f32 to vector<16xf32>
          %select_n3A_2238 = arith.select %eq3A_2230, %broadcast_in_dim3A_2236, %broadcast_in_dim3A_2237 : vector<16xi1>, vector<16xf32>
          %add3A_2239 = arith.constant 15 : i32
          %add3A_2240 = arith.addi %mul3A_69, %add3A_2239 : i32
          %slice3A_2241 = vector.extract_strided_slice %get3A_73 {offsets = [15], sizes = [1], strides = [1]} : vector<16xi32> to vector<1xi32>
          %squeeze3A_2242 = vector.extract %slice3A_2241[0] : i32 from vector<1xi32>
          %mul3A_2243 = arith.constant 64 : i32
          %mul3A_2244 = arith.muli %squeeze3A_2242, %mul3A_2243 : i32
          %add3A_2245 = vector.broadcast %mul3A_2244 : i32 to vector<16xi32>
          %add3A_2246 = arith.addi %iota3A, %add3A_2245 : vector<16xi32>
          %broadcast_in_dim3A_2247 = arith.constant 0.000000e+00 : f32
          %broadcast_in_dim3A_2248 = vector.broadcast %broadcast_in_dim3A_2247 : f32 to vector<16xf32>
          %get3A_2249 = arith.index_cast %add3A_2240 : i32 to index
          %get3A_2250 = arith.constant 0 : index
          %get3A_2251 = tpu.vector_load %arg14[%get3A_2249, %get3A_2250] {strides = array<i32>} : memref<80x64xi32, #tpu.memory_space<vmem>>, vector<16xi32>,
          %add3A_2252 = arith.constant 0 : i32
          %add3A_2253 = vector.broadcast %add3A_2252 : i32 to vector<16xi32>
          %add3A_2254 = arith.addi %add3A_2246, %add3A_2253 : vector<16xi32>
          %gather3A_2255 = tpu.vector_load_idx %arg11[%add3A_2254] : memref<32000xi32, #tpu.memory_space<vmem>>[vector<16xi32>], vector<16xi32>,
          %get3A_2256 = arith.index_cast %add3A_2240 : i32 to index
          %get3A_2257 = arith.constant 0 : index
          %get3A_2258 = tpu.vector_load %arg15[%get3A_2256, %get3A_2257] {strides = array<i32>} : memref<80x64xi32, #tpu.memory_space<vmem>>, vector<16xi32>,
          %shift_left3A_2259 = arith.constant 16 : i32
          %shift_left3A_2260 = vector.broadcast %shift_left3A_2259 : i32 to vector<16xi32>
          %shift_left3A_2261 = arith.shli %get3A_2251, %shift_left3A_2260 : vector<16xi32>
          %bitcast_convert_type3A_2262 = tpu.bitcast %shift_left3A_2261 : vector<16xi32> -> vector<16xf32>
          %shift_left3A_2263 = arith.constant 16 : i32
          %shift_left3A_2264 = vector.broadcast %shift_left3A_2263 : i32 to vector<16xi32>
          %shift_left3A_2265 = arith.shli %gather3A_2255, %shift_left3A_2264 : vector<16xi32>
          %bitcast_convert_type3A_2266 = tpu.bitcast %shift_left3A_2265 : vector<16xi32> -> vector<16xf32>
          %shift_left3A_2267 = arith.constant 16 : i32
          %shift_left3A_2268 = vector.broadcast %shift_left3A_2267 : i32 to vector<16xi32>
          %shift_left3A_2269 = arith.shli %get3A_2258, %shift_left3A_2268 : vector<16xi32>
          %bitcast_convert_type3A_2270 = tpu.bitcast %shift_left3A_2269 : vector<16xi32> -> vector<16xf32>
          %bitcast_convert_type3A_2271 = tpu.bitcast %get3A_2251 : vector<16xi32> -> vector<16xf32>
          %bitcast_convert_type3A_2272 = tpu.bitcast %gather3A_2255 : vector<16xi32> -> vector<16xf32>
          %bitcast_convert_type3A_2273 = tpu.bitcast %get3A_2258 : vector<16xi32> -> vector<16xf32>
          %mul3A_2274 = arith.mulf %bitcast_convert_type3A_2262, %bitcast_convert_type3A_2266 : vector<16xf32>
          %mul3A_2275 = arith.mulf %mul3A_2274, %bitcast_convert_type3A_2270 : vector<16xf32>
          %add3A_2276 = arith.addf %broadcast_in_dim3A_2248, %mul3A_2275 : vector<16xf32>
          %mul3A_2277 = arith.mulf %bitcast_convert_type3A_2271, %bitcast_convert_type3A_2272 : vector<16xf32>
          %mul3A_2278 = arith.mulf %mul3A_2277, %bitcast_convert_type3A_2273 : vector<16xf32>
          %add3A_2279 = arith.addf %add3A_2276, %mul3A_2278 : vector<16xf32>
          %get3A_2280 = arith.index_cast %add3A_2240 : i32 to index
          %get3A_2281 = arith.constant 16 : index
          %get3A_2282 = tpu.vector_load %arg14[%get3A_2280, %get3A_2281] {strides = array<i32>} : memref<80x64xi32, #tpu.memory_space<vmem>>, vector<16xi32>,
          %add3A_2283 = arith.constant 16 : i32
          %add3A_2284 = vector.broadcast %add3A_2283 : i32 to vector<16xi32>
          %add3A_2285 = arith.addi %add3A_2246, %add3A_2284 : vector<16xi32>
          %gather3A_2286 = tpu.vector_load_idx %arg11[%add3A_2285] : memref<32000xi32, #tpu.memory_space<vmem>>[vector<16xi32>], vector<16xi32>,
          %get3A_2287 = arith.index_cast %add3A_2240 : i32 to index
          %get3A_2288 = arith.constant 16 : index
          %get3A_2289 = tpu.vector_load %arg15[%get3A_2287, %get3A_2288] {strides = array<i32>} : memref<80x64xi32, #tpu.memory_space<vmem>>, vector<16xi32>,
          %shift_left3A_2290 = arith.constant 16 : i32
          %shift_left3A_2291 = vector.broadcast %shift_left3A_2290 : i32 to vector<16xi32>
          %shift_left3A_2292 = arith.shli %get3A_2282, %shift_left3A_2291 : vector<16xi32>
          %bitcast_convert_type3A_2293 = tpu.bitcast %shift_left3A_2292 : vector<16xi32> -> vector<16xf32>
          %shift_left3A_2294 = arith.constant 16 : i32
          %shift_left3A_2295 = vector.broadcast %shift_left3A_2294 : i32 to vector<16xi32>
          %shift_left3A_2296 = arith.shli %gather3A_2286, %shift_left3A_2295 : vector<16xi32>
          %bitcast_convert_type3A_2297 = tpu.bitcast %shift_left3A_2296 : vector<16xi32> -> vector<16xf32>
          %shift_left3A_2298 = arith.constant 16 : i32
          %shift_left3A_2299 = vector.broadcast %shift_left3A_2298 : i32 to vector<16xi32>
          %shift_left3A_2300 = arith.shli %get3A_2289, %shift_left3A_2299 : vector<16xi32>
          %bitcast_convert_type3A_2301 = tpu.bitcast %shift_left3A_2300 : vector<16xi32> -> vector<16xf32>
          %bitcast_convert_type3A_2302 = tpu.bitcast %get3A_2282 : vector<16xi32> -> vector<16xf32>
          %bitcast_convert_type3A_2303 = tpu.bitcast %gather3A_2286 : vector<16xi32> -> vector<16xf32>
          %bitcast_convert_type3A_2304 = tpu.bitcast %get3A_2289 : vector<16xi32> -> vector<16xf32>
          %mul3A_2305 = arith.mulf %bitcast_convert_type3A_2293, %bitcast_convert_type3A_2297 : vector<16xf32>
          %mul3A_2306 = arith.mulf %mul3A_2305, %bitcast_convert_type3A_2301 : vector<16xf32>
          %add3A_2307 = arith.addf %add3A_2279, %mul3A_2306 : vector<16xf32>
          %mul3A_2308 = arith.mulf %bitcast_convert_type3A_2302, %bitcast_convert_type3A_2303 : vector<16xf32>
          %mul3A_2309 = arith.mulf %mul3A_2308, %bitcast_convert_type3A_2304 : vector<16xf32>
          %add3A_2310 = arith.addf %add3A_2307, %mul3A_2309 : vector<16xf32>
          %get3A_2311 = arith.index_cast %add3A_2240 : i32 to index
          %get3A_2312 = arith.constant 32 : index
          %get3A_2313 = tpu.vector_load %arg14[%get3A_2311, %get3A_2312] {strides = array<i32>} : memref<80x64xi32, #tpu.memory_space<vmem>>, vector<16xi32>,
          %add3A_2314 = arith.constant 32 : i32
          %add3A_2315 = vector.broadcast %add3A_2314 : i32 to vector<16xi32>
          %add3A_2316 = arith.addi %add3A_2246, %add3A_2315 : vector<16xi32>
          %gather3A_2317 = tpu.vector_load_idx %arg11[%add3A_2316] : memref<32000xi32, #tpu.memory_space<vmem>>[vector<16xi32>], vector<16xi32>,
          %get3A_2318 = arith.index_cast %add3A_2240 : i32 to index
          %get3A_2319 = arith.constant 32 : index
          %get3A_2320 = tpu.vector_load %arg15[%get3A_2318, %get3A_2319] {strides = array<i32>} : memref<80x64xi32, #tpu.memory_space<vmem>>, vector<16xi32>,
          %shift_left3A_2321 = arith.constant 16 : i32
          %shift_left3A_2322 = vector.broadcast %shift_left3A_2321 : i32 to vector<16xi32>
          %shift_left3A_2323 = arith.shli %get3A_2313, %shift_left3A_2322 : vector<16xi32>
          %bitcast_convert_type3A_2324 = tpu.bitcast %shift_left3A_2323 : vector<16xi32> -> vector<16xf32>
          %shift_left3A_2325 = arith.constant 16 : i32
          %shift_left3A_2326 = vector.broadcast %shift_left3A_2325 : i32 to vector<16xi32>
          %shift_left3A_2327 = arith.shli %gather3A_2317, %shift_left3A_2326 : vector<16xi32>
          %bitcast_convert_type3A_2328 = tpu.bitcast %shift_left3A_2327 : vector<16xi32> -> vector<16xf32>
          %shift_left3A_2329 = arith.constant 16 : i32
          %shift_left3A_2330 = vector.broadcast %shift_left3A_2329 : i32 to vector<16xi32>
          %shift_left3A_2331 = arith.shli %get3A_2320, %shift_left3A_2330 : vector<16xi32>
          %bitcast_convert_type3A_2332 = tpu.bitcast %shift_left3A_2331 : vector<16xi32> -> vector<16xf32>
          %bitcast_convert_type3A_2333 = tpu.bitcast %get3A_2313 : vector<16xi32> -> vector<16xf32>
          %bitcast_convert_type3A_2334 = tpu.bitcast %gather3A_2317 : vector<16xi32> -> vector<16xf32>
          %bitcast_convert_type3A_2335 = tpu.bitcast %get3A_2320 : vector<16xi32> -> vector<16xf32>
          %mul3A_2336 = arith.mulf %bitcast_convert_type3A_2324, %bitcast_convert_type3A_2328 : vector<16xf32>
          %mul3A_2337 = arith.mulf %mul3A_2336, %bitcast_convert_type3A_2332 : vector<16xf32>
          %add3A_2338 = arith.addf %add3A_2310, %mul3A_2337 : vector<16xf32>
          %mul3A_2339 = arith.mulf %bitcast_convert_type3A_2333, %bitcast_convert_type3A_2334 : vector<16xf32>
          %mul3A_2340 = arith.mulf %mul3A_2339, %bitcast_convert_type3A_2335 : vector<16xf32>
          %add3A_2341 = arith.addf %add3A_2338, %mul3A_2340 : vector<16xf32>
          %get3A_2342 = arith.index_cast %add3A_2240 : i32 to index
          %get3A_2343 = arith.constant 48 : index
          %get3A_2344 = tpu.vector_load %arg14[%get3A_2342, %get3A_2343] {strides = array<i32>} : memref<80x64xi32, #tpu.memory_space<vmem>>, vector<16xi32>,
          %add3A_2345 = arith.constant 48 : i32
          %add3A_2346 = vector.broadcast %add3A_2345 : i32 to vector<16xi32>
          %add3A_2347 = arith.addi %add3A_2246, %add3A_2346 : vector<16xi32>
          %gather3A_2348 = tpu.vector_load_idx %arg11[%add3A_2347] : memref<32000xi32, #tpu.memory_space<vmem>>[vector<16xi32>], vector<16xi32>,
          %get3A_2349 = arith.index_cast %add3A_2240 : i32 to index
          %get3A_2350 = arith.constant 48 : index
          %get3A_2351 = tpu.vector_load %arg15[%get3A_2349, %get3A_2350] {strides = array<i32>} : memref<80x64xi32, #tpu.memory_space<vmem>>, vector<16xi32>,
          %shift_left3A_2352 = arith.constant 16 : i32
          %shift_left3A_2353 = vector.broadcast %shift_left3A_2352 : i32 to vector<16xi32>
          %shift_left3A_2354 = arith.shli %get3A_2344, %shift_left3A_2353 : vector<16xi32>
          %bitcast_convert_type3A_2355 = tpu.bitcast %shift_left3A_2354 : vector<16xi32> -> vector<16xf32>
          %shift_left3A_2356 = arith.constant 16 : i32
          %shift_left3A_2357 = vector.broadcast %shift_left3A_2356 : i32 to vector<16xi32>
          %shift_left3A_2358 = arith.shli %gather3A_2348, %shift_left3A_2357 : vector<16xi32>
          %bitcast_convert_type3A_2359 = tpu.bitcast %shift_left3A_2358 : vector<16xi32> -> vector<16xf32>
          %shift_left3A_2360 = arith.constant 16 : i32
          %shift_left3A_2361 = vector.broadcast %shift_left3A_2360 : i32 to vector<16xi32>
          %shift_left3A_2362 = arith.shli %get3A_2351, %shift_left3A_2361 : vector<16xi32>
          %bitcast_convert_type3A_2363 = tpu.bitcast %shift_left3A_2362 : vector<16xi32> -> vector<16xf32>
          %bitcast_convert_type3A_2364 = tpu.bitcast %get3A_2344 : vector<16xi32> -> vector<16xf32>
          %bitcast_convert_type3A_2365 = tpu.bitcast %gather3A_2348 : vector<16xi32> -> vector<16xf32>
          %bitcast_convert_type3A_2366 = tpu.bitcast %get3A_2351 : vector<16xi32> -> vector<16xf32>
          %mul3A_2367 = arith.mulf %bitcast_convert_type3A_2355, %bitcast_convert_type3A_2359 : vector<16xf32>
          %mul3A_2368 = arith.mulf %mul3A_2367, %bitcast_convert_type3A_2363 : vector<16xf32>
          %add3A_2369 = arith.addf %add3A_2341, %mul3A_2368 : vector<16xf32>
          %mul3A_2370 = arith.mulf %bitcast_convert_type3A_2364, %bitcast_convert_type3A_2365 : vector<16xf32>
          %mul3A_2371 = arith.mulf %mul3A_2370, %bitcast_convert_type3A_2366 : vector<16xf32>
          %add3A_2372 = arith.addf %add3A_2369, %mul3A_2371 : vector<16xf32>
          %eq3A_2373 = arith.constant 15 : i32
          %eq3A_2374 = vector.broadcast %eq3A_2373 : i32 to vector<16xi32>
          %eq3A_2375 = arith.cmpi eq, %iota3A, %eq3A_2374 : vector<16xi32>
          %reduce_sum3A_2376 = arith.constant true
          %reduce_sum3A_2377 = vector.broadcast %reduce_sum3A_2376 : i1 to vector<16xi1>
          %reduce_sum3A_2378 = tpu.scan <sum>, %add3A_2372 masked %reduce_sum3A_2377 : vector<16xf32>, vector<16xi1> -> vector<16xf32>
          %reduce_sum3A_2379 = vector.extract %reduce_sum3A_2378[15] : f32 from vector<16xf32>
          %jit3A_2380 = arith.constant 0.000000e+00 : f32
          %broadcast_in_dim3A_2381 = vector.broadcast %reduce_sum3A_2379 : f32 to vector<16xf32>
          %broadcast_in_dim3A_2382 = vector.broadcast %jit3A_2380 : f32 to vector<16xf32>
          %select_n3A_2383 = arith.select %eq3A_2375, %broadcast_in_dim3A_2381, %broadcast_in_dim3A_2382 : vector<16xi1>, vector<16xf32>
          %add3A_2384 = arith.addf %select_n3A, %select_n3A_353 : vector<16xf32>
          %add3A_2385 = arith.addf %select_n3A_498, %select_n3A_643 : vector<16xf32>
          %add3A_2386 = arith.addf %select_n3A_788, %select_n3A_933 : vector<16xf32>
          %add3A_2387 = arith.addf %select_n3A_1078, %select_n3A_1223 : vector<16xf32>
          %add3A_2388 = arith.addf %select_n3A_1368, %select_n3A_1513 : vector<16xf32>
          %add3A_2389 = arith.addf %select_n3A_1658, %select_n3A_1803 : vector<16xf32>
          %add3A_2390 = arith.addf %select_n3A_1948, %select_n3A_2093 : vector<16xf32>
          %add3A_2391 = arith.addf %select_n3A_2238, %select_n3A_2383 : vector<16xf32>
          %add3A_2392 = arith.addf %add3A_2384, %add3A_2385 : vector<16xf32>
          %add3A_2393 = arith.addf %add3A_2386, %add3A_2387 : vector<16xf32>
          %add3A_2394 = arith.addf %add3A_2388, %add3A_2389 : vector<16xf32>
          %add3A_2395 = arith.addf %add3A_2390, %add3A_2391 : vector<16xf32>
          %add3A_2396 = arith.addf %add3A_2392, %add3A_2393 : vector<16xf32>
          %add3A_2397 = arith.addf %add3A_2394, %add3A_2395 : vector<16xf32>
          %add3A_2398 = arith.addf %add3A_2396, %add3A_2397 : vector<16xf32>
          %mul3A_2399 = arith.constant 80 : i32
          %mul3A_2400 = arith.muli %add3A_21, %mul3A_2399 : i32
          %add3A_2401 = arith.addi %mul3A_2400, %mul3A_69 : i32
          %swap3A = arith.index_cast %add3A_2401 : i32 to index
          %swap3A_2402 = tpu.vector_load %arg16[%swap3A] {strides = array<i32>} : memref<10000xf32, #tpu.memory_space<vmem>>, vector<16xf32>,
          tpu.vector_store %arg16[%swap3A], %add3A_2398 {strides = array<i32>} : memref<10000xf32, #tpu.memory_space<vmem>>, vector<16xf32>,
        }
        %scan3A_66 = arith.constant 5 : i32
      } else {
      }
    }
    %scan3A_16 = arith.constant 63 : i32
    "tpu.region"() ({
      %run_scoped3A = tpu.sem_alloc : memref<!tpu.dma_semaphore, #tpu.memory_space<semaphore_mem>>
      %dma_start3A_17 = tpu.memref_slice %arg7[%mul3A_2] : memref<320000xf32, #tpu.memory_space<hbm>> -> memref<10000xf32, #tpu.memory_space<hbm>>
      %dma_start3A_18 = tpu.memref_slice %arg7[%mul3A_2] : memref<320000xf32, #tpu.memory_space<hbm>> -> memref<10000xf32, #tpu.memory_space<hbm>>
      tpu.enqueue_dma source(%arg16 : memref<10000xf32, #tpu.memory_space<vmem>>) target(%dma_start3A_18 : memref<10000xf32, #tpu.memory_space<hbm>>) target_semaphore(%run_scoped3A : memref<!tpu.dma_semaphore, #tpu.memory_space<semaphore_mem>>)
      %dma_wait3A = tpu.memref_slice %arg7[%mul3A_2] : memref<320000xf32, #tpu.memory_space<hbm>> -> memref<10000xf32, #tpu.memory_space<hbm>>
      %dma_wait3A_19 = tpu.memref_slice %arg7[%mul3A_2] : memref<320000xf32, #tpu.memory_space<hbm>> -> memref<10000xf32, #tpu.memory_space<hbm>>
      tpu.wait_dma2 semaphore(%run_scoped3A : memref<!tpu.dma_semaphore, #tpu.memory_space<semaphore_mem>>) src(%arg16 : memref<10000xf32, #tpu.memory_space<vmem>>) dst(%dma_wait3A_19 : memref<10000xf32, #tpu.memory_space<hbm>>)
      tpu.yield
    }) : () -> ()
    return
  }
}

</mosaic_0001>

<sc_bundles>
// kernel: kernel.3.cloned.1.call-start
scs
__scs_entry_jumppad:
0x0: {  	(pc) =	sbr.rel $0x88, $3  }
0x1: {  	(tag) =	ssettag $0x0;
	lr =	simm.s32 $0x1  }
0x2: {  	[smem:$0x3F9C] =	sst lr;
	_ =	strace $0xD0000000  }
0x3: {  	_ = 	snop  }
0x4: {  	_ = 	snop  }
0x5: {  	_ = 	snop  }
0x6: {  	_ = 	snop  }
0x7: {  	_ = 	snop  }
__scs_overlays_trampoline_lowered:
0x8: {  	[smem:$0x3FAB] =	sst s0  }
0x9: {  	[smem:$0x3FAC] =	sst s1  }
0xa: {  	[smem:$0x3FAD] =	sst s2  }
0xb: {  	[smem:$0x3FAE] =	sst s3  }
0xc: {  	[smem:$0x3FAF] =	sst s4  }
0xd: {  	[smem:$0x3FB0] =	sst s5  }
0xe: {  	[smem:$0x3FB1] =	sst s6  }
0xf: {  	[smem:$0x3FB2] =	sst s7  }
0x10: {  	[smem:$0x3FB3] =	sst s8  }
0x11: {  	[smem:$0x3FB4] =	sst s9;
	s0 =	simm.s32 @!p0 $0x0  }
0x12: {  	s1 =	sld [smem:$0x3F9A];
	s0 =	simm.s32 @p0 $0x1  }
0x13: {  	[smem:$0x3FB5] =	sst s0;
	s0 =	simm.s32 @!p1 $0x0  }
0x14: {  	s2 =	sld [smem:$0x3F99];
	s0 =	simm.s32 @p1 $0x1  }
0x15: {  	[smem:$0x3FB6] =	sst s0;
	s0 =	simm.s32 @!p2 $0x0  }
0x16: {  	s3 =	sld [smem:$0x3FDB];
	s0 =	simm.s32 @p2 $0x1  }
0x17: {  	s4 =	simm.s32 $0x1BF5;
	[smem:$0x3FB8] =	sst s0  }
0x18: {  	s0 =	sld [smem:$0x3F9B];
	_ =	swait.ge [sflag:s4], $0x0  }
0x19: {  	s7 =	sld [smem:$0x3F9C]  }
0x1a: {  	s8 =	sadd.s32 $0xFFFFE003, lr  }
0x1b: {  	s9 =	sadd.s32 $0xFFFFFEF7, lr;
	s5 =	simm.s32 $0xFFFFFFFF;
	p2 =	slt.u32 s8, $0xFFFFF086  }
0x1c: {  	p1 =	slt.u32 s9, $0xF7A;
	s5 =	simm.s32 @!p2 $0x0  }
0x1d: {  	s5 =	simm.s32 @p1 $0x1;
	p0 =	seq.s32 s7, s2  }
0x1e: {  	s7 =	smul.u32 @!p0 $0xF7A, s2;
	p2 =	seq.s32 @!p0 s5, $0x0  }
0x1f: {  	s9 =	smul.u32 $0xF7A, s1;
	s8 =	simm.s32 @!p0 $0x1BF5;
	p2 =	por !p2, p0  }
0x20: {  	[sflag:s8] =	ssyncset.s32 @!p0 $0xFFFFF086;
	s6 =	sadd.s32 @!p0 s3, s7;
	s7 =	simm.s32 @!p0 $0x108  }
0x21: {  	s3 =	sadd.s32 s3, s9;
	s6 =	sadd.s32 @!p0 $0x88, s6;
	s7 =	simm.s32 @p2 $0x1082  }
0x22: {  	[simem:s7], [sflag:s8] =	dma.local @!p0 [hbm:s6], $0xF7A  }
0x23: {  	s9 =	sor.u32 $0xD0000000, s2;
	s6 =	simm.s32 $0x108;
	_ =	swait.ge @!p0 [sflag:s8], $0x0  }
0x24: {  	s3 =	sadd.s32 $0x88, s3;
	s6 =	simm.s32 @!p1 $0x1082;
	[sflag:s4] =	ssyncset.s32 $0xFFFFF086  }
0x25: {  	[simem:s6], [sflag:s4] =	dma.local [hbm:s3], $0xF7A  }
0x26: {  	[smem:$0x3F9C] =	sst s1;
	(tag) =	ssettag s2;
	_ =	strace s9  }
0x27: {  	s1 =	sld [smem:$0x3FAC]  }
0x28: {  	s2 =	sld [smem:$0x3FAD]  }
0x29: {  	s4 =	sld [smem:$0x3FAF]  }
0x2a: {  	p0 =	seq.s32 s5, $0x0;
	s5 =	sld [smem:$0x3FB0]  }
0x2b: {  	s6 =	sld [smem:$0x3FB1]  }
0x2c: {  	s7 =	sld [smem:$0x3FB2]  }
0x2d: {  	s3 =	simm.s32 $0x108;
	s8 =	sld [smem:$0x3FB3]  }
0x2e: {  	s3 =	simm.s32 @!p0 $0x1082;
	s9 =	sld [smem:$0x3FB4]  }
0x2f: {  	lr =	sadd.s32 s0, s3;
	s0 =	sld [smem:$0x3FAB]  }
0x30: {  	s3 =	sld [smem:$0x3FAE]  }
0x31: {  	[smem:$0x3FB7] =	sst s10  }
0x32: {  	s10 =	sld [smem:$0x3FB5];
	_ =	sdelay $0x3  }
0x33: {  	p0 =	seq.s32 s10, $0x1;
	s10 =	sld [smem:$0x3FB7];
	_ =	sdelay $0x3  }
0x34: {  	[smem:$0x3FB7] =	sst s10  }
0x35: {  	s10 =	sld [smem:$0x3FB6];
	_ =	sdelay $0x3  }
0x36: {  	p1 =	seq.s32 s10, $0x1;
	s10 =	sld [smem:$0x3FB7];
	_ =	sdelay $0x3  }
0x37: {  	[smem:$0x3FB7] =	sst s10  }
0x38: {  	s10 =	sld [smem:$0x3FB8]  }
0x39: {  	_ = 	snop;
	(pc) =	sbr.ind lr, $3  }
0x3a: {  	_ = 	snop  }
0x3b: {  	_ = 	snop  }
0x3c: {  	p2 =	seq.s32 s10, $0x1;
	s10 =	sld [smem:$0x3FB7]  }
0x3d: {  	_ =	shalt  }
0x3e: {  	_ =	shalt  }
0x3f: {  	_ =	shalt  }
0x40: {  	_ =	shalt  }
0x41: {  	_ =	shalt  }
0x42: {  	_ =	shalt  }
0x43: {  	_ =	shalt  }
0x44: {  	_ =	shalt  }
0x45: {  	_ =	shalt  }
0x46: {  	_ =	shalt  }
0x47: {  	_ =	shalt  }
0x48: {  	_ =	shalt  }
0x49: {  	_ =	shalt  }
0x4a: {  	_ =	shalt  }
0x4b: {  	_ =	shalt  }
0x4c: {  	_ =	shalt  }
0x4d: {  	_ =	shalt  }
0x4e: {  	_ =	shalt  }
0x4f: {  	_ =	shalt  }
0x50: {  	_ =	shalt  }
0x51: {  	_ =	shalt  }
0x52: {  	_ =	shalt  }
0x53: {  	_ =	shalt  }
0x54: {  	_ =	shalt  }
0x55: {  	_ =	shalt  }
0x56: {  	_ =	shalt  }
0x57: {  	_ =	shalt  }
0x58: {  	_ =	shalt  }
0x59: {  	_ =	shalt  }
0x5a: {  	_ =	shalt  }
0x5b: {  	_ =	shalt  }
0x5c: {  	_ =	shalt  }
0x5d: {  	_ =	shalt  }
0x5e: {  	_ =	shalt  }
0x5f: {  	_ =	shalt  }
0x60: {  	_ =	shalt  }
0x61: {  	_ =	shalt  }
0x62: {  	_ =	shalt  }
0x63: {  	_ =	shalt  }
0x64: {  	_ =	shalt  }
0x65: {  	_ =	shalt  }
0x66: {  	_ =	shalt  }
0x67: {  	_ =	shalt  }
0x68: {  	_ =	shalt  }
0x69: {  	_ =	shalt  }
0x6a: {  	_ =	shalt  }
0x6b: {  	_ =	shalt  }
0x6c: {  	_ =	shalt  }
0x6d: {  	_ =	shalt  }
0x6e: {  	_ =	shalt  }
0x6f: {  	_ =	shalt  }
0x70: {  	_ =	shalt  }
0x71: {  	_ =	shalt  }
0x72: {  	_ =	shalt  }
0x73: {  	_ =	shalt  }
0x74: {  	_ =	shalt  }
0x75: {  	_ =	shalt  }
0x76: {  	_ =	shalt  }
0x77: {  	_ =	shalt  }
0x78: {  	_ =	shalt  }
0x79: {  	_ =	shalt  }
0x7a: {  	_ =	shalt  }
0x7b: {  	_ =	shalt  }
0x7c: {  	_ =	shalt  }
0x7d: {  	_ =	shalt  }
0x7e: {  	_ =	shalt  }
0x7f: {  	_ =	shalt  }
0x80: {  	_ =	shalt  }
0x81: {  	_ =	shalt  }
0x82: {  	_ =	shalt  }
0x83: {  	_ =	shalt  }
0x84: {  	_ =	shalt  }
0x85: {  	_ =	shalt  }
0x86: {  	_ =	shalt  }
0x87: {  	_ =	shalt  }
.Lfunc_end0:
.L_simem_size_0:
called_computation_lowered:
.L_overlay_start_0:
0x88: {  	s2 =	sld [smem:$0x3FD9]  }
0x89: {  	s3 =	sld [smem:$0x3FFE];
	_ =	sdelay $0x1  }
0x8a: {  	s1 =	srdreg.scid  }
0x8b: {  	s0 =	sand.u32 $0x1, s1  }
0x8c: {  	s17 =	sshll.u32 s0, $0xA;
	s2 =	sadd.s32 s3, s2  }
0x8d: {  	s2 =	sadd.s32 s2, s17  }
0x8e: {  	[smem:$0x3FC3] =	sst s2  }
0x8f: {  	_ = 	snop  }
0x90: {  	s2 =	sld [smem:$0x3FC8]  }
0x91: {  	s18 =	sld [smem:$0x3FC7]  }
0x92: {  	s4 =	sld [smem:$0x3FC6]  }
0x93: {  	s5 =	sld [smem:$0x3FD0];
	(tm) =	ssettm $0x1  }
0x94: {  	s6 =	sld [smem:$0x3FFB];
	_ =	sdelay $0x3  }
0x95: {  	_ =	strace s6  }
0x96: {  	s6 =	sld [smem:$0x3FFC];
	_ =	sdelay $0x3  }
0x97: {  	_ =	strace s6  }
0x98: {  	s6 =	sld [smem:$0x3FFD];
	_ =	sdelay $0x3  }
0x99: {  	_ =	strace s6  }
0x9a: {  	_ =	strace $0x8FFFFFFF  }
0x9b: {  	s19 =	sld [smem:$0x3FDB];
	_ =	sdelay $0x1  }
0x9c: {  	s7 =	simm.s32 $_scs_section_size  }
0x9d: {  	s8 =	simm.s32 $_size__tile_overlayer_lowered;
	s9 =	simm.s32 $_tile_overlayer_lowered  }
0x9e: {  	s22 =	simm.s32 $0x1BFF;
	s21 =	sshll.u32 s9, $0x1;
	s6 =	sadd.s32 s7, s19  }
0x9f: {  	s10 =	simm.s32 $0x0;
	s20 =	sshll.u32 s8, $0x1;
	s8 =	sadd.s32 s21, s6  }
0xa0: {  	[timem:s10], [sflag:s22] =	dma.local [hbm:s8], s20  }
0xa1: {  	_ =	swait.ge [sflag:s22], s20  }
0xa2: {  	s7 =	ssub.s32 $0x0, s20;
	[sflag:s22] =	ssyncset.done $0x0  }
0xa3: {  	[sflag:s22] =	ssyncadd.s32 s7;
	_ =	sdelay $0x1  }
0xa4: {  	s23 =	simm.s32 $0x1B8B  }
0xa5: {  	_ =	swait.ge [sflag:s23], $0x1  }
0xa6: {  	[sflag:s23] =	ssyncset.done $0x0  }
0xa7: {  	s25 =	simm.s32 $0x1B8E;
	s24 =	sld [smem:$0x3FFE];
	[sflag:s23] =	ssyncadd.s32 $0xFFFFFFFF  }
0xa8: {  	s26 =	simm.s32 $execute0_lowered;
	[smem:$0x3FD2] =	sst s25  }
0xa9: {  	s8 =	sshll.u32 s26, $0x1;
	_ =	strace $0x80000046;
	[dreg:$0x1] =	wrdreg $0xFFFFFFFF  }
0xaa: {  	s28 =	simm.s32 $_size_execute0_lowered;
	s6 =	sadd.s32 s6, s8;
	[dreg:$0x0] =	wrdreg $0x0  }
0xab: {  	s8 =	sshll.u32 s28, $0x1;
	[dreg:$0x2] =	wrdreg s6  }
0xac: {  	[dreg:$0x3] =	wrdreg s8  }
0xad: {  	[dreg:$0x4] =	wrdreg $0xC0  }
0xae: {  	_ =	task [dreg:s10], $0x5FFFF  }
0xaf: {  	[dreg:$0x1] =	wrdreg $0xFFFFFFFF  }
0xb0: {  	[dreg:$0x0] =	wrdreg $0x60  }
0xb1: {  	[dreg:$0x2] =	wrdreg s2  }
0xb2: {  	[dreg:$0x3] =	wrdreg s18  }
0xb3: {  	[dreg:$0x4] =	wrdreg s4  }
0xb4: {  	[dreg:$0x5] =	wrdreg s24  }
0xb5: {  	[dreg:$0x6] =	wrdreg s5  }
0xb6: {  	[dreg:$0x7] =	wrdreg $0x9  }
0xb7: {  	_ =	task.clear_ibuf [dreg:s10], $0x8FFFF;
	_ =	strace $0x90000046  }
0xb8: {  	s29 =	simm.s32 $0x9;
	_ =	strace $0x80000048  }
0xb9: {  	_ =	swait.ge [sflag:s29], $0x1  }
0xba: {  	[sflag:s29] =	ssyncadd.s32 $0xFFFFFFFF  }
0xbb: {  	_ =	strace $0x90000048  }
0xbc: {  	_ =	sfence  }
0xbd: {  	s30 =	sld [smem:$0x0];
	_ =	sdelay $0x2  }
0xbe: {  	s31 =	sshll.u32 s1, $0xD;
	s1 =	sshrl.u32 s1, $0x2  }
0xbf: {  	s3 =	sand.u32 $0x4000, s31;
	s1 =	sadd.s32 s1, s30  }
0xc0: {  	s0 =	sor.u32 s3, s0;
	s1 =	sshll.u32 s1, $0x11  }
0xc1: {  	s0 =	sor.u32 s1, s0  }
0xc2: {  	s0 =	sadd.s32 $0x8F2B, s0  }
0xc3: {  	[sflag:s0] =	ssyncadd.remote.s32 $0x1  }
0xc4: {  	_ =	sfence.sel $0xFFFF  }
0xc5: {  	[dreg:$0x0] =	wrdreg $0xFFFFFFFF;
	(pc) =	sbr.abs _section_cstart, $3  }
0xc6: {  	[dreg:$0x1] =	wrdreg $0xFFFFFFFF  }
0xc7: {  	_ =	task.clear_ibuf [dreg:s10], $0x2FFFF;
	_ =	strace $0x9FFFFFFF  }
0xc8: {  	(tm) =	ssettm $0x7FFFFFFF  }
0xc9: {  	_ =	shalt  }
tec
execute0_lowered:
.L_overlay_start_1:
0x0: {  	(tag) =	ssettag $0x1  }
0x1: {  	s5 =	rddreg [dreg:$0x0]  }
0x2: {  	s6 =	rddreg [dreg:$0x1]  }
0x3: {  	s7 =	rddreg [dreg:$0x2]  }
0x4: {  	s2 =	rddreg [dreg:$0x3]  }
0x5: {  	s8 =	rddreg [dreg:$0x4];
	s3 =	srdreg.scid  }
0x6: {  	s1 =	stileid.u32;
	s0 =	rddreg [dreg:$0x5]  }
0x7: {  	s12 =	simm.s32 $0x7530;
	s13 =	simm.s32 $0x50;
	s14 =	simm.s32 $0xF230  }
0x8: {  	s15 =	simm.s32 $0x10630;
	s16 =	simm.s32 $0x1;
	s17 =	simm.s32 $0x2  }
0x9: {  	v0 =	vlaneseq.u32;
	vm0 =	vmmov $0x1;
	vm1 =	vcmask $0x704;
	s18 =	simm.s32 $0x14230;
	s19 =	simm.s32 $0x0;
	s4 =	sand.u32 $0x1, s3  }
0xa: {  	vm2 =	vcmask $0xB08;
	vm3 =	vcmask $0xF0C;
	vm4 =	vcmask $0x1310;
	s9 =	sshll.u32 s1, $0x1;
	s3 =	simm.s32 $0x0;
	s10 =	ssub.s32 $0x2, s4  }
.Ltmp0:
0xb: {  	vm5 =	vcmask $0x1714;
	vm6 =	vcmask $0x1B18;
	vm7 =	vcmask $0x1F1C;
	s4 =	sor.u32 s4, s9;
	[smem:$0x7FF] =	sst s3;
	(pc) =	sbr.rel .LBB2_1-.Ltmp0, $4  }
0xc: {  	vm8 =	vcmask $0x2320;
	vm9 =	vcmask $0x2724;
	vm10 =	vcmask $0x2B28;
	s31 =	sshrl.u32 s10, $0x1;
	s11 =	smul.u32 $0x4E2, s4;
	_ =	strace $0x80000047  }
0xd: {  	vm11 =	vcmask $0x2F2C;
	vm12 =	vcmask $0x3330;
	vm13 =	vcmask $0x3734;
	s4 =	sadd.s32 $0x13A00, s2;
	s9 =	ssub.s32 s10, s31;
	s10 =	simm.s32 $0x3  }
0xe: {  	vm14 =	vcmask $0x3B38;
	vm15 =	vmmov $0x7fff;
	v1 =	vor.u32 $0xFFFFFFC8, v0;
	s5 =	sadd.s32 s5, s11;
	s6 =	sadd.s32 s6, s11;
	s7 =	sadd.s32 s7, s11  }
0xf: {  	v2 =	vor.u32 $0x10, v0;
	v3 =	vor.u32 $0x20, v0;
	v4 =	vor.u32 $0x30, v0;
	s8 =	sadd.s32 s8, s11;
	s9 =	smax.u32 s9, $0x1;
	s11 =	simm.s32 $0x2710  }
.LBB2_8:
0x10: {  	s19 =	sadd.s32 $0x1, s19  }
0x11: {  	p0 =	sne.s32 s19, s9  }
.Ltmp1:
0x12: {  	_ = 	snop;
	(pc) =	sbr.rel @!p0 .LBB2_9-.Ltmp1, $4  }
0x13: {  	[hbm4b:s8+s3] =	stream.linear.scatter [tilespmem:s18], [sflag:$0x3], $0x2710, $0x38;
	[tilespmem:$0x16940] =	vst v63  }
0x14: {  	_ =	swait.ge [sflag:s10], $0x2710  }
0x15: {  	[sflag:s10] =	ssyncset.done $0x0  }
0x16: {  	[sflag:s10] =	ssyncadd.s32 $0xFFFFD8F0  }
.LBB2_1:
0x17: {  	[tilespmem:s3], [sflag:$0x3] =	stream.linear.gather [hbm4b:s5+s3], $0x2710, $0x38;
	[tilespmem:$0x16940] =	vst v63  }
0x18: {  	_ =	swait.ge [sflag:s10], $0x2710  }
0x19: {  	[sflag:s10] =	ssyncset.done $0x0  }
0x1a: {  	[sflag:s10] =	ssyncadd.s32 $0xFFFFD8F0  }
0x1b: {  	[tilespmem:s11], [sflag:$0x3] =	stream.linear.gather [hbm4b:s6+s3], $0x2710, $0x38;
	[tilespmem:$0x16940] =	vst v63  }
0x1c: {  	_ =	swait.ge [sflag:s10], $0x2710  }
0x1d: {  	[sflag:s10] =	ssyncset.done $0x0  }
0x1e: {  	s20 =	simm.s32 $0x4E20;
	[sflag:s10] =	ssyncadd.s32 $0xFFFFD8F0  }
0x1f: {  	[tilespmem:s20], [sflag:$0x3] =	stream.linear.gather [hbm4b:s7+s3], $0x2710, $0x38;
	[tilespmem:$0x16940] =	vst v63  }
0x20: {  	_ =	swait.ge [sflag:s10], $0x2710  }
0x21: {  	[sflag:s10] =	ssyncset.done $0x0  }
0x22: {  	[sflag:s10] =	ssyncadd.s32 $0xFFFFD8F0  }
0x23: {  	[tilespmem:s12], [sflag:$0x3] =	stream.linear.gather [hbm4b:s4+s3], $0x7D00, $0x38;
	[tilespmem:$0x16940] =	vst v63  }
0x24: {  	_ =	swait.ge [sflag:s10], $0x7D00  }
.Ltmp2:
0x25: {  	[sflag:s10] =	ssyncset.done $0x0;
	(pc) =	sbr.rel .LBB2_2-.Ltmp2, $4  }
0x26: {  	s21 =	simm.s32 $0x14280;
	[sflag:s10] =	ssyncadd.s32 $0xFFFF8300  }
0x27: {  	[tilespmem:s14], [sflag:$0x1] =	stream.indirect.gather [hbm4b:s2+s13], $0x40, s3, s13, $0xb8;
	[tilespmem:$0x16940] =	vst v63  }
0x28: {  	s22 =	simm.s32 $0x4E70;
	s23 =	simm.s32 $0x14230;
	s24 =	simm.s32 $0x0  }
0x29: {  	[tilespmem:s15], [sflag:$0x1] =	stream.indirect.gather [hbm4b:s2+s13], $0x40, s11, s13, $0xb8;
	[tilespmem:$0x16940] =	vst v63  }
.LBB2_7:
0x2a: {  	s24 =	sadd.s32 $0x1, s24  }
0x2b: {  	p0 =	sne.s32 s24, $0x3F  }
.Ltmp3:
0x2c: {  	_ = 	snop;
	(pc) =	sbr.rel @!p0 .LBB2_8-.Ltmp3, $3  }
0x2d: {  	_ =	sdelay $0x1  }
0x2e: {  	s23 =	sadd.s32 $0xA0, s23  }
0x2f: {  	s20 =	sadd.s32 $0xA0, s20;
	s21 =	sadd.s32 $0xA0, s21;
	s22 =	sadd.s32 $0xA0, s22  }
.LBB2_2:
0x30: {  	s25 =	sshllo.u32 s24, $0x1  }
0x31: {  	p0 =	sgt.u32 s25, $0x7C  }
0x32: {  	s25 =	smul.u32 @!p0 $0x50, s25  }
0x33: {  	s26 =	simm.s32 @!p0 $0x50;
	s28 =	simm.s32 @!p0 $0x11A30  }
0x34: {  	[tilespmem:s28], [sflag:$0x2] =	stream.indirect.gather @!p0 [hbm4b:s2+s26], $0x40, s25, s26, $0xb8;
	[tilespmem:$0x16940] =	vst v63  }
0x35: {  	s25 =	sadd.s32 @!p0 $0x2710, s25;
	s28 =	simm.s32 @!p0 $0x12E30  }
0x36: {  	[tilespmem:s28], [sflag:$0x2] =	stream.indirect.gather @!p0 [hbm4b:s2+s26], $0x40, s25, s26, $0xb8;
	[tilespmem:$0x16940] =	vst v63  }
0x37: {  	_ =	swait.ge [sflag:s16], $0x1400  }
0x38: {  	[sflag:s16] =	ssyncset.done $0x0  }
0x39: {  	v5 =	vmov s20;
	[sflag:s16] =	ssyncadd.s32 $0xFFFFEC00  }
0x3a: {  	_ =	swait.ge [sflag:s16], $0x1400  }
0x3b: {  	s29 =	simm.s32 $0x10830;
	s25 =	smul.u32 $0xA0, s24;
	[sflag:s16] =	ssyncset.done $0x0  }
0x3c: {  	v6 =	vmov s23;
	s26 =	simm.s32 $0x0;
	s28 =	simm.s32 $0xF430;
	[sflag:s16] =	ssyncadd.s32 $0xFFFFEC00  }
.LBB2_3:
0x3d: {  	s30 =	sshra.s32 s26, $0x2  }
0x3e: {  	v7 =	vld.idx.msk [tilespmem:v5+s30+$0x0 ss:$0x1], $0xffff  }
0x3f: {  	v10 =	vld [tilespmem:s28+$0xFFFFFE00]  }
0x40: {  	v12 =	vld [tilespmem:s29+$0xFFFFFE00]  }
0x41: {  	v13 =	vld [tilespmem:s28+$0xFFFFFE10]  }
0x42: {  	v31 =	vld [tilespmem:s29+$0xFFFFFE10]  }
0x43: {  	v19 =	vld [tilespmem:s28+$0xFFFFFE20];
	v7 =	vshll.u32 v7, $0x6  }
0x44: {  	v37 =	vld [tilespmem:s29+$0xFFFFFE20];
	v8 =	vbroadcast v7, $0x0  }
0x45: {  	v21 =	vld [tilespmem:s28+$0xFFFFFE30]  }
0x46: {  	v39 =	vld [tilespmem:s28+$0xFFFFFE40];
	v11 =	vor.u32 v2, v8  }
0x47: {  	v43 =	vld [tilespmem:s29+$0xFFFFFE40];
	v17 =	vbroadcast v7, $0x1;
	v14 =	vor.u32 v3, v8  }
0x48: {  	v44 =	vld [tilespmem:s28+$0xFFFFFE50];
	v9 =	vor.u32 v0, v8;
	v8 =	vor.u32 v4, v8  }
0x49: {  	v49 =	vld [tilespmem:s29+$0xFFFFFE50];
	v40 =	vor.u32 v2, v17  }
0x4a: {  	v24 =	vld [tilespmem:s29+$0xFFFFFE30];
	v9 =	vand.u32 v1, v9  }
0x4b: {  	v20 =	vor.u32 v0, v17;
	v23 =	vor.u32 v3, v17;
	v11 =	vld.idx.msk [tilespmem:v11+s12+$0x0], $0xffff  }
0x4c: {  	v33 =	vand.u32 v1, v20;
	v32 =	vld.idx.msk [tilespmem:v14+s12+$0x0], $0xffff  }
0x4d: {  	v15 =	vshll.u32 v10, $0x10;
	v18 =	vshll.u32 v12, $0x10;
	v34 =	vshll.u32 v13, $0x10;
	v8 =	vld.idx.msk [tilespmem:v8+s12+$0x0], $0xffff  }
0x4e: {  	v38 =	vshll.u32 v31, $0x10;
	v41 =	vshll.u32 v19, $0x10;
	v42 =	vshll.u32 v37, $0x10;
	v45 =	vld.idx.msk [tilespmem:v40+s12+$0x0], $0xffff  }
0x4f: {  	v46 =	vshll.u32 v39, $0x10;
	v51 =	vshll.u32 v43, $0x10;
	v25 =	vshll.u32 v21, $0x10;
	v9 =	vld.idx.msk [tilespmem:v9+s12+$0x0], $0xffff  }
0x50: {  	v53 =	vshll.u32 v44, $0x10;
	v56 =	vshll.u32 v49, $0x10;
	v61 =	vshll.u32 v24, $0x10;
	v55 =	vld.idx.msk [tilespmem:v23+s12+$0x0], $0xffff  }
0x51: {  	v28 =	vbroadcast v7, $0x3;
	(v2sf) =	vpush v7, $0xF;
	v17 =	vor.u32 v4, v17;
	v14 =	vld.idx.msk [tilespmem:v33+s12+$0x0], $0xffff  }
0x52: {  	v27 =	vld [tilespmem:s28+$0xFFFFFE60];
	v35 =	vshll.u32 v11, $0x10;
	v11 =	vmul.f32 v11, v13;
	v22 =	vshll.u32 v32, $0x10  }
0x53: {  	v52 =	vshll.u32 v8, $0x10;
	v26 =	vshll.u32 v45, $0x10;
	v8 =	vmul.f32 v8, v21  }
0x54: {  	v16 =	vshll.u32 v9, $0x10;
	v9 =	vmul.f32 v9, v10;
	v36 =	vmul.f32 v35, v34  }
0x55: {  	v33 =	vshll.u32 v55, $0x10;
	v13 =	vmul.f32 v22, v41;
	v10 =	vmul.f32 v32, v19  }
0x56: {  	v57 =	vld [tilespmem:s28+$0xFFFFFE80];
	v19 =	vbroadcast v7, $0x2;
	v47 =	vshll.u32 v14, $0x10;
	v15 =	vmul.f32 v16, v15  }
0x57: {  	v62 =	vld [tilespmem:s29+$0xFFFFFE60];
	v14 =	vmul.f32 v14, v39;
	v54 =	vmul.f32 v26, v53;
	v32 =	vshll.u32 v27, $0x10  }
0x58: {  	v63 =	vld [tilespmem:s29+$0xFFFFFE80];
	v11 =	vmul.f32 v31, v11;
	v58 =	vor.u32 v2, v19;
	v15 =	vmul.f32 v18, v15  }
0x59: {  	v30 =	vld [tilespmem:s28+$0xFFFFFEA0];
	v48 =	vmul.f32 v47, v46;
	v35 =	vmul.f32 v33, v32;
	v39 =	vor.u32 v3, v19  }
0x5a: {  	v17 =	vld.idx.msk [tilespmem:v17+s12+$0x0], $0xffff;
	v9 =	vmul.f32 v12, v9;
	v50 =	vor.u32 v0, v19;
	v15 =	vadd.f32 $0.0e+00, v15  }
0x5b: {  	v34 =	vld [tilespmem:s28+$0xFFFFFE90];
	v8 =	vmul.f32 v24, v8;
	v12 =	vmul.f32 v38, v36;
	v22 =	vand.u32 v1, v50  }
0x5c: {  	v41 =	vld [tilespmem:s29+$0xFFFFFE90];
	v10 =	vmul.f32 v37, v10;
	v14 =	vmul.f32 v43, v14;
	v9 =	vadd.f32 v15, v9  }
0x5d: {  	v40 =	vshll.u32 v62, $0x10;
	v59 =	vmul.f32 v56, v54;
	v18 =	vmul.f32 v55, v27;
	v36 =	vld.idx.msk [tilespmem:v58+s12+$0x0], $0xffff  }
0x5e: {  	v37 =	vshll.u32 v57, $0x10;
	v43 =	vshll.u32 v63, $0x10;
	v23 =	vld.idx.msk [tilespmem:v39+s12+$0x0], $0xffff;
	v9 =	vadd.f32 v12, v9  }
0x5f: {  	v19 =	vor.u32 v4, v19;
	v55 =	vshll.u32 v30, $0x10;
	v47 =	vmul.f32 v62, v18;
	v58 =	vld [tilespmem:s29+$0xFFFFFEC0]  }
0x60: {  	v15 =	vmul.f32 v52, v25;
	v60 =	vld.idx.msk [tilespmem:v22+s12+$0x0], $0xffff;
	v12 =	vmul.f32 v42, v13;
	v9 =	vadd.f32 v9, v11  }
0x61: {  	v16 =	vld [tilespmem:s29+$0xFFFFFE70];
	v11 =	vmul.f32 v45, v44;
	v44 =	vor.u32 v0, v28;
	v45 =	vshll.u32 v34, $0x10  }
0x62: {  	v27 =	vld [tilespmem:s28+$0xFFFFFEF0];
	v29 =	vshll.u32 v36, $0x10;
	v25 =	vand.u32 v1, v44;
	v53 =	vmul.f32 v36, v34  }
0x63: {  	v42 =	vld [tilespmem:s28+$0xFFFFFE70];
	v56 =	vshll.u32 v23, $0x10;
	v32 =	vmul.f32 v23, v30;
	v36 =	vor.u32 v3, v28  }
0x64: {  	v39 =	vshll.u32 v58, $0x10;
	v44 =	vld [tilespmem:s28+$0xFFFFFEE0];
	v9 =	vadd.f32 v12, v9;
	v12 =	vmul.f32 v51, v48  }
0x65: {  	v11 =	vmul.f32 v49, v11;
	v38 =	vshll.u32 v60, $0x10;
	v13 =	vmul.f32 v60, v57;
	v49 =	vld [tilespmem:s29+$0xFFFFFEA0]  }
0x66: {  	v46 =	vmul.f32 v29, v45;
	v48 =	vshll.u32 v41, $0x10;
	v51 =	vld [tilespmem:s28+$0xFFFFFEC0];
	v57 =	vor.u32 v2, v28  }
0x67: {  	v60 =	vshll.u32 v16, $0x10;
	v20 =	vmul.f32 v38, v37;
	v38 =	vld.idx.msk [tilespmem:v19+s12+$0x0], $0xffff;
	v12 =	vadd.f32 $0.0e+00, v12  }
0x68: {  	v9 =	vadd.f32 v9, v10;
	v10 =	vmul.f32 v61, v15;
	v13 =	vmul.f32 v63, v13;
	v63 =	vld [tilespmem:s28+$0xFFFFFEB0]  }
0x69: {  	v52 =	vshll.u32 v42, $0x10;
	v42 =	vmul.f32 v17, v42;
	v20 =	vmul.f32 v43, v20;
	v43 =	vld [tilespmem:s29+$0xFFFFFEB0]  }
0x6a: {  	v12 =	vadd.f32 v12, v14;
	v14 =	vmul.f32 v48, v46;
	v9 =	vadd.f32 v10, v9;
	v54 =	vld.idx.msk [tilespmem:v25+s12+$0x0], $0xffff  }
0x6b: {  	v25 =	vld.idx.msk [tilespmem:v36+s12+$0x0], $0xffff;
	v36 =	vshll.u32 v27, $0x10;
	v20 =	vadd.f32 $0.0e+00, v20;
	v61 =	vshll.u32 v49, $0x10  }
0x6c: {  	v33 =	vshll.u32 v51, $0x10;
	v37 =	vmul.f32 v49, v32;
	v12 =	vadd.f32 v59, v12  }
0x6d: {  	v59 =	vshll.u32 v17, $0x10;
	v8 =	vadd.f32 v9, v8;
	v17 =	vbroadcast v7, $0x4  }
0x6e: {  	v13 =	vadd.f32 v20, v13;
	v20 =	vmul.f32 v56, v55;
	v56 =	vshll.u32 v44, $0x10  }
0x6f: {  	v24 =	vld.idx.msk [tilespmem:v57+s12+$0x0], $0xffff;
	v18 =	vmul.f32 v38, v63;
	v11 =	vadd.f32 v12, v11;
	v12 =	vmul.f32 v40, v35  }
0x70: {  	v49 =	vor.u32 v0, v17;
	v55 =	vshll.u32 v43, $0x10;
	v13 =	vadd.f32 v14, v13  }
0x71: {  	v14 =	vmul.f32 v41, v53;
	v62 =	vmul.f32 v61, v20;
	v34 =	vshll.u32 v54, $0x10  }
0x72: {  	v35 =	vld [tilespmem:s28+$0xFFFFFED0];
	v22 =	vand.u32 v1, v49;
	v53 =	vshll.u32 v38, $0x10;
	v57 =	vshll.u32 v25, $0x10  }
0x73: {  	v15 =	vmul.f32 v25, v44;
	v11 =	vadd.f32 v12, v11;
	v12 =	vmul.f32 v59, v52  }
0x74: {  	v23 =	vmul.f32 v34, v33;
	v46 =	vshll.u32 v24, $0x10;
	v59 =	vor.u32 v2, v17  }
0x75: {  	v41 =	vld [tilespmem:s29+$0xFFFFFED0];
	v13 =	vadd.f32 v13, v14;
	v14 =	vmul.f32 v43, v18;
	v12 =	vmul.f32 v60, v12  }
0x76: {  	v61 =	vld [tilespmem:s29+$0xFFFFFF00];
	v50 =	vadd.f32 v11, v47;
	v40 =	vmul.f32 v39, v23;
	v11 =	vmul.f32 v54, v51  }
0x77: {  	v52 =	vld [tilespmem:s29+$0xFFFFFEE0];
	v47 =	vor.u32 v4, v28;
	v13 =	vadd.f32 v62, v13;
	v45 =	vshll.u32 v35, $0x10  }
0x78: {  	v24 =	vmul.f32 v24, v35;
	v62 =	vld [tilespmem:s28+$0xFFFFFF10];
	v10 =	vadd.f32 v12, v50;
	v9 =	vadd.f32 $0.0e+00, v40  }
0x79: {  	v11 =	vmul.f32 v58, v11;
	v48 =	vmul.f32 v46, v45;
	v50 =	vshll.u32 v63, $0x10;
	v58 =	vld [tilespmem:s28+$0xFFFFFF00]  }
0x7a: {  	v51 =	vshll.u32 v41, $0x10;
	v22 =	vld.idx.msk [tilespmem:v22+s12+$0x0], $0xffff;
	v12 =	vmul.f32 v16, v42;
	v63 =	vor.u32 v3, v17  }
0x7b: {  	v40 =	vshll.u32 v61, $0x10;
	v46 =	vld [tilespmem:s29+$0xFFFFFF20];
	v17 =	vor.u32 v4, v17;
	v23 =	vmul.f32 v53, v50  }
0x7c: {  	v13 =	vadd.f32 v13, v37;
	v19 =	vmul.f32 v41, v24;
	v15 =	vmul.f32 v52, v15;
	v33 =	vld.idx.msk [tilespmem:v59+s12+$0x0], $0xffff  }
0x7d: {  	v37 =	vld [tilespmem:s29+$0xFFFFFF10];
	v9 =	vadd.f32 v9, v11;
	v54 =	vmul.f32 v51, v48;
	v11 =	vmul.f32 v57, v56  }
0x7e: {  	v60 =	vshll.u32 v52, $0x10;
	v41 =	vld [tilespmem:s28+$0xFFFFFF20];
	v24 =	vbroadcast v7, $0x6;
	v21 =	vmul.f32 v55, v23  }
0x7f: {  	v10 =	vadd.f32 v10, v12;
	v48 =	vld [tilespmem:s28+$0xFFFFFF40];
	v9 =	vadd.f32 v54, v9;
	v11 =	vmul.f32 v60, v11  }
0x80: {  	v28 =	vld [tilespmem:s28+$0xFFFFFF70];
	v43 =	vshll.u32 v62, $0x10;
	v13 =	vadd.f32 v21, v13;
	v34 =	vshll.u32 v58, $0x10  }
0x81: {  	v26 =	vld.idx.msk [tilespmem:v47+s12+$0x0], $0xffff;
	v35 =	vshll.u32 v22, $0x10;
	v22 =	vmul.f32 v22, v58;
	v57 =	vshll.u32 v46, $0x10  }
0x82: {  	v55 =	vld [tilespmem:s29+$0xFFFFFF40];
	v9 =	vadd.f32 v9, v19;
	v44 =	vshll.u32 v33, $0x10;
	v47 =	vshll.u32 v37, $0x10  }
0x83: {  	v20 =	vld.idx.msk [tilespmem:v63+s12+$0x0], $0xffff;
	v12 =	vmul.f32 v33, v62;
	v51 =	vshll.u32 v41, $0x10;
	v16 =	vmul.f32 v61, v22  }
0x84: {  	v58 =	vld [tilespmem:s28+$0xFFFFFF30];
	v45 =	vmul.f32 v44, v43;
	v61 =	vshll.u32 v48, $0x10;
	v11 =	vadd.f32 v11, v9  }
0x85: {  	v17 =	vld.idx.msk [tilespmem:v17+s12+$0x0], $0xffff;
	v9 =	vadd.f32 v13, v14;
	v13 =	vbroadcast v7, $0x5;
	v14 =	vmul.f32 v35, v34  }
0x86: {  	v63 =	vld [tilespmem:s28+$0xFFFFFF50];
	v39 =	vshll.u32 v26, $0x10;
	v12 =	vmul.f32 v37, v12;
	v56 =	vmul.f32 v26, v27  }
0x87: {  	v19 =	vld [tilespmem:s29+$0xFFFFFEF0];
	v35 =	vshll.u32 v55, $0x10;
	v26 =	vbroadcast v7, $0x7;
	v21 =	vmul.f32 v39, v36  }
0x88: {  	v43 =	vld [tilespmem:s29+$0xFFFFFF60];
	v49 =	vmul.f32 v47, v45;
	v39 =	vor.u32 v0, v24;
	v11 =	vadd.f32 v11, v15  }
0x89: {  	v34 =	vld [tilespmem:s29+$0xFFFFFF30];
	v38 =	vor.u32 v0, v13;
	v14 =	vmul.f32 v40, v14;
	v53 =	vor.u32 v2, v13  }
0x8a: {  	v36 =	vld [tilespmem:s29+$0xFFFFFF50];
	v52 =	vshll.u32 v20, $0x10;
	v31 =	vor.u32 v3, v13;
	v13 =	vor.u32 v4, v13  }
0x8b: {  	v47 =	vld [tilespmem:s28+$0xFFFFFF80];
	v40 =	vshll.u32 v58, $0x10;
	v22 =	vand.u32 v1, v39;
	v54 =	vmul.f32 v52, v51  }
0x8c: {  	v44 =	vshll.u32 v17, $0x10;
	v17 =	vmul.f32 v17, v58;
	v23 =	vand.u32 v1, v38;
	v38 =	vld [tilespmem:s28+$0xFFFFFF60]  }
0x8d: {  	v58 =	vor.u32 v3, v24;
	v14 =	vadd.f32 $0.0e+00, v14;
	v59 =	vmul.f32 v57, v54;
	v57 =	vld [tilespmem:s28+$0xFFFFFF90]  }
0x8e: {  	v60 =	vmul.f32 v20, v41;
	v42 =	vshll.u32 v19, $0x10;
	v19 =	vmul.f32 v19, v56;
	v33 =	vld.idx.msk [tilespmem:v53+s12+$0x0], $0xffff  }
0x8f: {  	v25 =	vmul.f32 v44, v40;
	v21 =	vmul.f32 v42, v21;
	v14 =	vadd.f32 v14, v16;
	v27 =	vld.idx.msk [tilespmem:v31+s12+$0x0], $0xffff  }
0x90: {  	v41 =	vshll.u32 v63, $0x10;
	v15 =	vmul.f32 v46, v60;
	v17 =	vmul.f32 v34, v17;
	v13 =	vld.idx.msk [tilespmem:v13+s12+$0x0], $0xffff  }
0x91: {  	v54 =	vshll.u32 v43, $0x10;
	v11 =	vadd.f32 v21, v11;
	v22 =	vld.idx.msk [tilespmem:v22+s12+$0x0], $0xffff;
	v14 =	vadd.f32 v49, v14  }
0x92: {  	v45 =	vshll.u32 v36, $0x10;
	v60 =	vshll.u32 v47, $0x10;
	v31 =	vshll.u32 v34, $0x10;
	v21 =	vld.idx.msk [tilespmem:v58+s12+$0x0], $0xffff  }
0x93: {  	v50 =	vld.idx.msk [tilespmem:v23+s12+$0x0], $0xffff;
	v11 =	vadd.f32 v11, v19;
	v49 =	vshll.u32 v38, $0x10;
	v12 =	vadd.f32 v14, v12  }
0x94: {  	v53 =	vmul.f32 v31, v25;
	v31 =	vbroadcast v7, $0x8;
	v39 =	vshll.u32 v57, $0x10  }
0x95: {  	v19 =	vld [tilespmem:s29+$0xFFFFFF70];
	v12 =	vadd.f32 v59, v12;
	v42 =	vshll.u32 v33, $0x10;
	v46 =	vmul.f32 v33, v63  }
0x96: {  	v18 =	vmul.f32 v27, v38;
	v63 =	vor.u32 v0, v26;
	v33 =	vshll.u32 v13, $0x10  }
0x97: {  	v20 =	vmul.f32 v22, v47;
	v47 =	vshll.u32 v21, $0x10;
	v13 =	vmul.f32 v13, v28  }
0x98: {  	v62 =	vshll.u32 v50, $0x10;
	v37 =	vmul.f32 v50, v48;
	v16 =	vmul.f32 v42, v41  }
0x99: {  	v48 =	vor.u32 v2, v24;
	v50 =	vshll.u32 v27, $0x10;
	v29 =	vand.u32 v1, v63;
	v41 =	vld [tilespmem:s29+$0xFFFFFFA0]  }
0x9a: {  	v38 =	vshll.u32 v19, $0x10;
	v24 =	vor.u32 v4, v24;
	v32 =	vmul.f32 v62, v61;
	v62 =	vld [tilespmem:s29+$0xFFFFFF90]  }
0x9b: {  	v12 =	vadd.f32 v12, v15;
	v51 =	vmul.f32 v36, v46;
	v52 =	vmul.f32 v50, v49;
	v50 =	vld [tilespmem:s29+$0xFFFFFFC0]  }
0x9c: {  	v61 =	vshll.u32 v22, $0x10;
	v18 =	vmul.f32 v43, v18;
	v15 =	vmul.f32 v55, v37;
	v55 =	vld [tilespmem:s29+$0xFFFFFF80]  }
0x9d: {  	v36 =	vshll.u32 v28, $0x10;
	v13 =	vmul.f32 v19, v13;
	v14 =	vmul.f32 v35, v32;
	v32 =	vld [tilespmem:s28+$0xFFFFFFA0]  }
0x9e: {  	v63 =	vld [tilespmem:s29+$0xFFFFFFB0];
	v30 =	vmul.f32 v33, v36;
	v56 =	vmul.f32 v54, v52;
	v12 =	vadd.f32 v53, v12  }
0x9f: {  	v14 =	vadd.f32 $0.0e+00, v14;
	v59 =	vld.idx.msk [tilespmem:v48+s12+$0x0], $0xffff;
	v48 =	vor.u32 v2, v26;
	v52 =	vshll.u32 v41, $0x10  }
0xa0: {  	v43 =	vld [tilespmem:s28+$0xFFFFFFC0];
	v12 =	vadd.f32 v12, v17;
	v42 =	vshll.u32 v62, $0x10;
	v36 =	vshll.u32 v50, $0x10  }
0xa1: {  	v14 =	vadd.f32 v14, v15;
	v15 =	vmul.f32 v45, v16;
	v37 =	vshll.u32 v55, $0x10  }
0xa2: {  	v20 =	vmul.f32 v55, v20;
	v46 =	vshll.u32 v32, $0x10;
	v55 =	vmul.f32 v21, v32  }
0xa3: {  	v14 =	vadd.f32 v15, v14;
	v15 =	vmul.f32 v61, v60;
	v49 =	vmul.f32 v47, v46  }
0xa4: {  	v45 =	vld.idx.msk [tilespmem:v29+s12+$0x0], $0xffff;
	v47 =	vshll.u32 v63, $0x10;
	v34 =	vshll.u32 v59, $0x10;
	v16 =	vmul.f32 v59, v57  }
0xa5: {  	v57 =	vshll.u32 v43, $0x10;
	v60 =	vmul.f32 v41, v55;
	v41 =	vor.u32 v0, v31  }
0xa6: {  	v53 =	vld [tilespmem:s28+$0xFFFFFFB0];
	v14 =	vadd.f32 v14, v51;
	v15 =	vmul.f32 v37, v15;
	v40 =	vmul.f32 v34, v39  }
0xa7: {  	v59 =	vld [tilespmem:s28+$0xFFFFFFD0];
	v51 =	vmul.f32 v38, v30;
	v54 =	vmul.f32 v52, v49;
	v37 =	vor.u32 v3, v26  }
0xa8: {  	v39 =	vld [tilespmem:s29+$0xFFFFFFD0];
	v52 =	vor.u32 v2, v31;
	v26 =	vor.u32 v4, v26;
	v16 =	vmul.f32 v62, v16  }
0xa9: {  	v58 =	vshll.u32 v45, $0x10;
	v15 =	vadd.f32 $0.0e+00, v15;
	v44 =	vmul.f32 v42, v40  }
0xaa: {  	v62 =	vld.idx.msk [tilespmem:v48+s12+$0x0], $0xffff;
	v14 =	vadd.f32 v56, v14;
	v61 =	vmul.f32 v58, v57;
	v40 =	vmul.f32 v45, v43  }
0xab: {  	v56 =	vld.idx.msk [tilespmem:v24+s12+$0x0], $0xffff;
	v42 =	vshll.u32 v53, $0x10;
	v24 =	vbroadcast v7, $0x9;
	v15 =	vadd.f32 v15, v20  }
0xac: {  	v45 =	vld [tilespmem:s28+$0xFFFFFFE0];
	v14 =	vadd.f32 v14, v18;
	v38 =	vmul.f32 v36, v61;
	v20 =	vand.u32 v1, v41  }
0xad: {  	v57 =	vld [tilespmem:s28+$0x10];
	v43 =	vshll.u32 v59, $0x10;
	v49 =	vshll.u32 v39, $0x10;
	v15 =	vadd.f32 v44, v15  }
0xae: {  	v48 =	vld.idx.msk [tilespmem:v37+s12+$0x0], $0xffff;
	v37 =	vor.u32 v0, v24;
	v14 =	vadd.f32 v51, v14;
	v18 =	vadd.f32 $0.0e+00, v38  }
0xaf: {  	v36 =	vld [tilespmem:s29+$0x10];
	v44 =	vshll.u32 v62, $0x10;
	v22 =	vmul.f32 v62, v59;
	v62 =	vor.u32 v3, v31  }
0xb0: {  	v26 =	vld.idx.msk [tilespmem:v26+s12+$0x0], $0xffff;
	v28 =	vand.u32 v1, v37;
	v46 =	vshll.u32 v56, $0x10;
	v25 =	vmul.f32 v44, v43  }
0xb1: {  	v59 =	vld.idx.msk [tilespmem:v52+s12+$0x0], $0xffff;
	v21 =	vmul.f32 v56, v53;
	v15 =	vadd.f32 v15, v16;
	v16 =	vmul.f32 v50, v40  }
0xb2: {  	v51 =	vld [tilespmem:s28+$0x0];
	v55 =	vshll.u32 v45, $0x10;
	v23 =	vmul.f32 v46, v42;
	v53 =	vmul.f32 v39, v22  }
0xb3: {  	v50 =	vld [tilespmem:s29+$0xFFFFFFE0];
	v13 =	vadd.f32 v14, v13;
	v40 =	vshll.u32 v57, $0x10;
	v15 =	vadd.f32 v54, v15  }
0xb4: {  	v42 =	vld [tilespmem:s28+$0x20];
	v16 =	vadd.f32 v18, v16;
	v18 =	vmul.f32 v49, v25;
	v23 =	vmul.f32 v47, v23  }
0xb5: {  	v35 =	vld [tilespmem:s28+$0x40];
	v56 =	vshll.u32 v48, $0x10;
	v29 =	vmul.f32 v48, v45;
	v46 =	vshll.u32 v26, $0x10  }
0xb6: {  	v20 =	vld.idx.msk [tilespmem:v20+s12+$0x0], $0xffff;
	v47 =	vshll.u32 v36, $0x10;
	v17 =	vmul.f32 v56, v55;
	v41 =	vshll.u32 v59, $0x10  }
0xb7: {  	v44 =	vld.idx.msk [tilespmem:v62+s12+$0x0], $0xffff;
	v62 =	vor.u32 v3, v24;
	v15 =	vadd.f32 v15, v60;
	v16 =	vadd.f32 v18, v16  }
0xb8: {  	v54 =	vld [tilespmem:s29+$0x0];
	v60 =	vshll.u32 v51, $0x10;
	v43 =	vmul.f32 v41, v40;
	v58 =	vshll.u32 v50, $0x10  }
0xb9: {  	v39 =	vmul.f32 v50, v29;
	v56 =	vshll.u32 v42, $0x10;
	v14 =	vadd.f32 v23, v15  }
0xba: {  	v15 =	vmul.f32 v63, v21;
	v16 =	vadd.f32 v16, v53;
	v17 =	vmul.f32 v58, v17  }
0xbb: {  	v48 =	vld.idx.msk [tilespmem:v28+s12+$0x0], $0xffff;
	v61 =	vshll.u32 v20, $0x10;
	v20 =	vmul.f32 v20, v51;
	v21 =	vmul.f32 v59, v57  }
0xbc: {  	v30 =	vld [tilespmem:s28+$0x30];
	v51 =	vor.u32 v2, v24;
	v53 =	vor.u32 v4, v31;
	v59 =	vshll.u32 v35, $0x10  }
0xbd: {  	v18 =	vld [tilespmem:s28+$0xFFFFFFF0];
	v24 =	vor.u32 v4, v24;
	v63 =	vmul.f32 v61, v60;
	v38 =	vshll.u32 v54, $0x10  }
0xbe: {  	v40 =	vld [tilespmem:s29+$0x50];
	v16 =	vadd.f32 v17, v16;
	v19 =	vmul.f32 v54, v20;
	v20 =	vmul.f32 v47, v43  }
0xbf: {  	v50 =	vld [tilespmem:s29+$0x20];
	v52 =	vmul.f32 v36, v21;
	v57 =	vshll.u32 v44, $0x10;
	v36 =	vbroadcast v7, $0xA  }
0xc0: {  	v61 =	vld [tilespmem:s28+$0x50];
	v60 =	vshll.u32 v48, $0x10;
	v29 =	vmul.f32 v44, v42;
	v22 =	vmul.f32 v48, v35  }
0xc1: {  	v17 =	vld [tilespmem:s29+$0xFFFFFFF0];
	v47 =	vshll.u32 v30, $0x10;
	v15 =	vadd.f32 v14, v15;
	v23 =	vmul.f32 v38, v63  }
0xc2: {  	v54 =	vld [tilespmem:s29+$0x40];
	v45 =	vshll.u32 v18, $0x10;
	v58 =	vmul.f32 v57, v56;
	v31 =	vmul.f32 v60, v59  }
0xc3: {  	v18 =	vmul.f32 v26, v18;
	v26 =	vld [tilespmem:s28+$0x60];
	v16 =	vadd.f32 v16, v39;
	v49 =	vmul.f32 v46, v45  }
0xc4: {  	v37 =	vshll.u32 v50, $0x10;
	v38 =	vor.u32 v0, v36;
	v46 =	vld.idx.msk [tilespmem:v62+s12+$0x0], $0xffff;
	v23 =	vadd.f32 $0.0e+00, v23  }
0xc5: {  	v42 =	vmul.f32 v50, v29;
	v50 =	vshll.u32 v40, $0x10;
	v28 =	vld.idx.msk [tilespmem:v51+s12+$0x0], $0xffff;
	v41 =	vand.u32 v1, v38  }
0xc6: {  	v21 =	vld.idx.msk [tilespmem:v53+s12+$0x0], $0xffff;
	v53 =	vor.u32 v2, v36;
	v19 =	vadd.f32 v23, v19;
	v55 =	vshll.u32 v17, $0x10  }
0xc7: {  	v63 =	vshll.u32 v54, $0x10;
	v22 =	vmul.f32 v54, v22;
	v17 =	vmul.f32 v17, v18  }
0xc8: {  	v56 =	vld [tilespmem:s29+$0x80];
	v44 =	vshll.u32 v61, $0x10;
	v23 =	vmul.f32 v55, v49;
	v31 =	vmul.f32 v63, v31  }
0xc9: {  	v62 =	vld [tilespmem:s28+$0x90];
	v19 =	vadd.f32 v20, v19;
	v20 =	vmul.f32 v37, v58;
	v58 =	vshll.u32 v26, $0x10  }
0xca: {  	v49 =	vld [tilespmem:s28+$0x80];
	v59 =	vshll.u32 v46, $0x10;
	v46 =	vmul.f32 v46, v26;
	v16 =	vadd.f32 v23, v16  }
0xcb: {  	v23 =	vld [tilespmem:s29+$0x30];
	v43 =	vadd.f32 $0.0e+00, v31;
	v45 =	vshll.u32 v28, $0x10;
	v48 =	vshll.u32 v21, $0x10  }
0xcc: {  	v51 =	vld.idx.msk [tilespmem:v41+s12+$0x0], $0xffff;
	v41 =	vor.u32 v3, v36;
	v19 =	vadd.f32 v19, v52;
	v27 =	vmul.f32 v45, v44  }
0xcd: {  	v33 =	vmul.f32 v48, v47;
	v52 =	vmul.f32 v28, v61;
	v28 =	vld [tilespmem:s29+$0x60];
	v22 =	vadd.f32 v43, v22  }
0xce: {  	v45 =	vld [tilespmem:s29+$0x90];
	v43 =	vshll.u32 v56, $0x10;
	v19 =	vadd.f32 v20, v19;
	v25 =	vmul.f32 v50, v27  }
0xcf: {  	v14 =	vadd.f32 v16, v17;
	v57 =	vmul.f32 v40, v52;
	v27 =	vmul.f32 v59, v58  }
0xd0: {  	v60 =	vshll.u32 v49, $0x10;
	v40 =	vld.idx.msk [tilespmem:v53+s12+$0x0], $0xffff;
	v54 =	vadd.f32 v19, v42;
	v55 =	vshll.u32 v23, $0x10  }
0xd1: {  	v48 =	vld [tilespmem:s28+$0xA0];
	v22 =	vadd.f32 v25, v22;
	v61 =	vshll.u32 v51, $0x10;
	v47 =	vmul.f32 v51, v49  }
0xd2: {  	v52 =	vld [tilespmem:s29+$0x70];
	v49 =	vshll.u32 v62, $0x10;
	v63 =	vshll.u32 v28, $0x10;
	v32 =	vmul.f32 v61, v60  }
0xd3: {  	v19 =	vmul.f32 v55, v33;
	v55 =	vshll.u32 v45, $0x10;
	v42 =	vmul.f32 v63, v27  }
0xd4: {  	v51 =	vld.idx.msk [tilespmem:v41+s12+$0x0], $0xffff;
	v22 =	vadd.f32 v22, v57;
	v20 =	vmul.f32 v56, v47;
	v44 =	vmul.f32 v43, v32  }
0xd5: {  	v37 =	vld [tilespmem:s28+$0xB0];
	v18 =	vadd.f32 v19, v54;
	v19 =	vmul.f32 v21, v30;
	v50 =	vshll.u32 v40, $0x10  }
0xd6: {  	v27 =	vld [tilespmem:s28+$0x70];
	v32 =	vbroadcast v7, $0xB;
	v54 =	vor.u32 v4, v36;
	v33 =	vmul.f32 v40, v62  }
0xd7: {  	v56 =	vld [tilespmem:s29+$0xA0];
	v62 =	vshll.u32 v48, $0x10;
	v40 =	vshll.u32 v52, $0x10;
	v21 =	vadd.f32 v42, v22  }
0xd8: {  	v22 =	vld.idx.msk [tilespmem:v24+s12+$0x0], $0xffff;
	v53 =	vmul.f32 v50, v49;
	v24 =	vmul.f32 v28, v46;
	v16 =	vadd.f32 $0.0e+00, v44  }
0xd9: {  	v47 =	vld [tilespmem:s29+$0xC0];
	v57 =	vor.u32 v0, v32;
	v63 =	vshll.u32 v51, $0x10;
	v17 =	vmul.f32 v45, v33  }
0xda: {  	v42 =	vld [tilespmem:s28+$0xC0];
	v43 =	vor.u32 v2, v32;
	v45 =	vmul.f32 v51, v48;
	v19 =	vmul.f32 v23, v19  }
0xdb: {  	v49 =	vld [tilespmem:s28+$0xD0];
	v58 =	vmul.f32 v55, v53;
	v16 =	vadd.f32 v16, v20;
	v20 =	vmul.f32 v63, v62  }
0xdc: {  	v59 =	vand.u32 v1, v57;
	v21 =	vadd.f32 v21, v24;
	v24 =	vld [tilespmem:s29+$0xB0];
	v41 =	vshll.u32 v56, $0x10  }
0xdd: {  	v60 =	vshll.u32 v27, $0x10;
	v29 =	vld.idx.msk [tilespmem:v54+s12+$0x0], $0xffff;
	v61 =	vshll.u32 v22, $0x10;
	v44 =	vmul.f32 v41, v20  }
0xde: {  	v16 =	vadd.f32 v58, v16;
	v22 =	vmul.f32 v22, v27;
	v20 =	vmul.f32 v56, v45;
	v56 =	vld [tilespmem:s29+$0xD0]  }
0xdf: {  	v55 =	vshll.u32 v37, $0x10;
	v54 =	vor.u32 v3, v32;
	v41 =	vld [tilespmem:s28+$0x100];
	v28 =	vmul.f32 v61, v60  }
0xe0: {  	v51 =	vld.idx.msk [tilespmem:v43+s12+$0x0], $0xffff;
	v61 =	vshll.u32 v49, $0x10;
	v16 =	vadd.f32 v16, v17;
	v50 =	vmul.f32 v52, v22  }
0xe1: {  	v25 =	vld.idx.msk [tilespmem:v59+s12+$0x0], $0xffff;
	v22 =	vbroadcast v7, $0xC;
	v52 =	vshll.u32 v42, $0x10;
	v59 =	vshll.u32 v47, $0x10  }
0xe2: {  	v60 =	vshll.u32 v24, $0x10;
	v46 =	vmul.f32 v40, v28;
	v17 =	vadd.f32 v44, v16  }
0xe3: {  	v16 =	vadd.f32 v18, v19;
	v57 =	vor.u32 v0, v22;
	v58 =	vshll.u32 v29, $0x10  }
0xe4: {  	v35 =	vld [tilespmem:s28+$0xE0];
	v48 =	vadd.f32 v46, v21;
	v31 =	vand.u32 v1, v57;
	v30 =	vmul.f32 v58, v55  }
0xe5: {  	v28 =	vld.idx.msk [tilespmem:v54+s12+$0x0], $0xffff;
	v40 =	vshll.u32 v56, $0x10;
	v46 =	vmul.f32 v29, v37;
	v54 =	vshll.u32 v41, $0x10  }
0xe6: {  	v45 =	vld [tilespmem:s29+$0xE0];
	v58 =	vor.u32 v3, v22;
	v20 =	vadd.f32 v17, v20;
	v62 =	vshll.u32 v51, $0x10  }
0xe7: {  	v57 =	vld [tilespmem:s29+$0x110];
	v19 =	vmul.f32 v51, v49;
	v53 =	vshll.u32 v25, $0x10;
	v25 =	vmul.f32 v25, v42  }
0xe8: {  	v37 =	vld [tilespmem:s28+$0x120];
	v63 =	vmul.f32 v62, v61;
	v30 =	vmul.f32 v60, v30;
	v42 =	vor.u32 v2, v22  }
0xe9: {  	v51 =	vld [tilespmem:s28+$0x110];
	v17 =	vadd.f32 v48, v50;
	v48 =	vshll.u32 v35, $0x10;
	v21 =	vmul.f32 v24, v46  }
0xea: {  	v50 =	vor.u32 v4, v32;
	v32 =	vbroadcast v7, $0xD;
	v25 =	vmul.f32 v47, v25;
	v47 =	vld [tilespmem:s29+$0x100]  }
0xeb: {  	v22 =	vor.u32 v4, v22;
	v23 =	vmul.f32 v53, v52;
	v43 =	vmul.f32 v40, v63;
	v63 =	vld [tilespmem:s29+$0xF0]  }
0xec: {  	v7 =	vbroadcast v7, $0xE;
	v49 =	vshll.u32 v28, $0x10;
	v28 =	vmul.f32 v28, v35;
	v44 =	vld.idx.msk [tilespmem:v31+s12+$0x0], $0xffff  }
0xed: {  	v19 =	vmul.f32 v56, v19;
	v56 =	vshll.u32 v45, $0x10;
	v23 =	vmul.f32 v59, v23;
	v59 =	vld [tilespmem:s28+$0xF0]  }
0xee: {  	v18 =	vadd.f32 v30, v20;
	v61 =	vor.u32 v0, v32;
	v20 =	vmul.f32 v45, v28;
	v28 =	vld.idx.msk [tilespmem:v58+s12+$0x0], $0xffff  }
0xef: {  	v52 =	vmul.f32 v49, v48;
	v62 =	vand.u32 v1, v61;
	v23 =	vadd.f32 $0.0e+00, v23;
	v53 =	vld.idx.msk [tilespmem:v42+s12+$0x0], $0xffff  }
0xf0: {  	v40 =	vshll.u32 v51, $0x10;
	v18 =	vadd.f32 v18, v21;
	v58 =	vor.u32 v3, v32;
	v30 =	vld.idx.msk [tilespmem:v50+s12+$0x0], $0xffff  }
0xf1: {  	v49 =	vld [tilespmem:s29+$0x140];
	v23 =	vadd.f32 v23, v25;
	v60 =	vshll.u32 v47, $0x10;
	v48 =	vshll.u32 v63, $0x10  }
0xf2: {  	v55 =	vshll.u32 v44, $0x10;
	v26 =	vmul.f32 v44, v41;
	v45 =	vshll.u32 v59, $0x10  }
0xf3: {  	v23 =	vadd.f32 v43, v23;
	v27 =	vmul.f32 v55, v54;
	v43 =	vshll.u32 v57, $0x10  }
0xf4: {  	v22 =	vld.idx.msk [tilespmem:v22+s12+$0x0], $0xffff;
	v41 =	vshll.u32 v53, $0x10;
	v25 =	vmul.f32 v47, v26;
	v24 =	vmul.f32 v53, v51  }
0xf5: {  	v44 =	vld [tilespmem:s28+$0x140];
	v46 =	vshll.u32 v30, $0x10;
	v47 =	vor.u32 v2, v32;
	v50 =	vmul.f32 v30, v59  }
0xf6: {  	v34 =	vld.idx.msk [tilespmem:v62+s12+$0x0], $0xffff;
	v51 =	vshll.u32 v37, $0x10;
	v59 =	vshll.u32 v49, $0x10;
	v32 =	vor.u32 v4, v32  }
0xf7: {  	v19 =	vadd.f32 v23, v19;
	v23 =	vmul.f32 v56, v52;
	v27 =	vmul.f32 v60, v27  }
0xf8: {  	v53 =	vld [tilespmem:s28+$0x150];
	v42 =	vmul.f32 v41, v40;
	v52 =	vshll.u32 v28, $0x10;
	v28 =	vmul.f32 v28, v37  }
0xf9: {  	v60 =	vld [tilespmem:s29+$0x150];
	v24 =	vmul.f32 v57, v24;
	v61 =	vmul.f32 v63, v50;
	v50 =	vshll.u32 v22, $0x10  }
0xfa: {  	v27 =	vadd.f32 $0.0e+00, v27;
	v19 =	vadd.f32 v23, v19;
	v23 =	vmul.f32 v43, v42;
	v42 =	vld [tilespmem:s28+$0x160]  }
0xfb: {  	v54 =	vshll.u32 v44, $0x10;
	v55 =	vshll.u32 v34, $0x10;
	v62 =	vmul.f32 v34, v44;
	v44 =	vld.idx.msk [tilespmem:v58+s12+$0x0], $0xffff  }
0xfc: {  	v29 =	vmul.f32 v55, v54;
	v54 =	vld [tilespmem:s28+$0x180];
	v25 =	vadd.f32 v27, v25;
	v27 =	vmul.f32 v46, v45  }
0xfd: {  	v19 =	vadd.f32 v19, v20;
	v56 =	vld.idx.msk [tilespmem:v47+s12+$0x0], $0xffff;
	v40 =	vshll.u32 v53, $0x10;
	v21 =	vmul.f32 v49, v62  }
0xfe: {  	v45 =	vor.u32 v0, v7;
	v46 =	vld [tilespmem:s29+$0x130];
	v29 =	vmul.f32 v59, v29;
	v23 =	vadd.f32 v23, v25  }
0xff: {  	v47 =	vshll.u32 v60, $0x10;
	v31 =	vand.u32 v1, v45;
	v59 =	vld [tilespmem:s29+$0x180];
	v20 =	vmul.f32 v48, v27  }
0x100: {  	v25 =	vld [tilespmem:s29+$0x120];
	v63 =	vadd.f32 $0.0e+00, v29;
	v29 =	vmul.f32 v44, v42;
	v23 =	vadd.f32 v23, v24  }
0x101: {  	v27 =	vld [tilespmem:s28+$0x130];
	v24 =	vmul.f32 v52, v51;
	v19 =	vadd.f32 v20, v19;
	v52 =	vshll.u32 v42, $0x10  }
0x102: {  	v48 =	vld [tilespmem:s29+$0x160];
	v41 =	vshll.u32 v56, $0x10;
	v21 =	vadd.f32 v63, v21;
	v30 =	vmul.f32 v56, v53  }
0x103: {  	s31 =	spop (v2sf);
	v53 =	vshll.u32 v44, $0x10;
	v55 =	vshll.u32 v46, $0x10;
	v56 =	vor.u32 v2, v7  }
0x104: {  	v32 =	vld.idx.msk [tilespmem:v32+s12+$0x0], $0xffff;
	v44 =	vor.u32 s31, v0;
	v43 =	vmul.f32 v41, v40;
	v33 =	vmul.f32 v53, v52  }
0x105: {  	v19 =	vadd.f32 v19, v61;
	v40 =	vshll.u32 v54, $0x10;
	v57 =	vshll.u32 v25, $0x10  }
0x106: {  	v63 =	vld [tilespmem:s28+$0x190];
	v45 =	vshll.u32 v59, $0x10;
	v49 =	vshll.u32 v27, $0x10;
	v24 =	vmul.f32 v57, v24  }
0x107: {  	v31 =	vld.idx.msk [tilespmem:v31+s12+$0x0], $0xffff;
	v25 =	vmul.f32 v25, v28;
	v30 =	vmul.f32 v60, v30;
	v58 =	vshll.u32 v48, $0x10  }
0x108: {  	v61 =	vld [tilespmem:s29+$0x170];
	v22 =	vmul.f32 v22, v27;
	v23 =	vadd.f32 v24, v23;
	v24 =	vmul.f32 v47, v43  }
0x109: {  	v36 =	vld [tilespmem:s28+$0x1A0];
	v62 =	vmul.f32 v48, v29;
	v48 =	vshll.u32 v32, $0x10;
	v51 =	vmul.f32 v50, v49  }
0x10a: {  	v53 =	vld [tilespmem:s28+$0x1C0];
	v28 =	vmul.f32 v58, v33;
	v22 =	vmul.f32 v46, v22;
	v21 =	vadd.f32 v24, v21  }
0x10b: {  	v46 =	vld [tilespmem:s29+$0x190];
	v57 =	vmul.f32 v55, v51;
	v43 =	vor.u32 v3, v7;
	v50 =	vshll.u32 v63, $0x10  }
0x10c: {  	v42 =	vld.idx.msk [tilespmem:v56+s12+$0x0], $0xffff;
	v7 =	vor.u32 v4, v7;
	v41 =	vshll.u32 v31, $0x10;
	v21 =	vadd.f32 v21, v30  }
0x10d: {  	v58 =	vld [tilespmem:s29+$0x1C0];
	v49 =	vshll.u32 v61, $0x10;
	v31 =	vmul.f32 v31, v54;
	v23 =	vadd.f32 v23, v25  }
0x10e: {  	v24 =	vld [tilespmem:s28+$0x170];
	v27 =	vmul.f32 v41, v40;
	v21 =	vadd.f32 v28, v21;
	v28 =	vand.u32 v1, v44  }
0x10f: {  	v54 =	vor.u32 s31, v2;
	v40 =	vor.u32 s31, v3;
	v41 =	vld [tilespmem:s28+$0x1B0];
	v60 =	vadd.f32 v57, v23  }
0x110: {  	v25 =	vmul.f32 v45, v27;
	v30 =	vmul.f32 v59, v31;
	v55 =	vshll.u32 v46, $0x10;
	v57 =	vld [tilespmem:s29+$0x1A0]  }
0x111: {  	v45 =	vld [tilespmem:s29+$0x1D0];
	v51 =	vshll.u32 v42, $0x10;
	v26 =	vmul.f32 v42, v63;
	v42 =	vshll.u32 v53, $0x10  }
0x112: {  	v33 =	vld.idx.msk [tilespmem:v43+s12+$0x0], $0xffff;
	v25 =	vadd.f32 $0.0e+00, v25;
	v52 =	vmul.f32 v51, v50;
	v20 =	vadd.f32 v60, v22  }
0x113: {  	v47 =	vshll.u32 v24, $0x10;
	v24 =	vmul.f32 v32, v24;
	v60 =	vmul.f32 v46, v26;
	v28 =	vld.idx.msk [tilespmem:v28+s12+$0x0], $0xffff  }
0x114: {  	v63 =	vld.idx.msk [tilespmem:v54+s12+$0x0], $0xffff;
	v46 =	vshll.u32 v58, $0x10;
	v21 =	vadd.f32 v21, v62;
	v35 =	vmul.f32 v48, v47  }
0x115: {  	v25 =	vadd.f32 v25, v30;
	v56 =	vmul.f32 v55, v52;
	v55 =	vshll.u32 v41, $0x10  }
0x116: {  	v26 =	vld [tilespmem:s28+$0x1D0];
	v23 =	vmul.f32 v61, v24;
	v61 =	vshll.u32 v36, $0x10;
	v44 =	vshll.u32 v57, $0x10  }
0x117: {  	v32 =	vld.idx.msk [tilespmem:v40+s12+$0x0], $0xffff;
	v27 =	vmul.f32 v49, v35;
	v59 =	vadd.f32 v56, v25;
	v62 =	vshll.u32 v33, $0x10  }
0x118: {  	(xrf2) =	vadd.scan.msk.f32 $0xffff, v8;
	v49 =	vor.u32 s31, v4;
	v8 =	vmul.f32 v33, v36;
	v43 =	vshll.u32 v28, $0x10  }
0x119: {  	v48 =	vld [tilespmem:s28+$0x1E0];
	v56 =	vshll.u32 v45, $0x10;
	v51 =	vshll.u32 v63, $0x10;
	v34 =	vmul.f32 v43, v42  }
0x11a: {  	v21 =	vadd.f32 v27, v21;
	v27 =	vmul.f32 v62, v61;
	v24 =	vadd.f32 v59, v60  }
0x11b: {  	v7 =	vld.idx.msk [tilespmem:v7+s12+$0x0], $0xffff;
	v50 =	vshll.u32 v26, $0x10;
	v47 =	vmul.f32 v28, v53;
	v25 =	vmul.f32 v46, v34  }
0x11c: {  	(xrf2) =	vadd.scan.msk.f32 $0xffff, v10;
	v8 =	vmul.f32 v57, v8;
	v57 =	vld [tilespmem:s29+$0x1E0];
	v61 =	vmul.f32 v63, v26;
	v29 =	vshll.u32 v32, $0x10  }
0x11d: {  	(xrf2) =	vadd.scan.msk.f32 $0xffff, v9;
	v60 =	vld [tilespmem:s28+$0x1F0];
	v54 =	vmul.f32 v51, v50;
	v52 =	vmul.f32 v58, v47;
	v25 =	vadd.f32 $0.0e+00, v25  }
0x11e: {  	(xrf2) =	vadd.scan.msk.f32 $0xffff, v11;
	v63 =	vshll.u32 v48, $0x10;
	v21 =	vadd.f32 v21, v23;
	v23 =	vmul.f32 v44, v27;
	v53 =	vld [tilespmem:s29+$0x1B0]  }
0x11f: {  	v37 =	vmul.f32 v32, v48;
	v59 =	vmul.f32 v56, v54;
	v62 =	vld.idx.msk [tilespmem:v49+s12+$0x0], $0xffff;
	v10 =	vadd.f32 v25, v52  }
0x120: {  	(xrf2) =	vadd.scan.msk.f32 $0xffff, v12;
	v11 =	vmul.f32 v45, v61;
	v12 =	vmul.f32 v29, v63;
	v23 =	vadd.f32 v23, v24  }
0x121: {  	v35 =	vshll.u32 v57, $0x10;
	v58 =	vshll.u32 v7, $0x10;
	v34 =	vld [tilespmem:s29+$0x1F0];
	v10 =	vadd.f32 v59, v10  }
0x122: {  	(xrf2) =	vadd.scan.msk.f32 $0xffff, v13;
	v38 =	vshll.u32 v60, $0x10;
	v8 =	vadd.f32 v23, v8;
	v9 =	vmul.f32 v58, v55  }
0x123: {  	(xrf2) =	vadd.scan.msk.f32 $0xffff, v15;
	v36 =	vmul.f32 v35, v12;
	v31 =	vshll.u32 v53, $0x10;
	v10 =	vadd.f32 v10, v11  }
0x124: {  	(xrf2) =	vadd.scan.msk.f32 $0xffff, v14;
	v7 =	vmul.f32 v7, v41;
	v39 =	vshll.u32 v62, $0x10;
	v9 =	vmul.f32 v31, v9  }
0x125: {  	(xrf2) =	vadd.scan.msk.f32 $0xffff, v16;
	v40 =	vmul.f32 v57, v37;
	v41 =	vmul.f32 v39, v38;
	v10 =	vadd.f32 v36, v10  }
0x126: {  	(xrf2) =	vadd.scan.msk.f32 $0xffff, v17;
	v7 =	vmul.f32 v53, v7;
	v8 =	vadd.f32 v9, v8;
	v43 =	vshll.u32 v34, $0x10  }
0x127: {  	v42, _, _ =	vpop (xrf2);
	(xrf2) =	vadd.scan.msk.f32 $0xffff, v18;
	v45 =	vmul.f32 v62, v60;
	v9 =	vmul.f32 v43, v41;
	v10 =	vadd.f32 v10, v40  }
0x128: {  	v44, _, _ =	vpop (xrf2);
	(xrf2) =	vadd.scan.msk.f32 $0xffff, v19;
	v7 =	vadd.f32 v8, v7  }
0x129: {  	v46, _, _ =	vpop (xrf2);
	(xrf2) =	vadd.scan.msk.f32 $0xffff, v20;
	v47 =	vmul.f32 v34, v45;
	v9 =	vadd.f32 v9, v10  }
0x12a: {  	v8, _, _ =	vpop (xrf2);
	(xrf2) =	vadd.scan.msk.f32 $0xffff, v21  }
0x12b: {  	v13 =	vbroadcast v42, $0xF;
	v48, _, _ =	vpop (xrf2);
	(xrf2) =	vadd.scan.msk.f32 $0xffff, v7;
	v9 =	vadd.f32 v9, v47  }
0x12c: {  	v14 =	vbroadcast v44, $0xF;
	v7, _, _ =	vpop (xrf2)  }
0x12d: {  	v13 =	vnsel vm0, $0x0, v13;
	v12 =	vbroadcast v46, $0xF;
	v49, _, _ =	vpop (xrf2);
	(xrf2) =	vadd.scan.msk.f32 $0xffff, v9  }
0x12e: {  	v14 =	vnsel vm1, $0x0, v14;
	v8 =	vbroadcast v8, $0xF;
	v11 =	vbroadcast v48, $0xF;
	v50, _, _ =	vpop (xrf2)  }
0x12f: {  	v12 =	vnsel vm2, $0x0, v12;
	v13 =	vadd.f32 v14, v13;
	v7 =	vbroadcast v7, $0xF;
	v51, _, _ =	vpop (xrf2)  }
0x130: {  	v8 =	vnsel vm3, $0x0, v8;
	v11 =	vnsel vm4, $0x0, v11;
	v10 =	vbroadcast v49, $0xF;
	v52, _, _ =	vpop (xrf2)  }
0x131: {  	v8 =	vadd.f32 v8, v12;
	v15 =	vbroadcast v50, $0xF;
	v7 =	vnsel vm5, $0x0, v7;
	v53, _, _ =	vpop (xrf2)  }
0x132: {  	v7 =	vadd.f32 v7, v11;
	v10 =	vnsel vm6, $0x0, v10;
	v16 =	vbroadcast v52, $0xF;
	v54, _, _ =	vpop (xrf2)  }
0x133: {  	v15 =	vnsel vm7, $0x0, v15;
	v17 =	vbroadcast v53, $0xF;
	v9 =	vbroadcast v51, $0xF;
	v55, _, _ =	vpop (xrf2)  }
0x134: {  	v10 =	vadd.f32 v15, v10;
	v18 =	vbroadcast v54, $0xF;
	v16 =	vnsel vm9, $0x0, v16;
	v56, _, _ =	vpop (xrf2)  }
0x135: {  	v19 =	vbroadcast v55, $0xF;
	v17 =	vnsel vm10, $0x0, v17;
	v9 =	vnsel vm8, $0x0, v9;
	v57, _, _ =	vpop (xrf2)  }
0x136: {  	v20 =	vbroadcast v56, $0xF;
	v18 =	vnsel vm11, $0x0, v18;
	v21 =	vbroadcast v57, $0xF  }
0x137: {  	v19 =	vnsel vm12, $0x0, v19;
	v9 =	vadd.f32 v16, v9;
	v61 =	vadd.f32 v18, v17;
	v59, _, _ =	vpop (xrf2)  }
0x138: {  	v20 =	vnsel vm13, $0x0, v20;
	v58 =	vnsel vm14, $0x0, v21;
	v60 =	vsel vm15, $0x0, v59  }
0x139: {  	v62 =	vadd.f32 v20, v19;
	v11 =	vadd.f32 v60, v58  }
0x13a: {  	v8 =	vadd.f32 v8, v13;
	v7 =	vadd.f32 v10, v7  }
0x13b: {  	v9 =	vadd.f32 v61, v9;
	v63 =	vadd.f32 v11, v62  }
0x13c: {  	p1 =	sne.s32 s26, $0x100  }
.Ltmp4:
0x13d: {  	v7 =	vadd.f32 v7, v8;
	v8 =	vadd.f32 v63, v9;
	(pc) =	sbr.rel @p1 .LBB2_3-.Ltmp4, $3  }
0x13e: {  	_ = 	snop  }
0x13f: {  	v7 =	vadd.f32 v8, v7;
	_ =	sdelay $0x1  }
0x140: {  	s26 =	sadd.s32 $0x40, s26;
	s28 =	sadd.s32 $0x400, s28;
	s29 =	sadd.s32 $0x400, s29;
	[tilespmem:v6+s30+$0x0 ss:$0x1] =	vst.idx.msk $0xffff, v7  }
.Ltmp5:
0x141: {  	(pc) =	sbr.rel @p0 .LBB2_7-.Ltmp5, $1  }
0x142: {  	_ =	sdelay $0x3  }
0x143: {  	s26 =	sadd.s32 $0xA0, s25  }
0x144: {  	[tilespmem:s14], [sflag:$0x1] =	stream.indirect.gather [hbm4b:s2+s13], $0x40, s26, s13, $0xb8;
	[tilespmem:$0x16940] =	vst v63  }
0x145: {  	s31 =	sadd.s32 $0x27B0, s25  }
0x146: {  	[tilespmem:s15], [sflag:$0x1] =	stream.indirect.gather [hbm4b:s2+s13], $0x40, s31, s13, $0xb8;
	[tilespmem:$0x16940] =	vst v63  }
0x147: {  	_ =	swait.ge [sflag:s17], $0x1400  }
0x148: {  	[sflag:s17] =	ssyncset.done $0x0  }
0x149: {  	v5 =	vmov s22;
	[sflag:s17] =	ssyncadd.s32 $0xFFFFEC00  }
0x14a: {  	_ =	swait.ge [sflag:s17], $0x1400  }
0x14b: {  	s25 =	simm.s32 $0x0;
	[sflag:s17] =	ssyncset.done $0x0  }
0x14c: {  	s28 =	simm.s32 $0x13030;
	v6 =	vmov s21;
	s26 =	simm.s32 $0x11C30;
	[sflag:s17] =	ssyncadd.s32 $0xFFFFEC00  }
.LBB2_6:
0x14d: {  	s29 =	sshra.s32 s25, $0x2  }
0x14e: {  	v7 =	vld.idx.msk [tilespmem:v5+s29+$0x0 ss:$0x1], $0xffff  }
0x14f: {  	v10 =	vld [tilespmem:s26+$0xFFFFFE00]  }
0x150: {  	v12 =	vld [tilespmem:s28+$0xFFFFFE00]  }
0x151: {  	v13 =	vld [tilespmem:s26+$0xFFFFFE10]  }
0x152: {  	v31 =	vld [tilespmem:s28+$0xFFFFFE10]  }
0x153: {  	v19 =	vld [tilespmem:s26+$0xFFFFFE20];
	v7 =	vshll.u32 v7, $0x6  }
0x154: {  	v37 =	vld [tilespmem:s28+$0xFFFFFE20];
	v8 =	vbroadcast v7, $0x0  }
0x155: {  	v21 =	vld [tilespmem:s26+$0xFFFFFE30]  }
0x156: {  	v39 =	vld [tilespmem:s26+$0xFFFFFE40];
	v11 =	vor.u32 v2, v8  }
0x157: {  	v43 =	vld [tilespmem:s28+$0xFFFFFE40];
	v17 =	vbroadcast v7, $0x1;
	v14 =	vor.u32 v3, v8  }
0x158: {  	v44 =	vld [tilespmem:s26+$0xFFFFFE50];
	v9 =	vor.u32 v0, v8;
	v8 =	vor.u32 v4, v8  }
0x159: {  	v49 =	vld [tilespmem:s28+$0xFFFFFE50];
	v40 =	vor.u32 v2, v17  }
0x15a: {  	v24 =	vld [tilespmem:s28+$0xFFFFFE30];
	v9 =	vand.u32 v1, v9  }
0x15b: {  	v20 =	vor.u32 v0, v17;
	v23 =	vor.u32 v3, v17;
	v11 =	vld.idx.msk [tilespmem:v11+s12+$0x0], $0xffff  }
0x15c: {  	v33 =	vand.u32 v1, v20;
	v32 =	vld.idx.msk [tilespmem:v14+s12+$0x0], $0xffff  }
0x15d: {  	v15 =	vshll.u32 v10, $0x10;
	v18 =	vshll.u32 v12, $0x10;
	v34 =	vshll.u32 v13, $0x10;
	v8 =	vld.idx.msk [tilespmem:v8+s12+$0x0], $0xffff  }
0x15e: {  	v38 =	vshll.u32 v31, $0x10;
	v41 =	vshll.u32 v19, $0x10;
	v42 =	vshll.u32 v37, $0x10;
	v45 =	vld.idx.msk [tilespmem:v40+s12+$0x0], $0xffff  }
0x15f: {  	v46 =	vshll.u32 v39, $0x10;
	v51 =	vshll.u32 v43, $0x10;
	v25 =	vshll.u32 v21, $0x10;
	v9 =	vld.idx.msk [tilespmem:v9+s12+$0x0], $0xffff  }
0x160: {  	v53 =	vshll.u32 v44, $0x10;
	v56 =	vshll.u32 v49, $0x10;
	v61 =	vshll.u32 v24, $0x10;
	v55 =	vld.idx.msk [tilespmem:v23+s12+$0x0], $0xffff  }
0x161: {  	v28 =	vbroadcast v7, $0x3;
	(v2sf) =	vpush v7, $0xF;
	v17 =	vor.u32 v4, v17;
	v14 =	vld.idx.msk [tilespmem:v33+s12+$0x0], $0xffff  }
0x162: {  	v27 =	vld [tilespmem:s26+$0xFFFFFE60];
	v35 =	vshll.u32 v11, $0x10;
	v11 =	vmul.f32 v11, v13;
	v22 =	vshll.u32 v32, $0x10  }
0x163: {  	v52 =	vshll.u32 v8, $0x10;
	v26 =	vshll.u32 v45, $0x10;
	v8 =	vmul.f32 v8, v21  }
0x164: {  	v16 =	vshll.u32 v9, $0x10;
	v9 =	vmul.f32 v9, v10;
	v36 =	vmul.f32 v35, v34  }
0x165: {  	v33 =	vshll.u32 v55, $0x10;
	v13 =	vmul.f32 v22, v41;
	v10 =	vmul.f32 v32, v19  }
0x166: {  	v57 =	vld [tilespmem:s26+$0xFFFFFE80];
	v19 =	vbroadcast v7, $0x2;
	v47 =	vshll.u32 v14, $0x10;
	v15 =	vmul.f32 v16, v15  }
0x167: {  	v62 =	vld [tilespmem:s28+$0xFFFFFE60];
	v14 =	vmul.f32 v14, v39;
	v54 =	vmul.f32 v26, v53;
	v32 =	vshll.u32 v27, $0x10  }
0x168: {  	v63 =	vld [tilespmem:s28+$0xFFFFFE80];
	v11 =	vmul.f32 v31, v11;
	v58 =	vor.u32 v2, v19;
	v15 =	vmul.f32 v18, v15  }
0x169: {  	v30 =	vld [tilespmem:s26+$0xFFFFFEA0];
	v48 =	vmul.f32 v47, v46;
	v35 =	vmul.f32 v33, v32;
	v39 =	vor.u32 v3, v19  }
0x16a: {  	v17 =	vld.idx.msk [tilespmem:v17+s12+$0x0], $0xffff;
	v9 =	vmul.f32 v12, v9;
	v50 =	vor.u32 v0, v19;
	v15 =	vadd.f32 $0.0e+00, v15  }
0x16b: {  	v34 =	vld [tilespmem:s26+$0xFFFFFE90];
	v8 =	vmul.f32 v24, v8;
	v12 =	vmul.f32 v38, v36;
	v22 =	vand.u32 v1, v50  }
0x16c: {  	v41 =	vld [tilespmem:s28+$0xFFFFFE90];
	v10 =	vmul.f32 v37, v10;
	v14 =	vmul.f32 v43, v14;
	v9 =	vadd.f32 v15, v9  }
0x16d: {  	v40 =	vshll.u32 v62, $0x10;
	v59 =	vmul.f32 v56, v54;
	v18 =	vmul.f32 v55, v27;
	v36 =	vld.idx.msk [tilespmem:v58+s12+$0x0], $0xffff  }
0x16e: {  	v37 =	vshll.u32 v57, $0x10;
	v43 =	vshll.u32 v63, $0x10;
	v23 =	vld.idx.msk [tilespmem:v39+s12+$0x0], $0xffff;
	v9 =	vadd.f32 v12, v9  }
0x16f: {  	v19 =	vor.u32 v4, v19;
	v55 =	vshll.u32 v30, $0x10;
	v47 =	vmul.f32 v62, v18;
	v58 =	vld [tilespmem:s28+$0xFFFFFEC0]  }
0x170: {  	v15 =	vmul.f32 v52, v25;
	v60 =	vld.idx.msk [tilespmem:v22+s12+$0x0], $0xffff;
	v12 =	vmul.f32 v42, v13;
	v9 =	vadd.f32 v9, v11  }
0x171: {  	v16 =	vld [tilespmem:s28+$0xFFFFFE70];
	v11 =	vmul.f32 v45, v44;
	v44 =	vor.u32 v0, v28;
	v45 =	vshll.u32 v34, $0x10  }
0x172: {  	v27 =	vld [tilespmem:s26+$0xFFFFFEF0];
	v29 =	vshll.u32 v36, $0x10;
	v25 =	vand.u32 v1, v44;
	v53 =	vmul.f32 v36, v34  }
0x173: {  	v42 =	vld [tilespmem:s26+$0xFFFFFE70];
	v56 =	vshll.u32 v23, $0x10;
	v32 =	vmul.f32 v23, v30;
	v36 =	vor.u32 v3, v28  }
0x174: {  	v39 =	vshll.u32 v58, $0x10;
	v44 =	vld [tilespmem:s26+$0xFFFFFEE0];
	v9 =	vadd.f32 v12, v9;
	v12 =	vmul.f32 v51, v48  }
0x175: {  	v11 =	vmul.f32 v49, v11;
	v38 =	vshll.u32 v60, $0x10;
	v13 =	vmul.f32 v60, v57;
	v49 =	vld [tilespmem:s28+$0xFFFFFEA0]  }
0x176: {  	v46 =	vmul.f32 v29, v45;
	v48 =	vshll.u32 v41, $0x10;
	v51 =	vld [tilespmem:s26+$0xFFFFFEC0];
	v57 =	vor.u32 v2, v28  }
0x177: {  	v60 =	vshll.u32 v16, $0x10;
	v20 =	vmul.f32 v38, v37;
	v38 =	vld.idx.msk [tilespmem:v19+s12+$0x0], $0xffff;
	v12 =	vadd.f32 $0.0e+00, v12  }
0x178: {  	v9 =	vadd.f32 v9, v10;
	v10 =	vmul.f32 v61, v15;
	v13 =	vmul.f32 v63, v13;
	v63 =	vld [tilespmem:s26+$0xFFFFFEB0]  }
0x179: {  	v52 =	vshll.u32 v42, $0x10;
	v42 =	vmul.f32 v17, v42;
	v20 =	vmul.f32 v43, v20;
	v43 =	vld [tilespmem:s28+$0xFFFFFEB0]  }
0x17a: {  	v12 =	vadd.f32 v12, v14;
	v14 =	vmul.f32 v48, v46;
	v9 =	vadd.f32 v10, v9;
	v54 =	vld.idx.msk [tilespmem:v25+s12+$0x0], $0xffff  }
0x17b: {  	v25 =	vld.idx.msk [tilespmem:v36+s12+$0x0], $0xffff;
	v36 =	vshll.u32 v27, $0x10;
	v20 =	vadd.f32 $0.0e+00, v20;
	v61 =	vshll.u32 v49, $0x10  }
0x17c: {  	v33 =	vshll.u32 v51, $0x10;
	v37 =	vmul.f32 v49, v32;
	v12 =	vadd.f32 v59, v12  }
0x17d: {  	v59 =	vshll.u32 v17, $0x10;
	v8 =	vadd.f32 v9, v8;
	v17 =	vbroadcast v7, $0x4  }
0x17e: {  	v13 =	vadd.f32 v20, v13;
	v20 =	vmul.f32 v56, v55;
	v56 =	vshll.u32 v44, $0x10  }
0x17f: {  	v24 =	vld.idx.msk [tilespmem:v57+s12+$0x0], $0xffff;
	v18 =	vmul.f32 v38, v63;
	v11 =	vadd.f32 v12, v11;
	v12 =	vmul.f32 v40, v35  }
0x180: {  	v49 =	vor.u32 v0, v17;
	v55 =	vshll.u32 v43, $0x10;
	v13 =	vadd.f32 v14, v13  }
0x181: {  	v14 =	vmul.f32 v41, v53;
	v62 =	vmul.f32 v61, v20;
	v34 =	vshll.u32 v54, $0x10  }
0x182: {  	v35 =	vld [tilespmem:s26+$0xFFFFFED0];
	v22 =	vand.u32 v1, v49;
	v53 =	vshll.u32 v38, $0x10;
	v57 =	vshll.u32 v25, $0x10  }
0x183: {  	v15 =	vmul.f32 v25, v44;
	v11 =	vadd.f32 v12, v11;
	v12 =	vmul.f32 v59, v52  }
0x184: {  	v23 =	vmul.f32 v34, v33;
	v46 =	vshll.u32 v24, $0x10;
	v59 =	vor.u32 v2, v17  }
0x185: {  	v41 =	vld [tilespmem:s28+$0xFFFFFED0];
	v13 =	vadd.f32 v13, v14;
	v14 =	vmul.f32 v43, v18;
	v12 =	vmul.f32 v60, v12  }
0x186: {  	v61 =	vld [tilespmem:s28+$0xFFFFFF00];
	v50 =	vadd.f32 v11, v47;
	v40 =	vmul.f32 v39, v23;
	v11 =	vmul.f32 v54, v51  }
0x187: {  	v52 =	vld [tilespmem:s28+$0xFFFFFEE0];
	v47 =	vor.u32 v4, v28;
	v13 =	vadd.f32 v62, v13;
	v45 =	vshll.u32 v35, $0x10  }
0x188: {  	v24 =	vmul.f32 v24, v35;
	v62 =	vld [tilespmem:s26+$0xFFFFFF10];
	v10 =	vadd.f32 v12, v50;
	v9 =	vadd.f32 $0.0e+00, v40  }
0x189: {  	v11 =	vmul.f32 v58, v11;
	v48 =	vmul.f32 v46, v45;
	v50 =	vshll.u32 v63, $0x10;
	v58 =	vld [tilespmem:s26+$0xFFFFFF00]  }
0x18a: {  	v51 =	vshll.u32 v41, $0x10;
	v22 =	vld.idx.msk [tilespmem:v22+s12+$0x0], $0xffff;
	v12 =	vmul.f32 v16, v42;
	v63 =	vor.u32 v3, v17  }
0x18b: {  	v40 =	vshll.u32 v61, $0x10;
	v46 =	vld [tilespmem:s28+$0xFFFFFF20];
	v17 =	vor.u32 v4, v17;
	v23 =	vmul.f32 v53, v50  }
0x18c: {  	v13 =	vadd.f32 v13, v37;
	v19 =	vmul.f32 v41, v24;
	v15 =	vmul.f32 v52, v15;
	v33 =	vld.idx.msk [tilespmem:v59+s12+$0x0], $0xffff  }
0x18d: {  	v37 =	vld [tilespmem:s28+$0xFFFFFF10];
	v9 =	vadd.f32 v9, v11;
	v54 =	vmul.f32 v51, v48;
	v11 =	vmul.f32 v57, v56  }
0x18e: {  	v60 =	vshll.u32 v52, $0x10;
	v41 =	vld [tilespmem:s26+$0xFFFFFF20];
	v24 =	vbroadcast v7, $0x6;
	v21 =	vmul.f32 v55, v23  }
0x18f: {  	v10 =	vadd.f32 v10, v12;
	v48 =	vld [tilespmem:s26+$0xFFFFFF40];
	v9 =	vadd.f32 v54, v9;
	v11 =	vmul.f32 v60, v11  }
0x190: {  	v28 =	vld [tilespmem:s26+$0xFFFFFF70];
	v43 =	vshll.u32 v62, $0x10;
	v13 =	vadd.f32 v21, v13;
	v34 =	vshll.u32 v58, $0x10  }
0x191: {  	v26 =	vld.idx.msk [tilespmem:v47+s12+$0x0], $0xffff;
	v35 =	vshll.u32 v22, $0x10;
	v22 =	vmul.f32 v22, v58;
	v57 =	vshll.u32 v46, $0x10  }
0x192: {  	v55 =	vld [tilespmem:s28+$0xFFFFFF40];
	v9 =	vadd.f32 v9, v19;
	v44 =	vshll.u32 v33, $0x10;
	v47 =	vshll.u32 v37, $0x10  }
0x193: {  	v20 =	vld.idx.msk [tilespmem:v63+s12+$0x0], $0xffff;
	v12 =	vmul.f32 v33, v62;
	v51 =	vshll.u32 v41, $0x10;
	v16 =	vmul.f32 v61, v22  }
0x194: {  	v58 =	vld [tilespmem:s26+$0xFFFFFF30];
	v45 =	vmul.f32 v44, v43;
	v61 =	vshll.u32 v48, $0x10;
	v11 =	vadd.f32 v11, v9  }
0x195: {  	v17 =	vld.idx.msk [tilespmem:v17+s12+$0x0], $0xffff;
	v9 =	vadd.f32 v13, v14;
	v13 =	vbroadcast v7, $0x5;
	v14 =	vmul.f32 v35, v34  }
0x196: {  	v63 =	vld [tilespmem:s26+$0xFFFFFF50];
	v39 =	vshll.u32 v26, $0x10;
	v12 =	vmul.f32 v37, v12;
	v56 =	vmul.f32 v26, v27  }
0x197: {  	v19 =	vld [tilespmem:s28+$0xFFFFFEF0];
	v35 =	vshll.u32 v55, $0x10;
	v26 =	vbroadcast v7, $0x7;
	v21 =	vmul.f32 v39, v36  }
0x198: {  	v43 =	vld [tilespmem:s28+$0xFFFFFF60];
	v49 =	vmul.f32 v47, v45;
	v39 =	vor.u32 v0, v24;
	v11 =	vadd.f32 v11, v15  }
0x199: {  	v34 =	vld [tilespmem:s28+$0xFFFFFF30];
	v38 =	vor.u32 v0, v13;
	v14 =	vmul.f32 v40, v14;
	v53 =	vor.u32 v2, v13  }
0x19a: {  	v36 =	vld [tilespmem:s28+$0xFFFFFF50];
	v52 =	vshll.u32 v20, $0x10;
	v31 =	vor.u32 v3, v13;
	v13 =	vor.u32 v4, v13  }
0x19b: {  	v47 =	vld [tilespmem:s26+$0xFFFFFF80];
	v40 =	vshll.u32 v58, $0x10;
	v22 =	vand.u32 v1, v39;
	v54 =	vmul.f32 v52, v51  }
0x19c: {  	v44 =	vshll.u32 v17, $0x10;
	v17 =	vmul.f32 v17, v58;
	v23 =	vand.u32 v1, v38;
	v38 =	vld [tilespmem:s26+$0xFFFFFF60]  }
0x19d: {  	v58 =	vor.u32 v3, v24;
	v14 =	vadd.f32 $0.0e+00, v14;
	v59 =	vmul.f32 v57, v54;
	v57 =	vld [tilespmem:s26+$0xFFFFFF90]  }
0x19e: {  	v60 =	vmul.f32 v20, v41;
	v42 =	vshll.u32 v19, $0x10;
	v19 =	vmul.f32 v19, v56;
	v33 =	vld.idx.msk [tilespmem:v53+s12+$0x0], $0xffff  }
0x19f: {  	v25 =	vmul.f32 v44, v40;
	v21 =	vmul.f32 v42, v21;
	v14 =	vadd.f32 v14, v16;
	v27 =	vld.idx.msk [tilespmem:v31+s12+$0x0], $0xffff  }
0x1a0: {  	v41 =	vshll.u32 v63, $0x10;
	v15 =	vmul.f32 v46, v60;
	v17 =	vmul.f32 v34, v17;
	v13 =	vld.idx.msk [tilespmem:v13+s12+$0x0], $0xffff  }
0x1a1: {  	v54 =	vshll.u32 v43, $0x10;
	v11 =	vadd.f32 v21, v11;
	v22 =	vld.idx.msk [tilespmem:v22+s12+$0x0], $0xffff;
	v14 =	vadd.f32 v49, v14  }
0x1a2: {  	v45 =	vshll.u32 v36, $0x10;
	v60 =	vshll.u32 v47, $0x10;
	v31 =	vshll.u32 v34, $0x10;
	v21 =	vld.idx.msk [tilespmem:v58+s12+$0x0], $0xffff  }
0x1a3: {  	v50 =	vld.idx.msk [tilespmem:v23+s12+$0x0], $0xffff;
	v11 =	vadd.f32 v11, v19;
	v49 =	vshll.u32 v38, $0x10;
	v12 =	vadd.f32 v14, v12  }
0x1a4: {  	v53 =	vmul.f32 v31, v25;
	v31 =	vbroadcast v7, $0x8;
	v39 =	vshll.u32 v57, $0x10  }
0x1a5: {  	v19 =	vld [tilespmem:s28+$0xFFFFFF70];
	v12 =	vadd.f32 v59, v12;
	v42 =	vshll.u32 v33, $0x10;
	v46 =	vmul.f32 v33, v63  }
0x1a6: {  	v18 =	vmul.f32 v27, v38;
	v63 =	vor.u32 v0, v26;
	v33 =	vshll.u32 v13, $0x10  }
0x1a7: {  	v20 =	vmul.f32 v22, v47;
	v47 =	vshll.u32 v21, $0x10;
	v13 =	vmul.f32 v13, v28  }
0x1a8: {  	v62 =	vshll.u32 v50, $0x10;
	v37 =	vmul.f32 v50, v48;
	v16 =	vmul.f32 v42, v41  }
0x1a9: {  	v48 =	vor.u32 v2, v24;
	v50 =	vshll.u32 v27, $0x10;
	v29 =	vand.u32 v1, v63;
	v41 =	vld [tilespmem:s28+$0xFFFFFFA0]  }
0x1aa: {  	v38 =	vshll.u32 v19, $0x10;
	v24 =	vor.u32 v4, v24;
	v32 =	vmul.f32 v62, v61;
	v62 =	vld [tilespmem:s28+$0xFFFFFF90]  }
0x1ab: {  	v12 =	vadd.f32 v12, v15;
	v51 =	vmul.f32 v36, v46;
	v52 =	vmul.f32 v50, v49;
	v50 =	vld [tilespmem:s28+$0xFFFFFFC0]  }
0x1ac: {  	v61 =	vshll.u32 v22, $0x10;
	v18 =	vmul.f32 v43, v18;
	v15 =	vmul.f32 v55, v37;
	v55 =	vld [tilespmem:s28+$0xFFFFFF80]  }
0x1ad: {  	v36 =	vshll.u32 v28, $0x10;
	v13 =	vmul.f32 v19, v13;
	v14 =	vmul.f32 v35, v32;
	v32 =	vld [tilespmem:s26+$0xFFFFFFA0]  }
0x1ae: {  	v63 =	vld [tilespmem:s28+$0xFFFFFFB0];
	v30 =	vmul.f32 v33, v36;
	v56 =	vmul.f32 v54, v52;
	v12 =	vadd.f32 v53, v12  }
0x1af: {  	v14 =	vadd.f32 $0.0e+00, v14;
	v59 =	vld.idx.msk [tilespmem:v48+s12+$0x0], $0xffff;
	v48 =	vor.u32 v2, v26;
	v52 =	vshll.u32 v41, $0x10  }
0x1b0: {  	v43 =	vld [tilespmem:s26+$0xFFFFFFC0];
	v12 =	vadd.f32 v12, v17;
	v42 =	vshll.u32 v62, $0x10;
	v36 =	vshll.u32 v50, $0x10  }
0x1b1: {  	v14 =	vadd.f32 v14, v15;
	v15 =	vmul.f32 v45, v16;
	v37 =	vshll.u32 v55, $0x10  }
0x1b2: {  	v20 =	vmul.f32 v55, v20;
	v46 =	vshll.u32 v32, $0x10;
	v55 =	vmul.f32 v21, v32  }
0x1b3: {  	v14 =	vadd.f32 v15, v14;
	v15 =	vmul.f32 v61, v60;
	v49 =	vmul.f32 v47, v46  }
0x1b4: {  	v45 =	vld.idx.msk [tilespmem:v29+s12+$0x0], $0xffff;
	v47 =	vshll.u32 v63, $0x10;
	v34 =	vshll.u32 v59, $0x10;
	v16 =	vmul.f32 v59, v57  }
0x1b5: {  	v57 =	vshll.u32 v43, $0x10;
	v60 =	vmul.f32 v41, v55;
	v41 =	vor.u32 v0, v31  }
0x1b6: {  	v53 =	vld [tilespmem:s26+$0xFFFFFFB0];
	v14 =	vadd.f32 v14, v51;
	v15 =	vmul.f32 v37, v15;
	v40 =	vmul.f32 v34, v39  }
0x1b7: {  	v59 =	vld [tilespmem:s26+$0xFFFFFFD0];
	v51 =	vmul.f32 v38, v30;
	v54 =	vmul.f32 v52, v49;
	v37 =	vor.u32 v3, v26  }
0x1b8: {  	v39 =	vld [tilespmem:s28+$0xFFFFFFD0];
	v52 =	vor.u32 v2, v31;
	v26 =	vor.u32 v4, v26;
	v16 =	vmul.f32 v62, v16  }
0x1b9: {  	v58 =	vshll.u32 v45, $0x10;
	v15 =	vadd.f32 $0.0e+00, v15;
	v44 =	vmul.f32 v42, v40  }
0x1ba: {  	v62 =	vld.idx.msk [tilespmem:v48+s12+$0x0], $0xffff;
	v14 =	vadd.f32 v56, v14;
	v61 =	vmul.f32 v58, v57;
	v40 =	vmul.f32 v45, v43  }
0x1bb: {  	v56 =	vld.idx.msk [tilespmem:v24+s12+$0x0], $0xffff;
	v42 =	vshll.u32 v53, $0x10;
	v24 =	vbroadcast v7, $0x9;
	v15 =	vadd.f32 v15, v20  }
0x1bc: {  	v45 =	vld [tilespmem:s26+$0xFFFFFFE0];
	v14 =	vadd.f32 v14, v18;
	v38 =	vmul.f32 v36, v61;
	v20 =	vand.u32 v1, v41  }
0x1bd: {  	v57 =	vld [tilespmem:s26+$0x10];
	v43 =	vshll.u32 v59, $0x10;
	v49 =	vshll.u32 v39, $0x10;
	v15 =	vadd.f32 v44, v15  }
0x1be: {  	v48 =	vld.idx.msk [tilespmem:v37+s12+$0x0], $0xffff;
	v37 =	vor.u32 v0, v24;
	v14 =	vadd.f32 v51, v14;
	v18 =	vadd.f32 $0.0e+00, v38  }
0x1bf: {  	v36 =	vld [tilespmem:s28+$0x10];
	v44 =	vshll.u32 v62, $0x10;
	v22 =	vmul.f32 v62, v59;
	v62 =	vor.u32 v3, v31  }
0x1c0: {  	v26 =	vld.idx.msk [tilespmem:v26+s12+$0x0], $0xffff;
	v28 =	vand.u32 v1, v37;
	v46 =	vshll.u32 v56, $0x10;
	v25 =	vmul.f32 v44, v43  }
0x1c1: {  	v59 =	vld.idx.msk [tilespmem:v52+s12+$0x0], $0xffff;
	v21 =	vmul.f32 v56, v53;
	v15 =	vadd.f32 v15, v16;
	v16 =	vmul.f32 v50, v40  }
0x1c2: {  	v51 =	vld [tilespmem:s26+$0x0];
	v55 =	vshll.u32 v45, $0x10;
	v23 =	vmul.f32 v46, v42;
	v53 =	vmul.f32 v39, v22  }
0x1c3: {  	v50 =	vld [tilespmem:s28+$0xFFFFFFE0];
	v13 =	vadd.f32 v14, v13;
	v40 =	vshll.u32 v57, $0x10;
	v15 =	vadd.f32 v54, v15  }
0x1c4: {  	v42 =	vld [tilespmem:s26+$0x20];
	v16 =	vadd.f32 v18, v16;
	v18 =	vmul.f32 v49, v25;
	v23 =	vmul.f32 v47, v23  }
0x1c5: {  	v35 =	vld [tilespmem:s26+$0x40];
	v56 =	vshll.u32 v48, $0x10;
	v29 =	vmul.f32 v48, v45;
	v46 =	vshll.u32 v26, $0x10  }
0x1c6: {  	v20 =	vld.idx.msk [tilespmem:v20+s12+$0x0], $0xffff;
	v47 =	vshll.u32 v36, $0x10;
	v17 =	vmul.f32 v56, v55;
	v41 =	vshll.u32 v59, $0x10  }
0x1c7: {  	v44 =	vld.idx.msk [tilespmem:v62+s12+$0x0], $0xffff;
	v62 =	vor.u32 v3, v24;
	v15 =	vadd.f32 v15, v60;
	v16 =	vadd.f32 v18, v16  }
0x1c8: {  	v54 =	vld [tilespmem:s28+$0x0];
	v60 =	vshll.u32 v51, $0x10;
	v43 =	vmul.f32 v41, v40;
	v58 =	vshll.u32 v50, $0x10  }
0x1c9: {  	v39 =	vmul.f32 v50, v29;
	v56 =	vshll.u32 v42, $0x10;
	v14 =	vadd.f32 v23, v15  }
0x1ca: {  	v15 =	vmul.f32 v63, v21;
	v16 =	vadd.f32 v16, v53;
	v17 =	vmul.f32 v58, v17  }
0x1cb: {  	v48 =	vld.idx.msk [tilespmem:v28+s12+$0x0], $0xffff;
	v61 =	vshll.u32 v20, $0x10;
	v20 =	vmul.f32 v20, v51;
	v21 =	vmul.f32 v59, v57  }
0x1cc: {  	v30 =	vld [tilespmem:s26+$0x30];
	v51 =	vor.u32 v2, v24;
	v53 =	vor.u32 v4, v31;
	v59 =	vshll.u32 v35, $0x10  }
0x1cd: {  	v18 =	vld [tilespmem:s26+$0xFFFFFFF0];
	v24 =	vor.u32 v4, v24;
	v63 =	vmul.f32 v61, v60;
	v38 =	vshll.u32 v54, $0x10  }
0x1ce: {  	v40 =	vld [tilespmem:s28+$0x50];
	v16 =	vadd.f32 v17, v16;
	v19 =	vmul.f32 v54, v20;
	v20 =	vmul.f32 v47, v43  }
0x1cf: {  	v50 =	vld [tilespmem:s28+$0x20];
	v52 =	vmul.f32 v36, v21;
	v57 =	vshll.u32 v44, $0x10;
	v36 =	vbroadcast v7, $0xA  }
0x1d0: {  	v61 =	vld [tilespmem:s26+$0x50];
	v60 =	vshll.u32 v48, $0x10;
	v29 =	vmul.f32 v44, v42;
	v22 =	vmul.f32 v48, v35  }
0x1d1: {  	v17 =	vld [tilespmem:s28+$0xFFFFFFF0];
	v47 =	vshll.u32 v30, $0x10;
	v15 =	vadd.f32 v14, v15;
	v23 =	vmul.f32 v38, v63  }
0x1d2: {  	v54 =	vld [tilespmem:s28+$0x40];
	v45 =	vshll.u32 v18, $0x10;
	v58 =	vmul.f32 v57, v56;
	v31 =	vmul.f32 v60, v59  }
0x1d3: {  	v18 =	vmul.f32 v26, v18;
	v26 =	vld [tilespmem:s26+$0x60];
	v16 =	vadd.f32 v16, v39;
	v49 =	vmul.f32 v46, v45  }
0x1d4: {  	v37 =	vshll.u32 v50, $0x10;
	v38 =	vor.u32 v0, v36;
	v46 =	vld.idx.msk [tilespmem:v62+s12+$0x0], $0xffff;
	v23 =	vadd.f32 $0.0e+00, v23  }
0x1d5: {  	v42 =	vmul.f32 v50, v29;
	v50 =	vshll.u32 v40, $0x10;
	v28 =	vld.idx.msk [tilespmem:v51+s12+$0x0], $0xffff;
	v41 =	vand.u32 v1, v38  }
0x1d6: {  	v21 =	vld.idx.msk [tilespmem:v53+s12+$0x0], $0xffff;
	v53 =	vor.u32 v2, v36;
	v19 =	vadd.f32 v23, v19;
	v55 =	vshll.u32 v17, $0x10  }
0x1d7: {  	v63 =	vshll.u32 v54, $0x10;
	v22 =	vmul.f32 v54, v22;
	v17 =	vmul.f32 v17, v18  }
0x1d8: {  	v56 =	vld [tilespmem:s28+$0x80];
	v44 =	vshll.u32 v61, $0x10;
	v23 =	vmul.f32 v55, v49;
	v31 =	vmul.f32 v63, v31  }
0x1d9: {  	v62 =	vld [tilespmem:s26+$0x90];
	v19 =	vadd.f32 v20, v19;
	v20 =	vmul.f32 v37, v58;
	v58 =	vshll.u32 v26, $0x10  }
0x1da: {  	v49 =	vld [tilespmem:s26+$0x80];
	v59 =	vshll.u32 v46, $0x10;
	v46 =	vmul.f32 v46, v26;
	v16 =	vadd.f32 v23, v16  }
0x1db: {  	v23 =	vld [tilespmem:s28+$0x30];
	v43 =	vadd.f32 $0.0e+00, v31;
	v45 =	vshll.u32 v28, $0x10;
	v48 =	vshll.u32 v21, $0x10  }
0x1dc: {  	v51 =	vld.idx.msk [tilespmem:v41+s12+$0x0], $0xffff;
	v41 =	vor.u32 v3, v36;
	v19 =	vadd.f32 v19, v52;
	v27 =	vmul.f32 v45, v44  }
0x1dd: {  	v33 =	vmul.f32 v48, v47;
	v52 =	vmul.f32 v28, v61;
	v28 =	vld [tilespmem:s28+$0x60];
	v22 =	vadd.f32 v43, v22  }
0x1de: {  	v45 =	vld [tilespmem:s28+$0x90];
	v43 =	vshll.u32 v56, $0x10;
	v19 =	vadd.f32 v20, v19;
	v25 =	vmul.f32 v50, v27  }
0x1df: {  	v14 =	vadd.f32 v16, v17;
	v57 =	vmul.f32 v40, v52;
	v27 =	vmul.f32 v59, v58  }
0x1e0: {  	v60 =	vshll.u32 v49, $0x10;
	v40 =	vld.idx.msk [tilespmem:v53+s12+$0x0], $0xffff;
	v54 =	vadd.f32 v19, v42;
	v55 =	vshll.u32 v23, $0x10  }
0x1e1: {  	v48 =	vld [tilespmem:s26+$0xA0];
	v22 =	vadd.f32 v25, v22;
	v61 =	vshll.u32 v51, $0x10;
	v47 =	vmul.f32 v51, v49  }
0x1e2: {  	v52 =	vld [tilespmem:s28+$0x70];
	v49 =	vshll.u32 v62, $0x10;
	v63 =	vshll.u32 v28, $0x10;
	v32 =	vmul.f32 v61, v60  }
0x1e3: {  	v19 =	vmul.f32 v55, v33;
	v55 =	vshll.u32 v45, $0x10;
	v42 =	vmul.f32 v63, v27  }
0x1e4: {  	v51 =	vld.idx.msk [tilespmem:v41+s12+$0x0], $0xffff;
	v22 =	vadd.f32 v22, v57;
	v20 =	vmul.f32 v56, v47;
	v44 =	vmul.f32 v43, v32  }
0x1e5: {  	v37 =	vld [tilespmem:s26+$0xB0];
	v18 =	vadd.f32 v19, v54;
	v19 =	vmul.f32 v21, v30;
	v50 =	vshll.u32 v40, $0x10  }
0x1e6: {  	v27 =	vld [tilespmem:s26+$0x70];
	v32 =	vbroadcast v7, $0xB;
	v54 =	vor.u32 v4, v36;
	v33 =	vmul.f32 v40, v62  }
0x1e7: {  	v56 =	vld [tilespmem:s28+$0xA0];
	v62 =	vshll.u32 v48, $0x10;
	v40 =	vshll.u32 v52, $0x10;
	v21 =	vadd.f32 v42, v22  }
0x1e8: {  	v22 =	vld.idx.msk [tilespmem:v24+s12+$0x0], $0xffff;
	v53 =	vmul.f32 v50, v49;
	v24 =	vmul.f32 v28, v46;
	v16 =	vadd.f32 $0.0e+00, v44  }
0x1e9: {  	v47 =	vld [tilespmem:s28+$0xC0];
	v57 =	vor.u32 v0, v32;
	v63 =	vshll.u32 v51, $0x10;
	v17 =	vmul.f32 v45, v33  }
0x1ea: {  	v42 =	vld [tilespmem:s26+$0xC0];
	v43 =	vor.u32 v2, v32;
	v45 =	vmul.f32 v51, v48;
	v19 =	vmul.f32 v23, v19  }
0x1eb: {  	v49 =	vld [tilespmem:s26+$0xD0];
	v58 =	vmul.f32 v55, v53;
	v16 =	vadd.f32 v16, v20;
	v20 =	vmul.f32 v63, v62  }
0x1ec: {  	v59 =	vand.u32 v1, v57;
	v21 =	vadd.f32 v21, v24;
	v24 =	vld [tilespmem:s28+$0xB0];
	v41 =	vshll.u32 v56, $0x10  }
0x1ed: {  	v60 =	vshll.u32 v27, $0x10;
	v29 =	vld.idx.msk [tilespmem:v54+s12+$0x0], $0xffff;
	v61 =	vshll.u32 v22, $0x10;
	v44 =	vmul.f32 v41, v20  }
0x1ee: {  	v16 =	vadd.f32 v58, v16;
	v22 =	vmul.f32 v22, v27;
	v20 =	vmul.f32 v56, v45;
	v56 =	vld [tilespmem:s28+$0xD0]  }
0x1ef: {  	v55 =	vshll.u32 v37, $0x10;
	v54 =	vor.u32 v3, v32;
	v41 =	vld [tilespmem:s26+$0x100];
	v28 =	vmul.f32 v61, v60  }
0x1f0: {  	v51 =	vld.idx.msk [tilespmem:v43+s12+$0x0], $0xffff;
	v61 =	vshll.u32 v49, $0x10;
	v16 =	vadd.f32 v16, v17;
	v50 =	vmul.f32 v52, v22  }
0x1f1: {  	v25 =	vld.idx.msk [tilespmem:v59+s12+$0x0], $0xffff;
	v22 =	vbroadcast v7, $0xC;
	v52 =	vshll.u32 v42, $0x10;
	v59 =	vshll.u32 v47, $0x10  }
0x1f2: {  	v60 =	vshll.u32 v24, $0x10;
	v46 =	vmul.f32 v40, v28;
	v17 =	vadd.f32 v44, v16  }
0x1f3: {  	v16 =	vadd.f32 v18, v19;
	v57 =	vor.u32 v0, v22;
	v58 =	vshll.u32 v29, $0x10  }
0x1f4: {  	v35 =	vld [tilespmem:s26+$0xE0];
	v48 =	vadd.f32 v46, v21;
	v31 =	vand.u32 v1, v57;
	v30 =	vmul.f32 v58, v55  }
0x1f5: {  	v28 =	vld.idx.msk [tilespmem:v54+s12+$0x0], $0xffff;
	v40 =	vshll.u32 v56, $0x10;
	v46 =	vmul.f32 v29, v37;
	v54 =	vshll.u32 v41, $0x10  }
0x1f6: {  	v45 =	vld [tilespmem:s28+$0xE0];
	v58 =	vor.u32 v3, v22;
	v20 =	vadd.f32 v17, v20;
	v62 =	vshll.u32 v51, $0x10  }
0x1f7: {  	v57 =	vld [tilespmem:s28+$0x110];
	v19 =	vmul.f32 v51, v49;
	v53 =	vshll.u32 v25, $0x10;
	v25 =	vmul.f32 v25, v42  }
0x1f8: {  	v37 =	vld [tilespmem:s26+$0x120];
	v63 =	vmul.f32 v62, v61;
	v30 =	vmul.f32 v60, v30;
	v42 =	vor.u32 v2, v22  }
0x1f9: {  	v51 =	vld [tilespmem:s26+$0x110];
	v17 =	vadd.f32 v48, v50;
	v48 =	vshll.u32 v35, $0x10;
	v21 =	vmul.f32 v24, v46  }
0x1fa: {  	v50 =	vor.u32 v4, v32;
	v32 =	vbroadcast v7, $0xD;
	v25 =	vmul.f32 v47, v25;
	v47 =	vld [tilespmem:s28+$0x100]  }
0x1fb: {  	v22 =	vor.u32 v4, v22;
	v23 =	vmul.f32 v53, v52;
	v43 =	vmul.f32 v40, v63;
	v63 =	vld [tilespmem:s28+$0xF0]  }
0x1fc: {  	v7 =	vbroadcast v7, $0xE;
	v49 =	vshll.u32 v28, $0x10;
	v28 =	vmul.f32 v28, v35;
	v44 =	vld.idx.msk [tilespmem:v31+s12+$0x0], $0xffff  }
0x1fd: {  	v19 =	vmul.f32 v56, v19;
	v56 =	vshll.u32 v45, $0x10;
	v23 =	vmul.f32 v59, v23;
	v59 =	vld [tilespmem:s26+$0xF0]  }
0x1fe: {  	v18 =	vadd.f32 v30, v20;
	v61 =	vor.u32 v0, v32;
	v20 =	vmul.f32 v45, v28;
	v28 =	vld.idx.msk [tilespmem:v58+s12+$0x0], $0xffff  }
0x1ff: {  	v52 =	vmul.f32 v49, v48;
	v62 =	vand.u32 v1, v61;
	v23 =	vadd.f32 $0.0e+00, v23;
	v53 =	vld.idx.msk [tilespmem:v42+s12+$0x0], $0xffff  }
0x200: {  	v40 =	vshll.u32 v51, $0x10;
	v18 =	vadd.f32 v18, v21;
	v58 =	vor.u32 v3, v32;
	v30 =	vld.idx.msk [tilespmem:v50+s12+$0x0], $0xffff  }
0x201: {  	v49 =	vld [tilespmem:s28+$0x140];
	v23 =	vadd.f32 v23, v25;
	v60 =	vshll.u32 v47, $0x10;
	v48 =	vshll.u32 v63, $0x10  }
0x202: {  	v55 =	vshll.u32 v44, $0x10;
	v26 =	vmul.f32 v44, v41;
	v45 =	vshll.u32 v59, $0x10  }
0x203: {  	v23 =	vadd.f32 v43, v23;
	v27 =	vmul.f32 v55, v54;
	v43 =	vshll.u32 v57, $0x10  }
0x204: {  	v22 =	vld.idx.msk [tilespmem:v22+s12+$0x0], $0xffff;
	v41 =	vshll.u32 v53, $0x10;
	v25 =	vmul.f32 v47, v26;
	v24 =	vmul.f32 v53, v51  }
0x205: {  	v44 =	vld [tilespmem:s26+$0x140];
	v46 =	vshll.u32 v30, $0x10;
	v47 =	vor.u32 v2, v32;
	v50 =	vmul.f32 v30, v59  }
0x206: {  	v34 =	vld.idx.msk [tilespmem:v62+s12+$0x0], $0xffff;
	v51 =	vshll.u32 v37, $0x10;
	v59 =	vshll.u32 v49, $0x10;
	v32 =	vor.u32 v4, v32  }
0x207: {  	v19 =	vadd.f32 v23, v19;
	v23 =	vmul.f32 v56, v52;
	v27 =	vmul.f32 v60, v27  }
0x208: {  	v53 =	vld [tilespmem:s26+$0x150];
	v42 =	vmul.f32 v41, v40;
	v52 =	vshll.u32 v28, $0x10;
	v28 =	vmul.f32 v28, v37  }
0x209: {  	v60 =	vld [tilespmem:s28+$0x150];
	v24 =	vmul.f32 v57, v24;
	v61 =	vmul.f32 v63, v50;
	v50 =	vshll.u32 v22, $0x10  }
0x20a: {  	v27 =	vadd.f32 $0.0e+00, v27;
	v19 =	vadd.f32 v23, v19;
	v23 =	vmul.f32 v43, v42;
	v42 =	vld [tilespmem:s26+$0x160]  }
0x20b: {  	v54 =	vshll.u32 v44, $0x10;
	v55 =	vshll.u32 v34, $0x10;
	v62 =	vmul.f32 v34, v44;
	v44 =	vld.idx.msk [tilespmem:v58+s12+$0x0], $0xffff  }
0x20c: {  	v29 =	vmul.f32 v55, v54;
	v54 =	vld [tilespmem:s26+$0x180];
	v25 =	vadd.f32 v27, v25;
	v27 =	vmul.f32 v46, v45  }
0x20d: {  	v19 =	vadd.f32 v19, v20;
	v56 =	vld.idx.msk [tilespmem:v47+s12+$0x0], $0xffff;
	v40 =	vshll.u32 v53, $0x10;
	v21 =	vmul.f32 v49, v62  }
0x20e: {  	v45 =	vor.u32 v0, v7;
	v46 =	vld [tilespmem:s28+$0x130];
	v29 =	vmul.f32 v59, v29;
	v23 =	vadd.f32 v23, v25  }
0x20f: {  	v47 =	vshll.u32 v60, $0x10;
	v31 =	vand.u32 v1, v45;
	v59 =	vld [tilespmem:s28+$0x180];
	v20 =	vmul.f32 v48, v27  }
0x210: {  	v25 =	vld [tilespmem:s28+$0x120];
	v63 =	vadd.f32 $0.0e+00, v29;
	v29 =	vmul.f32 v44, v42;
	v23 =	vadd.f32 v23, v24  }
0x211: {  	v27 =	vld [tilespmem:s26+$0x130];
	v24 =	vmul.f32 v52, v51;
	v19 =	vadd.f32 v20, v19;
	v52 =	vshll.u32 v42, $0x10  }
0x212: {  	v48 =	vld [tilespmem:s28+$0x160];
	v41 =	vshll.u32 v56, $0x10;
	v21 =	vadd.f32 v63, v21;
	v30 =	vmul.f32 v56, v53  }
0x213: {  	s30 =	spop (v2sf);
	v53 =	vshll.u32 v44, $0x10;
	v55 =	vshll.u32 v46, $0x10;
	v56 =	vor.u32 v2, v7  }
0x214: {  	v32 =	vld.idx.msk [tilespmem:v32+s12+$0x0], $0xffff;
	v44 =	vor.u32 s30, v0;
	v43 =	vmul.f32 v41, v40;
	v33 =	vmul.f32 v53, v52  }
0x215: {  	v19 =	vadd.f32 v19, v61;
	v40 =	vshll.u32 v54, $0x10;
	v57 =	vshll.u32 v25, $0x10  }
0x216: {  	v63 =	vld [tilespmem:s26+$0x190];
	v45 =	vshll.u32 v59, $0x10;
	v49 =	vshll.u32 v27, $0x10;
	v24 =	vmul.f32 v57, v24  }
0x217: {  	v31 =	vld.idx.msk [tilespmem:v31+s12+$0x0], $0xffff;
	v25 =	vmul.f32 v25, v28;
	v30 =	vmul.f32 v60, v30;
	v58 =	vshll.u32 v48, $0x10  }
0x218: {  	v61 =	vld [tilespmem:s28+$0x170];
	v22 =	vmul.f32 v22, v27;
	v23 =	vadd.f32 v24, v23;
	v24 =	vmul.f32 v47, v43  }
0x219: {  	v36 =	vld [tilespmem:s26+$0x1A0];
	v62 =	vmul.f32 v48, v29;
	v48 =	vshll.u32 v32, $0x10;
	v51 =	vmul.f32 v50, v49  }
0x21a: {  	v53 =	vld [tilespmem:s26+$0x1C0];
	v28 =	vmul.f32 v58, v33;
	v22 =	vmul.f32 v46, v22;
	v21 =	vadd.f32 v24, v21  }
0x21b: {  	v46 =	vld [tilespmem:s28+$0x190];
	v57 =	vmul.f32 v55, v51;
	v43 =	vor.u32 v3, v7;
	v50 =	vshll.u32 v63, $0x10  }
0x21c: {  	v42 =	vld.idx.msk [tilespmem:v56+s12+$0x0], $0xffff;
	v7 =	vor.u32 v4, v7;
	v41 =	vshll.u32 v31, $0x10;
	v21 =	vadd.f32 v21, v30  }
0x21d: {  	v58 =	vld [tilespmem:s28+$0x1C0];
	v49 =	vshll.u32 v61, $0x10;
	v31 =	vmul.f32 v31, v54;
	v23 =	vadd.f32 v23, v25  }
0x21e: {  	v24 =	vld [tilespmem:s26+$0x170];
	v27 =	vmul.f32 v41, v40;
	v21 =	vadd.f32 v28, v21;
	v28 =	vand.u32 v1, v44  }
0x21f: {  	v54 =	vor.u32 s30, v2;
	v40 =	vor.u32 s30, v3;
	v41 =	vld [tilespmem:s26+$0x1B0];
	v60 =	vadd.f32 v57, v23  }
0x220: {  	v25 =	vmul.f32 v45, v27;
	v30 =	vmul.f32 v59, v31;
	v55 =	vshll.u32 v46, $0x10;
	v57 =	vld [tilespmem:s28+$0x1A0]  }
0x221: {  	v45 =	vld [tilespmem:s28+$0x1D0];
	v51 =	vshll.u32 v42, $0x10;
	v26 =	vmul.f32 v42, v63;
	v42 =	vshll.u32 v53, $0x10  }
0x222: {  	v33 =	vld.idx.msk [tilespmem:v43+s12+$0x0], $0xffff;
	v25 =	vadd.f32 $0.0e+00, v25;
	v52 =	vmul.f32 v51, v50;
	v20 =	vadd.f32 v60, v22  }
0x223: {  	v47 =	vshll.u32 v24, $0x10;
	v24 =	vmul.f32 v32, v24;
	v60 =	vmul.f32 v46, v26;
	v28 =	vld.idx.msk [tilespmem:v28+s12+$0x0], $0xffff  }
0x224: {  	v63 =	vld.idx.msk [tilespmem:v54+s12+$0x0], $0xffff;
	v46 =	vshll.u32 v58, $0x10;
	v21 =	vadd.f32 v21, v62;
	v35 =	vmul.f32 v48, v47  }
0x225: {  	v25 =	vadd.f32 v25, v30;
	v56 =	vmul.f32 v55, v52;
	v55 =	vshll.u32 v41, $0x10  }
0x226: {  	v26 =	vld [tilespmem:s26+$0x1D0];
	v23 =	vmul.f32 v61, v24;
	v61 =	vshll.u32 v36, $0x10;
	v44 =	vshll.u32 v57, $0x10  }
0x227: {  	v32 =	vld.idx.msk [tilespmem:v40+s12+$0x0], $0xffff;
	v27 =	vmul.f32 v49, v35;
	v59 =	vadd.f32 v56, v25;
	v62 =	vshll.u32 v33, $0x10  }
0x228: {  	(xrf2) =	vadd.scan.msk.f32 $0xffff, v8;
	v49 =	vor.u32 s30, v4;
	v8 =	vmul.f32 v33, v36;
	v43 =	vshll.u32 v28, $0x10  }
0x229: {  	v48 =	vld [tilespmem:s26+$0x1E0];
	v56 =	vshll.u32 v45, $0x10;
	v51 =	vshll.u32 v63, $0x10;
	v34 =	vmul.f32 v43, v42  }
0x22a: {  	v21 =	vadd.f32 v27, v21;
	v27 =	vmul.f32 v62, v61;
	v24 =	vadd.f32 v59, v60  }
0x22b: {  	v7 =	vld.idx.msk [tilespmem:v7+s12+$0x0], $0xffff;
	v50 =	vshll.u32 v26, $0x10;
	v47 =	vmul.f32 v28, v53;
	v25 =	vmul.f32 v46, v34  }
0x22c: {  	(xrf2) =	vadd.scan.msk.f32 $0xffff, v10;
	v8 =	vmul.f32 v57, v8;
	v57 =	vld [tilespmem:s28+$0x1E0];
	v61 =	vmul.f32 v63, v26;
	v29 =	vshll.u32 v32, $0x10  }
0x22d: {  	(xrf2) =	vadd.scan.msk.f32 $0xffff, v9;
	v60 =	vld [tilespmem:s26+$0x1F0];
	v54 =	vmul.f32 v51, v50;
	v52 =	vmul.f32 v58, v47;
	v25 =	vadd.f32 $0.0e+00, v25  }
0x22e: {  	(xrf2) =	vadd.scan.msk.f32 $0xffff, v11;
	v63 =	vshll.u32 v48, $0x10;
	v21 =	vadd.f32 v21, v23;
	v23 =	vmul.f32 v44, v27;
	v53 =	vld [tilespmem:s28+$0x1B0]  }
0x22f: {  	v37 =	vmul.f32 v32, v48;
	v59 =	vmul.f32 v56, v54;
	v62 =	vld.idx.msk [tilespmem:v49+s12+$0x0], $0xffff;
	v10 =	vadd.f32 v25, v52  }
0x230: {  	(xrf2) =	vadd.scan.msk.f32 $0xffff, v12;
	v11 =	vmul.f32 v45, v61;
	v12 =	vmul.f32 v29, v63;
	v23 =	vadd.f32 v23, v24  }
0x231: {  	v35 =	vshll.u32 v57, $0x10;
	v58 =	vshll.u32 v7, $0x10;
	v34 =	vld [tilespmem:s28+$0x1F0];
	v10 =	vadd.f32 v59, v10  }
0x232: {  	(xrf2) =	vadd.scan.msk.f32 $0xffff, v13;
	v38 =	vshll.u32 v60, $0x10;
	v8 =	vadd.f32 v23, v8;
	v9 =	vmul.f32 v58, v55  }
0x233: {  	(xrf2) =	vadd.scan.msk.f32 $0xffff, v15;
	v36 =	vmul.f32 v35, v12;
	v31 =	vshll.u32 v53, $0x10;
	v10 =	vadd.f32 v10, v11  }
0x234: {  	(xrf2) =	vadd.scan.msk.f32 $0xffff, v14;
	v7 =	vmul.f32 v7, v41;
	v39 =	vshll.u32 v62, $0x10;
	v9 =	vmul.f32 v31, v9  }
0x235: {  	(xrf2) =	vadd.scan.msk.f32 $0xffff, v16;
	v40 =	vmul.f32 v57, v37;
	v41 =	vmul.f32 v39, v38;
	v10 =	vadd.f32 v36, v10  }
0x236: {  	(xrf2) =	vadd.scan.msk.f32 $0xffff, v17;
	v7 =	vmul.f32 v53, v7;
	v8 =	vadd.f32 v9, v8;
	v43 =	vshll.u32 v34, $0x10  }
0x237: {  	v42, _, _ =	vpop (xrf2);
	(xrf2) =	vadd.scan.msk.f32 $0xffff, v18;
	v45 =	vmul.f32 v62, v60;
	v9 =	vmul.f32 v43, v41;
	v10 =	vadd.f32 v10, v40  }
0x238: {  	v44, _, _ =	vpop (xrf2);
	(xrf2) =	vadd.scan.msk.f32 $0xffff, v19;
	v7 =	vadd.f32 v8, v7  }
0x239: {  	v46, _, _ =	vpop (xrf2);
	(xrf2) =	vadd.scan.msk.f32 $0xffff, v20;
	v47 =	vmul.f32 v34, v45;
	v9 =	vadd.f32 v9, v10  }
0x23a: {  	v8, _, _ =	vpop (xrf2);
	(xrf2) =	vadd.scan.msk.f32 $0xffff, v21  }
0x23b: {  	v13 =	vbroadcast v42, $0xF;
	v48, _, _ =	vpop (xrf2);
	(xrf2) =	vadd.scan.msk.f32 $0xffff, v7;
	v9 =	vadd.f32 v9, v47  }
0x23c: {  	v14 =	vbroadcast v44, $0xF;
	v7, _, _ =	vpop (xrf2)  }
0x23d: {  	v13 =	vnsel vm0, $0x0, v13;
	v12 =	vbroadcast v46, $0xF;
	v49, _, _ =	vpop (xrf2);
	(xrf2) =	vadd.scan.msk.f32 $0xffff, v9  }
0x23e: {  	v14 =	vnsel vm1, $0x0, v14;
	v8 =	vbroadcast v8, $0xF;
	v11 =	vbroadcast v48, $0xF;
	v50, _, _ =	vpop (xrf2)  }
0x23f: {  	v12 =	vnsel vm2, $0x0, v12;
	v13 =	vadd.f32 v14, v13;
	v7 =	vbroadcast v7, $0xF;
	v51, _, _ =	vpop (xrf2)  }
0x240: {  	v8 =	vnsel vm3, $0x0, v8;
	v11 =	vnsel vm4, $0x0, v11;
	v10 =	vbroadcast v49, $0xF;
	v52, _, _ =	vpop (xrf2)  }
0x241: {  	v8 =	vadd.f32 v8, v12;
	v15 =	vbroadcast v50, $0xF;
	v7 =	vnsel vm5, $0x0, v7;
	v53, _, _ =	vpop (xrf2)  }
0x242: {  	v7 =	vadd.f32 v7, v11;
	v10 =	vnsel vm6, $0x0, v10;
	v16 =	vbroadcast v52, $0xF;
	v54, _, _ =	vpop (xrf2)  }
0x243: {  	v15 =	vnsel vm7, $0x0, v15;
	v17 =	vbroadcast v53, $0xF;
	v9 =	vbroadcast v51, $0xF;
	v55, _, _ =	vpop (xrf2)  }
0x244: {  	v10 =	vadd.f32 v15, v10;
	v18 =	vbroadcast v54, $0xF;
	v16 =	vnsel vm9, $0x0, v16;
	v56, _, _ =	vpop (xrf2)  }
0x245: {  	v19 =	vbroadcast v55, $0xF;
	v17 =	vnsel vm10, $0x0, v17;
	v9 =	vnsel vm8, $0x0, v9;
	v57, _, _ =	vpop (xrf2)  }
0x246: {  	v20 =	vbroadcast v56, $0xF;
	v18 =	vnsel vm11, $0x0, v18;
	v21 =	vbroadcast v57, $0xF  }
0x247: {  	v19 =	vnsel vm12, $0x0, v19;
	v9 =	vadd.f32 v16, v9;
	v61 =	vadd.f32 v18, v17;
	v59, _, _ =	vpop (xrf2)  }
0x248: {  	v20 =	vnsel vm13, $0x0, v20;
	v58 =	vnsel vm14, $0x0, v21;
	v60 =	vsel vm15, $0x0, v59  }
0x249: {  	v62 =	vadd.f32 v20, v19;
	v11 =	vadd.f32 v60, v58  }
0x24a: {  	v8 =	vadd.f32 v8, v13;
	v7 =	vadd.f32 v10, v7  }
0x24b: {  	v9 =	vadd.f32 v61, v9;
	v63 =	vadd.f32 v11, v62  }
0x24c: {  	p0 =	sne.s32 s25, $0x100  }
.Ltmp6:
0x24d: {  	v7 =	vadd.f32 v7, v8;
	v8 =	vadd.f32 v63, v9;
	(pc) =	sbr.rel @p0 .LBB2_6-.Ltmp6, $3  }
0x24e: {  	_ = 	snop  }
0x24f: {  	v7 =	vadd.f32 v8, v7;
	_ =	sdelay $0x1  }
0x250: {  	s25 =	sadd.s32 $0x40, s25;
	s26 =	sadd.s32 $0x400, s26;
	s28 =	sadd.s32 $0x400, s28;
	[tilespmem:v6+s29+$0x0 ss:$0x1] =	vst.idx.msk $0xffff, v7  }
.Ltmp7:
0x251: {  	_ = 	snop;
	(pc) =	sbr.rel .LBB2_7-.Ltmp7, $1  }
0x252: {  	_ =	sdelay $0x3  }
.LBB2_9:
0x253: {  	_ =	sfence.sel $0x180000  }
0x254: {  	[bflag:$0x0] =	sbarrier.arrive $0xFFFF  }
0x255: {  	p0 =	sne.s32 s1, $0x0;
	_ =	strace $0x90000047  }
0x256: {  	s0 =	sadd.s32 @!p0 $0x100000, s0;
	[bflag:$0x2] =	sbarrier.arrive $0xFFFF  }
0x257: {  	[sflag:s0] =	ssyncadd.tile.s32 @!p0 $0x1;
	_ =	shalt  }
.Lfunc_end2:
_tile_overlayer_lowered:
.L_overlay_start_2:
0x258: {  	(tag) =	ssettag $0x2  }
0x259: {  	s0 =	rddreg [dreg:$0x0];
	s2 =	stileid.u32  }
0x25a: {  	s1 =	rddreg [dreg:$0x1];
	p0 =	sne.s32 s2, $0x0  }
0x25b: {  	s3 =	rddreg [dreg:$0x2];
	[bflag:$0x3] =	sbarrier.arrive $0xFFFF;
	s2 =	simm.s32 @!p0 $0x1C03  }
0x25c: {  	[timem:s3], [sflag:s2] =	dma.local @!p0 [hbm:s0], s1  }
0x25d: {  	s0 =	simm.s32 @!p0 $0x3  }
0x25e: {  	_ =	swait.ge @!p0 [sflag:s0], s1  }
0x25f: {  	s1 =	ssub.s32 @!p0 $0x0, s1;
	[sflag:s0] =	ssyncset.done @!p0 $0x0  }
0x260: {  	[sflag:s0] =	ssyncadd.s32 @!p0 s1  }
0x261: {  	[bflag:$0x3] =	sbarrier.arrive $0xFFFF  }
0x262: {  	_ =	shalt  }

</sc_bundles>
